<compile_context>
chip_gen: v7x
topology: tpu7x:2x2x1
jax: 0.10.2.dev20260603
libtpu: 0.0.44.dev20260713+nightly
codegen_flags: <defaults>
</compile_context>

<pallas_src>
import functools

import jax
import jax.numpy as jnp
from jax import lax
from jax.experimental import pallas as pl
from jax.experimental.pallas import tpu as pltpu
from jax.experimental.pallas import tpu_sc as plsc

D_CONTENT = 128
NUM_TOOLS = 100000
NUM_LLM = 1000
TOK_DIM = 64
ID_DIM = 64
B = 16384
L = 20

NW = 32
BPW = B // NW
C = 32
NCH = BPW // C
G = C * L
NG = G // 128


def _sc_body(tidx_hbm, mask_hbm, lidx_hbm, tool_hbm, llm_hbm,
             ids_out,
             idxb, maskb, lidxb, rows0, rows1, lrows0, lrows1,
             out0, out1, sem0, sem1, lsem0, lsem1, ssem):
    cid = lax.axis_index("c")
    sid = lax.axis_index("s")
    wid = sid * 2 + cid
    base = wid * BPW

    cp1 = pltpu.async_copy(tidx_hbm.at[:, pl.ds(base, BPW)], idxb, ssem)
    cp2 = pltpu.async_copy(mask_hbm.at[:, pl.ds(base, BPW)], maskb, ssem)
    cp3 = pltpu.async_copy(lidx_hbm.at[pl.ds(base, BPW)], lidxb, ssem)
    cp1.wait()
    cp2.wait()
    cp3.wait()

    rows = [rows0, rows1]
    lrows = [lrows0, lrows1]
    outs = [out0, out1]
    sems = [sem0, sem1]
    lsems = [lsem0, lsem1]

    def fire(t, b):
        for l in range(L):
            pltpu.async_copy(
                tool_hbm.at[idxb.at[l, pl.ds(t * C, C)]],
                rows[b].at[pl.ds(l * C, C)], sems[b])
        pltpu.async_copy(llm_hbm.at[lidxb.at[pl.ds(t * C, C)]],
                         lrows[b], lsems[b])

    def drain(b):
        pltpu.make_async_copy(tool_hbm.at[pl.ds(0, G)], rows[b],
                              sems[b]).wait()
        pltpu.make_async_copy(llm_hbm.at[pl.ds(0, C)], lrows[b],
                              lsems[b]).wait()

    def compute(t, b):
        def elem_body(c, carry):
            col16 = t * C + (c & ~15)
            lane = jnp.full((16,), c & 15, jnp.int32)
            msum = jnp.zeros((16,), jnp.float32)
            acc = [jnp.zeros((16,), jnp.float32) for _ in range(4)]
            for l in range(L):
                mv = maskb[l, pl.ds(col16, 16)]
                m = mv.at[lane].get(mode="promise_in_bounds")
                msum = msum + m
                r = l * C + c
                for k in range(4):
                    acc[k] = acc[k] + m * rows[b][r, pl.ds(k * 16, 16)]
            inv = 1.0 / (msum + 1e-8)
            for k in range(4):
                outs[b][c, pl.ds(k * 16, 16)] = acc[k] * inv
            return carry

        lax.fori_loop(0, C, elem_body, 0)
        eb = base + t * C
        pltpu.sync_copy(lrows[b],
                        ids_out.at[pl.ds(eb, C), pl.ds(0, ID_DIM)])
        pltpu.sync_copy(outs[b],
                        ids_out.at[pl.ds(eb, C), pl.ds(ID_DIM, ID_DIM)])

    fire(0, 0)

    def pair_body(g2, carry):
        t0 = 2 * g2
        fire(t0 + 1, 1)
        drain(0)
        compute(t0, 0)

        @pl.when(g2 < NCH // 2 - 1)
        def _():
            fire(t0 + 2, 0)

        drain(1)
        compute(t0 + 1, 1)
        return carry

    lax.fori_loop(0, NCH // 2, pair_body, 0)


@jax.jit
def _sc_call(tidx_flat, mask_flat, lidx, emb_tool, emb_llm):
    mesh = plsc.VectorSubcoreMesh(core_axis_name="c", subcore_axis_name="s")
    fn = functools.partial(
        pl.kernel,
        mesh=mesh,
        compiler_params=pltpu.CompilerParams(use_tc_tiling_on_sc=False),
        out_type=jax.ShapeDtypeStruct((B, 2 * ID_DIM), jnp.float32),
        scratch_types=[
            pltpu.VMEM((L, BPW), jnp.int32),
            pltpu.VMEM((L, BPW), jnp.float32),
            pltpu.VMEM((BPW,), jnp.int32),
            pltpu.VMEM((G, ID_DIM), jnp.float32),
            pltpu.VMEM((G, ID_DIM), jnp.float32),
            pltpu.VMEM((C, ID_DIM), jnp.float32),
            pltpu.VMEM((C, ID_DIM), jnp.float32),
            pltpu.VMEM((C, ID_DIM), jnp.float32),
            pltpu.VMEM((C, ID_DIM), jnp.float32),
            pltpu.SemaphoreType.DMA,
            pltpu.SemaphoreType.DMA,
            pltpu.SemaphoreType.DMA,
            pltpu.SemaphoreType.DMA,
            pltpu.SemaphoreType.DMA,
        ],
    )(_sc_body)
    return fn(tidx_flat, mask_flat, lidx, emb_tool, emb_llm)


def _mm_body(a_ref, wc_ref, o_ref):
    o_ref[...] = jnp.dot(a_ref[...], wc_ref[...],
                         preferred_element_type=jnp.float32)


@jax.jit
def _mm_call(a, wc_t):
    R = 2048
    return pl.pallas_call(
        _mm_body,
        grid=(B // R,),
        in_specs=[
            pl.BlockSpec((R, D_CONTENT), lambda i: (i, 0)),
            pl.BlockSpec((D_CONTENT, TOK_DIM), lambda i: (0, 0)),
        ],
        out_specs=pl.BlockSpec((R, TOK_DIM), lambda i: (i, 0)),
        out_shape=jax.ShapeDtypeStruct((B, TOK_DIM), jnp.float32),
    )(a, wc_t)


def _fin_body(e1_ref, ids_ref, wi_ref, o_ref):
    e = e1_ref[...] + jnp.dot(ids_ref[...], wi_ref[...],
                              preferred_element_type=jnp.float32)
    n = jnp.sqrt(jnp.sum(e * e, axis=1, keepdims=True))
    o_ref[...] = jnp.transpose(e / jnp.maximum(n, 1e-12))


@jax.jit
def _fin_call(e1, ids, wi_t):
    R = 2048
    out_t = pl.pallas_call(
        _fin_body,
        grid=(B // R,),
        in_specs=[
            pl.BlockSpec((R, TOK_DIM), lambda i: (i, 0)),
            pl.BlockSpec((R, 2 * ID_DIM), lambda i: (i, 0)),
            pl.BlockSpec((2 * ID_DIM, TOK_DIM), lambda i: (0, 0)),
        ],
        out_specs=pl.BlockSpec((TOK_DIM, R), lambda i: (0, i)),
        out_shape=jax.ShapeDtypeStruct((TOK_DIM, B), jnp.float32),
    )(e1, ids, wi_t)
    return jnp.transpose(out_t)


def kernel(A_content, tool_idx_pad, tool_mask, llm_idx, emb_tool, emb_llm,
           W_content, W_ids):
    tidx_t = tool_idx_pad.astype(jnp.int32).T
    mask_t = tool_mask.T
    lidx = llm_idx.astype(jnp.int32)
    ids = _sc_call(tidx_t, mask_t, lidx, emb_tool, emb_llm)
    e1 = _mm_call(A_content, W_content.T)
    return _fin_call(e1, ids, W_ids.T)

# --- scband reference (transcript-rebuilt; emitter-appended) ---
"""Pipeline reference for scband-agent-token-composer-30915174596777 (READ-ONLY COPY).

The authoritative reference and input builder live on the scoring server;
editing this copy changes nothing except your own understanding.
"""

import jax, jax.numpy as jnp
import numpy as np

D_CONTENT = 128
NUM_TOOLS = 100000
NUM_LLM = 1000
TOK_DIM = 64
ID_DIM = 64
B = 16384
L = 20


def _xavier(key, shape):
    fan_in, fan_out = shape[1], shape[0]
    a = float(np.sqrt(6.0 / (fan_in + fan_out)))
    return jax.random.uniform(key, shape, dtype=jnp.float32, minval=-a, maxval=a)


def setup_inputs(seed: int = 0) -> dict:
    key = jax.random.key(seed)
    k1, k2, k3, k4, k5, k6, k7, k8 = jax.random.split(key, 8)
    A_content = jax.random.normal(k1, (B, D_CONTENT), dtype=jnp.float32)
    tool_idx_pad = jax.random.randint(k2, (B, L), 0, NUM_TOOLS, dtype=jnp.int64 if jax.config.jax_enable_x64 else jnp.int32)
    tool_mask = jax.random.uniform(k3, (B, L), dtype=jnp.float32)
    llm_idx = jax.random.randint(k4, (B,), 0, NUM_LLM, dtype=jnp.int64 if jax.config.jax_enable_x64 else jnp.int32)
    emb_tool = _xavier(k5, (NUM_TOOLS, ID_DIM))
    emb_llm = _xavier(k6, (NUM_LLM, ID_DIM))
    W_content = _xavier(k7, (TOK_DIM, D_CONTENT))
    W_ids = _xavier(k8, (TOK_DIM, ID_DIM * 2))
    return {
        "A_content": A_content,
        "tool_idx_pad": tool_idx_pad,
        "tool_mask": tool_mask,
        "llm_idx": llm_idx,
        "emb_tool": emb_tool,
        "emb_llm": emb_llm,
        "W_content": W_content,
        "W_ids": W_ids,
    }


def reference(A_content, tool_idx_pad, tool_mask, llm_idx, emb_tool, emb_llm, W_content, W_ids):
    # embedding lookups (gather)
    te = jnp.take(emb_tool, tool_idx_pad, axis=0)            # [B, L, id_dim]
    m = tool_mask[..., None]                                 # [B, L, 1]
    tool_mean = (te * m).sum(axis=1) / (m.sum(axis=1) + 1e-08)  # [B, id_dim]
    llm_e = jnp.take(emb_llm, llm_idx, axis=0)               # [B, id_dim]
    ids = jnp.concatenate([llm_e, tool_mean], axis=-1)       # [B, 2*id_dim]
    e = A_content @ W_content.T + ids @ W_ids.T              # [B, tok_dim]
    # F.normalize(e, dim=-1): x / max(||x||_2, eps), eps=1e-12
    norm = jnp.linalg.norm(e, axis=-1, keepdims=True)
    e = e / jnp.maximum(norm, 1e-12)
    return e

if __name__ == "__main__":
    import jax
    _d = setup_inputs()
    print(jax.jit(kernel)(*tuple(_d.values())))

</pallas_src>

<mosaic_0001>
#map = affine_map<(d0, d1) -> (0, 0)>
#map1 = affine_map<(d0, d1) -> (0)>
module attributes {stable_mosaic.version = 14 : i64} {
  func.func @_sc_body(%arg0: i32, %arg1: i32, %arg2: memref<20x16384xi32, #tpu.memory_space<hbm>>, %arg3: memref<20x16384xf32, #tpu.memory_space<hbm>>, %arg4: memref<16384xi32, #tpu.memory_space<hbm>>, %arg5: memref<100000x64xf32, #tpu.memory_space<hbm>>, %arg6: memref<1000x64xf32, #tpu.memory_space<hbm>>, %arg7: memref<16384x128xf32, #tpu.memory_space<hbm>>, %arg8: memref<20x512xi32, #tpu.memory_space<vmem>>, %arg9: memref<20x512xf32, #tpu.memory_space<vmem>>, %arg10: memref<512xi32, #tpu.memory_space<vmem>>, %arg11: memref<640x64xf32, #tpu.memory_space<vmem>>, %arg12: memref<640x64xf32, #tpu.memory_space<vmem>>, %arg13: memref<32x64xf32, #tpu.memory_space<vmem>>, %arg14: memref<32x64xf32, #tpu.memory_space<vmem>>, %arg15: memref<32x64xf32, #tpu.memory_space<vmem>>, %arg16: memref<32x64xf32, #tpu.memory_space<vmem>>, %arg17: memref<!tpu.dma_semaphore, #tpu.memory_space<semaphore_mem>>, %arg18: memref<!tpu.dma_semaphore, #tpu.memory_space<semaphore_mem>>, %arg19: memref<!tpu.dma_semaphore, #tpu.memory_space<semaphore_mem>>, %arg20: memref<!tpu.dma_semaphore, #tpu.memory_space<semaphore_mem>>, %arg21: memref<!tpu.dma_semaphore, #tpu.memory_space<semaphore_mem>>) attributes {dimension_semantics = [#tpu.dimension_semantics<core_parallel>, #tpu.dimension_semantics<subcore_parallel>], iteration_bounds = array<i64: 2, 16>, scalar_prefetch = 0 : i64, scratch_operands = 14 : i64, tpu.core_type = #tpu.core_type<sc_vector_subcore>, window_params = [{transform_indices = #map}, {transform_indices = #map}, {transform_indices = #map1}, {transform_indices = #map}, {transform_indices = #map}, {transform_indices = #map}]} {
    %mul3A = arith.constant 2 : i32
    %mul3A_0 = arith.muli %arg1, %mul3A : i32
    %add3A = arith.addi %mul3A_0, %arg0 : i32
    %mul3A_1 = arith.constant 512 : i32
    %mul3A_2 = arith.muli %add3A, %mul3A_1 : i32
    %dma_start3A = arith.constant 0 : i32
    %dma_start3A_3 = tpu.memref_slice %arg2[%dma_start3A, %mul3A_2] : memref<20x16384xi32, #tpu.memory_space<hbm>> -> memref<20x512xi32, #tpu.memory_space<hbm>>
    %dma_start3A_4 = arith.constant 0 : i32
    %dma_start3A_5 = tpu.memref_slice %arg2[%dma_start3A_4, %mul3A_2] : memref<20x16384xi32, #tpu.memory_space<hbm>> -> memref<20x512xi32, #tpu.memory_space<hbm>>
    tpu.enqueue_dma source(%dma_start3A_5 : memref<20x512xi32, #tpu.memory_space<hbm>>) target(%arg8 : memref<20x512xi32, #tpu.memory_space<vmem>>) target_semaphore(%arg21 : memref<!tpu.dma_semaphore, #tpu.memory_space<semaphore_mem>>)
    %dma_start3A_6 = arith.constant 0 : i32
    %dma_start3A_7 = tpu.memref_slice %arg3[%dma_start3A_6, %mul3A_2] : memref<20x16384xf32, #tpu.memory_space<hbm>> -> memref<20x512xf32, #tpu.memory_space<hbm>>
    %dma_start3A_8 = arith.constant 0 : i32
    %dma_start3A_9 = tpu.memref_slice %arg3[%dma_start3A_8, %mul3A_2] : memref<20x16384xf32, #tpu.memory_space<hbm>> -> memref<20x512xf32, #tpu.memory_space<hbm>>
    tpu.enqueue_dma source(%dma_start3A_9 : memref<20x512xf32, #tpu.memory_space<hbm>>) target(%arg9 : memref<20x512xf32, #tpu.memory_space<vmem>>) target_semaphore(%arg21 : memref<!tpu.dma_semaphore, #tpu.memory_space<semaphore_mem>>)
    %dma_start3A_10 = tpu.memref_slice %arg4[%mul3A_2] : memref<16384xi32, #tpu.memory_space<hbm>> -> memref<512xi32, #tpu.memory_space<hbm>>
    %dma_start3A_11 = tpu.memref_slice %arg4[%mul3A_2] : memref<16384xi32, #tpu.memory_space<hbm>> -> memref<512xi32, #tpu.memory_space<hbm>>
    tpu.enqueue_dma source(%dma_start3A_11 : memref<512xi32, #tpu.memory_space<hbm>>) target(%arg10 : memref<512xi32, #tpu.memory_space<vmem>>) target_semaphore(%arg21 : memref<!tpu.dma_semaphore, #tpu.memory_space<semaphore_mem>>)
    %dma_wait3A = arith.constant 0 : i32
    %dma_wait3A_12 = tpu.memref_slice %arg2[%dma_wait3A, %mul3A_2] : memref<20x16384xi32, #tpu.memory_space<hbm>> -> memref<20x512xi32, #tpu.memory_space<hbm>>
    %dma_wait3A_13 = arith.constant 0 : i32
    %dma_wait3A_14 = tpu.memref_slice %arg2[%dma_wait3A_13, %mul3A_2] : memref<20x16384xi32, #tpu.memory_space<hbm>> -> memref<20x512xi32, #tpu.memory_space<hbm>>
    tpu.wait_dma2 semaphore(%arg21 : memref<!tpu.dma_semaphore, #tpu.memory_space<semaphore_mem>>) src(%dma_wait3A_14 : memref<20x512xi32, #tpu.memory_space<hbm>>) dst(%arg8 : memref<20x512xi32, #tpu.memory_space<vmem>>)
    %dma_wait3A_15 = arith.constant 0 : i32
    %dma_wait3A_16 = tpu.memref_slice %arg3[%dma_wait3A_15, %mul3A_2] : memref<20x16384xf32, #tpu.memory_space<hbm>> -> memref<20x512xf32, #tpu.memory_space<hbm>>
    %dma_wait3A_17 = arith.constant 0 : i32
    %dma_wait3A_18 = tpu.memref_slice %arg3[%dma_wait3A_17, %mul3A_2] : memref<20x16384xf32, #tpu.memory_space<hbm>> -> memref<20x512xf32, #tpu.memory_space<hbm>>
    tpu.wait_dma2 semaphore(%arg21 : memref<!tpu.dma_semaphore, #tpu.memory_space<semaphore_mem>>) src(%dma_wait3A_18 : memref<20x512xf32, #tpu.memory_space<hbm>>) dst(%arg9 : memref<20x512xf32, #tpu.memory_space<vmem>>)
    %dma_wait3A_19 = tpu.memref_slice %arg4[%mul3A_2] : memref<16384xi32, #tpu.memory_space<hbm>> -> memref<512xi32, #tpu.memory_space<hbm>>
    %dma_wait3A_20 = tpu.memref_slice %arg4[%mul3A_2] : memref<16384xi32, #tpu.memory_space<hbm>> -> memref<512xi32, #tpu.memory_space<hbm>>
    tpu.wait_dma2 semaphore(%arg21 : memref<!tpu.dma_semaphore, #tpu.memory_space<semaphore_mem>>) src(%dma_wait3A_20 : memref<512xi32, #tpu.memory_space<hbm>>) dst(%arg10 : memref<512xi32, #tpu.memory_space<vmem>>)
    %dma_start3A_21 = arith.constant 0 : i32
    %dma_start3A_22 = arith.constant 0 : i32
    %dma_start3A_23 = arith.constant 0 : i32
    %dma_start3A_24 = tpu.memref_slice %arg11[%dma_start3A_22, %dma_start3A_23] : memref<640x64xf32, #tpu.memory_space<vmem>> -> memref<32x64xf32, #tpu.memory_space<vmem>>
    %dma_start3A_25 = arith.constant 0 : i32
    %dma_start3A_26 = tpu.memref_slice %arg8[%dma_start3A_21, %dma_start3A_25] : memref<20x512xi32, #tpu.memory_space<vmem>> -> memref<1x32xi32, #tpu.memory_space<vmem>>
    %dma_start3A_27 = tpu.memref_squeeze %dma_start3A_26 : memref<1x32xi32, #tpu.memory_space<vmem>> -> memref<32xi32, #tpu.memory_space<vmem>>
    %dma_start3A_28 = arith.constant 0 : i32
    %dma_start3A_29 = arith.constant 0 : i32
    %dma_start3A_30 = tpu.memref_slice %arg5[%dma_start3A_28, %dma_start3A_29] : memref<100000x64xf32, #tpu.memory_space<hbm>> -> memref<100000x64xf32, #tpu.memory_space<hbm>>
    tpu.enqueue_indirect_dma source(%dma_start3A_30 : memref<100000x64xf32, #tpu.memory_space<hbm>>) target(%dma_start3A_24 : memref<32x64xf32, #tpu.memory_space<vmem>>) offsets(%dma_start3A_27 : memref<32xi32, #tpu.memory_space<vmem>>) semaphore(%arg17 : memref<!tpu.dma_semaphore, #tpu.memory_space<semaphore_mem>>)
    %dma_start3A_31 = arith.constant 1 : i32
    %dma_start3A_32 = arith.constant 32 : i32
    %dma_start3A_33 = arith.constant 0 : i32
    %dma_start3A_34 = tpu.memref_slice %arg11[%dma_start3A_32, %dma_start3A_33] : memref<640x64xf32, #tpu.memory_space<vmem>> -> memref<32x64xf32, #tpu.memory_space<vmem>>
    %dma_start3A_35 = arith.constant 0 : i32
    %dma_start3A_36 = tpu.memref_slice %arg8[%dma_start3A_31, %dma_start3A_35] : memref<20x512xi32, #tpu.memory_space<vmem>> -> memref<1x32xi32, #tpu.memory_space<vmem>>
    %dma_start3A_37 = tpu.memref_squeeze %dma_start3A_36 : memref<1x32xi32, #tpu.memory_space<vmem>> -> memref<32xi32, #tpu.memory_space<vmem>>
    %dma_start3A_38 = arith.constant 0 : i32
    %dma_start3A_39 = arith.constant 0 : i32
    %dma_start3A_40 = tpu.memref_slice %arg5[%dma_start3A_38, %dma_start3A_39] : memref<100000x64xf32, #tpu.memory_space<hbm>> -> memref<100000x64xf32, #tpu.memory_space<hbm>>
    tpu.enqueue_indirect_dma source(%dma_start3A_40 : memref<100000x64xf32, #tpu.memory_space<hbm>>) target(%dma_start3A_34 : memref<32x64xf32, #tpu.memory_space<vmem>>) offsets(%dma_start3A_37 : memref<32xi32, #tpu.memory_space<vmem>>) semaphore(%arg17 : memref<!tpu.dma_semaphore, #tpu.memory_space<semaphore_mem>>)
    %dma_start3A_41 = arith.constant 2 : i32
    %dma_start3A_42 = arith.constant 64 : i32
    %dma_start3A_43 = arith.constant 0 : i32
    %dma_start3A_44 = tpu.memref_slice %arg11[%dma_start3A_42, %dma_start3A_43] : memref<640x64xf32, #tpu.memory_space<vmem>> -> memref<32x64xf32, #tpu.memory_space<vmem>>
    %dma_start3A_45 = arith.constant 0 : i32
    %dma_start3A_46 = tpu.memref_slice %arg8[%dma_start3A_41, %dma_start3A_45] : memref<20x512xi32, #tpu.memory_space<vmem>> -> memref<1x32xi32, #tpu.memory_space<vmem>>
    %dma_start3A_47 = tpu.memref_squeeze %dma_start3A_46 : memref<1x32xi32, #tpu.memory_space<vmem>> -> memref<32xi32, #tpu.memory_space<vmem>>
    %dma_start3A_48 = arith.constant 0 : i32
    %dma_start3A_49 = arith.constant 0 : i32
    %dma_start3A_50 = tpu.memref_slice %arg5[%dma_start3A_48, %dma_start3A_49] : memref<100000x64xf32, #tpu.memory_space<hbm>> -> memref<100000x64xf32, #tpu.memory_space<hbm>>
    tpu.enqueue_indirect_dma source(%dma_start3A_50 : memref<100000x64xf32, #tpu.memory_space<hbm>>) target(%dma_start3A_44 : memref<32x64xf32, #tpu.memory_space<vmem>>) offsets(%dma_start3A_47 : memref<32xi32, #tpu.memory_space<vmem>>) semaphore(%arg17 : memref<!tpu.dma_semaphore, #tpu.memory_space<semaphore_mem>>)
    %dma_start3A_51 = arith.constant 3 : i32
    %dma_start3A_52 = arith.constant 96 : i32
    %dma_start3A_53 = arith.constant 0 : i32
    %dma_start3A_54 = tpu.memref_slice %arg11[%dma_start3A_52, %dma_start3A_53] : memref<640x64xf32, #tpu.memory_space<vmem>> -> memref<32x64xf32, #tpu.memory_space<vmem>>
    %dma_start3A_55 = arith.constant 0 : i32
    %dma_start3A_56 = tpu.memref_slice %arg8[%dma_start3A_51, %dma_start3A_55] : memref<20x512xi32, #tpu.memory_space<vmem>> -> memref<1x32xi32, #tpu.memory_space<vmem>>
    %dma_start3A_57 = tpu.memref_squeeze %dma_start3A_56 : memref<1x32xi32, #tpu.memory_space<vmem>> -> memref<32xi32, #tpu.memory_space<vmem>>
    %dma_start3A_58 = arith.constant 0 : i32
    %dma_start3A_59 = arith.constant 0 : i32
    %dma_start3A_60 = tpu.memref_slice %arg5[%dma_start3A_58, %dma_start3A_59] : memref<100000x64xf32, #tpu.memory_space<hbm>> -> memref<100000x64xf32, #tpu.memory_space<hbm>>
    tpu.enqueue_indirect_dma source(%dma_start3A_60 : memref<100000x64xf32, #tpu.memory_space<hbm>>) target(%dma_start3A_54 : memref<32x64xf32, #tpu.memory_space<vmem>>) offsets(%dma_start3A_57 : memref<32xi32, #tpu.memory_space<vmem>>) semaphore(%arg17 : memref<!tpu.dma_semaphore, #tpu.memory_space<semaphore_mem>>)
    %dma_start3A_61 = arith.constant 4 : i32
    %dma_start3A_62 = arith.constant 128 : i32
    %dma_start3A_63 = arith.constant 0 : i32
    %dma_start3A_64 = tpu.memref_slice %arg11[%dma_start3A_62, %dma_start3A_63] : memref<640x64xf32, #tpu.memory_space<vmem>> -> memref<32x64xf32, #tpu.memory_space<vmem>>
    %dma_start3A_65 = arith.constant 0 : i32
    %dma_start3A_66 = tpu.memref_slice %arg8[%dma_start3A_61, %dma_start3A_65] : memref<20x512xi32, #tpu.memory_space<vmem>> -> memref<1x32xi32, #tpu.memory_space<vmem>>
    %dma_start3A_67 = tpu.memref_squeeze %dma_start3A_66 : memref<1x32xi32, #tpu.memory_space<vmem>> -> memref<32xi32, #tpu.memory_space<vmem>>
    %dma_start3A_68 = arith.constant 0 : i32
    %dma_start3A_69 = arith.constant 0 : i32
    %dma_start3A_70 = tpu.memref_slice %arg5[%dma_start3A_68, %dma_start3A_69] : memref<100000x64xf32, #tpu.memory_space<hbm>> -> memref<100000x64xf32, #tpu.memory_space<hbm>>
    tpu.enqueue_indirect_dma source(%dma_start3A_70 : memref<100000x64xf32, #tpu.memory_space<hbm>>) target(%dma_start3A_64 : memref<32x64xf32, #tpu.memory_space<vmem>>) offsets(%dma_start3A_67 : memref<32xi32, #tpu.memory_space<vmem>>) semaphore(%arg17 : memref<!tpu.dma_semaphore, #tpu.memory_space<semaphore_mem>>)
    %dma_start3A_71 = arith.constant 5 : i32
    %dma_start3A_72 = arith.constant 160 : i32
    %dma_start3A_73 = arith.constant 0 : i32
    %dma_start3A_74 = tpu.memref_slice %arg11[%dma_start3A_72, %dma_start3A_73] : memref<640x64xf32, #tpu.memory_space<vmem>> -> memref<32x64xf32, #tpu.memory_space<vmem>>
    %dma_start3A_75 = arith.constant 0 : i32
    %dma_start3A_76 = tpu.memref_slice %arg8[%dma_start3A_71, %dma_start3A_75] : memref<20x512xi32, #tpu.memory_space<vmem>> -> memref<1x32xi32, #tpu.memory_space<vmem>>
    %dma_start3A_77 = tpu.memref_squeeze %dma_start3A_76 : memref<1x32xi32, #tpu.memory_space<vmem>> -> memref<32xi32, #tpu.memory_space<vmem>>
    %dma_start3A_78 = arith.constant 0 : i32
    %dma_start3A_79 = arith.constant 0 : i32
    %dma_start3A_80 = tpu.memref_slice %arg5[%dma_start3A_78, %dma_start3A_79] : memref<100000x64xf32, #tpu.memory_space<hbm>> -> memref<100000x64xf32, #tpu.memory_space<hbm>>
    tpu.enqueue_indirect_dma source(%dma_start3A_80 : memref<100000x64xf32, #tpu.memory_space<hbm>>) target(%dma_start3A_74 : memref<32x64xf32, #tpu.memory_space<vmem>>) offsets(%dma_start3A_77 : memref<32xi32, #tpu.memory_space<vmem>>) semaphore(%arg17 : memref<!tpu.dma_semaphore, #tpu.memory_space<semaphore_mem>>)
    %dma_start3A_81 = arith.constant 6 : i32
    %dma_start3A_82 = arith.constant 192 : i32
    %dma_start3A_83 = arith.constant 0 : i32
    %dma_start3A_84 = tpu.memref_slice %arg11[%dma_start3A_82, %dma_start3A_83] : memref<640x64xf32, #tpu.memory_space<vmem>> -> memref<32x64xf32, #tpu.memory_space<vmem>>
    %dma_start3A_85 = arith.constant 0 : i32
    %dma_start3A_86 = tpu.memref_slice %arg8[%dma_start3A_81, %dma_start3A_85] : memref<20x512xi32, #tpu.memory_space<vmem>> -> memref<1x32xi32, #tpu.memory_space<vmem>>
    %dma_start3A_87 = tpu.memref_squeeze %dma_start3A_86 : memref<1x32xi32, #tpu.memory_space<vmem>> -> memref<32xi32, #tpu.memory_space<vmem>>
    %dma_start3A_88 = arith.constant 0 : i32
    %dma_start3A_89 = arith.constant 0 : i32
    %dma_start3A_90 = tpu.memref_slice %arg5[%dma_start3A_88, %dma_start3A_89] : memref<100000x64xf32, #tpu.memory_space<hbm>> -> memref<100000x64xf32, #tpu.memory_space<hbm>>
    tpu.enqueue_indirect_dma source(%dma_start3A_90 : memref<100000x64xf32, #tpu.memory_space<hbm>>) target(%dma_start3A_84 : memref<32x64xf32, #tpu.memory_space<vmem>>) offsets(%dma_start3A_87 : memref<32xi32, #tpu.memory_space<vmem>>) semaphore(%arg17 : memref<!tpu.dma_semaphore, #tpu.memory_space<semaphore_mem>>)
    %dma_start3A_91 = arith.constant 7 : i32
    %dma_start3A_92 = arith.constant 224 : i32
    %dma_start3A_93 = arith.constant 0 : i32
    %dma_start3A_94 = tpu.memref_slice %arg11[%dma_start3A_92, %dma_start3A_93] : memref<640x64xf32, #tpu.memory_space<vmem>> -> memref<32x64xf32, #tpu.memory_space<vmem>>
    %dma_start3A_95 = arith.constant 0 : i32
    %dma_start3A_96 = tpu.memref_slice %arg8[%dma_start3A_91, %dma_start3A_95] : memref<20x512xi32, #tpu.memory_space<vmem>> -> memref<1x32xi32, #tpu.memory_space<vmem>>
    %dma_start3A_97 = tpu.memref_squeeze %dma_start3A_96 : memref<1x32xi32, #tpu.memory_space<vmem>> -> memref<32xi32, #tpu.memory_space<vmem>>
    %dma_start3A_98 = arith.constant 0 : i32
    %dma_start3A_99 = arith.constant 0 : i32
    %dma_start3A_100 = tpu.memref_slice %arg5[%dma_start3A_98, %dma_start3A_99] : memref<100000x64xf32, #tpu.memory_space<hbm>> -> memref<100000x64xf32, #tpu.memory_space<hbm>>
    tpu.enqueue_indirect_dma source(%dma_start3A_100 : memref<100000x64xf32, #tpu.memory_space<hbm>>) target(%dma_start3A_94 : memref<32x64xf32, #tpu.memory_space<vmem>>) offsets(%dma_start3A_97 : memref<32xi32, #tpu.memory_space<vmem>>) semaphore(%arg17 : memref<!tpu.dma_semaphore, #tpu.memory_space<semaphore_mem>>)
    %dma_start3A_101 = arith.constant 8 : i32
    %dma_start3A_102 = arith.constant 256 : i32
    %dma_start3A_103 = arith.constant 0 : i32
    %dma_start3A_104 = tpu.memref_slice %arg11[%dma_start3A_102, %dma_start3A_103] : memref<640x64xf32, #tpu.memory_space<vmem>> -> memref<32x64xf32, #tpu.memory_space<vmem>>
    %dma_start3A_105 = arith.constant 0 : i32
    %dma_start3A_106 = tpu.memref_slice %arg8[%dma_start3A_101, %dma_start3A_105] : memref<20x512xi32, #tpu.memory_space<vmem>> -> memref<1x32xi32, #tpu.memory_space<vmem>>
    %dma_start3A_107 = tpu.memref_squeeze %dma_start3A_106 : memref<1x32xi32, #tpu.memory_space<vmem>> -> memref<32xi32, #tpu.memory_space<vmem>>
    %dma_start3A_108 = arith.constant 0 : i32
    %dma_start3A_109 = arith.constant 0 : i32
    %dma_start3A_110 = tpu.memref_slice %arg5[%dma_start3A_108, %dma_start3A_109] : memref<100000x64xf32, #tpu.memory_space<hbm>> -> memref<100000x64xf32, #tpu.memory_space<hbm>>
    tpu.enqueue_indirect_dma source(%dma_start3A_110 : memref<100000x64xf32, #tpu.memory_space<hbm>>) target(%dma_start3A_104 : memref<32x64xf32, #tpu.memory_space<vmem>>) offsets(%dma_start3A_107 : memref<32xi32, #tpu.memory_space<vmem>>) semaphore(%arg17 : memref<!tpu.dma_semaphore, #tpu.memory_space<semaphore_mem>>)
    %dma_start3A_111 = arith.constant 9 : i32
    %dma_start3A_112 = arith.constant 288 : i32
    %dma_start3A_113 = arith.constant 0 : i32
    %dma_start3A_114 = tpu.memref_slice %arg11[%dma_start3A_112, %dma_start3A_113] : memref<640x64xf32, #tpu.memory_space<vmem>> -> memref<32x64xf32, #tpu.memory_space<vmem>>
    %dma_start3A_115 = arith.constant 0 : i32
    %dma_start3A_116 = tpu.memref_slice %arg8[%dma_start3A_111, %dma_start3A_115] : memref<20x512xi32, #tpu.memory_space<vmem>> -> memref<1x32xi32, #tpu.memory_space<vmem>>
    %dma_start3A_117 = tpu.memref_squeeze %dma_start3A_116 : memref<1x32xi32, #tpu.memory_space<vmem>> -> memref<32xi32, #tpu.memory_space<vmem>>
    %dma_start3A_118 = arith.constant 0 : i32
    %dma_start3A_119 = arith.constant 0 : i32
    %dma_start3A_120 = tpu.memref_slice %arg5[%dma_start3A_118, %dma_start3A_119] : memref<100000x64xf32, #tpu.memory_space<hbm>> -> memref<100000x64xf32, #tpu.memory_space<hbm>>
    tpu.enqueue_indirect_dma source(%dma_start3A_120 : memref<100000x64xf32, #tpu.memory_space<hbm>>) target(%dma_start3A_114 : memref<32x64xf32, #tpu.memory_space<vmem>>) offsets(%dma_start3A_117 : memref<32xi32, #tpu.memory_space<vmem>>) semaphore(%arg17 : memref<!tpu.dma_semaphore, #tpu.memory_space<semaphore_mem>>)
    %dma_start3A_121 = arith.constant 10 : i32
    %dma_start3A_122 = arith.constant 320 : i32
    %dma_start3A_123 = arith.constant 0 : i32
    %dma_start3A_124 = tpu.memref_slice %arg11[%dma_start3A_122, %dma_start3A_123] : memref<640x64xf32, #tpu.memory_space<vmem>> -> memref<32x64xf32, #tpu.memory_space<vmem>>
    %dma_start3A_125 = arith.constant 0 : i32
    %dma_start3A_126 = tpu.memref_slice %arg8[%dma_start3A_121, %dma_start3A_125] : memref<20x512xi32, #tpu.memory_space<vmem>> -> memref<1x32xi32, #tpu.memory_space<vmem>>
    %dma_start3A_127 = tpu.memref_squeeze %dma_start3A_126 : memref<1x32xi32, #tpu.memory_space<vmem>> -> memref<32xi32, #tpu.memory_space<vmem>>
    %dma_start3A_128 = arith.constant 0 : i32
    %dma_start3A_129 = arith.constant 0 : i32
    %dma_start3A_130 = tpu.memref_slice %arg5[%dma_start3A_128, %dma_start3A_129] : memref<100000x64xf32, #tpu.memory_space<hbm>> -> memref<100000x64xf32, #tpu.memory_space<hbm>>
    tpu.enqueue_indirect_dma source(%dma_start3A_130 : memref<100000x64xf32, #tpu.memory_space<hbm>>) target(%dma_start3A_124 : memref<32x64xf32, #tpu.memory_space<vmem>>) offsets(%dma_start3A_127 : memref<32xi32, #tpu.memory_space<vmem>>) semaphore(%arg17 : memref<!tpu.dma_semaphore, #tpu.memory_space<semaphore_mem>>)
    %dma_start3A_131 = arith.constant 11 : i32
    %dma_start3A_132 = arith.constant 352 : i32
    %dma_start3A_133 = arith.constant 0 : i32
    %dma_start3A_134 = tpu.memref_slice %arg11[%dma_start3A_132, %dma_start3A_133] : memref<640x64xf32, #tpu.memory_space<vmem>> -> memref<32x64xf32, #tpu.memory_space<vmem>>
    %dma_start3A_135 = arith.constant 0 : i32
    %dma_start3A_136 = tpu.memref_slice %arg8[%dma_start3A_131, %dma_start3A_135] : memref<20x512xi32, #tpu.memory_space<vmem>> -> memref<1x32xi32, #tpu.memory_space<vmem>>
    %dma_start3A_137 = tpu.memref_squeeze %dma_start3A_136 : memref<1x32xi32, #tpu.memory_space<vmem>> -> memref<32xi32, #tpu.memory_space<vmem>>
    %dma_start3A_138 = arith.constant 0 : i32
    %dma_start3A_139 = arith.constant 0 : i32
    %dma_start3A_140 = tpu.memref_slice %arg5[%dma_start3A_138, %dma_start3A_139] : memref<100000x64xf32, #tpu.memory_space<hbm>> -> memref<100000x64xf32, #tpu.memory_space<hbm>>
    tpu.enqueue_indirect_dma source(%dma_start3A_140 : memref<100000x64xf32, #tpu.memory_space<hbm>>) target(%dma_start3A_134 : memref<32x64xf32, #tpu.memory_space<vmem>>) offsets(%dma_start3A_137 : memref<32xi32, #tpu.memory_space<vmem>>) semaphore(%arg17 : memref<!tpu.dma_semaphore, #tpu.memory_space<semaphore_mem>>)
    %dma_start3A_141 = arith.constant 12 : i32
    %dma_start3A_142 = arith.constant 384 : i32
    %dma_start3A_143 = arith.constant 0 : i32
    %dma_start3A_144 = tpu.memref_slice %arg11[%dma_start3A_142, %dma_start3A_143] : memref<640x64xf32, #tpu.memory_space<vmem>> -> memref<32x64xf32, #tpu.memory_space<vmem>>
    %dma_start3A_145 = arith.constant 0 : i32
    %dma_start3A_146 = tpu.memref_slice %arg8[%dma_start3A_141, %dma_start3A_145] : memref<20x512xi32, #tpu.memory_space<vmem>> -> memref<1x32xi32, #tpu.memory_space<vmem>>
    %dma_start3A_147 = tpu.memref_squeeze %dma_start3A_146 : memref<1x32xi32, #tpu.memory_space<vmem>> -> memref<32xi32, #tpu.memory_space<vmem>>
    %dma_start3A_148 = arith.constant 0 : i32
    %dma_start3A_149 = arith.constant 0 : i32
    %dma_start3A_150 = tpu.memref_slice %arg5[%dma_start3A_148, %dma_start3A_149] : memref<100000x64xf32, #tpu.memory_space<hbm>> -> memref<100000x64xf32, #tpu.memory_space<hbm>>
    tpu.enqueue_indirect_dma source(%dma_start3A_150 : memref<100000x64xf32, #tpu.memory_space<hbm>>) target(%dma_start3A_144 : memref<32x64xf32, #tpu.memory_space<vmem>>) offsets(%dma_start3A_147 : memref<32xi32, #tpu.memory_space<vmem>>) semaphore(%arg17 : memref<!tpu.dma_semaphore, #tpu.memory_space<semaphore_mem>>)
    %dma_start3A_151 = arith.constant 13 : i32
    %dma_start3A_152 = arith.constant 416 : i32
    %dma_start3A_153 = arith.constant 0 : i32
    %dma_start3A_154 = tpu.memref_slice %arg11[%dma_start3A_152, %dma_start3A_153] : memref<640x64xf32, #tpu.memory_space<vmem>> -> memref<32x64xf32, #tpu.memory_space<vmem>>
    %dma_start3A_155 = arith.constant 0 : i32
    %dma_start3A_156 = tpu.memref_slice %arg8[%dma_start3A_151, %dma_start3A_155] : memref<20x512xi32, #tpu.memory_space<vmem>> -> memref<1x32xi32, #tpu.memory_space<vmem>>
    %dma_start3A_157 = tpu.memref_squeeze %dma_start3A_156 : memref<1x32xi32, #tpu.memory_space<vmem>> -> memref<32xi32, #tpu.memory_space<vmem>>
    %dma_start3A_158 = arith.constant 0 : i32
    %dma_start3A_159 = arith.constant 0 : i32
    %dma_start3A_160 = tpu.memref_slice %arg5[%dma_start3A_158, %dma_start3A_159] : memref<100000x64xf32, #tpu.memory_space<hbm>> -> memref<100000x64xf32, #tpu.memory_space<hbm>>
    tpu.enqueue_indirect_dma source(%dma_start3A_160 : memref<100000x64xf32, #tpu.memory_space<hbm>>) target(%dma_start3A_154 : memref<32x64xf32, #tpu.memory_space<vmem>>) offsets(%dma_start3A_157 : memref<32xi32, #tpu.memory_space<vmem>>) semaphore(%arg17 : memref<!tpu.dma_semaphore, #tpu.memory_space<semaphore_mem>>)
    %dma_start3A_161 = arith.constant 14 : i32
    %dma_start3A_162 = arith.constant 448 : i32
    %dma_start3A_163 = arith.constant 0 : i32
    %dma_start3A_164 = tpu.memref_slice %arg11[%dma_start3A_162, %dma_start3A_163] : memref<640x64xf32, #tpu.memory_space<vmem>> -> memref<32x64xf32, #tpu.memory_space<vmem>>
    %dma_start3A_165 = arith.constant 0 : i32
    %dma_start3A_166 = tpu.memref_slice %arg8[%dma_start3A_161, %dma_start3A_165] : memref<20x512xi32, #tpu.memory_space<vmem>> -> memref<1x32xi32, #tpu.memory_space<vmem>>
    %dma_start3A_167 = tpu.memref_squeeze %dma_start3A_166 : memref<1x32xi32, #tpu.memory_space<vmem>> -> memref<32xi32, #tpu.memory_space<vmem>>
    %dma_start3A_168 = arith.constant 0 : i32
    %dma_start3A_169 = arith.constant 0 : i32
    %dma_start3A_170 = tpu.memref_slice %arg5[%dma_start3A_168, %dma_start3A_169] : memref<100000x64xf32, #tpu.memory_space<hbm>> -> memref<100000x64xf32, #tpu.memory_space<hbm>>
    tpu.enqueue_indirect_dma source(%dma_start3A_170 : memref<100000x64xf32, #tpu.memory_space<hbm>>) target(%dma_start3A_164 : memref<32x64xf32, #tpu.memory_space<vmem>>) offsets(%dma_start3A_167 : memref<32xi32, #tpu.memory_space<vmem>>) semaphore(%arg17 : memref<!tpu.dma_semaphore, #tpu.memory_space<semaphore_mem>>)
    %dma_start3A_171 = arith.constant 15 : i32
    %dma_start3A_172 = arith.constant 480 : i32
    %dma_start3A_173 = arith.constant 0 : i32
    %dma_start3A_174 = tpu.memref_slice %arg11[%dma_start3A_172, %dma_start3A_173] : memref<640x64xf32, #tpu.memory_space<vmem>> -> memref<32x64xf32, #tpu.memory_space<vmem>>
    %dma_start3A_175 = arith.constant 0 : i32
    %dma_start3A_176 = tpu.memref_slice %arg8[%dma_start3A_171, %dma_start3A_175] : memref<20x512xi32, #tpu.memory_space<vmem>> -> memref<1x32xi32, #tpu.memory_space<vmem>>
    %dma_start3A_177 = tpu.memref_squeeze %dma_start3A_176 : memref<1x32xi32, #tpu.memory_space<vmem>> -> memref<32xi32, #tpu.memory_space<vmem>>
    %dma_start3A_178 = arith.constant 0 : i32
    %dma_start3A_179 = arith.constant 0 : i32
    %dma_start3A_180 = tpu.memref_slice %arg5[%dma_start3A_178, %dma_start3A_179] : memref<100000x64xf32, #tpu.memory_space<hbm>> -> memref<100000x64xf32, #tpu.memory_space<hbm>>
    tpu.enqueue_indirect_dma source(%dma_start3A_180 : memref<100000x64xf32, #tpu.memory_space<hbm>>) target(%dma_start3A_174 : memref<32x64xf32, #tpu.memory_space<vmem>>) offsets(%dma_start3A_177 : memref<32xi32, #tpu.memory_space<vmem>>) semaphore(%arg17 : memref<!tpu.dma_semaphore, #tpu.memory_space<semaphore_mem>>)
    %dma_start3A_181 = arith.constant 16 : i32
    %dma_start3A_182 = arith.constant 512 : i32
    %dma_start3A_183 = arith.constant 0 : i32
    %dma_start3A_184 = tpu.memref_slice %arg11[%dma_start3A_182, %dma_start3A_183] : memref<640x64xf32, #tpu.memory_space<vmem>> -> memref<32x64xf32, #tpu.memory_space<vmem>>
    %dma_start3A_185 = arith.constant 0 : i32
    %dma_start3A_186 = tpu.memref_slice %arg8[%dma_start3A_181, %dma_start3A_185] : memref<20x512xi32, #tpu.memory_space<vmem>> -> memref<1x32xi32, #tpu.memory_space<vmem>>
    %dma_start3A_187 = tpu.memref_squeeze %dma_start3A_186 : memref<1x32xi32, #tpu.memory_space<vmem>> -> memref<32xi32, #tpu.memory_space<vmem>>
    %dma_start3A_188 = arith.constant 0 : i32
    %dma_start3A_189 = arith.constant 0 : i32
    %dma_start3A_190 = tpu.memref_slice %arg5[%dma_start3A_188, %dma_start3A_189] : memref<100000x64xf32, #tpu.memory_space<hbm>> -> memref<100000x64xf32, #tpu.memory_space<hbm>>
    tpu.enqueue_indirect_dma source(%dma_start3A_190 : memref<100000x64xf32, #tpu.memory_space<hbm>>) target(%dma_start3A_184 : memref<32x64xf32, #tpu.memory_space<vmem>>) offsets(%dma_start3A_187 : memref<32xi32, #tpu.memory_space<vmem>>) semaphore(%arg17 : memref<!tpu.dma_semaphore, #tpu.memory_space<semaphore_mem>>)
    %dma_start3A_191 = arith.constant 17 : i32
    %dma_start3A_192 = arith.constant 544 : i32
    %dma_start3A_193 = arith.constant 0 : i32
    %dma_start3A_194 = tpu.memref_slice %arg11[%dma_start3A_192, %dma_start3A_193] : memref<640x64xf32, #tpu.memory_space<vmem>> -> memref<32x64xf32, #tpu.memory_space<vmem>>
    %dma_start3A_195 = arith.constant 0 : i32
    %dma_start3A_196 = tpu.memref_slice %arg8[%dma_start3A_191, %dma_start3A_195] : memref<20x512xi32, #tpu.memory_space<vmem>> -> memref<1x32xi32, #tpu.memory_space<vmem>>
    %dma_start3A_197 = tpu.memref_squeeze %dma_start3A_196 : memref<1x32xi32, #tpu.memory_space<vmem>> -> memref<32xi32, #tpu.memory_space<vmem>>
    %dma_start3A_198 = arith.constant 0 : i32
    %dma_start3A_199 = arith.constant 0 : i32
    %dma_start3A_200 = tpu.memref_slice %arg5[%dma_start3A_198, %dma_start3A_199] : memref<100000x64xf32, #tpu.memory_space<hbm>> -> memref<100000x64xf32, #tpu.memory_space<hbm>>
    tpu.enqueue_indirect_dma source(%dma_start3A_200 : memref<100000x64xf32, #tpu.memory_space<hbm>>) target(%dma_start3A_194 : memref<32x64xf32, #tpu.memory_space<vmem>>) offsets(%dma_start3A_197 : memref<32xi32, #tpu.memory_space<vmem>>) semaphore(%arg17 : memref<!tpu.dma_semaphore, #tpu.memory_space<semaphore_mem>>)
    %dma_start3A_201 = arith.constant 18 : i32
    %dma_start3A_202 = arith.constant 576 : i32
    %dma_start3A_203 = arith.constant 0 : i32
    %dma_start3A_204 = tpu.memref_slice %arg11[%dma_start3A_202, %dma_start3A_203] : memref<640x64xf32, #tpu.memory_space<vmem>> -> memref<32x64xf32, #tpu.memory_space<vmem>>
    %dma_start3A_205 = arith.constant 0 : i32
    %dma_start3A_206 = tpu.memref_slice %arg8[%dma_start3A_201, %dma_start3A_205] : memref<20x512xi32, #tpu.memory_space<vmem>> -> memref<1x32xi32, #tpu.memory_space<vmem>>
    %dma_start3A_207 = tpu.memref_squeeze %dma_start3A_206 : memref<1x32xi32, #tpu.memory_space<vmem>> -> memref<32xi32, #tpu.memory_space<vmem>>
    %dma_start3A_208 = arith.constant 0 : i32
    %dma_start3A_209 = arith.constant 0 : i32
    %dma_start3A_210 = tpu.memref_slice %arg5[%dma_start3A_208, %dma_start3A_209] : memref<100000x64xf32, #tpu.memory_space<hbm>> -> memref<100000x64xf32, #tpu.memory_space<hbm>>
    tpu.enqueue_indirect_dma source(%dma_start3A_210 : memref<100000x64xf32, #tpu.memory_space<hbm>>) target(%dma_start3A_204 : memref<32x64xf32, #tpu.memory_space<vmem>>) offsets(%dma_start3A_207 : memref<32xi32, #tpu.memory_space<vmem>>) semaphore(%arg17 : memref<!tpu.dma_semaphore, #tpu.memory_space<semaphore_mem>>)
    %dma_start3A_211 = arith.constant 19 : i32
    %dma_start3A_212 = arith.constant 608 : i32
    %dma_start3A_213 = arith.constant 0 : i32
    %dma_start3A_214 = tpu.memref_slice %arg11[%dma_start3A_212, %dma_start3A_213] : memref<640x64xf32, #tpu.memory_space<vmem>> -> memref<32x64xf32, #tpu.memory_space<vmem>>
    %dma_start3A_215 = arith.constant 0 : i32
    %dma_start3A_216 = tpu.memref_slice %arg8[%dma_start3A_211, %dma_start3A_215] : memref<20x512xi32, #tpu.memory_space<vmem>> -> memref<1x32xi32, #tpu.memory_space<vmem>>
    %dma_start3A_217 = tpu.memref_squeeze %dma_start3A_216 : memref<1x32xi32, #tpu.memory_space<vmem>> -> memref<32xi32, #tpu.memory_space<vmem>>
    %dma_start3A_218 = arith.constant 0 : i32
    %dma_start3A_219 = arith.constant 0 : i32
    %dma_start3A_220 = tpu.memref_slice %arg5[%dma_start3A_218, %dma_start3A_219] : memref<100000x64xf32, #tpu.memory_space<hbm>> -> memref<100000x64xf32, #tpu.memory_space<hbm>>
    tpu.enqueue_indirect_dma source(%dma_start3A_220 : memref<100000x64xf32, #tpu.memory_space<hbm>>) target(%dma_start3A_214 : memref<32x64xf32, #tpu.memory_space<vmem>>) offsets(%dma_start3A_217 : memref<32xi32, #tpu.memory_space<vmem>>) semaphore(%arg17 : memref<!tpu.dma_semaphore, #tpu.memory_space<semaphore_mem>>)
    %dma_start3A_221 = arith.constant 0 : i32
    %dma_start3A_222 = tpu.memref_slice %arg10[%dma_start3A_221] : memref<512xi32, #tpu.memory_space<vmem>> -> memref<32xi32, #tpu.memory_space<vmem>>
    %dma_start3A_223 = arith.constant 0 : i32
    %dma_start3A_224 = arith.constant 0 : i32
    %dma_start3A_225 = tpu.memref_slice %arg6[%dma_start3A_223, %dma_start3A_224] : memref<1000x64xf32, #tpu.memory_space<hbm>> -> memref<1000x64xf32, #tpu.memory_space<hbm>>
    tpu.enqueue_indirect_dma source(%dma_start3A_225 : memref<1000x64xf32, #tpu.memory_space<hbm>>) target(%arg13 : memref<32x64xf32, #tpu.memory_space<vmem>>) offsets(%dma_start3A_222 : memref<32xi32, #tpu.memory_space<vmem>>) semaphore(%arg19 : memref<!tpu.dma_semaphore, #tpu.memory_space<semaphore_mem>>)
    %scan3A = arith.constant 0 : i32
    %scan3A_226 = arith.constant 0 : i32
    %scan3A_227 = arith.constant 8 : i32
    %scan3A_228 = arith.addi %scan3A_226, %scan3A_227 : i32
    %scan3A_229 = arith.constant 1 : i32
    scf.for %scan3A_231 = %scan3A_226 to %scan3A_228 step %scan3A_229  : i32 {
      %mul3A_232 = arith.constant 2 : i32
      %mul3A_233 = arith.muli %mul3A_232, %scan3A_231 : i32
      %add3A_234 = arith.constant 1 : i32
      %add3A_235 = arith.addi %mul3A_233, %add3A_234 : i32
      %mul3A_236 = arith.constant 32 : i32
      %mul3A_237 = arith.muli %add3A_235, %mul3A_236 : i32
      %dma_start3A_238 = arith.constant 0 : i32
      %dma_start3A_239 = arith.constant 0 : i32
      %dma_start3A_240 = arith.constant 0 : i32
      %dma_start3A_241 = tpu.memref_slice %arg12[%dma_start3A_239, %dma_start3A_240] : memref<640x64xf32, #tpu.memory_space<vmem>> -> memref<32x64xf32, #tpu.memory_space<vmem>>
      %dma_start3A_242 = tpu.memref_slice %arg8[%dma_start3A_238, %mul3A_237] : memref<20x512xi32, #tpu.memory_space<vmem>> -> memref<1x32xi32, #tpu.memory_space<vmem>>
      %dma_start3A_243 = tpu.memref_squeeze %dma_start3A_242 : memref<1x32xi32, #tpu.memory_space<vmem>> -> memref<32xi32, #tpu.memory_space<vmem>>
      %dma_start3A_244 = arith.constant 0 : i32
      %dma_start3A_245 = arith.constant 0 : i32
      %dma_start3A_246 = tpu.memref_slice %arg5[%dma_start3A_244, %dma_start3A_245] : memref<100000x64xf32, #tpu.memory_space<hbm>> -> memref<100000x64xf32, #tpu.memory_space<hbm>>
      tpu.enqueue_indirect_dma source(%dma_start3A_246 : memref<100000x64xf32, #tpu.memory_space<hbm>>) target(%dma_start3A_241 : memref<32x64xf32, #tpu.memory_space<vmem>>) offsets(%dma_start3A_243 : memref<32xi32, #tpu.memory_space<vmem>>) semaphore(%arg18 : memref<!tpu.dma_semaphore, #tpu.memory_space<semaphore_mem>>)
      %mul3A_247 = arith.constant 32 : i32
      %mul3A_248 = arith.muli %add3A_235, %mul3A_247 : i32
      %dma_start3A_249 = arith.constant 1 : i32
      %dma_start3A_250 = arith.constant 32 : i32
      %dma_start3A_251 = arith.constant 0 : i32
      %dma_start3A_252 = tpu.memref_slice %arg12[%dma_start3A_250, %dma_start3A_251] : memref<640x64xf32, #tpu.memory_space<vmem>> -> memref<32x64xf32, #tpu.memory_space<vmem>>
      %dma_start3A_253 = tpu.memref_slice %arg8[%dma_start3A_249, %mul3A_248] : memref<20x512xi32, #tpu.memory_space<vmem>> -> memref<1x32xi32, #tpu.memory_space<vmem>>
      %dma_start3A_254 = tpu.memref_squeeze %dma_start3A_253 : memref<1x32xi32, #tpu.memory_space<vmem>> -> memref<32xi32, #tpu.memory_space<vmem>>
      %dma_start3A_255 = arith.constant 0 : i32
      %dma_start3A_256 = arith.constant 0 : i32
      %dma_start3A_257 = tpu.memref_slice %arg5[%dma_start3A_255, %dma_start3A_256] : memref<100000x64xf32, #tpu.memory_space<hbm>> -> memref<100000x64xf32, #tpu.memory_space<hbm>>
      tpu.enqueue_indirect_dma source(%dma_start3A_257 : memref<100000x64xf32, #tpu.memory_space<hbm>>) target(%dma_start3A_252 : memref<32x64xf32, #tpu.memory_space<vmem>>) offsets(%dma_start3A_254 : memref<32xi32, #tpu.memory_space<vmem>>) semaphore(%arg18 : memref<!tpu.dma_semaphore, #tpu.memory_space<semaphore_mem>>)
      %mul3A_258 = arith.constant 32 : i32
      %mul3A_259 = arith.muli %add3A_235, %mul3A_258 : i32
      %dma_start3A_260 = arith.constant 2 : i32
      %dma_start3A_261 = arith.constant 64 : i32
      %dma_start3A_262 = arith.constant 0 : i32
      %dma_start3A_263 = tpu.memref_slice %arg12[%dma_start3A_261, %dma_start3A_262] : memref<640x64xf32, #tpu.memory_space<vmem>> -> memref<32x64xf32, #tpu.memory_space<vmem>>
      %dma_start3A_264 = tpu.memref_slice %arg8[%dma_start3A_260, %mul3A_259] : memref<20x512xi32, #tpu.memory_space<vmem>> -> memref<1x32xi32, #tpu.memory_space<vmem>>
      %dma_start3A_265 = tpu.memref_squeeze %dma_start3A_264 : memref<1x32xi32, #tpu.memory_space<vmem>> -> memref<32xi32, #tpu.memory_space<vmem>>
      %dma_start3A_266 = arith.constant 0 : i32
      %dma_start3A_267 = arith.constant 0 : i32
      %dma_start3A_268 = tpu.memref_slice %arg5[%dma_start3A_266, %dma_start3A_267] : memref<100000x64xf32, #tpu.memory_space<hbm>> -> memref<100000x64xf32, #tpu.memory_space<hbm>>
      tpu.enqueue_indirect_dma source(%dma_start3A_268 : memref<100000x64xf32, #tpu.memory_space<hbm>>) target(%dma_start3A_263 : memref<32x64xf32, #tpu.memory_space<vmem>>) offsets(%dma_start3A_265 : memref<32xi32, #tpu.memory_space<vmem>>) semaphore(%arg18 : memref<!tpu.dma_semaphore, #tpu.memory_space<semaphore_mem>>)
      %mul3A_269 = arith.constant 32 : i32
      %mul3A_270 = arith.muli %add3A_235, %mul3A_269 : i32
      %dma_start3A_271 = arith.constant 3 : i32
      %dma_start3A_272 = arith.constant 96 : i32
      %dma_start3A_273 = arith.constant 0 : i32
      %dma_start3A_274 = tpu.memref_slice %arg12[%dma_start3A_272, %dma_start3A_273] : memref<640x64xf32, #tpu.memory_space<vmem>> -> memref<32x64xf32, #tpu.memory_space<vmem>>
      %dma_start3A_275 = tpu.memref_slice %arg8[%dma_start3A_271, %mul3A_270] : memref<20x512xi32, #tpu.memory_space<vmem>> -> memref<1x32xi32, #tpu.memory_space<vmem>>
      %dma_start3A_276 = tpu.memref_squeeze %dma_start3A_275 : memref<1x32xi32, #tpu.memory_space<vmem>> -> memref<32xi32, #tpu.memory_space<vmem>>
      %dma_start3A_277 = arith.constant 0 : i32
      %dma_start3A_278 = arith.constant 0 : i32
      %dma_start3A_279 = tpu.memref_slice %arg5[%dma_start3A_277, %dma_start3A_278] : memref<100000x64xf32, #tpu.memory_space<hbm>> -> memref<100000x64xf32, #tpu.memory_space<hbm>>
      tpu.enqueue_indirect_dma source(%dma_start3A_279 : memref<100000x64xf32, #tpu.memory_space<hbm>>) target(%dma_start3A_274 : memref<32x64xf32, #tpu.memory_space<vmem>>) offsets(%dma_start3A_276 : memref<32xi32, #tpu.memory_space<vmem>>) semaphore(%arg18 : memref<!tpu.dma_semaphore, #tpu.memory_space<semaphore_mem>>)
      %mul3A_280 = arith.constant 32 : i32
      %mul3A_281 = arith.muli %add3A_235, %mul3A_280 : i32
      %dma_start3A_282 = arith.constant 4 : i32
      %dma_start3A_283 = arith.constant 128 : i32
      %dma_start3A_284 = arith.constant 0 : i32
      %dma_start3A_285 = tpu.memref_slice %arg12[%dma_start3A_283, %dma_start3A_284] : memref<640x64xf32, #tpu.memory_space<vmem>> -> memref<32x64xf32, #tpu.memory_space<vmem>>
      %dma_start3A_286 = tpu.memref_slice %arg8[%dma_start3A_282, %mul3A_281] : memref<20x512xi32, #tpu.memory_space<vmem>> -> memref<1x32xi32, #tpu.memory_space<vmem>>
      %dma_start3A_287 = tpu.memref_squeeze %dma_start3A_286 : memref<1x32xi32, #tpu.memory_space<vmem>> -> memref<32xi32, #tpu.memory_space<vmem>>
      %dma_start3A_288 = arith.constant 0 : i32
      %dma_start3A_289 = arith.constant 0 : i32
      %dma_start3A_290 = tpu.memref_slice %arg5[%dma_start3A_288, %dma_start3A_289] : memref<100000x64xf32, #tpu.memory_space<hbm>> -> memref<100000x64xf32, #tpu.memory_space<hbm>>
      tpu.enqueue_indirect_dma source(%dma_start3A_290 : memref<100000x64xf32, #tpu.memory_space<hbm>>) target(%dma_start3A_285 : memref<32x64xf32, #tpu.memory_space<vmem>>) offsets(%dma_start3A_287 : memref<32xi32, #tpu.memory_space<vmem>>) semaphore(%arg18 : memref<!tpu.dma_semaphore, #tpu.memory_space<semaphore_mem>>)
      %mul3A_291 = arith.constant 32 : i32
      %mul3A_292 = arith.muli %add3A_235, %mul3A_291 : i32
      %dma_start3A_293 = arith.constant 5 : i32
      %dma_start3A_294 = arith.constant 160 : i32
      %dma_start3A_295 = arith.constant 0 : i32
      %dma_start3A_296 = tpu.memref_slice %arg12[%dma_start3A_294, %dma_start3A_295] : memref<640x64xf32, #tpu.memory_space<vmem>> -> memref<32x64xf32, #tpu.memory_space<vmem>>
      %dma_start3A_297 = tpu.memref_slice %arg8[%dma_start3A_293, %mul3A_292] : memref<20x512xi32, #tpu.memory_space<vmem>> -> memref<1x32xi32, #tpu.memory_space<vmem>>
      %dma_start3A_298 = tpu.memref_squeeze %dma_start3A_297 : memref<1x32xi32, #tpu.memory_space<vmem>> -> memref<32xi32, #tpu.memory_space<vmem>>
      %dma_start3A_299 = arith.constant 0 : i32
      %dma_start3A_300 = arith.constant 0 : i32
      %dma_start3A_301 = tpu.memref_slice %arg5[%dma_start3A_299, %dma_start3A_300] : memref<100000x64xf32, #tpu.memory_space<hbm>> -> memref<100000x64xf32, #tpu.memory_space<hbm>>
      tpu.enqueue_indirect_dma source(%dma_start3A_301 : memref<100000x64xf32, #tpu.memory_space<hbm>>) target(%dma_start3A_296 : memref<32x64xf32, #tpu.memory_space<vmem>>) offsets(%dma_start3A_298 : memref<32xi32, #tpu.memory_space<vmem>>) semaphore(%arg18 : memref<!tpu.dma_semaphore, #tpu.memory_space<semaphore_mem>>)
      %mul3A_302 = arith.constant 32 : i32
      %mul3A_303 = arith.muli %add3A_235, %mul3A_302 : i32
      %dma_start3A_304 = arith.constant 6 : i32
      %dma_start3A_305 = arith.constant 192 : i32
      %dma_start3A_306 = arith.constant 0 : i32
      %dma_start3A_307 = tpu.memref_slice %arg12[%dma_start3A_305, %dma_start3A_306] : memref<640x64xf32, #tpu.memory_space<vmem>> -> memref<32x64xf32, #tpu.memory_space<vmem>>
      %dma_start3A_308 = tpu.memref_slice %arg8[%dma_start3A_304, %mul3A_303] : memref<20x512xi32, #tpu.memory_space<vmem>> -> memref<1x32xi32, #tpu.memory_space<vmem>>
      %dma_start3A_309 = tpu.memref_squeeze %dma_start3A_308 : memref<1x32xi32, #tpu.memory_space<vmem>> -> memref<32xi32, #tpu.memory_space<vmem>>
      %dma_start3A_310 = arith.constant 0 : i32
      %dma_start3A_311 = arith.constant 0 : i32
      %dma_start3A_312 = tpu.memref_slice %arg5[%dma_start3A_310, %dma_start3A_311] : memref<100000x64xf32, #tpu.memory_space<hbm>> -> memref<100000x64xf32, #tpu.memory_space<hbm>>
      tpu.enqueue_indirect_dma source(%dma_start3A_312 : memref<100000x64xf32, #tpu.memory_space<hbm>>) target(%dma_start3A_307 : memref<32x64xf32, #tpu.memory_space<vmem>>) offsets(%dma_start3A_309 : memref<32xi32, #tpu.memory_space<vmem>>) semaphore(%arg18 : memref<!tpu.dma_semaphore, #tpu.memory_space<semaphore_mem>>)
      %mul3A_313 = arith.constant 32 : i32
      %mul3A_314 = arith.muli %add3A_235, %mul3A_313 : i32
      %dma_start3A_315 = arith.constant 7 : i32
      %dma_start3A_316 = arith.constant 224 : i32
      %dma_start3A_317 = arith.constant 0 : i32
      %dma_start3A_318 = tpu.memref_slice %arg12[%dma_start3A_316, %dma_start3A_317] : memref<640x64xf32, #tpu.memory_space<vmem>> -> memref<32x64xf32, #tpu.memory_space<vmem>>
      %dma_start3A_319 = tpu.memref_slice %arg8[%dma_start3A_315, %mul3A_314] : memref<20x512xi32, #tpu.memory_space<vmem>> -> memref<1x32xi32, #tpu.memory_space<vmem>>
      %dma_start3A_320 = tpu.memref_squeeze %dma_start3A_319 : memref<1x32xi32, #tpu.memory_space<vmem>> -> memref<32xi32, #tpu.memory_space<vmem>>
      %dma_start3A_321 = arith.constant 0 : i32
      %dma_start3A_322 = arith.constant 0 : i32
      %dma_start3A_323 = tpu.memref_slice %arg5[%dma_start3A_321, %dma_start3A_322] : memref<100000x64xf32, #tpu.memory_space<hbm>> -> memref<100000x64xf32, #tpu.memory_space<hbm>>
      tpu.enqueue_indirect_dma source(%dma_start3A_323 : memref<100000x64xf32, #tpu.memory_space<hbm>>) target(%dma_start3A_318 : memref<32x64xf32, #tpu.memory_space<vmem>>) offsets(%dma_start3A_320 : memref<32xi32, #tpu.memory_space<vmem>>) semaphore(%arg18 : memref<!tpu.dma_semaphore, #tpu.memory_space<semaphore_mem>>)
      %mul3A_324 = arith.constant 32 : i32
      %mul3A_325 = arith.muli %add3A_235, %mul3A_324 : i32
      %dma_start3A_326 = arith.constant 8 : i32
      %dma_start3A_327 = arith.constant 256 : i32
      %dma_start3A_328 = arith.constant 0 : i32
      %dma_start3A_329 = tpu.memref_slice %arg12[%dma_start3A_327, %dma_start3A_328] : memref<640x64xf32, #tpu.memory_space<vmem>> -> memref<32x64xf32, #tpu.memory_space<vmem>>
      %dma_start3A_330 = tpu.memref_slice %arg8[%dma_start3A_326, %mul3A_325] : memref<20x512xi32, #tpu.memory_space<vmem>> -> memref<1x32xi32, #tpu.memory_space<vmem>>
      %dma_start3A_331 = tpu.memref_squeeze %dma_start3A_330 : memref<1x32xi32, #tpu.memory_space<vmem>> -> memref<32xi32, #tpu.memory_space<vmem>>
      %dma_start3A_332 = arith.constant 0 : i32
      %dma_start3A_333 = arith.constant 0 : i32
      %dma_start3A_334 = tpu.memref_slice %arg5[%dma_start3A_332, %dma_start3A_333] : memref<100000x64xf32, #tpu.memory_space<hbm>> -> memref<100000x64xf32, #tpu.memory_space<hbm>>
      tpu.enqueue_indirect_dma source(%dma_start3A_334 : memref<100000x64xf32, #tpu.memory_space<hbm>>) target(%dma_start3A_329 : memref<32x64xf32, #tpu.memory_space<vmem>>) offsets(%dma_start3A_331 : memref<32xi32, #tpu.memory_space<vmem>>) semaphore(%arg18 : memref<!tpu.dma_semaphore, #tpu.memory_space<semaphore_mem>>)
      %mul3A_335 = arith.constant 32 : i32
      %mul3A_336 = arith.muli %add3A_235, %mul3A_335 : i32
      %dma_start3A_337 = arith.constant 9 : i32
      %dma_start3A_338 = arith.constant 288 : i32
      %dma_start3A_339 = arith.constant 0 : i32
      %dma_start3A_340 = tpu.memref_slice %arg12[%dma_start3A_338, %dma_start3A_339] : memref<640x64xf32, #tpu.memory_space<vmem>> -> memref<32x64xf32, #tpu.memory_space<vmem>>
      %dma_start3A_341 = tpu.memref_slice %arg8[%dma_start3A_337, %mul3A_336] : memref<20x512xi32, #tpu.memory_space<vmem>> -> memref<1x32xi32, #tpu.memory_space<vmem>>
      %dma_start3A_342 = tpu.memref_squeeze %dma_start3A_341 : memref<1x32xi32, #tpu.memory_space<vmem>> -> memref<32xi32, #tpu.memory_space<vmem>>
      %dma_start3A_343 = arith.constant 0 : i32
      %dma_start3A_344 = arith.constant 0 : i32
      %dma_start3A_345 = tpu.memref_slice %arg5[%dma_start3A_343, %dma_start3A_344] : memref<100000x64xf32, #tpu.memory_space<hbm>> -> memref<100000x64xf32, #tpu.memory_space<hbm>>
      tpu.enqueue_indirect_dma source(%dma_start3A_345 : memref<100000x64xf32, #tpu.memory_space<hbm>>) target(%dma_start3A_340 : memref<32x64xf32, #tpu.memory_space<vmem>>) offsets(%dma_start3A_342 : memref<32xi32, #tpu.memory_space<vmem>>) semaphore(%arg18 : memref<!tpu.dma_semaphore, #tpu.memory_space<semaphore_mem>>)
      %mul3A_346 = arith.constant 32 : i32
      %mul3A_347 = arith.muli %add3A_235, %mul3A_346 : i32
      %dma_start3A_348 = arith.constant 10 : i32
      %dma_start3A_349 = arith.constant 320 : i32
      %dma_start3A_350 = arith.constant 0 : i32
      %dma_start3A_351 = tpu.memref_slice %arg12[%dma_start3A_349, %dma_start3A_350] : memref<640x64xf32, #tpu.memory_space<vmem>> -> memref<32x64xf32, #tpu.memory_space<vmem>>
      %dma_start3A_352 = tpu.memref_slice %arg8[%dma_start3A_348, %mul3A_347] : memref<20x512xi32, #tpu.memory_space<vmem>> -> memref<1x32xi32, #tpu.memory_space<vmem>>
      %dma_start3A_353 = tpu.memref_squeeze %dma_start3A_352 : memref<1x32xi32, #tpu.memory_space<vmem>> -> memref<32xi32, #tpu.memory_space<vmem>>
      %dma_start3A_354 = arith.constant 0 : i32
      %dma_start3A_355 = arith.constant 0 : i32
      %dma_start3A_356 = tpu.memref_slice %arg5[%dma_start3A_354, %dma_start3A_355] : memref<100000x64xf32, #tpu.memory_space<hbm>> -> memref<100000x64xf32, #tpu.memory_space<hbm>>
      tpu.enqueue_indirect_dma source(%dma_start3A_356 : memref<100000x64xf32, #tpu.memory_space<hbm>>) target(%dma_start3A_351 : memref<32x64xf32, #tpu.memory_space<vmem>>) offsets(%dma_start3A_353 : memref<32xi32, #tpu.memory_space<vmem>>) semaphore(%arg18 : memref<!tpu.dma_semaphore, #tpu.memory_space<semaphore_mem>>)
      %mul3A_357 = arith.constant 32 : i32
      %mul3A_358 = arith.muli %add3A_235, %mul3A_357 : i32
      %dma_start3A_359 = arith.constant 11 : i32
      %dma_start3A_360 = arith.constant 352 : i32
      %dma_start3A_361 = arith.constant 0 : i32
      %dma_start3A_362 = tpu.memref_slice %arg12[%dma_start3A_360, %dma_start3A_361] : memref<640x64xf32, #tpu.memory_space<vmem>> -> memref<32x64xf32, #tpu.memory_space<vmem>>
      %dma_start3A_363 = tpu.memref_slice %arg8[%dma_start3A_359, %mul3A_358] : memref<20x512xi32, #tpu.memory_space<vmem>> -> memref<1x32xi32, #tpu.memory_space<vmem>>
      %dma_start3A_364 = tpu.memref_squeeze %dma_start3A_363 : memref<1x32xi32, #tpu.memory_space<vmem>> -> memref<32xi32, #tpu.memory_space<vmem>>
      %dma_start3A_365 = arith.constant 0 : i32
      %dma_start3A_366 = arith.constant 0 : i32
      %dma_start3A_367 = tpu.memref_slice %arg5[%dma_start3A_365, %dma_start3A_366] : memref<100000x64xf32, #tpu.memory_space<hbm>> -> memref<100000x64xf32, #tpu.memory_space<hbm>>
      tpu.enqueue_indirect_dma source(%dma_start3A_367 : memref<100000x64xf32, #tpu.memory_space<hbm>>) target(%dma_start3A_362 : memref<32x64xf32, #tpu.memory_space<vmem>>) offsets(%dma_start3A_364 : memref<32xi32, #tpu.memory_space<vmem>>) semaphore(%arg18 : memref<!tpu.dma_semaphore, #tpu.memory_space<semaphore_mem>>)
      %mul3A_368 = arith.constant 32 : i32
      %mul3A_369 = arith.muli %add3A_235, %mul3A_368 : i32
      %dma_start3A_370 = arith.constant 12 : i32
      %dma_start3A_371 = arith.constant 384 : i32
      %dma_start3A_372 = arith.constant 0 : i32
      %dma_start3A_373 = tpu.memref_slice %arg12[%dma_start3A_371, %dma_start3A_372] : memref<640x64xf32, #tpu.memory_space<vmem>> -> memref<32x64xf32, #tpu.memory_space<vmem>>
      %dma_start3A_374 = tpu.memref_slice %arg8[%dma_start3A_370, %mul3A_369] : memref<20x512xi32, #tpu.memory_space<vmem>> -> memref<1x32xi32, #tpu.memory_space<vmem>>
      %dma_start3A_375 = tpu.memref_squeeze %dma_start3A_374 : memref<1x32xi32, #tpu.memory_space<vmem>> -> memref<32xi32, #tpu.memory_space<vmem>>
      %dma_start3A_376 = arith.constant 0 : i32
      %dma_start3A_377 = arith.constant 0 : i32
      %dma_start3A_378 = tpu.memref_slice %arg5[%dma_start3A_376, %dma_start3A_377] : memref<100000x64xf32, #tpu.memory_space<hbm>> -> memref<100000x64xf32, #tpu.memory_space<hbm>>
      tpu.enqueue_indirect_dma source(%dma_start3A_378 : memref<100000x64xf32, #tpu.memory_space<hbm>>) target(%dma_start3A_373 : memref<32x64xf32, #tpu.memory_space<vmem>>) offsets(%dma_start3A_375 : memref<32xi32, #tpu.memory_space<vmem>>) semaphore(%arg18 : memref<!tpu.dma_semaphore, #tpu.memory_space<semaphore_mem>>)
      %mul3A_379 = arith.constant 32 : i32
      %mul3A_380 = arith.muli %add3A_235, %mul3A_379 : i32
      %dma_start3A_381 = arith.constant 13 : i32
      %dma_start3A_382 = arith.constant 416 : i32
      %dma_start3A_383 = arith.constant 0 : i32
      %dma_start3A_384 = tpu.memref_slice %arg12[%dma_start3A_382, %dma_start3A_383] : memref<640x64xf32, #tpu.memory_space<vmem>> -> memref<32x64xf32, #tpu.memory_space<vmem>>
      %dma_start3A_385 = tpu.memref_slice %arg8[%dma_start3A_381, %mul3A_380] : memref<20x512xi32, #tpu.memory_space<vmem>> -> memref<1x32xi32, #tpu.memory_space<vmem>>
      %dma_start3A_386 = tpu.memref_squeeze %dma_start3A_385 : memref<1x32xi32, #tpu.memory_space<vmem>> -> memref<32xi32, #tpu.memory_space<vmem>>
      %dma_start3A_387 = arith.constant 0 : i32
      %dma_start3A_388 = arith.constant 0 : i32
      %dma_start3A_389 = tpu.memref_slice %arg5[%dma_start3A_387, %dma_start3A_388] : memref<100000x64xf32, #tpu.memory_space<hbm>> -> memref<100000x64xf32, #tpu.memory_space<hbm>>
      tpu.enqueue_indirect_dma source(%dma_start3A_389 : memref<100000x64xf32, #tpu.memory_space<hbm>>) target(%dma_start3A_384 : memref<32x64xf32, #tpu.memory_space<vmem>>) offsets(%dma_start3A_386 : memref<32xi32, #tpu.memory_space<vmem>>) semaphore(%arg18 : memref<!tpu.dma_semaphore, #tpu.memory_space<semaphore_mem>>)
      %mul3A_390 = arith.constant 32 : i32
      %mul3A_391 = arith.muli %add3A_235, %mul3A_390 : i32
      %dma_start3A_392 = arith.constant 14 : i32
      %dma_start3A_393 = arith.constant 448 : i32
      %dma_start3A_394 = arith.constant 0 : i32
      %dma_start3A_395 = tpu.memref_slice %arg12[%dma_start3A_393, %dma_start3A_394] : memref<640x64xf32, #tpu.memory_space<vmem>> -> memref<32x64xf32, #tpu.memory_space<vmem>>
      %dma_start3A_396 = tpu.memref_slice %arg8[%dma_start3A_392, %mul3A_391] : memref<20x512xi32, #tpu.memory_space<vmem>> -> memref<1x32xi32, #tpu.memory_space<vmem>>
      %dma_start3A_397 = tpu.memref_squeeze %dma_start3A_396 : memref<1x32xi32, #tpu.memory_space<vmem>> -> memref<32xi32, #tpu.memory_space<vmem>>
      %dma_start3A_398 = arith.constant 0 : i32
      %dma_start3A_399 = arith.constant 0 : i32
      %dma_start3A_400 = tpu.memref_slice %arg5[%dma_start3A_398, %dma_start3A_399] : memref<100000x64xf32, #tpu.memory_space<hbm>> -> memref<100000x64xf32, #tpu.memory_space<hbm>>
      tpu.enqueue_indirect_dma source(%dma_start3A_400 : memref<100000x64xf32, #tpu.memory_space<hbm>>) target(%dma_start3A_395 : memref<32x64xf32, #tpu.memory_space<vmem>>) offsets(%dma_start3A_397 : memref<32xi32, #tpu.memory_space<vmem>>) semaphore(%arg18 : memref<!tpu.dma_semaphore, #tpu.memory_space<semaphore_mem>>)
      %mul3A_401 = arith.constant 32 : i32
      %mul3A_402 = arith.muli %add3A_235, %mul3A_401 : i32
      %dma_start3A_403 = arith.constant 15 : i32
      %dma_start3A_404 = arith.constant 480 : i32
      %dma_start3A_405 = arith.constant 0 : i32
      %dma_start3A_406 = tpu.memref_slice %arg12[%dma_start3A_404, %dma_start3A_405] : memref<640x64xf32, #tpu.memory_space<vmem>> -> memref<32x64xf32, #tpu.memory_space<vmem>>
      %dma_start3A_407 = tpu.memref_slice %arg8[%dma_start3A_403, %mul3A_402] : memref<20x512xi32, #tpu.memory_space<vmem>> -> memref<1x32xi32, #tpu.memory_space<vmem>>
      %dma_start3A_408 = tpu.memref_squeeze %dma_start3A_407 : memref<1x32xi32, #tpu.memory_space<vmem>> -> memref<32xi32, #tpu.memory_space<vmem>>
      %dma_start3A_409 = arith.constant 0 : i32
      %dma_start3A_410 = arith.constant 0 : i32
      %dma_start3A_411 = tpu.memref_slice %arg5[%dma_start3A_409, %dma_start3A_410] : memref<100000x64xf32, #tpu.memory_space<hbm>> -> memref<100000x64xf32, #tpu.memory_space<hbm>>
      tpu.enqueue_indirect_dma source(%dma_start3A_411 : memref<100000x64xf32, #tpu.memory_space<hbm>>) target(%dma_start3A_406 : memref<32x64xf32, #tpu.memory_space<vmem>>) offsets(%dma_start3A_408 : memref<32xi32, #tpu.memory_space<vmem>>) semaphore(%arg18 : memref<!tpu.dma_semaphore, #tpu.memory_space<semaphore_mem>>)
      %mul3A_412 = arith.constant 32 : i32
      %mul3A_413 = arith.muli %add3A_235, %mul3A_412 : i32
      %dma_start3A_414 = arith.constant 16 : i32
      %dma_start3A_415 = arith.constant 512 : i32
      %dma_start3A_416 = arith.constant 0 : i32
      %dma_start3A_417 = tpu.memref_slice %arg12[%dma_start3A_415, %dma_start3A_416] : memref<640x64xf32, #tpu.memory_space<vmem>> -> memref<32x64xf32, #tpu.memory_space<vmem>>
      %dma_start3A_418 = tpu.memref_slice %arg8[%dma_start3A_414, %mul3A_413] : memref<20x512xi32, #tpu.memory_space<vmem>> -> memref<1x32xi32, #tpu.memory_space<vmem>>
      %dma_start3A_419 = tpu.memref_squeeze %dma_start3A_418 : memref<1x32xi32, #tpu.memory_space<vmem>> -> memref<32xi32, #tpu.memory_space<vmem>>
      %dma_start3A_420 = arith.constant 0 : i32
      %dma_start3A_421 = arith.constant 0 : i32
      %dma_start3A_422 = tpu.memref_slice %arg5[%dma_start3A_420, %dma_start3A_421] : memref<100000x64xf32, #tpu.memory_space<hbm>> -> memref<100000x64xf32, #tpu.memory_space<hbm>>
      tpu.enqueue_indirect_dma source(%dma_start3A_422 : memref<100000x64xf32, #tpu.memory_space<hbm>>) target(%dma_start3A_417 : memref<32x64xf32, #tpu.memory_space<vmem>>) offsets(%dma_start3A_419 : memref<32xi32, #tpu.memory_space<vmem>>) semaphore(%arg18 : memref<!tpu.dma_semaphore, #tpu.memory_space<semaphore_mem>>)
      %mul3A_423 = arith.constant 32 : i32
      %mul3A_424 = arith.muli %add3A_235, %mul3A_423 : i32
      %dma_start3A_425 = arith.constant 17 : i32
      %dma_start3A_426 = arith.constant 544 : i32
      %dma_start3A_427 = arith.constant 0 : i32
      %dma_start3A_428 = tpu.memref_slice %arg12[%dma_start3A_426, %dma_start3A_427] : memref<640x64xf32, #tpu.memory_space<vmem>> -> memref<32x64xf32, #tpu.memory_space<vmem>>
      %dma_start3A_429 = tpu.memref_slice %arg8[%dma_start3A_425, %mul3A_424] : memref<20x512xi32, #tpu.memory_space<vmem>> -> memref<1x32xi32, #tpu.memory_space<vmem>>
      %dma_start3A_430 = tpu.memref_squeeze %dma_start3A_429 : memref<1x32xi32, #tpu.memory_space<vmem>> -> memref<32xi32, #tpu.memory_space<vmem>>
      %dma_start3A_431 = arith.constant 0 : i32
      %dma_start3A_432 = arith.constant 0 : i32
      %dma_start3A_433 = tpu.memref_slice %arg5[%dma_start3A_431, %dma_start3A_432] : memref<100000x64xf32, #tpu.memory_space<hbm>> -> memref<100000x64xf32, #tpu.memory_space<hbm>>
      tpu.enqueue_indirect_dma source(%dma_start3A_433 : memref<100000x64xf32, #tpu.memory_space<hbm>>) target(%dma_start3A_428 : memref<32x64xf32, #tpu.memory_space<vmem>>) offsets(%dma_start3A_430 : memref<32xi32, #tpu.memory_space<vmem>>) semaphore(%arg18 : memref<!tpu.dma_semaphore, #tpu.memory_space<semaphore_mem>>)
      %mul3A_434 = arith.constant 32 : i32
      %mul3A_435 = arith.muli %add3A_235, %mul3A_434 : i32
      %dma_start3A_436 = arith.constant 18 : i32
      %dma_start3A_437 = arith.constant 576 : i32
      %dma_start3A_438 = arith.constant 0 : i32
      %dma_start3A_439 = tpu.memref_slice %arg12[%dma_start3A_437, %dma_start3A_438] : memref<640x64xf32, #tpu.memory_space<vmem>> -> memref<32x64xf32, #tpu.memory_space<vmem>>
      %dma_start3A_440 = tpu.memref_slice %arg8[%dma_start3A_436, %mul3A_435] : memref<20x512xi32, #tpu.memory_space<vmem>> -> memref<1x32xi32, #tpu.memory_space<vmem>>
      %dma_start3A_441 = tpu.memref_squeeze %dma_start3A_440 : memref<1x32xi32, #tpu.memory_space<vmem>> -> memref<32xi32, #tpu.memory_space<vmem>>
      %dma_start3A_442 = arith.constant 0 : i32
      %dma_start3A_443 = arith.constant 0 : i32
      %dma_start3A_444 = tpu.memref_slice %arg5[%dma_start3A_442, %dma_start3A_443] : memref<100000x64xf32, #tpu.memory_space<hbm>> -> memref<100000x64xf32, #tpu.memory_space<hbm>>
      tpu.enqueue_indirect_dma source(%dma_start3A_444 : memref<100000x64xf32, #tpu.memory_space<hbm>>) target(%dma_start3A_439 : memref<32x64xf32, #tpu.memory_space<vmem>>) offsets(%dma_start3A_441 : memref<32xi32, #tpu.memory_space<vmem>>) semaphore(%arg18 : memref<!tpu.dma_semaphore, #tpu.memory_space<semaphore_mem>>)
      %mul3A_445 = arith.constant 32 : i32
      %mul3A_446 = arith.muli %add3A_235, %mul3A_445 : i32
      %dma_start3A_447 = arith.constant 19 : i32
      %dma_start3A_448 = arith.constant 608 : i32
      %dma_start3A_449 = arith.constant 0 : i32
      %dma_start3A_450 = tpu.memref_slice %arg12[%dma_start3A_448, %dma_start3A_449] : memref<640x64xf32, #tpu.memory_space<vmem>> -> memref<32x64xf32, #tpu.memory_space<vmem>>
      %dma_start3A_451 = tpu.memref_slice %arg8[%dma_start3A_447, %mul3A_446] : memref<20x512xi32, #tpu.memory_space<vmem>> -> memref<1x32xi32, #tpu.memory_space<vmem>>
      %dma_start3A_452 = tpu.memref_squeeze %dma_start3A_451 : memref<1x32xi32, #tpu.memory_space<vmem>> -> memref<32xi32, #tpu.memory_space<vmem>>
      %dma_start3A_453 = arith.constant 0 : i32
      %dma_start3A_454 = arith.constant 0 : i32
      %dma_start3A_455 = tpu.memref_slice %arg5[%dma_start3A_453, %dma_start3A_454] : memref<100000x64xf32, #tpu.memory_space<hbm>> -> memref<100000x64xf32, #tpu.memory_space<hbm>>
      tpu.enqueue_indirect_dma source(%dma_start3A_455 : memref<100000x64xf32, #tpu.memory_space<hbm>>) target(%dma_start3A_450 : memref<32x64xf32, #tpu.memory_space<vmem>>) offsets(%dma_start3A_452 : memref<32xi32, #tpu.memory_space<vmem>>) semaphore(%arg18 : memref<!tpu.dma_semaphore, #tpu.memory_space<semaphore_mem>>)
      %mul3A_456 = arith.constant 32 : i32
      %mul3A_457 = arith.muli %add3A_235, %mul3A_456 : i32
      %dma_start3A_458 = tpu.memref_slice %arg10[%mul3A_457] : memref<512xi32, #tpu.memory_space<vmem>> -> memref<32xi32, #tpu.memory_space<vmem>>
      %dma_start3A_459 = arith.constant 0 : i32
      %dma_start3A_460 = arith.constant 0 : i32
      %dma_start3A_461 = tpu.memref_slice %arg6[%dma_start3A_459, %dma_start3A_460] : memref<1000x64xf32, #tpu.memory_space<hbm>> -> memref<1000x64xf32, #tpu.memory_space<hbm>>
      tpu.enqueue_indirect_dma source(%dma_start3A_461 : memref<1000x64xf32, #tpu.memory_space<hbm>>) target(%arg14 : memref<32x64xf32, #tpu.memory_space<vmem>>) offsets(%dma_start3A_458 : memref<32xi32, #tpu.memory_space<vmem>>) semaphore(%arg20 : memref<!tpu.dma_semaphore, #tpu.memory_space<semaphore_mem>>)
      %dma_wait3A_462 = arith.constant 0 : i32
      %dma_wait3A_463 = arith.constant 0 : i32
      %dma_wait3A_464 = tpu.memref_slice %arg5[%dma_wait3A_462, %dma_wait3A_463] : memref<100000x64xf32, #tpu.memory_space<hbm>> -> memref<640x64xf32, #tpu.memory_space<hbm>>
      %dma_wait3A_465 = arith.constant 0 : i32
      %dma_wait3A_466 = arith.constant 0 : i32
      %dma_wait3A_467 = tpu.memref_slice %arg5[%dma_wait3A_465, %dma_wait3A_466] : memref<100000x64xf32, #tpu.memory_space<hbm>> -> memref<640x64xf32, #tpu.memory_space<hbm>>
      tpu.wait_dma2 semaphore(%arg17 : memref<!tpu.dma_semaphore, #tpu.memory_space<semaphore_mem>>) src(%dma_wait3A_467 : memref<640x64xf32, #tpu.memory_space<hbm>>) dst(%arg11 : memref<640x64xf32, #tpu.memory_space<vmem>>)
      %dma_wait3A_468 = arith.constant 0 : i32
      %dma_wait3A_469 = arith.constant 0 : i32
      %dma_wait3A_470 = tpu.memref_slice %arg6[%dma_wait3A_468, %dma_wait3A_469] : memref<1000x64xf32, #tpu.memory_space<hbm>> -> memref<32x64xf32, #tpu.memory_space<hbm>>
      %dma_wait3A_471 = arith.constant 0 : i32
      %dma_wait3A_472 = arith.constant 0 : i32
      %dma_wait3A_473 = tpu.memref_slice %arg6[%dma_wait3A_471, %dma_wait3A_472] : memref<1000x64xf32, #tpu.memory_space<hbm>> -> memref<32x64xf32, #tpu.memory_space<hbm>>
      tpu.wait_dma2 semaphore(%arg19 : memref<!tpu.dma_semaphore, #tpu.memory_space<semaphore_mem>>) src(%dma_wait3A_473 : memref<32x64xf32, #tpu.memory_space<hbm>>) dst(%arg13 : memref<32x64xf32, #tpu.memory_space<vmem>>)
      %scan3A_474 = arith.constant 0 : i32
      %scan3A_475 = arith.constant 0 : i32
      %scan3A_476 = arith.constant 32 : i32
      %scan3A_477 = arith.addi %scan3A_475, %scan3A_476 : i32
      %scan3A_478 = arith.constant 1 : i32
      scf.for %scan3A_508 = %scan3A_475 to %scan3A_477 step %scan3A_478  : i32 {
        %mul3A_509 = arith.constant 32 : i32
        %mul3A_510 = arith.muli %mul3A_233, %mul3A_509 : i32
        %and3A = arith.constant -16 : i32
        %and3A_511 = arith.andi %scan3A_508, %and3A : i32
        %add3A_512 = arith.addi %mul3A_510, %and3A_511 : i32
        %and3A_513 = arith.constant 15 : i32
        %and3A_514 = arith.andi %scan3A_508, %and3A_513 : i32
        %broadcast_in_dim3A = vector.broadcast %and3A_514 : i32 to vector<16xi32>
        %broadcast_in_dim3A_515 = arith.constant 0.000000e+00 : f32
        %broadcast_in_dim3A_516 = vector.broadcast %broadcast_in_dim3A_515 : f32 to vector<16xf32>
        %broadcast_in_dim3A_517 = arith.constant 0.000000e+00 : f32
        %broadcast_in_dim3A_518 = vector.broadcast %broadcast_in_dim3A_517 : f32 to vector<16xf32>
        %broadcast_in_dim3A_519 = arith.constant 0.000000e+00 : f32
        %broadcast_in_dim3A_520 = vector.broadcast %broadcast_in_dim3A_519 : f32 to vector<16xf32>
        %broadcast_in_dim3A_521 = arith.constant 0.000000e+00 : f32
        %broadcast_in_dim3A_522 = vector.broadcast %broadcast_in_dim3A_521 : f32 to vector<16xf32>
        %broadcast_in_dim3A_523 = arith.constant 0.000000e+00 : f32
        %broadcast_in_dim3A_524 = vector.broadcast %broadcast_in_dim3A_523 : f32 to vector<16xf32>
        %get3A = arith.constant 0 : i32
        %get3A_525 = arith.index_cast %get3A : i32 to index
        %get3A_526 = arith.index_cast %add3A_512 : i32 to index
        %get3A_527 = tpu.vector_load %arg9[%get3A_525, %get3A_526] {strides = array<i32>} : memref<20x512xf32, #tpu.memory_space<vmem>>, vector<1x16xf32>,
        %get3A_528 = vector.shape_cast %get3A_527 : vector<1x16xf32> to vector<16xf32>
        %lt3A_529 = arith.constant 0 : i32
        %lt3A_530 = vector.broadcast %lt3A_529 : i32 to vector<16xi32>
        %lt3A_531 = arith.cmpi slt, %broadcast_in_dim3A, %lt3A_530 : vector<16xi32>
        %add3A_532 = arith.constant 16 : i32
        %add3A_533 = vector.broadcast %add3A_532 : i32 to vector<16xi32>
        %add3A_534 = arith.addi %broadcast_in_dim3A, %add3A_533 : vector<16xi32>
        %select_n3A = arith.select %lt3A_531, %add3A_534, %broadcast_in_dim3A : vector<16xi1>, vector<16xi32>
        %broadcast_in_dim3A_535 = vector.shape_cast %select_n3A : vector<16xi32> to vector<16x1xi32>
        %gather3A = vector.shape_cast %broadcast_in_dim3A_535 : vector<16x1xi32> to vector<16xi32>
        %gather3A_536 = tpu.dynamic_gather %get3A_528[%gather3A] in [0] : vector<16xf32>, vector<16xi32> -> vector<16xf32>
        %add3A_537 = arith.addf %broadcast_in_dim3A_516, %gather3A_536 : vector<16xf32>
        %add3A_538 = arith.constant 0 : i32
        %add3A_539 = arith.addi %add3A_538, %scan3A_508 : i32
        %get3A_540 = arith.index_cast %add3A_539 : i32 to index
        %get3A_541 = arith.constant 0 : index
        %get3A_542 = tpu.vector_load %arg11[%get3A_540, %get3A_541] {strides = array<i32>} : memref<640x64xf32, #tpu.memory_space<vmem>>, vector<1x16xf32>,
        %get3A_543 = vector.shape_cast %get3A_542 : vector<1x16xf32> to vector<16xf32>
        %mul3A_544 = arith.mulf %gather3A_536, %get3A_543 : vector<16xf32>
        %add3A_545 = arith.addf %broadcast_in_dim3A_518, %mul3A_544 : vector<16xf32>
        %get3A_546 = arith.index_cast %add3A_539 : i32 to index
        %get3A_547 = arith.constant 16 : index
        %get3A_548 = tpu.vector_load %arg11[%get3A_546, %get3A_547] {strides = array<i32>} : memref<640x64xf32, #tpu.memory_space<vmem>>, vector<1x16xf32>,
        %get3A_549 = vector.shape_cast %get3A_548 : vector<1x16xf32> to vector<16xf32>
        %mul3A_550 = arith.mulf %gather3A_536, %get3A_549 : vector<16xf32>
        %add3A_551 = arith.addf %broadcast_in_dim3A_520, %mul3A_550 : vector<16xf32>
        %get3A_552 = arith.index_cast %add3A_539 : i32 to index
        %get3A_553 = arith.constant 32 : index
        %get3A_554 = tpu.vector_load %arg11[%get3A_552, %get3A_553] {strides = array<i32>} : memref<640x64xf32, #tpu.memory_space<vmem>>, vector<1x16xf32>,
        %get3A_555 = vector.shape_cast %get3A_554 : vector<1x16xf32> to vector<16xf32>
        %mul3A_556 = arith.mulf %gather3A_536, %get3A_555 : vector<16xf32>
        %add3A_557 = arith.addf %broadcast_in_dim3A_522, %mul3A_556 : vector<16xf32>
        %get3A_558 = arith.index_cast %add3A_539 : i32 to index
        %get3A_559 = arith.constant 48 : index
        %get3A_560 = tpu.vector_load %arg11[%get3A_558, %get3A_559] {strides = array<i32>} : memref<640x64xf32, #tpu.memory_space<vmem>>, vector<1x16xf32>,
        %get3A_561 = vector.shape_cast %get3A_560 : vector<1x16xf32> to vector<16xf32>
        %mul3A_562 = arith.mulf %gather3A_536, %get3A_561 : vector<16xf32>
        %add3A_563 = arith.addf %broadcast_in_dim3A_524, %mul3A_562 : vector<16xf32>
        %get3A_564 = arith.constant 1 : i32
        %get3A_565 = arith.index_cast %get3A_564 : i32 to index
        %get3A_566 = arith.index_cast %add3A_512 : i32 to index
        %get3A_567 = tpu.vector_load %arg9[%get3A_565, %get3A_566] {strides = array<i32>} : memref<20x512xf32, #tpu.memory_space<vmem>>, vector<1x16xf32>,
        %get3A_568 = vector.shape_cast %get3A_567 : vector<1x16xf32> to vector<16xf32>
        %lt3A_569 = arith.constant 0 : i32
        %lt3A_570 = vector.broadcast %lt3A_569 : i32 to vector<16xi32>
        %lt3A_571 = arith.cmpi slt, %broadcast_in_dim3A, %lt3A_570 : vector<16xi32>
        %add3A_572 = arith.constant 16 : i32
        %add3A_573 = vector.broadcast %add3A_572 : i32 to vector<16xi32>
        %add3A_574 = arith.addi %broadcast_in_dim3A, %add3A_573 : vector<16xi32>
        %select_n3A_575 = arith.select %lt3A_571, %add3A_574, %broadcast_in_dim3A : vector<16xi1>, vector<16xi32>
        %broadcast_in_dim3A_576 = vector.shape_cast %select_n3A_575 : vector<16xi32> to vector<16x1xi32>
        %gather3A_577 = vector.shape_cast %broadcast_in_dim3A_576 : vector<16x1xi32> to vector<16xi32>
        %gather3A_578 = tpu.dynamic_gather %get3A_568[%gather3A_577] in [0] : vector<16xf32>, vector<16xi32> -> vector<16xf32>
        %add3A_579 = arith.addf %add3A_537, %gather3A_578 : vector<16xf32>
        %add3A_580 = arith.constant 32 : i32
        %add3A_581 = arith.addi %add3A_580, %scan3A_508 : i32
        %get3A_582 = arith.index_cast %add3A_581 : i32 to index
        %get3A_583 = arith.constant 0 : index
        %get3A_584 = tpu.vector_load %arg11[%get3A_582, %get3A_583] {strides = array<i32>} : memref<640x64xf32, #tpu.memory_space<vmem>>, vector<1x16xf32>,
        %get3A_585 = vector.shape_cast %get3A_584 : vector<1x16xf32> to vector<16xf32>
        %mul3A_586 = arith.mulf %gather3A_578, %get3A_585 : vector<16xf32>
        %add3A_587 = arith.addf %add3A_545, %mul3A_586 : vector<16xf32>
        %get3A_588 = arith.index_cast %add3A_581 : i32 to index
        %get3A_589 = arith.constant 16 : index
        %get3A_590 = tpu.vector_load %arg11[%get3A_588, %get3A_589] {strides = array<i32>} : memref<640x64xf32, #tpu.memory_space<vmem>>, vector<1x16xf32>,
        %get3A_591 = vector.shape_cast %get3A_590 : vector<1x16xf32> to vector<16xf32>
        %mul3A_592 = arith.mulf %gather3A_578, %get3A_591 : vector<16xf32>
        %add3A_593 = arith.addf %add3A_551, %mul3A_592 : vector<16xf32>
        %get3A_594 = arith.index_cast %add3A_581 : i32 to index
        %get3A_595 = arith.constant 32 : index
        %get3A_596 = tpu.vector_load %arg11[%get3A_594, %get3A_595] {strides = array<i32>} : memref<640x64xf32, #tpu.memory_space<vmem>>, vector<1x16xf32>,
        %get3A_597 = vector.shape_cast %get3A_596 : vector<1x16xf32> to vector<16xf32>
        %mul3A_598 = arith.mulf %gather3A_578, %get3A_597 : vector<16xf32>
        %add3A_599 = arith.addf %add3A_557, %mul3A_598 : vector<16xf32>
        %get3A_600 = arith.index_cast %add3A_581 : i32 to index
        %get3A_601 = arith.constant 48 : index
        %get3A_602 = tpu.vector_load %arg11[%get3A_600, %get3A_601] {strides = array<i32>} : memref<640x64xf32, #tpu.memory_space<vmem>>, vector<1x16xf32>,
        %get3A_603 = vector.shape_cast %get3A_602 : vector<1x16xf32> to vector<16xf32>
        %mul3A_604 = arith.mulf %gather3A_578, %get3A_603 : vector<16xf32>
        %add3A_605 = arith.addf %add3A_563, %mul3A_604 : vector<16xf32>
        %get3A_606 = arith.constant 2 : i32
        %get3A_607 = arith.index_cast %get3A_606 : i32 to index
        %get3A_608 = arith.index_cast %add3A_512 : i32 to index
        %get3A_609 = tpu.vector_load %arg9[%get3A_607, %get3A_608] {strides = array<i32>} : memref<20x512xf32, #tpu.memory_space<vmem>>, vector<1x16xf32>,
        %get3A_610 = vector.shape_cast %get3A_609 : vector<1x16xf32> to vector<16xf32>
        %lt3A_611 = arith.constant 0 : i32
        %lt3A_612 = vector.broadcast %lt3A_611 : i32 to vector<16xi32>
        %lt3A_613 = arith.cmpi slt, %broadcast_in_dim3A, %lt3A_612 : vector<16xi32>
        %add3A_614 = arith.constant 16 : i32
        %add3A_615 = vector.broadcast %add3A_614 : i32 to vector<16xi32>
        %add3A_616 = arith.addi %broadcast_in_dim3A, %add3A_615 : vector<16xi32>
        %select_n3A_617 = arith.select %lt3A_613, %add3A_616, %broadcast_in_dim3A : vector<16xi1>, vector<16xi32>
        %broadcast_in_dim3A_618 = vector.shape_cast %select_n3A_617 : vector<16xi32> to vector<16x1xi32>
        %gather3A_619 = vector.shape_cast %broadcast_in_dim3A_618 : vector<16x1xi32> to vector<16xi32>
        %gather3A_620 = tpu.dynamic_gather %get3A_610[%gather3A_619] in [0] : vector<16xf32>, vector<16xi32> -> vector<16xf32>
        %add3A_621 = arith.addf %add3A_579, %gather3A_620 : vector<16xf32>
        %add3A_622 = arith.constant 64 : i32
        %add3A_623 = arith.addi %add3A_622, %scan3A_508 : i32
        %get3A_624 = arith.index_cast %add3A_623 : i32 to index
        %get3A_625 = arith.constant 0 : index
        %get3A_626 = tpu.vector_load %arg11[%get3A_624, %get3A_625] {strides = array<i32>} : memref<640x64xf32, #tpu.memory_space<vmem>>, vector<1x16xf32>,
        %get3A_627 = vector.shape_cast %get3A_626 : vector<1x16xf32> to vector<16xf32>
        %mul3A_628 = arith.mulf %gather3A_620, %get3A_627 : vector<16xf32>
        %add3A_629 = arith.addf %add3A_587, %mul3A_628 : vector<16xf32>
        %get3A_630 = arith.index_cast %add3A_623 : i32 to index
        %get3A_631 = arith.constant 16 : index
        %get3A_632 = tpu.vector_load %arg11[%get3A_630, %get3A_631] {strides = array<i32>} : memref<640x64xf32, #tpu.memory_space<vmem>>, vector<1x16xf32>,
        %get3A_633 = vector.shape_cast %get3A_632 : vector<1x16xf32> to vector<16xf32>
        %mul3A_634 = arith.mulf %gather3A_620, %get3A_633 : vector<16xf32>
        %add3A_635 = arith.addf %add3A_593, %mul3A_634 : vector<16xf32>
        %get3A_636 = arith.index_cast %add3A_623 : i32 to index
        %get3A_637 = arith.constant 32 : index
        %get3A_638 = tpu.vector_load %arg11[%get3A_636, %get3A_637] {strides = array<i32>} : memref<640x64xf32, #tpu.memory_space<vmem>>, vector<1x16xf32>,
        %get3A_639 = vector.shape_cast %get3A_638 : vector<1x16xf32> to vector<16xf32>
        %mul3A_640 = arith.mulf %gather3A_620, %get3A_639 : vector<16xf32>
        %add3A_641 = arith.addf %add3A_599, %mul3A_640 : vector<16xf32>
        %get3A_642 = arith.index_cast %add3A_623 : i32 to index
        %get3A_643 = arith.constant 48 : index
        %get3A_644 = tpu.vector_load %arg11[%get3A_642, %get3A_643] {strides = array<i32>} : memref<640x64xf32, #tpu.memory_space<vmem>>, vector<1x16xf32>,
        %get3A_645 = vector.shape_cast %get3A_644 : vector<1x16xf32> to vector<16xf32>
        %mul3A_646 = arith.mulf %gather3A_620, %get3A_645 : vector<16xf32>
        %add3A_647 = arith.addf %add3A_605, %mul3A_646 : vector<16xf32>
        %get3A_648 = arith.constant 3 : i32
        %get3A_649 = arith.index_cast %get3A_648 : i32 to index
        %get3A_650 = arith.index_cast %add3A_512 : i32 to index
        %get3A_651 = tpu.vector_load %arg9[%get3A_649, %get3A_650] {strides = array<i32>} : memref<20x512xf32, #tpu.memory_space<vmem>>, vector<1x16xf32>,
        %get3A_652 = vector.shape_cast %get3A_651 : vector<1x16xf32> to vector<16xf32>
        %lt3A_653 = arith.constant 0 : i32
        %lt3A_654 = vector.broadcast %lt3A_653 : i32 to vector<16xi32>
        %lt3A_655 = arith.cmpi slt, %broadcast_in_dim3A, %lt3A_654 : vector<16xi32>
        %add3A_656 = arith.constant 16 : i32
        %add3A_657 = vector.broadcast %add3A_656 : i32 to vector<16xi32>
        %add3A_658 = arith.addi %broadcast_in_dim3A, %add3A_657 : vector<16xi32>
        %select_n3A_659 = arith.select %lt3A_655, %add3A_658, %broadcast_in_dim3A : vector<16xi1>, vector<16xi32>
        %broadcast_in_dim3A_660 = vector.shape_cast %select_n3A_659 : vector<16xi32> to vector<16x1xi32>
        %gather3A_661 = vector.shape_cast %broadcast_in_dim3A_660 : vector<16x1xi32> to vector<16xi32>
        %gather3A_662 = tpu.dynamic_gather %get3A_652[%gather3A_661] in [0] : vector<16xf32>, vector<16xi32> -> vector<16xf32>
        %add3A_663 = arith.addf %add3A_621, %gather3A_662 : vector<16xf32>
        %add3A_664 = arith.constant 96 : i32
        %add3A_665 = arith.addi %add3A_664, %scan3A_508 : i32
        %get3A_666 = arith.index_cast %add3A_665 : i32 to index
        %get3A_667 = arith.constant 0 : index
        %get3A_668 = tpu.vector_load %arg11[%get3A_666, %get3A_667] {strides = array<i32>} : memref<640x64xf32, #tpu.memory_space<vmem>>, vector<1x16xf32>,
        %get3A_669 = vector.shape_cast %get3A_668 : vector<1x16xf32> to vector<16xf32>
        %mul3A_670 = arith.mulf %gather3A_662, %get3A_669 : vector<16xf32>
        %add3A_671 = arith.addf %add3A_629, %mul3A_670 : vector<16xf32>
        %get3A_672 = arith.index_cast %add3A_665 : i32 to index
        %get3A_673 = arith.constant 16 : index
        %get3A_674 = tpu.vector_load %arg11[%get3A_672, %get3A_673] {strides = array<i32>} : memref<640x64xf32, #tpu.memory_space<vmem>>, vector<1x16xf32>,
        %get3A_675 = vector.shape_cast %get3A_674 : vector<1x16xf32> to vector<16xf32>
        %mul3A_676 = arith.mulf %gather3A_662, %get3A_675 : vector<16xf32>
        %add3A_677 = arith.addf %add3A_635, %mul3A_676 : vector<16xf32>
        %get3A_678 = arith.index_cast %add3A_665 : i32 to index
        %get3A_679 = arith.constant 32 : index
        %get3A_680 = tpu.vector_load %arg11[%get3A_678, %get3A_679] {strides = array<i32>} : memref<640x64xf32, #tpu.memory_space<vmem>>, vector<1x16xf32>,
        %get3A_681 = vector.shape_cast %get3A_680 : vector<1x16xf32> to vector<16xf32>
        %mul3A_682 = arith.mulf %gather3A_662, %get3A_681 : vector<16xf32>
        %add3A_683 = arith.addf %add3A_641, %mul3A_682 : vector<16xf32>
        %get3A_684 = arith.index_cast %add3A_665 : i32 to index
        %get3A_685 = arith.constant 48 : index
        %get3A_686 = tpu.vector_load %arg11[%get3A_684, %get3A_685] {strides = array<i32>} : memref<640x64xf32, #tpu.memory_space<vmem>>, vector<1x16xf32>,
        %get3A_687 = vector.shape_cast %get3A_686 : vector<1x16xf32> to vector<16xf32>
        %mul3A_688 = arith.mulf %gather3A_662, %get3A_687 : vector<16xf32>
        %add3A_689 = arith.addf %add3A_647, %mul3A_688 : vector<16xf32>
        %get3A_690 = arith.constant 4 : i32
        %get3A_691 = arith.index_cast %get3A_690 : i32 to index
        %get3A_692 = arith.index_cast %add3A_512 : i32 to index
        %get3A_693 = tpu.vector_load %arg9[%get3A_691, %get3A_692] {strides = array<i32>} : memref<20x512xf32, #tpu.memory_space<vmem>>, vector<1x16xf32>,
        %get3A_694 = vector.shape_cast %get3A_693 : vector<1x16xf32> to vector<16xf32>
        %lt3A_695 = arith.constant 0 : i32
        %lt3A_696 = vector.broadcast %lt3A_695 : i32 to vector<16xi32>
        %lt3A_697 = arith.cmpi slt, %broadcast_in_dim3A, %lt3A_696 : vector<16xi32>
        %add3A_698 = arith.constant 16 : i32
        %add3A_699 = vector.broadcast %add3A_698 : i32 to vector<16xi32>
        %add3A_700 = arith.addi %broadcast_in_dim3A, %add3A_699 : vector<16xi32>
        %select_n3A_701 = arith.select %lt3A_697, %add3A_700, %broadcast_in_dim3A : vector<16xi1>, vector<16xi32>
        %broadcast_in_dim3A_702 = vector.shape_cast %select_n3A_701 : vector<16xi32> to vector<16x1xi32>
        %gather3A_703 = vector.shape_cast %broadcast_in_dim3A_702 : vector<16x1xi32> to vector<16xi32>
        %gather3A_704 = tpu.dynamic_gather %get3A_694[%gather3A_703] in [0] : vector<16xf32>, vector<16xi32> -> vector<16xf32>
        %add3A_705 = arith.addf %add3A_663, %gather3A_704 : vector<16xf32>
        %add3A_706 = arith.constant 128 : i32
        %add3A_707 = arith.addi %add3A_706, %scan3A_508 : i32
        %get3A_708 = arith.index_cast %add3A_707 : i32 to index
        %get3A_709 = arith.constant 0 : index
        %get3A_710 = tpu.vector_load %arg11[%get3A_708, %get3A_709] {strides = array<i32>} : memref<640x64xf32, #tpu.memory_space<vmem>>, vector<1x16xf32>,
        %get3A_711 = vector.shape_cast %get3A_710 : vector<1x16xf32> to vector<16xf32>
        %mul3A_712 = arith.mulf %gather3A_704, %get3A_711 : vector<16xf32>
        %add3A_713 = arith.addf %add3A_671, %mul3A_712 : vector<16xf32>
        %get3A_714 = arith.index_cast %add3A_707 : i32 to index
        %get3A_715 = arith.constant 16 : index
        %get3A_716 = tpu.vector_load %arg11[%get3A_714, %get3A_715] {strides = array<i32>} : memref<640x64xf32, #tpu.memory_space<vmem>>, vector<1x16xf32>,
        %get3A_717 = vector.shape_cast %get3A_716 : vector<1x16xf32> to vector<16xf32>
        %mul3A_718 = arith.mulf %gather3A_704, %get3A_717 : vector<16xf32>
        %add3A_719 = arith.addf %add3A_677, %mul3A_718 : vector<16xf32>
        %get3A_720 = arith.index_cast %add3A_707 : i32 to index
        %get3A_721 = arith.constant 32 : index
        %get3A_722 = tpu.vector_load %arg11[%get3A_720, %get3A_721] {strides = array<i32>} : memref<640x64xf32, #tpu.memory_space<vmem>>, vector<1x16xf32>,
        %get3A_723 = vector.shape_cast %get3A_722 : vector<1x16xf32> to vector<16xf32>
        %mul3A_724 = arith.mulf %gather3A_704, %get3A_723 : vector<16xf32>
        %add3A_725 = arith.addf %add3A_683, %mul3A_724 : vector<16xf32>
        %get3A_726 = arith.index_cast %add3A_707 : i32 to index
        %get3A_727 = arith.constant 48 : index
        %get3A_728 = tpu.vector_load %arg11[%get3A_726, %get3A_727] {strides = array<i32>} : memref<640x64xf32, #tpu.memory_space<vmem>>, vector<1x16xf32>,
        %get3A_729 = vector.shape_cast %get3A_728 : vector<1x16xf32> to vector<16xf32>
        %mul3A_730 = arith.mulf %gather3A_704, %get3A_729 : vector<16xf32>
        %add3A_731 = arith.addf %add3A_689, %mul3A_730 : vector<16xf32>
        %get3A_732 = arith.constant 5 : i32
        %get3A_733 = arith.index_cast %get3A_732 : i32 to index
        %get3A_734 = arith.index_cast %add3A_512 : i32 to index
        %get3A_735 = tpu.vector_load %arg9[%get3A_733, %get3A_734] {strides = array<i32>} : memref<20x512xf32, #tpu.memory_space<vmem>>, vector<1x16xf32>,
        %get3A_736 = vector.shape_cast %get3A_735 : vector<1x16xf32> to vector<16xf32>
        %lt3A_737 = arith.constant 0 : i32
        %lt3A_738 = vector.broadcast %lt3A_737 : i32 to vector<16xi32>
        %lt3A_739 = arith.cmpi slt, %broadcast_in_dim3A, %lt3A_738 : vector<16xi32>
        %add3A_740 = arith.constant 16 : i32
        %add3A_741 = vector.broadcast %add3A_740 : i32 to vector<16xi32>
        %add3A_742 = arith.addi %broadcast_in_dim3A, %add3A_741 : vector<16xi32>
        %select_n3A_743 = arith.select %lt3A_739, %add3A_742, %broadcast_in_dim3A : vector<16xi1>, vector<16xi32>
        %broadcast_in_dim3A_744 = vector.shape_cast %select_n3A_743 : vector<16xi32> to vector<16x1xi32>
        %gather3A_745 = vector.shape_cast %broadcast_in_dim3A_744 : vector<16x1xi32> to vector<16xi32>
        %gather3A_746 = tpu.dynamic_gather %get3A_736[%gather3A_745] in [0] : vector<16xf32>, vector<16xi32> -> vector<16xf32>
        %add3A_747 = arith.addf %add3A_705, %gather3A_746 : vector<16xf32>
        %add3A_748 = arith.constant 160 : i32
        %add3A_749 = arith.addi %add3A_748, %scan3A_508 : i32
        %get3A_750 = arith.index_cast %add3A_749 : i32 to index
        %get3A_751 = arith.constant 0 : index
        %get3A_752 = tpu.vector_load %arg11[%get3A_750, %get3A_751] {strides = array<i32>} : memref<640x64xf32, #tpu.memory_space<vmem>>, vector<1x16xf32>,
        %get3A_753 = vector.shape_cast %get3A_752 : vector<1x16xf32> to vector<16xf32>
        %mul3A_754 = arith.mulf %gather3A_746, %get3A_753 : vector<16xf32>
        %add3A_755 = arith.addf %add3A_713, %mul3A_754 : vector<16xf32>
        %get3A_756 = arith.index_cast %add3A_749 : i32 to index
        %get3A_757 = arith.constant 16 : index
        %get3A_758 = tpu.vector_load %arg11[%get3A_756, %get3A_757] {strides = array<i32>} : memref<640x64xf32, #tpu.memory_space<vmem>>, vector<1x16xf32>,
        %get3A_759 = vector.shape_cast %get3A_758 : vector<1x16xf32> to vector<16xf32>
        %mul3A_760 = arith.mulf %gather3A_746, %get3A_759 : vector<16xf32>
        %add3A_761 = arith.addf %add3A_719, %mul3A_760 : vector<16xf32>
        %get3A_762 = arith.index_cast %add3A_749 : i32 to index
        %get3A_763 = arith.constant 32 : index
        %get3A_764 = tpu.vector_load %arg11[%get3A_762, %get3A_763] {strides = array<i32>} : memref<640x64xf32, #tpu.memory_space<vmem>>, vector<1x16xf32>,
        %get3A_765 = vector.shape_cast %get3A_764 : vector<1x16xf32> to vector<16xf32>
        %mul3A_766 = arith.mulf %gather3A_746, %get3A_765 : vector<16xf32>
        %add3A_767 = arith.addf %add3A_725, %mul3A_766 : vector<16xf32>
        %get3A_768 = arith.index_cast %add3A_749 : i32 to index
        %get3A_769 = arith.constant 48 : index
        %get3A_770 = tpu.vector_load %arg11[%get3A_768, %get3A_769] {strides = array<i32>} : memref<640x64xf32, #tpu.memory_space<vmem>>, vector<1x16xf32>,
        %get3A_771 = vector.shape_cast %get3A_770 : vector<1x16xf32> to vector<16xf32>
        %mul3A_772 = arith.mulf %gather3A_746, %get3A_771 : vector<16xf32>
        %add3A_773 = arith.addf %add3A_731, %mul3A_772 : vector<16xf32>
        %get3A_774 = arith.constant 6 : i32
        %get3A_775 = arith.index_cast %get3A_774 : i32 to index
        %get3A_776 = arith.index_cast %add3A_512 : i32 to index
        %get3A_777 = tpu.vector_load %arg9[%get3A_775, %get3A_776] {strides = array<i32>} : memref<20x512xf32, #tpu.memory_space<vmem>>, vector<1x16xf32>,
        %get3A_778 = vector.shape_cast %get3A_777 : vector<1x16xf32> to vector<16xf32>
        %lt3A_779 = arith.constant 0 : i32
        %lt3A_780 = vector.broadcast %lt3A_779 : i32 to vector<16xi32>
        %lt3A_781 = arith.cmpi slt, %broadcast_in_dim3A, %lt3A_780 : vector<16xi32>
        %add3A_782 = arith.constant 16 : i32
        %add3A_783 = vector.broadcast %add3A_782 : i32 to vector<16xi32>
        %add3A_784 = arith.addi %broadcast_in_dim3A, %add3A_783 : vector<16xi32>
        %select_n3A_785 = arith.select %lt3A_781, %add3A_784, %broadcast_in_dim3A : vector<16xi1>, vector<16xi32>
        %broadcast_in_dim3A_786 = vector.shape_cast %select_n3A_785 : vector<16xi32> to vector<16x1xi32>
        %gather3A_787 = vector.shape_cast %broadcast_in_dim3A_786 : vector<16x1xi32> to vector<16xi32>
        %gather3A_788 = tpu.dynamic_gather %get3A_778[%gather3A_787] in [0] : vector<16xf32>, vector<16xi32> -> vector<16xf32>
        %add3A_789 = arith.addf %add3A_747, %gather3A_788 : vector<16xf32>
        %add3A_790 = arith.constant 192 : i32
        %add3A_791 = arith.addi %add3A_790, %scan3A_508 : i32
        %get3A_792 = arith.index_cast %add3A_791 : i32 to index
        %get3A_793 = arith.constant 0 : index
        %get3A_794 = tpu.vector_load %arg11[%get3A_792, %get3A_793] {strides = array<i32>} : memref<640x64xf32, #tpu.memory_space<vmem>>, vector<1x16xf32>,
        %get3A_795 = vector.shape_cast %get3A_794 : vector<1x16xf32> to vector<16xf32>
        %mul3A_796 = arith.mulf %gather3A_788, %get3A_795 : vector<16xf32>
        %add3A_797 = arith.addf %add3A_755, %mul3A_796 : vector<16xf32>
        %get3A_798 = arith.index_cast %add3A_791 : i32 to index
        %get3A_799 = arith.constant 16 : index
        %get3A_800 = tpu.vector_load %arg11[%get3A_798, %get3A_799] {strides = array<i32>} : memref<640x64xf32, #tpu.memory_space<vmem>>, vector<1x16xf32>,
        %get3A_801 = vector.shape_cast %get3A_800 : vector<1x16xf32> to vector<16xf32>
        %mul3A_802 = arith.mulf %gather3A_788, %get3A_801 : vector<16xf32>
        %add3A_803 = arith.addf %add3A_761, %mul3A_802 : vector<16xf32>
        %get3A_804 = arith.index_cast %add3A_791 : i32 to index
        %get3A_805 = arith.constant 32 : index
        %get3A_806 = tpu.vector_load %arg11[%get3A_804, %get3A_805] {strides = array<i32>} : memref<640x64xf32, #tpu.memory_space<vmem>>, vector<1x16xf32>,
        %get3A_807 = vector.shape_cast %get3A_806 : vector<1x16xf32> to vector<16xf32>
        %mul3A_808 = arith.mulf %gather3A_788, %get3A_807 : vector<16xf32>
        %add3A_809 = arith.addf %add3A_767, %mul3A_808 : vector<16xf32>
        %get3A_810 = arith.index_cast %add3A_791 : i32 to index
        %get3A_811 = arith.constant 48 : index
        %get3A_812 = tpu.vector_load %arg11[%get3A_810, %get3A_811] {strides = array<i32>} : memref<640x64xf32, #tpu.memory_space<vmem>>, vector<1x16xf32>,
        %get3A_813 = vector.shape_cast %get3A_812 : vector<1x16xf32> to vector<16xf32>
        %mul3A_814 = arith.mulf %gather3A_788, %get3A_813 : vector<16xf32>
        %add3A_815 = arith.addf %add3A_773, %mul3A_814 : vector<16xf32>
        %get3A_816 = arith.constant 7 : i32
        %get3A_817 = arith.index_cast %get3A_816 : i32 to index
        %get3A_818 = arith.index_cast %add3A_512 : i32 to index
        %get3A_819 = tpu.vector_load %arg9[%get3A_817, %get3A_818] {strides = array<i32>} : memref<20x512xf32, #tpu.memory_space<vmem>>, vector<1x16xf32>,
        %get3A_820 = vector.shape_cast %get3A_819 : vector<1x16xf32> to vector<16xf32>
        %lt3A_821 = arith.constant 0 : i32
        %lt3A_822 = vector.broadcast %lt3A_821 : i32 to vector<16xi32>
        %lt3A_823 = arith.cmpi slt, %broadcast_in_dim3A, %lt3A_822 : vector<16xi32>
        %add3A_824 = arith.constant 16 : i32
        %add3A_825 = vector.broadcast %add3A_824 : i32 to vector<16xi32>
        %add3A_826 = arith.addi %broadcast_in_dim3A, %add3A_825 : vector<16xi32>
        %select_n3A_827 = arith.select %lt3A_823, %add3A_826, %broadcast_in_dim3A : vector<16xi1>, vector<16xi32>
        %broadcast_in_dim3A_828 = vector.shape_cast %select_n3A_827 : vector<16xi32> to vector<16x1xi32>
        %gather3A_829 = vector.shape_cast %broadcast_in_dim3A_828 : vector<16x1xi32> to vector<16xi32>
        %gather3A_830 = tpu.dynamic_gather %get3A_820[%gather3A_829] in [0] : vector<16xf32>, vector<16xi32> -> vector<16xf32>
        %add3A_831 = arith.addf %add3A_789, %gather3A_830 : vector<16xf32>
        %add3A_832 = arith.constant 224 : i32
        %add3A_833 = arith.addi %add3A_832, %scan3A_508 : i32
        %get3A_834 = arith.index_cast %add3A_833 : i32 to index
        %get3A_835 = arith.constant 0 : index
        %get3A_836 = tpu.vector_load %arg11[%get3A_834, %get3A_835] {strides = array<i32>} : memref<640x64xf32, #tpu.memory_space<vmem>>, vector<1x16xf32>,
        %get3A_837 = vector.shape_cast %get3A_836 : vector<1x16xf32> to vector<16xf32>
        %mul3A_838 = arith.mulf %gather3A_830, %get3A_837 : vector<16xf32>
        %add3A_839 = arith.addf %add3A_797, %mul3A_838 : vector<16xf32>
        %get3A_840 = arith.index_cast %add3A_833 : i32 to index
        %get3A_841 = arith.constant 16 : index
        %get3A_842 = tpu.vector_load %arg11[%get3A_840, %get3A_841] {strides = array<i32>} : memref<640x64xf32, #tpu.memory_space<vmem>>, vector<1x16xf32>,
        %get3A_843 = vector.shape_cast %get3A_842 : vector<1x16xf32> to vector<16xf32>
        %mul3A_844 = arith.mulf %gather3A_830, %get3A_843 : vector<16xf32>
        %add3A_845 = arith.addf %add3A_803, %mul3A_844 : vector<16xf32>
        %get3A_846 = arith.index_cast %add3A_833 : i32 to index
        %get3A_847 = arith.constant 32 : index
        %get3A_848 = tpu.vector_load %arg11[%get3A_846, %get3A_847] {strides = array<i32>} : memref<640x64xf32, #tpu.memory_space<vmem>>, vector<1x16xf32>,
        %get3A_849 = vector.shape_cast %get3A_848 : vector<1x16xf32> to vector<16xf32>
        %mul3A_850 = arith.mulf %gather3A_830, %get3A_849 : vector<16xf32>
        %add3A_851 = arith.addf %add3A_809, %mul3A_850 : vector<16xf32>
        %get3A_852 = arith.index_cast %add3A_833 : i32 to index
        %get3A_853 = arith.constant 48 : index
        %get3A_854 = tpu.vector_load %arg11[%get3A_852, %get3A_853] {strides = array<i32>} : memref<640x64xf32, #tpu.memory_space<vmem>>, vector<1x16xf32>,
        %get3A_855 = vector.shape_cast %get3A_854 : vector<1x16xf32> to vector<16xf32>
        %mul3A_856 = arith.mulf %gather3A_830, %get3A_855 : vector<16xf32>
        %add3A_857 = arith.addf %add3A_815, %mul3A_856 : vector<16xf32>
        %get3A_858 = arith.constant 8 : i32
        %get3A_859 = arith.index_cast %get3A_858 : i32 to index
        %get3A_860 = arith.index_cast %add3A_512 : i32 to index
        %get3A_861 = tpu.vector_load %arg9[%get3A_859, %get3A_860] {strides = array<i32>} : memref<20x512xf32, #tpu.memory_space<vmem>>, vector<1x16xf32>,
        %get3A_862 = vector.shape_cast %get3A_861 : vector<1x16xf32> to vector<16xf32>
        %lt3A_863 = arith.constant 0 : i32
        %lt3A_864 = vector.broadcast %lt3A_863 : i32 to vector<16xi32>
        %lt3A_865 = arith.cmpi slt, %broadcast_in_dim3A, %lt3A_864 : vector<16xi32>
        %add3A_866 = arith.constant 16 : i32
        %add3A_867 = vector.broadcast %add3A_866 : i32 to vector<16xi32>
        %add3A_868 = arith.addi %broadcast_in_dim3A, %add3A_867 : vector<16xi32>
        %select_n3A_869 = arith.select %lt3A_865, %add3A_868, %broadcast_in_dim3A : vector<16xi1>, vector<16xi32>
        %broadcast_in_dim3A_870 = vector.shape_cast %select_n3A_869 : vector<16xi32> to vector<16x1xi32>
        %gather3A_871 = vector.shape_cast %broadcast_in_dim3A_870 : vector<16x1xi32> to vector<16xi32>
        %gather3A_872 = tpu.dynamic_gather %get3A_862[%gather3A_871] in [0] : vector<16xf32>, vector<16xi32> -> vector<16xf32>
        %add3A_873 = arith.addf %add3A_831, %gather3A_872 : vector<16xf32>
        %add3A_874 = arith.constant 256 : i32
        %add3A_875 = arith.addi %add3A_874, %scan3A_508 : i32
        %get3A_876 = arith.index_cast %add3A_875 : i32 to index
        %get3A_877 = arith.constant 0 : index
        %get3A_878 = tpu.vector_load %arg11[%get3A_876, %get3A_877] {strides = array<i32>} : memref<640x64xf32, #tpu.memory_space<vmem>>, vector<1x16xf32>,
        %get3A_879 = vector.shape_cast %get3A_878 : vector<1x16xf32> to vector<16xf32>
        %mul3A_880 = arith.mulf %gather3A_872, %get3A_879 : vector<16xf32>
        %add3A_881 = arith.addf %add3A_839, %mul3A_880 : vector<16xf32>
        %get3A_882 = arith.index_cast %add3A_875 : i32 to index
        %get3A_883 = arith.constant 16 : index
        %get3A_884 = tpu.vector_load %arg11[%get3A_882, %get3A_883] {strides = array<i32>} : memref<640x64xf32, #tpu.memory_space<vmem>>, vector<1x16xf32>,
        %get3A_885 = vector.shape_cast %get3A_884 : vector<1x16xf32> to vector<16xf32>
        %mul3A_886 = arith.mulf %gather3A_872, %get3A_885 : vector<16xf32>
        %add3A_887 = arith.addf %add3A_845, %mul3A_886 : vector<16xf32>
        %get3A_888 = arith.index_cast %add3A_875 : i32 to index
        %get3A_889 = arith.constant 32 : index
        %get3A_890 = tpu.vector_load %arg11[%get3A_888, %get3A_889] {strides = array<i32>} : memref<640x64xf32, #tpu.memory_space<vmem>>, vector<1x16xf32>,
        %get3A_891 = vector.shape_cast %get3A_890 : vector<1x16xf32> to vector<16xf32>
        %mul3A_892 = arith.mulf %gather3A_872, %get3A_891 : vector<16xf32>
        %add3A_893 = arith.addf %add3A_851, %mul3A_892 : vector<16xf32>
        %get3A_894 = arith.index_cast %add3A_875 : i32 to index
        %get3A_895 = arith.constant 48 : index
        %get3A_896 = tpu.vector_load %arg11[%get3A_894, %get3A_895] {strides = array<i32>} : memref<640x64xf32, #tpu.memory_space<vmem>>, vector<1x16xf32>,
        %get3A_897 = vector.shape_cast %get3A_896 : vector<1x16xf32> to vector<16xf32>
        %mul3A_898 = arith.mulf %gather3A_872, %get3A_897 : vector<16xf32>
        %add3A_899 = arith.addf %add3A_857, %mul3A_898 : vector<16xf32>
        %get3A_900 = arith.constant 9 : i32
        %get3A_901 = arith.index_cast %get3A_900 : i32 to index
        %get3A_902 = arith.index_cast %add3A_512 : i32 to index
        %get3A_903 = tpu.vector_load %arg9[%get3A_901, %get3A_902] {strides = array<i32>} : memref<20x512xf32, #tpu.memory_space<vmem>>, vector<1x16xf32>,
        %get3A_904 = vector.shape_cast %get3A_903 : vector<1x16xf32> to vector<16xf32>
        %lt3A_905 = arith.constant 0 : i32
        %lt3A_906 = vector.broadcast %lt3A_905 : i32 to vector<16xi32>
        %lt3A_907 = arith.cmpi slt, %broadcast_in_dim3A, %lt3A_906 : vector<16xi32>
        %add3A_908 = arith.constant 16 : i32
        %add3A_909 = vector.broadcast %add3A_908 : i32 to vector<16xi32>
        %add3A_910 = arith.addi %broadcast_in_dim3A, %add3A_909 : vector<16xi32>
        %select_n3A_911 = arith.select %lt3A_907, %add3A_910, %broadcast_in_dim3A : vector<16xi1>, vector<16xi32>
        %broadcast_in_dim3A_912 = vector.shape_cast %select_n3A_911 : vector<16xi32> to vector<16x1xi32>
        %gather3A_913 = vector.shape_cast %broadcast_in_dim3A_912 : vector<16x1xi32> to vector<16xi32>
        %gather3A_914 = tpu.dynamic_gather %get3A_904[%gather3A_913] in [0] : vector<16xf32>, vector<16xi32> -> vector<16xf32>
        %add3A_915 = arith.addf %add3A_873, %gather3A_914 : vector<16xf32>
        %add3A_916 = arith.constant 288 : i32
        %add3A_917 = arith.addi %add3A_916, %scan3A_508 : i32
        %get3A_918 = arith.index_cast %add3A_917 : i32 to index
        %get3A_919 = arith.constant 0 : index
        %get3A_920 = tpu.vector_load %arg11[%get3A_918, %get3A_919] {strides = array<i32>} : memref<640x64xf32, #tpu.memory_space<vmem>>, vector<1x16xf32>,
        %get3A_921 = vector.shape_cast %get3A_920 : vector<1x16xf32> to vector<16xf32>
        %mul3A_922 = arith.mulf %gather3A_914, %get3A_921 : vector<16xf32>
        %add3A_923 = arith.addf %add3A_881, %mul3A_922 : vector<16xf32>
        %get3A_924 = arith.index_cast %add3A_917 : i32 to index
        %get3A_925 = arith.constant 16 : index
        %get3A_926 = tpu.vector_load %arg11[%get3A_924, %get3A_925] {strides = array<i32>} : memref<640x64xf32, #tpu.memory_space<vmem>>, vector<1x16xf32>,
        %get3A_927 = vector.shape_cast %get3A_926 : vector<1x16xf32> to vector<16xf32>
        %mul3A_928 = arith.mulf %gather3A_914, %get3A_927 : vector<16xf32>
        %add3A_929 = arith.addf %add3A_887, %mul3A_928 : vector<16xf32>
        %get3A_930 = arith.index_cast %add3A_917 : i32 to index
        %get3A_931 = arith.constant 32 : index
        %get3A_932 = tpu.vector_load %arg11[%get3A_930, %get3A_931] {strides = array<i32>} : memref<640x64xf32, #tpu.memory_space<vmem>>, vector<1x16xf32>,
        %get3A_933 = vector.shape_cast %get3A_932 : vector<1x16xf32> to vector<16xf32>
        %mul3A_934 = arith.mulf %gather3A_914, %get3A_933 : vector<16xf32>
        %add3A_935 = arith.addf %add3A_893, %mul3A_934 : vector<16xf32>
        %get3A_936 = arith.index_cast %add3A_917 : i32 to index
        %get3A_937 = arith.constant 48 : index
        %get3A_938 = tpu.vector_load %arg11[%get3A_936, %get3A_937] {strides = array<i32>} : memref<640x64xf32, #tpu.memory_space<vmem>>, vector<1x16xf32>,
        %get3A_939 = vector.shape_cast %get3A_938 : vector<1x16xf32> to vector<16xf32>
        %mul3A_940 = arith.mulf %gather3A_914, %get3A_939 : vector<16xf32>
        %add3A_941 = arith.addf %add3A_899, %mul3A_940 : vector<16xf32>
        %get3A_942 = arith.constant 10 : i32
        %get3A_943 = arith.index_cast %get3A_942 : i32 to index
        %get3A_944 = arith.index_cast %add3A_512 : i32 to index
        %get3A_945 = tpu.vector_load %arg9[%get3A_943, %get3A_944] {strides = array<i32>} : memref<20x512xf32, #tpu.memory_space<vmem>>, vector<1x16xf32>,
        %get3A_946 = vector.shape_cast %get3A_945 : vector<1x16xf32> to vector<16xf32>
        %lt3A_947 = arith.constant 0 : i32
        %lt3A_948 = vector.broadcast %lt3A_947 : i32 to vector<16xi32>
        %lt3A_949 = arith.cmpi slt, %broadcast_in_dim3A, %lt3A_948 : vector<16xi32>
        %add3A_950 = arith.constant 16 : i32
        %add3A_951 = vector.broadcast %add3A_950 : i32 to vector<16xi32>
        %add3A_952 = arith.addi %broadcast_in_dim3A, %add3A_951 : vector<16xi32>
        %select_n3A_953 = arith.select %lt3A_949, %add3A_952, %broadcast_in_dim3A : vector<16xi1>, vector<16xi32>
        %broadcast_in_dim3A_954 = vector.shape_cast %select_n3A_953 : vector<16xi32> to vector<16x1xi32>
        %gather3A_955 = vector.shape_cast %broadcast_in_dim3A_954 : vector<16x1xi32> to vector<16xi32>
        %gather3A_956 = tpu.dynamic_gather %get3A_946[%gather3A_955] in [0] : vector<16xf32>, vector<16xi32> -> vector<16xf32>
        %add3A_957 = arith.addf %add3A_915, %gather3A_956 : vector<16xf32>
        %add3A_958 = arith.constant 320 : i32
        %add3A_959 = arith.addi %add3A_958, %scan3A_508 : i32
        %get3A_960 = arith.index_cast %add3A_959 : i32 to index
        %get3A_961 = arith.constant 0 : index
        %get3A_962 = tpu.vector_load %arg11[%get3A_960, %get3A_961] {strides = array<i32>} : memref<640x64xf32, #tpu.memory_space<vmem>>, vector<1x16xf32>,
        %get3A_963 = vector.shape_cast %get3A_962 : vector<1x16xf32> to vector<16xf32>
        %mul3A_964 = arith.mulf %gather3A_956, %get3A_963 : vector<16xf32>
        %add3A_965 = arith.addf %add3A_923, %mul3A_964 : vector<16xf32>
        %get3A_966 = arith.index_cast %add3A_959 : i32 to index
        %get3A_967 = arith.constant 16 : index
        %get3A_968 = tpu.vector_load %arg11[%get3A_966, %get3A_967] {strides = array<i32>} : memref<640x64xf32, #tpu.memory_space<vmem>>, vector<1x16xf32>,
        %get3A_969 = vector.shape_cast %get3A_968 : vector<1x16xf32> to vector<16xf32>
        %mul3A_970 = arith.mulf %gather3A_956, %get3A_969 : vector<16xf32>
        %add3A_971 = arith.addf %add3A_929, %mul3A_970 : vector<16xf32>
        %get3A_972 = arith.index_cast %add3A_959 : i32 to index
        %get3A_973 = arith.constant 32 : index
        %get3A_974 = tpu.vector_load %arg11[%get3A_972, %get3A_973] {strides = array<i32>} : memref<640x64xf32, #tpu.memory_space<vmem>>, vector<1x16xf32>,
        %get3A_975 = vector.shape_cast %get3A_974 : vector<1x16xf32> to vector<16xf32>
        %mul3A_976 = arith.mulf %gather3A_956, %get3A_975 : vector<16xf32>
        %add3A_977 = arith.addf %add3A_935, %mul3A_976 : vector<16xf32>
        %get3A_978 = arith.index_cast %add3A_959 : i32 to index
        %get3A_979 = arith.constant 48 : index
        %get3A_980 = tpu.vector_load %arg11[%get3A_978, %get3A_979] {strides = array<i32>} : memref<640x64xf32, #tpu.memory_space<vmem>>, vector<1x16xf32>,
        %get3A_981 = vector.shape_cast %get3A_980 : vector<1x16xf32> to vector<16xf32>
        %mul3A_982 = arith.mulf %gather3A_956, %get3A_981 : vector<16xf32>
        %add3A_983 = arith.addf %add3A_941, %mul3A_982 : vector<16xf32>
        %get3A_984 = arith.constant 11 : i32
        %get3A_985 = arith.index_cast %get3A_984 : i32 to index
        %get3A_986 = arith.index_cast %add3A_512 : i32 to index
        %get3A_987 = tpu.vector_load %arg9[%get3A_985, %get3A_986] {strides = array<i32>} : memref<20x512xf32, #tpu.memory_space<vmem>>, vector<1x16xf32>,
        %get3A_988 = vector.shape_cast %get3A_987 : vector<1x16xf32> to vector<16xf32>
        %lt3A_989 = arith.constant 0 : i32
        %lt3A_990 = vector.broadcast %lt3A_989 : i32 to vector<16xi32>
        %lt3A_991 = arith.cmpi slt, %broadcast_in_dim3A, %lt3A_990 : vector<16xi32>
        %add3A_992 = arith.constant 16 : i32
        %add3A_993 = vector.broadcast %add3A_992 : i32 to vector<16xi32>
        %add3A_994 = arith.addi %broadcast_in_dim3A, %add3A_993 : vector<16xi32>
        %select_n3A_995 = arith.select %lt3A_991, %add3A_994, %broadcast_in_dim3A : vector<16xi1>, vector<16xi32>
        %broadcast_in_dim3A_996 = vector.shape_cast %select_n3A_995 : vector<16xi32> to vector<16x1xi32>
        %gather3A_997 = vector.shape_cast %broadcast_in_dim3A_996 : vector<16x1xi32> to vector<16xi32>
        %gather3A_998 = tpu.dynamic_gather %get3A_988[%gather3A_997] in [0] : vector<16xf32>, vector<16xi32> -> vector<16xf32>
        %add3A_999 = arith.addf %add3A_957, %gather3A_998 : vector<16xf32>
        %add3A_1000 = arith.constant 352 : i32
        %add3A_1001 = arith.addi %add3A_1000, %scan3A_508 : i32
        %get3A_1002 = arith.index_cast %add3A_1001 : i32 to index
        %get3A_1003 = arith.constant 0 : index
        %get3A_1004 = tpu.vector_load %arg11[%get3A_1002, %get3A_1003] {strides = array<i32>} : memref<640x64xf32, #tpu.memory_space<vmem>>, vector<1x16xf32>,
        %get3A_1005 = vector.shape_cast %get3A_1004 : vector<1x16xf32> to vector<16xf32>
        %mul3A_1006 = arith.mulf %gather3A_998, %get3A_1005 : vector<16xf32>
        %add3A_1007 = arith.addf %add3A_965, %mul3A_1006 : vector<16xf32>
        %get3A_1008 = arith.index_cast %add3A_1001 : i32 to index
        %get3A_1009 = arith.constant 16 : index
        %get3A_1010 = tpu.vector_load %arg11[%get3A_1008, %get3A_1009] {strides = array<i32>} : memref<640x64xf32, #tpu.memory_space<vmem>>, vector<1x16xf32>,
        %get3A_1011 = vector.shape_cast %get3A_1010 : vector<1x16xf32> to vector<16xf32>
        %mul3A_1012 = arith.mulf %gather3A_998, %get3A_1011 : vector<16xf32>
        %add3A_1013 = arith.addf %add3A_971, %mul3A_1012 : vector<16xf32>
        %get3A_1014 = arith.index_cast %add3A_1001 : i32 to index
        %get3A_1015 = arith.constant 32 : index
        %get3A_1016 = tpu.vector_load %arg11[%get3A_1014, %get3A_1015] {strides = array<i32>} : memref<640x64xf32, #tpu.memory_space<vmem>>, vector<1x16xf32>,
        %get3A_1017 = vector.shape_cast %get3A_1016 : vector<1x16xf32> to vector<16xf32>
        %mul3A_1018 = arith.mulf %gather3A_998, %get3A_1017 : vector<16xf32>
        %add3A_1019 = arith.addf %add3A_977, %mul3A_1018 : vector<16xf32>
        %get3A_1020 = arith.index_cast %add3A_1001 : i32 to index
        %get3A_1021 = arith.constant 48 : index
        %get3A_1022 = tpu.vector_load %arg11[%get3A_1020, %get3A_1021] {strides = array<i32>} : memref<640x64xf32, #tpu.memory_space<vmem>>, vector<1x16xf32>,
        %get3A_1023 = vector.shape_cast %get3A_1022 : vector<1x16xf32> to vector<16xf32>
        %mul3A_1024 = arith.mulf %gather3A_998, %get3A_1023 : vector<16xf32>
        %add3A_1025 = arith.addf %add3A_983, %mul3A_1024 : vector<16xf32>
        %get3A_1026 = arith.constant 12 : i32
        %get3A_1027 = arith.index_cast %get3A_1026 : i32 to index
        %get3A_1028 = arith.index_cast %add3A_512 : i32 to index
        %get3A_1029 = tpu.vector_load %arg9[%get3A_1027, %get3A_1028] {strides = array<i32>} : memref<20x512xf32, #tpu.memory_space<vmem>>, vector<1x16xf32>,
        %get3A_1030 = vector.shape_cast %get3A_1029 : vector<1x16xf32> to vector<16xf32>
        %lt3A_1031 = arith.constant 0 : i32
        %lt3A_1032 = vector.broadcast %lt3A_1031 : i32 to vector<16xi32>
        %lt3A_1033 = arith.cmpi slt, %broadcast_in_dim3A, %lt3A_1032 : vector<16xi32>
        %add3A_1034 = arith.constant 16 : i32
        %add3A_1035 = vector.broadcast %add3A_1034 : i32 to vector<16xi32>
        %add3A_1036 = arith.addi %broadcast_in_dim3A, %add3A_1035 : vector<16xi32>
        %select_n3A_1037 = arith.select %lt3A_1033, %add3A_1036, %broadcast_in_dim3A : vector<16xi1>, vector<16xi32>
        %broadcast_in_dim3A_1038 = vector.shape_cast %select_n3A_1037 : vector<16xi32> to vector<16x1xi32>
        %gather3A_1039 = vector.shape_cast %broadcast_in_dim3A_1038 : vector<16x1xi32> to vector<16xi32>
        %gather3A_1040 = tpu.dynamic_gather %get3A_1030[%gather3A_1039] in [0] : vector<16xf32>, vector<16xi32> -> vector<16xf32>
        %add3A_1041 = arith.addf %add3A_999, %gather3A_1040 : vector<16xf32>
        %add3A_1042 = arith.constant 384 : i32
        %add3A_1043 = arith.addi %add3A_1042, %scan3A_508 : i32
        %get3A_1044 = arith.index_cast %add3A_1043 : i32 to index
        %get3A_1045 = arith.constant 0 : index
        %get3A_1046 = tpu.vector_load %arg11[%get3A_1044, %get3A_1045] {strides = array<i32>} : memref<640x64xf32, #tpu.memory_space<vmem>>, vector<1x16xf32>,
        %get3A_1047 = vector.shape_cast %get3A_1046 : vector<1x16xf32> to vector<16xf32>
        %mul3A_1048 = arith.mulf %gather3A_1040, %get3A_1047 : vector<16xf32>
        %add3A_1049 = arith.addf %add3A_1007, %mul3A_1048 : vector<16xf32>
        %get3A_1050 = arith.index_cast %add3A_1043 : i32 to index
        %get3A_1051 = arith.constant 16 : index
        %get3A_1052 = tpu.vector_load %arg11[%get3A_1050, %get3A_1051] {strides = array<i32>} : memref<640x64xf32, #tpu.memory_space<vmem>>, vector<1x16xf32>,
        %get3A_1053 = vector.shape_cast %get3A_1052 : vector<1x16xf32> to vector<16xf32>
        %mul3A_1054 = arith.mulf %gather3A_1040, %get3A_1053 : vector<16xf32>
        %add3A_1055 = arith.addf %add3A_1013, %mul3A_1054 : vector<16xf32>
        %get3A_1056 = arith.index_cast %add3A_1043 : i32 to index
        %get3A_1057 = arith.constant 32 : index
        %get3A_1058 = tpu.vector_load %arg11[%get3A_1056, %get3A_1057] {strides = array<i32>} : memref<640x64xf32, #tpu.memory_space<vmem>>, vector<1x16xf32>,
        %get3A_1059 = vector.shape_cast %get3A_1058 : vector<1x16xf32> to vector<16xf32>
        %mul3A_1060 = arith.mulf %gather3A_1040, %get3A_1059 : vector<16xf32>
        %add3A_1061 = arith.addf %add3A_1019, %mul3A_1060 : vector<16xf32>
        %get3A_1062 = arith.index_cast %add3A_1043 : i32 to index
        %get3A_1063 = arith.constant 48 : index
        %get3A_1064 = tpu.vector_load %arg11[%get3A_1062, %get3A_1063] {strides = array<i32>} : memref<640x64xf32, #tpu.memory_space<vmem>>, vector<1x16xf32>,
        %get3A_1065 = vector.shape_cast %get3A_1064 : vector<1x16xf32> to vector<16xf32>
        %mul3A_1066 = arith.mulf %gather3A_1040, %get3A_1065 : vector<16xf32>
        %add3A_1067 = arith.addf %add3A_1025, %mul3A_1066 : vector<16xf32>
        %get3A_1068 = arith.constant 13 : i32
        %get3A_1069 = arith.index_cast %get3A_1068 : i32 to index
        %get3A_1070 = arith.index_cast %add3A_512 : i32 to index
        %get3A_1071 = tpu.vector_load %arg9[%get3A_1069, %get3A_1070] {strides = array<i32>} : memref<20x512xf32, #tpu.memory_space<vmem>>, vector<1x16xf32>,
        %get3A_1072 = vector.shape_cast %get3A_1071 : vector<1x16xf32> to vector<16xf32>
        %lt3A_1073 = arith.constant 0 : i32
        %lt3A_1074 = vector.broadcast %lt3A_1073 : i32 to vector<16xi32>
        %lt3A_1075 = arith.cmpi slt, %broadcast_in_dim3A, %lt3A_1074 : vector<16xi32>
        %add3A_1076 = arith.constant 16 : i32
        %add3A_1077 = vector.broadcast %add3A_1076 : i32 to vector<16xi32>
        %add3A_1078 = arith.addi %broadcast_in_dim3A, %add3A_1077 : vector<16xi32>
        %select_n3A_1079 = arith.select %lt3A_1075, %add3A_1078, %broadcast_in_dim3A : vector<16xi1>, vector<16xi32>
        %broadcast_in_dim3A_1080 = vector.shape_cast %select_n3A_1079 : vector<16xi32> to vector<16x1xi32>
        %gather3A_1081 = vector.shape_cast %broadcast_in_dim3A_1080 : vector<16x1xi32> to vector<16xi32>
        %gather3A_1082 = tpu.dynamic_gather %get3A_1072[%gather3A_1081] in [0] : vector<16xf32>, vector<16xi32> -> vector<16xf32>
        %add3A_1083 = arith.addf %add3A_1041, %gather3A_1082 : vector<16xf32>
        %add3A_1084 = arith.constant 416 : i32
        %add3A_1085 = arith.addi %add3A_1084, %scan3A_508 : i32
        %get3A_1086 = arith.index_cast %add3A_1085 : i32 to index
        %get3A_1087 = arith.constant 0 : index
        %get3A_1088 = tpu.vector_load %arg11[%get3A_1086, %get3A_1087] {strides = array<i32>} : memref<640x64xf32, #tpu.memory_space<vmem>>, vector<1x16xf32>,
        %get3A_1089 = vector.shape_cast %get3A_1088 : vector<1x16xf32> to vector<16xf32>
        %mul3A_1090 = arith.mulf %gather3A_1082, %get3A_1089 : vector<16xf32>
        %add3A_1091 = arith.addf %add3A_1049, %mul3A_1090 : vector<16xf32>
        %get3A_1092 = arith.index_cast %add3A_1085 : i32 to index
        %get3A_1093 = arith.constant 16 : index
        %get3A_1094 = tpu.vector_load %arg11[%get3A_1092, %get3A_1093] {strides = array<i32>} : memref<640x64xf32, #tpu.memory_space<vmem>>, vector<1x16xf32>,
        %get3A_1095 = vector.shape_cast %get3A_1094 : vector<1x16xf32> to vector<16xf32>
        %mul3A_1096 = arith.mulf %gather3A_1082, %get3A_1095 : vector<16xf32>
        %add3A_1097 = arith.addf %add3A_1055, %mul3A_1096 : vector<16xf32>
        %get3A_1098 = arith.index_cast %add3A_1085 : i32 to index
        %get3A_1099 = arith.constant 32 : index
        %get3A_1100 = tpu.vector_load %arg11[%get3A_1098, %get3A_1099] {strides = array<i32>} : memref<640x64xf32, #tpu.memory_space<vmem>>, vector<1x16xf32>,
        %get3A_1101 = vector.shape_cast %get3A_1100 : vector<1x16xf32> to vector<16xf32>
        %mul3A_1102 = arith.mulf %gather3A_1082, %get3A_1101 : vector<16xf32>
        %add3A_1103 = arith.addf %add3A_1061, %mul3A_1102 : vector<16xf32>
        %get3A_1104 = arith.index_cast %add3A_1085 : i32 to index
        %get3A_1105 = arith.constant 48 : index
        %get3A_1106 = tpu.vector_load %arg11[%get3A_1104, %get3A_1105] {strides = array<i32>} : memref<640x64xf32, #tpu.memory_space<vmem>>, vector<1x16xf32>,
        %get3A_1107 = vector.shape_cast %get3A_1106 : vector<1x16xf32> to vector<16xf32>
        %mul3A_1108 = arith.mulf %gather3A_1082, %get3A_1107 : vector<16xf32>
        %add3A_1109 = arith.addf %add3A_1067, %mul3A_1108 : vector<16xf32>
        %get3A_1110 = arith.constant 14 : i32
        %get3A_1111 = arith.index_cast %get3A_1110 : i32 to index
        %get3A_1112 = arith.index_cast %add3A_512 : i32 to index
        %get3A_1113 = tpu.vector_load %arg9[%get3A_1111, %get3A_1112] {strides = array<i32>} : memref<20x512xf32, #tpu.memory_space<vmem>>, vector<1x16xf32>,
        %get3A_1114 = vector.shape_cast %get3A_1113 : vector<1x16xf32> to vector<16xf32>
        %lt3A_1115 = arith.constant 0 : i32
        %lt3A_1116 = vector.broadcast %lt3A_1115 : i32 to vector<16xi32>
        %lt3A_1117 = arith.cmpi slt, %broadcast_in_dim3A, %lt3A_1116 : vector<16xi32>
        %add3A_1118 = arith.constant 16 : i32
        %add3A_1119 = vector.broadcast %add3A_1118 : i32 to vector<16xi32>
        %add3A_1120 = arith.addi %broadcast_in_dim3A, %add3A_1119 : vector<16xi32>
        %select_n3A_1121 = arith.select %lt3A_1117, %add3A_1120, %broadcast_in_dim3A : vector<16xi1>, vector<16xi32>
        %broadcast_in_dim3A_1122 = vector.shape_cast %select_n3A_1121 : vector<16xi32> to vector<16x1xi32>
        %gather3A_1123 = vector.shape_cast %broadcast_in_dim3A_1122 : vector<16x1xi32> to vector<16xi32>
        %gather3A_1124 = tpu.dynamic_gather %get3A_1114[%gather3A_1123] in [0] : vector<16xf32>, vector<16xi32> -> vector<16xf32>
        %add3A_1125 = arith.addf %add3A_1083, %gather3A_1124 : vector<16xf32>
        %add3A_1126 = arith.constant 448 : i32
        %add3A_1127 = arith.addi %add3A_1126, %scan3A_508 : i32
        %get3A_1128 = arith.index_cast %add3A_1127 : i32 to index
        %get3A_1129 = arith.constant 0 : index
        %get3A_1130 = tpu.vector_load %arg11[%get3A_1128, %get3A_1129] {strides = array<i32>} : memref<640x64xf32, #tpu.memory_space<vmem>>, vector<1x16xf32>,
        %get3A_1131 = vector.shape_cast %get3A_1130 : vector<1x16xf32> to vector<16xf32>
        %mul3A_1132 = arith.mulf %gather3A_1124, %get3A_1131 : vector<16xf32>
        %add3A_1133 = arith.addf %add3A_1091, %mul3A_1132 : vector<16xf32>
        %get3A_1134 = arith.index_cast %add3A_1127 : i32 to index
        %get3A_1135 = arith.constant 16 : index
        %get3A_1136 = tpu.vector_load %arg11[%get3A_1134, %get3A_1135] {strides = array<i32>} : memref<640x64xf32, #tpu.memory_space<vmem>>, vector<1x16xf32>,
        %get3A_1137 = vector.shape_cast %get3A_1136 : vector<1x16xf32> to vector<16xf32>
        %mul3A_1138 = arith.mulf %gather3A_1124, %get3A_1137 : vector<16xf32>
        %add3A_1139 = arith.addf %add3A_1097, %mul3A_1138 : vector<16xf32>
        %get3A_1140 = arith.index_cast %add3A_1127 : i32 to index
        %get3A_1141 = arith.constant 32 : index
        %get3A_1142 = tpu.vector_load %arg11[%get3A_1140, %get3A_1141] {strides = array<i32>} : memref<640x64xf32, #tpu.memory_space<vmem>>, vector<1x16xf32>,
        %get3A_1143 = vector.shape_cast %get3A_1142 : vector<1x16xf32> to vector<16xf32>
        %mul3A_1144 = arith.mulf %gather3A_1124, %get3A_1143 : vector<16xf32>
        %add3A_1145 = arith.addf %add3A_1103, %mul3A_1144 : vector<16xf32>
        %get3A_1146 = arith.index_cast %add3A_1127 : i32 to index
        %get3A_1147 = arith.constant 48 : index
        %get3A_1148 = tpu.vector_load %arg11[%get3A_1146, %get3A_1147] {strides = array<i32>} : memref<640x64xf32, #tpu.memory_space<vmem>>, vector<1x16xf32>,
        %get3A_1149 = vector.shape_cast %get3A_1148 : vector<1x16xf32> to vector<16xf32>
        %mul3A_1150 = arith.mulf %gather3A_1124, %get3A_1149 : vector<16xf32>
        %add3A_1151 = arith.addf %add3A_1109, %mul3A_1150 : vector<16xf32>
        %get3A_1152 = arith.constant 15 : i32
        %get3A_1153 = arith.index_cast %get3A_1152 : i32 to index
        %get3A_1154 = arith.index_cast %add3A_512 : i32 to index
        %get3A_1155 = tpu.vector_load %arg9[%get3A_1153, %get3A_1154] {strides = array<i32>} : memref<20x512xf32, #tpu.memory_space<vmem>>, vector<1x16xf32>,
        %get3A_1156 = vector.shape_cast %get3A_1155 : vector<1x16xf32> to vector<16xf32>
        %lt3A_1157 = arith.constant 0 : i32
        %lt3A_1158 = vector.broadcast %lt3A_1157 : i32 to vector<16xi32>
        %lt3A_1159 = arith.cmpi slt, %broadcast_in_dim3A, %lt3A_1158 : vector<16xi32>
        %add3A_1160 = arith.constant 16 : i32
        %add3A_1161 = vector.broadcast %add3A_1160 : i32 to vector<16xi32>
        %add3A_1162 = arith.addi %broadcast_in_dim3A, %add3A_1161 : vector<16xi32>
        %select_n3A_1163 = arith.select %lt3A_1159, %add3A_1162, %broadcast_in_dim3A : vector<16xi1>, vector<16xi32>
        %broadcast_in_dim3A_1164 = vector.shape_cast %select_n3A_1163 : vector<16xi32> to vector<16x1xi32>
        %gather3A_1165 = vector.shape_cast %broadcast_in_dim3A_1164 : vector<16x1xi32> to vector<16xi32>
        %gather3A_1166 = tpu.dynamic_gather %get3A_1156[%gather3A_1165] in [0] : vector<16xf32>, vector<16xi32> -> vector<16xf32>
        %add3A_1167 = arith.addf %add3A_1125, %gather3A_1166 : vector<16xf32>
        %add3A_1168 = arith.constant 480 : i32
        %add3A_1169 = arith.addi %add3A_1168, %scan3A_508 : i32
        %get3A_1170 = arith.index_cast %add3A_1169 : i32 to index
        %get3A_1171 = arith.constant 0 : index
        %get3A_1172 = tpu.vector_load %arg11[%get3A_1170, %get3A_1171] {strides = array<i32>} : memref<640x64xf32, #tpu.memory_space<vmem>>, vector<1x16xf32>,
        %get3A_1173 = vector.shape_cast %get3A_1172 : vector<1x16xf32> to vector<16xf32>
        %mul3A_1174 = arith.mulf %gather3A_1166, %get3A_1173 : vector<16xf32>
        %add3A_1175 = arith.addf %add3A_1133, %mul3A_1174 : vector<16xf32>
        %get3A_1176 = arith.index_cast %add3A_1169 : i32 to index
        %get3A_1177 = arith.constant 16 : index
        %get3A_1178 = tpu.vector_load %arg11[%get3A_1176, %get3A_1177] {strides = array<i32>} : memref<640x64xf32, #tpu.memory_space<vmem>>, vector<1x16xf32>,
        %get3A_1179 = vector.shape_cast %get3A_1178 : vector<1x16xf32> to vector<16xf32>
        %mul3A_1180 = arith.mulf %gather3A_1166, %get3A_1179 : vector<16xf32>
        %add3A_1181 = arith.addf %add3A_1139, %mul3A_1180 : vector<16xf32>
        %get3A_1182 = arith.index_cast %add3A_1169 : i32 to index
        %get3A_1183 = arith.constant 32 : index
        %get3A_1184 = tpu.vector_load %arg11[%get3A_1182, %get3A_1183] {strides = array<i32>} : memref<640x64xf32, #tpu.memory_space<vmem>>, vector<1x16xf32>,
        %get3A_1185 = vector.shape_cast %get3A_1184 : vector<1x16xf32> to vector<16xf32>
        %mul3A_1186 = arith.mulf %gather3A_1166, %get3A_1185 : vector<16xf32>
        %add3A_1187 = arith.addf %add3A_1145, %mul3A_1186 : vector<16xf32>
        %get3A_1188 = arith.index_cast %add3A_1169 : i32 to index
        %get3A_1189 = arith.constant 48 : index
        %get3A_1190 = tpu.vector_load %arg11[%get3A_1188, %get3A_1189] {strides = array<i32>} : memref<640x64xf32, #tpu.memory_space<vmem>>, vector<1x16xf32>,
        %get3A_1191 = vector.shape_cast %get3A_1190 : vector<1x16xf32> to vector<16xf32>
        %mul3A_1192 = arith.mulf %gather3A_1166, %get3A_1191 : vector<16xf32>
        %add3A_1193 = arith.addf %add3A_1151, %mul3A_1192 : vector<16xf32>
        %get3A_1194 = arith.constant 16 : i32
        %get3A_1195 = arith.index_cast %get3A_1194 : i32 to index
        %get3A_1196 = arith.index_cast %add3A_512 : i32 to index
        %get3A_1197 = tpu.vector_load %arg9[%get3A_1195, %get3A_1196] {strides = array<i32>} : memref<20x512xf32, #tpu.memory_space<vmem>>, vector<1x16xf32>,
        %get3A_1198 = vector.shape_cast %get3A_1197 : vector<1x16xf32> to vector<16xf32>
        %lt3A_1199 = arith.constant 0 : i32
        %lt3A_1200 = vector.broadcast %lt3A_1199 : i32 to vector<16xi32>
        %lt3A_1201 = arith.cmpi slt, %broadcast_in_dim3A, %lt3A_1200 : vector<16xi32>
        %add3A_1202 = arith.constant 16 : i32
        %add3A_1203 = vector.broadcast %add3A_1202 : i32 to vector<16xi32>
        %add3A_1204 = arith.addi %broadcast_in_dim3A, %add3A_1203 : vector<16xi32>
        %select_n3A_1205 = arith.select %lt3A_1201, %add3A_1204, %broadcast_in_dim3A : vector<16xi1>, vector<16xi32>
        %broadcast_in_dim3A_1206 = vector.shape_cast %select_n3A_1205 : vector<16xi32> to vector<16x1xi32>
        %gather3A_1207 = vector.shape_cast %broadcast_in_dim3A_1206 : vector<16x1xi32> to vector<16xi32>
        %gather3A_1208 = tpu.dynamic_gather %get3A_1198[%gather3A_1207] in [0] : vector<16xf32>, vector<16xi32> -> vector<16xf32>
        %add3A_1209 = arith.addf %add3A_1167, %gather3A_1208 : vector<16xf32>
        %add3A_1210 = arith.constant 512 : i32
        %add3A_1211 = arith.addi %add3A_1210, %scan3A_508 : i32
        %get3A_1212 = arith.index_cast %add3A_1211 : i32 to index
        %get3A_1213 = arith.constant 0 : index
        %get3A_1214 = tpu.vector_load %arg11[%get3A_1212, %get3A_1213] {strides = array<i32>} : memref<640x64xf32, #tpu.memory_space<vmem>>, vector<1x16xf32>,
        %get3A_1215 = vector.shape_cast %get3A_1214 : vector<1x16xf32> to vector<16xf32>
        %mul3A_1216 = arith.mulf %gather3A_1208, %get3A_1215 : vector<16xf32>
        %add3A_1217 = arith.addf %add3A_1175, %mul3A_1216 : vector<16xf32>
        %get3A_1218 = arith.index_cast %add3A_1211 : i32 to index
        %get3A_1219 = arith.constant 16 : index
        %get3A_1220 = tpu.vector_load %arg11[%get3A_1218, %get3A_1219] {strides = array<i32>} : memref<640x64xf32, #tpu.memory_space<vmem>>, vector<1x16xf32>,
        %get3A_1221 = vector.shape_cast %get3A_1220 : vector<1x16xf32> to vector<16xf32>
        %mul3A_1222 = arith.mulf %gather3A_1208, %get3A_1221 : vector<16xf32>
        %add3A_1223 = arith.addf %add3A_1181, %mul3A_1222 : vector<16xf32>
        %get3A_1224 = arith.index_cast %add3A_1211 : i32 to index
        %get3A_1225 = arith.constant 32 : index
        %get3A_1226 = tpu.vector_load %arg11[%get3A_1224, %get3A_1225] {strides = array<i32>} : memref<640x64xf32, #tpu.memory_space<vmem>>, vector<1x16xf32>,
        %get3A_1227 = vector.shape_cast %get3A_1226 : vector<1x16xf32> to vector<16xf32>
        %mul3A_1228 = arith.mulf %gather3A_1208, %get3A_1227 : vector<16xf32>
        %add3A_1229 = arith.addf %add3A_1187, %mul3A_1228 : vector<16xf32>
        %get3A_1230 = arith.index_cast %add3A_1211 : i32 to index
        %get3A_1231 = arith.constant 48 : index
        %get3A_1232 = tpu.vector_load %arg11[%get3A_1230, %get3A_1231] {strides = array<i32>} : memref<640x64xf32, #tpu.memory_space<vmem>>, vector<1x16xf32>,
        %get3A_1233 = vector.shape_cast %get3A_1232 : vector<1x16xf32> to vector<16xf32>
        %mul3A_1234 = arith.mulf %gather3A_1208, %get3A_1233 : vector<16xf32>
        %add3A_1235 = arith.addf %add3A_1193, %mul3A_1234 : vector<16xf32>
        %get3A_1236 = arith.constant 17 : i32
        %get3A_1237 = arith.index_cast %get3A_1236 : i32 to index
        %get3A_1238 = arith.index_cast %add3A_512 : i32 to index
        %get3A_1239 = tpu.vector_load %arg9[%get3A_1237, %get3A_1238] {strides = array<i32>} : memref<20x512xf32, #tpu.memory_space<vmem>>, vector<1x16xf32>,
        %get3A_1240 = vector.shape_cast %get3A_1239 : vector<1x16xf32> to vector<16xf32>
        %lt3A_1241 = arith.constant 0 : i32
        %lt3A_1242 = vector.broadcast %lt3A_1241 : i32 to vector<16xi32>
        %lt3A_1243 = arith.cmpi slt, %broadcast_in_dim3A, %lt3A_1242 : vector<16xi32>
        %add3A_1244 = arith.constant 16 : i32
        %add3A_1245 = vector.broadcast %add3A_1244 : i32 to vector<16xi32>
        %add3A_1246 = arith.addi %broadcast_in_dim3A, %add3A_1245 : vector<16xi32>
        %select_n3A_1247 = arith.select %lt3A_1243, %add3A_1246, %broadcast_in_dim3A : vector<16xi1>, vector<16xi32>
        %broadcast_in_dim3A_1248 = vector.shape_cast %select_n3A_1247 : vector<16xi32> to vector<16x1xi32>
        %gather3A_1249 = vector.shape_cast %broadcast_in_dim3A_1248 : vector<16x1xi32> to vector<16xi32>
        %gather3A_1250 = tpu.dynamic_gather %get3A_1240[%gather3A_1249] in [0] : vector<16xf32>, vector<16xi32> -> vector<16xf32>
        %add3A_1251 = arith.addf %add3A_1209, %gather3A_1250 : vector<16xf32>
        %add3A_1252 = arith.constant 544 : i32
        %add3A_1253 = arith.addi %add3A_1252, %scan3A_508 : i32
        %get3A_1254 = arith.index_cast %add3A_1253 : i32 to index
        %get3A_1255 = arith.constant 0 : index
        %get3A_1256 = tpu.vector_load %arg11[%get3A_1254, %get3A_1255] {strides = array<i32>} : memref<640x64xf32, #tpu.memory_space<vmem>>, vector<1x16xf32>,
        %get3A_1257 = vector.shape_cast %get3A_1256 : vector<1x16xf32> to vector<16xf32>
        %mul3A_1258 = arith.mulf %gather3A_1250, %get3A_1257 : vector<16xf32>
        %add3A_1259 = arith.addf %add3A_1217, %mul3A_1258 : vector<16xf32>
        %get3A_1260 = arith.index_cast %add3A_1253 : i32 to index
        %get3A_1261 = arith.constant 16 : index
        %get3A_1262 = tpu.vector_load %arg11[%get3A_1260, %get3A_1261] {strides = array<i32>} : memref<640x64xf32, #tpu.memory_space<vmem>>, vector<1x16xf32>,
        %get3A_1263 = vector.shape_cast %get3A_1262 : vector<1x16xf32> to vector<16xf32>
        %mul3A_1264 = arith.mulf %gather3A_1250, %get3A_1263 : vector<16xf32>
        %add3A_1265 = arith.addf %add3A_1223, %mul3A_1264 : vector<16xf32>
        %get3A_1266 = arith.index_cast %add3A_1253 : i32 to index
        %get3A_1267 = arith.constant 32 : index
        %get3A_1268 = tpu.vector_load %arg11[%get3A_1266, %get3A_1267] {strides = array<i32>} : memref<640x64xf32, #tpu.memory_space<vmem>>, vector<1x16xf32>,
        %get3A_1269 = vector.shape_cast %get3A_1268 : vector<1x16xf32> to vector<16xf32>
        %mul3A_1270 = arith.mulf %gather3A_1250, %get3A_1269 : vector<16xf32>
        %add3A_1271 = arith.addf %add3A_1229, %mul3A_1270 : vector<16xf32>
        %get3A_1272 = arith.index_cast %add3A_1253 : i32 to index
        %get3A_1273 = arith.constant 48 : index
        %get3A_1274 = tpu.vector_load %arg11[%get3A_1272, %get3A_1273] {strides = array<i32>} : memref<640x64xf32, #tpu.memory_space<vmem>>, vector<1x16xf32>,
        %get3A_1275 = vector.shape_cast %get3A_1274 : vector<1x16xf32> to vector<16xf32>
        %mul3A_1276 = arith.mulf %gather3A_1250, %get3A_1275 : vector<16xf32>
        %add3A_1277 = arith.addf %add3A_1235, %mul3A_1276 : vector<16xf32>
        %get3A_1278 = arith.constant 18 : i32
        %get3A_1279 = arith.index_cast %get3A_1278 : i32 to index
        %get3A_1280 = arith.index_cast %add3A_512 : i32 to index
        %get3A_1281 = tpu.vector_load %arg9[%get3A_1279, %get3A_1280] {strides = array<i32>} : memref<20x512xf32, #tpu.memory_space<vmem>>, vector<1x16xf32>,
        %get3A_1282 = vector.shape_cast %get3A_1281 : vector<1x16xf32> to vector<16xf32>
        %lt3A_1283 = arith.constant 0 : i32
        %lt3A_1284 = vector.broadcast %lt3A_1283 : i32 to vector<16xi32>
        %lt3A_1285 = arith.cmpi slt, %broadcast_in_dim3A, %lt3A_1284 : vector<16xi32>
        %add3A_1286 = arith.constant 16 : i32
        %add3A_1287 = vector.broadcast %add3A_1286 : i32 to vector<16xi32>
        %add3A_1288 = arith.addi %broadcast_in_dim3A, %add3A_1287 : vector<16xi32>
        %select_n3A_1289 = arith.select %lt3A_1285, %add3A_1288, %broadcast_in_dim3A : vector<16xi1>, vector<16xi32>
        %broadcast_in_dim3A_1290 = vector.shape_cast %select_n3A_1289 : vector<16xi32> to vector<16x1xi32>
        %gather3A_1291 = vector.shape_cast %broadcast_in_dim3A_1290 : vector<16x1xi32> to vector<16xi32>
        %gather3A_1292 = tpu.dynamic_gather %get3A_1282[%gather3A_1291] in [0] : vector<16xf32>, vector<16xi32> -> vector<16xf32>
        %add3A_1293 = arith.addf %add3A_1251, %gather3A_1292 : vector<16xf32>
        %add3A_1294 = arith.constant 576 : i32
        %add3A_1295 = arith.addi %add3A_1294, %scan3A_508 : i32
        %get3A_1296 = arith.index_cast %add3A_1295 : i32 to index
        %get3A_1297 = arith.constant 0 : index
        %get3A_1298 = tpu.vector_load %arg11[%get3A_1296, %get3A_1297] {strides = array<i32>} : memref<640x64xf32, #tpu.memory_space<vmem>>, vector<1x16xf32>,
        %get3A_1299 = vector.shape_cast %get3A_1298 : vector<1x16xf32> to vector<16xf32>
        %mul3A_1300 = arith.mulf %gather3A_1292, %get3A_1299 : vector<16xf32>
        %add3A_1301 = arith.addf %add3A_1259, %mul3A_1300 : vector<16xf32>
        %get3A_1302 = arith.index_cast %add3A_1295 : i32 to index
        %get3A_1303 = arith.constant 16 : index
        %get3A_1304 = tpu.vector_load %arg11[%get3A_1302, %get3A_1303] {strides = array<i32>} : memref<640x64xf32, #tpu.memory_space<vmem>>, vector<1x16xf32>,
        %get3A_1305 = vector.shape_cast %get3A_1304 : vector<1x16xf32> to vector<16xf32>
        %mul3A_1306 = arith.mulf %gather3A_1292, %get3A_1305 : vector<16xf32>
        %add3A_1307 = arith.addf %add3A_1265, %mul3A_1306 : vector<16xf32>
        %get3A_1308 = arith.index_cast %add3A_1295 : i32 to index
        %get3A_1309 = arith.constant 32 : index
        %get3A_1310 = tpu.vector_load %arg11[%get3A_1308, %get3A_1309] {strides = array<i32>} : memref<640x64xf32, #tpu.memory_space<vmem>>, vector<1x16xf32>,
        %get3A_1311 = vector.shape_cast %get3A_1310 : vector<1x16xf32> to vector<16xf32>
        %mul3A_1312 = arith.mulf %gather3A_1292, %get3A_1311 : vector<16xf32>
        %add3A_1313 = arith.addf %add3A_1271, %mul3A_1312 : vector<16xf32>
        %get3A_1314 = arith.index_cast %add3A_1295 : i32 to index
        %get3A_1315 = arith.constant 48 : index
        %get3A_1316 = tpu.vector_load %arg11[%get3A_1314, %get3A_1315] {strides = array<i32>} : memref<640x64xf32, #tpu.memory_space<vmem>>, vector<1x16xf32>,
        %get3A_1317 = vector.shape_cast %get3A_1316 : vector<1x16xf32> to vector<16xf32>
        %mul3A_1318 = arith.mulf %gather3A_1292, %get3A_1317 : vector<16xf32>
        %add3A_1319 = arith.addf %add3A_1277, %mul3A_1318 : vector<16xf32>
        %get3A_1320 = arith.constant 19 : i32
        %get3A_1321 = arith.index_cast %get3A_1320 : i32 to index
        %get3A_1322 = arith.index_cast %add3A_512 : i32 to index
        %get3A_1323 = tpu.vector_load %arg9[%get3A_1321, %get3A_1322] {strides = array<i32>} : memref<20x512xf32, #tpu.memory_space<vmem>>, vector<1x16xf32>,
        %get3A_1324 = vector.shape_cast %get3A_1323 : vector<1x16xf32> to vector<16xf32>
        %lt3A_1325 = arith.constant 0 : i32
        %lt3A_1326 = vector.broadcast %lt3A_1325 : i32 to vector<16xi32>
        %lt3A_1327 = arith.cmpi slt, %broadcast_in_dim3A, %lt3A_1326 : vector<16xi32>
        %add3A_1328 = arith.constant 16 : i32
        %add3A_1329 = vector.broadcast %add3A_1328 : i32 to vector<16xi32>
        %add3A_1330 = arith.addi %broadcast_in_dim3A, %add3A_1329 : vector<16xi32>
        %select_n3A_1331 = arith.select %lt3A_1327, %add3A_1330, %broadcast_in_dim3A : vector<16xi1>, vector<16xi32>
        %broadcast_in_dim3A_1332 = vector.shape_cast %select_n3A_1331 : vector<16xi32> to vector<16x1xi32>
        %gather3A_1333 = vector.shape_cast %broadcast_in_dim3A_1332 : vector<16x1xi32> to vector<16xi32>
        %gather3A_1334 = tpu.dynamic_gather %get3A_1324[%gather3A_1333] in [0] : vector<16xf32>, vector<16xi32> -> vector<16xf32>
        %add3A_1335 = arith.addf %add3A_1293, %gather3A_1334 : vector<16xf32>
        %add3A_1336 = arith.constant 608 : i32
        %add3A_1337 = arith.addi %add3A_1336, %scan3A_508 : i32
        %get3A_1338 = arith.index_cast %add3A_1337 : i32 to index
        %get3A_1339 = arith.constant 0 : index
        %get3A_1340 = tpu.vector_load %arg11[%get3A_1338, %get3A_1339] {strides = array<i32>} : memref<640x64xf32, #tpu.memory_space<vmem>>, vector<1x16xf32>,
        %get3A_1341 = vector.shape_cast %get3A_1340 : vector<1x16xf32> to vector<16xf32>
        %mul3A_1342 = arith.mulf %gather3A_1334, %get3A_1341 : vector<16xf32>
        %add3A_1343 = arith.addf %add3A_1301, %mul3A_1342 : vector<16xf32>
        %get3A_1344 = arith.index_cast %add3A_1337 : i32 to index
        %get3A_1345 = arith.constant 16 : index
        %get3A_1346 = tpu.vector_load %arg11[%get3A_1344, %get3A_1345] {strides = array<i32>} : memref<640x64xf32, #tpu.memory_space<vmem>>, vector<1x16xf32>,
        %get3A_1347 = vector.shape_cast %get3A_1346 : vector<1x16xf32> to vector<16xf32>
        %mul3A_1348 = arith.mulf %gather3A_1334, %get3A_1347 : vector<16xf32>
        %add3A_1349 = arith.addf %add3A_1307, %mul3A_1348 : vector<16xf32>
        %get3A_1350 = arith.index_cast %add3A_1337 : i32 to index
        %get3A_1351 = arith.constant 32 : index
        %get3A_1352 = tpu.vector_load %arg11[%get3A_1350, %get3A_1351] {strides = array<i32>} : memref<640x64xf32, #tpu.memory_space<vmem>>, vector<1x16xf32>,
        %get3A_1353 = vector.shape_cast %get3A_1352 : vector<1x16xf32> to vector<16xf32>
        %mul3A_1354 = arith.mulf %gather3A_1334, %get3A_1353 : vector<16xf32>
        %add3A_1355 = arith.addf %add3A_1313, %mul3A_1354 : vector<16xf32>
        %get3A_1356 = arith.index_cast %add3A_1337 : i32 to index
        %get3A_1357 = arith.constant 48 : index
        %get3A_1358 = tpu.vector_load %arg11[%get3A_1356, %get3A_1357] {strides = array<i32>} : memref<640x64xf32, #tpu.memory_space<vmem>>, vector<1x16xf32>,
        %get3A_1359 = vector.shape_cast %get3A_1358 : vector<1x16xf32> to vector<16xf32>
        %mul3A_1360 = arith.mulf %gather3A_1334, %get3A_1359 : vector<16xf32>
        %add3A_1361 = arith.addf %add3A_1319, %mul3A_1360 : vector<16xf32>
        %add3A_1362 = arith.constant 9.99999993E-9 : f32
        %add3A_1363 = vector.broadcast %add3A_1362 : f32 to vector<16xf32>
        %add3A_1364 = arith.addf %add3A_1335, %add3A_1363 : vector<16xf32>
        %div3A = arith.constant 1.000000e+00 : f32
        %div3A_1365 = vector.broadcast %div3A : f32 to vector<16xf32>
        %div3A_1366 = arith.divf %div3A_1365, %add3A_1364 : vector<16xf32>
        %mul3A_1367 = arith.mulf %add3A_1343, %div3A_1366 : vector<16xf32>
        %swap3A = arith.index_cast %scan3A_508 : i32 to index
        %swap3A_1368 = arith.constant 0 : index
        %swap3A_1369 = tpu.vector_load %arg15[%swap3A, %swap3A_1368] {strides = array<i32>} : memref<32x64xf32, #tpu.memory_space<vmem>>, vector<1x16xf32>,
        %swap3A_1370 = vector.shape_cast %swap3A_1369 : vector<1x16xf32> to vector<16xf32>
        %swap3A_1371 = vector.shape_cast %mul3A_1367 : vector<16xf32> to vector<1x16xf32>
        tpu.vector_store %arg15[%swap3A, %swap3A_1368], %swap3A_1371 {strides = array<i32>} : memref<32x64xf32, #tpu.memory_space<vmem>>, vector<1x16xf32>,
        %mul3A_1372 = arith.mulf %add3A_1349, %div3A_1366 : vector<16xf32>
        %swap3A_1373 = arith.index_cast %scan3A_508 : i32 to index
        %swap3A_1374 = arith.constant 16 : index
        %swap3A_1375 = tpu.vector_load %arg15[%swap3A_1373, %swap3A_1374] {strides = array<i32>} : memref<32x64xf32, #tpu.memory_space<vmem>>, vector<1x16xf32>,
        %swap3A_1376 = vector.shape_cast %swap3A_1375 : vector<1x16xf32> to vector<16xf32>
        %swap3A_1377 = vector.shape_cast %mul3A_1372 : vector<16xf32> to vector<1x16xf32>
        tpu.vector_store %arg15[%swap3A_1373, %swap3A_1374], %swap3A_1377 {strides = array<i32>} : memref<32x64xf32, #tpu.memory_space<vmem>>, vector<1x16xf32>,
        %mul3A_1378 = arith.mulf %add3A_1355, %div3A_1366 : vector<16xf32>
        %swap3A_1379 = arith.index_cast %scan3A_508 : i32 to index
        %swap3A_1380 = arith.constant 32 : index
        %swap3A_1381 = tpu.vector_load %arg15[%swap3A_1379, %swap3A_1380] {strides = array<i32>} : memref<32x64xf32, #tpu.memory_space<vmem>>, vector<1x16xf32>,
        %swap3A_1382 = vector.shape_cast %swap3A_1381 : vector<1x16xf32> to vector<16xf32>
        %swap3A_1383 = vector.shape_cast %mul3A_1378 : vector<16xf32> to vector<1x16xf32>
        tpu.vector_store %arg15[%swap3A_1379, %swap3A_1380], %swap3A_1383 {strides = array<i32>} : memref<32x64xf32, #tpu.memory_space<vmem>>, vector<1x16xf32>,
        %mul3A_1384 = arith.mulf %add3A_1361, %div3A_1366 : vector<16xf32>
        %swap3A_1385 = arith.index_cast %scan3A_508 : i32 to index
        %swap3A_1386 = arith.constant 48 : index
        %swap3A_1387 = tpu.vector_load %arg15[%swap3A_1385, %swap3A_1386] {strides = array<i32>} : memref<32x64xf32, #tpu.memory_space<vmem>>, vector<1x16xf32>,
        %swap3A_1388 = vector.shape_cast %swap3A_1387 : vector<1x16xf32> to vector<16xf32>
        %swap3A_1389 = vector.shape_cast %mul3A_1384 : vector<16xf32> to vector<1x16xf32>
        tpu.vector_store %arg15[%swap3A_1385, %swap3A_1386], %swap3A_1389 {strides = array<i32>} : memref<32x64xf32, #tpu.memory_space<vmem>>, vector<1x16xf32>,
      }
      %scan3A_479 = arith.constant 32 : i32
      %mul3A_480 = arith.constant 32 : i32
      %mul3A_481 = arith.muli %mul3A_233, %mul3A_480 : i32
      %add3A_482 = arith.addi %mul3A_2, %mul3A_481 : i32
      "tpu.region"() ({
        %run_scoped3A = tpu.sem_alloc : memref<!tpu.dma_semaphore, #tpu.memory_space<semaphore_mem>>
        %dma_start3A_508 = arith.constant 0 : i32
        %dma_start3A_509 = tpu.memref_slice %arg7[%add3A_482, %dma_start3A_508] : memref<16384x128xf32, #tpu.memory_space<hbm>> -> memref<32x64xf32, #tpu.memory_space<hbm>>
        %dma_start3A_510 = arith.constant 0 : i32
        %dma_start3A_511 = tpu.memref_slice %arg7[%add3A_482, %dma_start3A_510] : memref<16384x128xf32, #tpu.memory_space<hbm>> -> memref<32x64xf32, #tpu.memory_space<hbm>>
        tpu.enqueue_dma source(%arg13 : memref<32x64xf32, #tpu.memory_space<vmem>>) target(%dma_start3A_511 : memref<32x64xf32, #tpu.memory_space<hbm>>) target_semaphore(%run_scoped3A : memref<!tpu.dma_semaphore, #tpu.memory_space<semaphore_mem>>)
        %dma_wait3A_512 = arith.constant 0 : i32
        %dma_wait3A_513 = tpu.memref_slice %arg7[%add3A_482, %dma_wait3A_512] : memref<16384x128xf32, #tpu.memory_space<hbm>> -> memref<32x64xf32, #tpu.memory_space<hbm>>
        %dma_wait3A_514 = arith.constant 0 : i32
        %dma_wait3A_515 = tpu.memref_slice %arg7[%add3A_482, %dma_wait3A_514] : memref<16384x128xf32, #tpu.memory_space<hbm>> -> memref<32x64xf32, #tpu.memory_space<hbm>>
        tpu.wait_dma2 semaphore(%run_scoped3A : memref<!tpu.dma_semaphore, #tpu.memory_space<semaphore_mem>>) src(%arg13 : memref<32x64xf32, #tpu.memory_space<vmem>>) dst(%dma_wait3A_515 : memref<32x64xf32, #tpu.memory_space<hbm>>)
        tpu.yield
      }) : () -> ()
      "tpu.region"() ({
        %run_scoped3A = tpu.sem_alloc : memref<!tpu.dma_semaphore, #tpu.memory_space<semaphore_mem>>
        %dma_start3A_508 = arith.constant 64 : i32
        %dma_start3A_509 = tpu.memref_slice %arg7[%add3A_482, %dma_start3A_508] : memref<16384x128xf32, #tpu.memory_space<hbm>> -> memref<32x64xf32, #tpu.memory_space<hbm>>
        %dma_start3A_510 = arith.constant 64 : i32
        %dma_start3A_511 = tpu.memref_slice %arg7[%add3A_482, %dma_start3A_510] : memref<16384x128xf32, #tpu.memory_space<hbm>> -> memref<32x64xf32, #tpu.memory_space<hbm>>
        tpu.enqueue_dma source(%arg15 : memref<32x64xf32, #tpu.memory_space<vmem>>) target(%dma_start3A_511 : memref<32x64xf32, #tpu.memory_space<hbm>>) target_semaphore(%run_scoped3A : memref<!tpu.dma_semaphore, #tpu.memory_space<semaphore_mem>>)
        %dma_wait3A_512 = arith.constant 64 : i32
        %dma_wait3A_513 = tpu.memref_slice %arg7[%add3A_482, %dma_wait3A_512] : memref<16384x128xf32, #tpu.memory_space<hbm>> -> memref<32x64xf32, #tpu.memory_space<hbm>>
        %dma_wait3A_514 = arith.constant 64 : i32
        %dma_wait3A_515 = tpu.memref_slice %arg7[%add3A_482, %dma_wait3A_514] : memref<16384x128xf32, #tpu.memory_space<hbm>> -> memref<32x64xf32, #tpu.memory_space<hbm>>
        tpu.wait_dma2 semaphore(%run_scoped3A : memref<!tpu.dma_semaphore, #tpu.memory_space<semaphore_mem>>) src(%arg15 : memref<32x64xf32, #tpu.memory_space<vmem>>) dst(%dma_wait3A_515 : memref<32x64xf32, #tpu.memory_space<hbm>>)
        tpu.yield
      }) : () -> ()
      %lt3A = arith.constant 7 : i32
      %lt3A_483 = arith.cmpi slt, %scan3A_231, %lt3A : i32
      %convert_element_type3A = arith.extui %lt3A_483 : i1 to i32
      %cond3A = arith.constant 0 : i32
      %cond3A_484 = arith.cmpi ne, %convert_element_type3A, %cond3A : i32
      scf.if %cond3A_484 {
        %add3A_508 = arith.constant 2 : i32
        %add3A_509 = arith.addi %mul3A_233, %add3A_508 : i32
        %mul3A_510 = arith.constant 32 : i32
        %mul3A_511 = arith.muli %add3A_509, %mul3A_510 : i32
        %dma_start3A_512 = arith.constant 0 : i32
        %dma_start3A_513 = arith.constant 0 : i32
        %dma_start3A_514 = arith.constant 0 : i32
        %dma_start3A_515 = tpu.memref_slice %arg11[%dma_start3A_513, %dma_start3A_514] : memref<640x64xf32, #tpu.memory_space<vmem>> -> memref<32x64xf32, #tpu.memory_space<vmem>>
        %dma_start3A_516 = tpu.memref_slice %arg8[%dma_start3A_512, %mul3A_511] : memref<20x512xi32, #tpu.memory_space<vmem>> -> memref<1x32xi32, #tpu.memory_space<vmem>>
        %dma_start3A_517 = tpu.memref_squeeze %dma_start3A_516 : memref<1x32xi32, #tpu.memory_space<vmem>> -> memref<32xi32, #tpu.memory_space<vmem>>
        %dma_start3A_518 = arith.constant 0 : i32
        %dma_start3A_519 = arith.constant 0 : i32
        %dma_start3A_520 = tpu.memref_slice %arg5[%dma_start3A_518, %dma_start3A_519] : memref<100000x64xf32, #tpu.memory_space<hbm>> -> memref<100000x64xf32, #tpu.memory_space<hbm>>
        tpu.enqueue_indirect_dma source(%dma_start3A_520 : memref<100000x64xf32, #tpu.memory_space<hbm>>) target(%dma_start3A_515 : memref<32x64xf32, #tpu.memory_space<vmem>>) offsets(%dma_start3A_517 : memref<32xi32, #tpu.memory_space<vmem>>) semaphore(%arg17 : memref<!tpu.dma_semaphore, #tpu.memory_space<semaphore_mem>>)
        %mul3A_521 = arith.constant 32 : i32
        %mul3A_522 = arith.muli %add3A_509, %mul3A_521 : i32
        %dma_start3A_523 = arith.constant 1 : i32
        %dma_start3A_524 = arith.constant 32 : i32
        %dma_start3A_525 = arith.constant 0 : i32
        %dma_start3A_526 = tpu.memref_slice %arg11[%dma_start3A_524, %dma_start3A_525] : memref<640x64xf32, #tpu.memory_space<vmem>> -> memref<32x64xf32, #tpu.memory_space<vmem>>
        %dma_start3A_527 = tpu.memref_slice %arg8[%dma_start3A_523, %mul3A_522] : memref<20x512xi32, #tpu.memory_space<vmem>> -> memref<1x32xi32, #tpu.memory_space<vmem>>
        %dma_start3A_528 = tpu.memref_squeeze %dma_start3A_527 : memref<1x32xi32, #tpu.memory_space<vmem>> -> memref<32xi32, #tpu.memory_space<vmem>>
        %dma_start3A_529 = arith.constant 0 : i32
        %dma_start3A_530 = arith.constant 0 : i32
        %dma_start3A_531 = tpu.memref_slice %arg5[%dma_start3A_529, %dma_start3A_530] : memref<100000x64xf32, #tpu.memory_space<hbm>> -> memref<100000x64xf32, #tpu.memory_space<hbm>>
        tpu.enqueue_indirect_dma source(%dma_start3A_531 : memref<100000x64xf32, #tpu.memory_space<hbm>>) target(%dma_start3A_526 : memref<32x64xf32, #tpu.memory_space<vmem>>) offsets(%dma_start3A_528 : memref<32xi32, #tpu.memory_space<vmem>>) semaphore(%arg17 : memref<!tpu.dma_semaphore, #tpu.memory_space<semaphore_mem>>)
        %mul3A_532 = arith.constant 32 : i32
        %mul3A_533 = arith.muli %add3A_509, %mul3A_532 : i32
        %dma_start3A_534 = arith.constant 2 : i32
        %dma_start3A_535 = arith.constant 64 : i32
        %dma_start3A_536 = arith.constant 0 : i32
        %dma_start3A_537 = tpu.memref_slice %arg11[%dma_start3A_535, %dma_start3A_536] : memref<640x64xf32, #tpu.memory_space<vmem>> -> memref<32x64xf32, #tpu.memory_space<vmem>>
        %dma_start3A_538 = tpu.memref_slice %arg8[%dma_start3A_534, %mul3A_533] : memref<20x512xi32, #tpu.memory_space<vmem>> -> memref<1x32xi32, #tpu.memory_space<vmem>>
        %dma_start3A_539 = tpu.memref_squeeze %dma_start3A_538 : memref<1x32xi32, #tpu.memory_space<vmem>> -> memref<32xi32, #tpu.memory_space<vmem>>
        %dma_start3A_540 = arith.constant 0 : i32
        %dma_start3A_541 = arith.constant 0 : i32
        %dma_start3A_542 = tpu.memref_slice %arg5[%dma_start3A_540, %dma_start3A_541] : memref<100000x64xf32, #tpu.memory_space<hbm>> -> memref<100000x64xf32, #tpu.memory_space<hbm>>
        tpu.enqueue_indirect_dma source(%dma_start3A_542 : memref<100000x64xf32, #tpu.memory_space<hbm>>) target(%dma_start3A_537 : memref<32x64xf32, #tpu.memory_space<vmem>>) offsets(%dma_start3A_539 : memref<32xi32, #tpu.memory_space<vmem>>) semaphore(%arg17 : memref<!tpu.dma_semaphore, #tpu.memory_space<semaphore_mem>>)
        %mul3A_543 = arith.constant 32 : i32
        %mul3A_544 = arith.muli %add3A_509, %mul3A_543 : i32
        %dma_start3A_545 = arith.constant 3 : i32
        %dma_start3A_546 = arith.constant 96 : i32
        %dma_start3A_547 = arith.constant 0 : i32
        %dma_start3A_548 = tpu.memref_slice %arg11[%dma_start3A_546, %dma_start3A_547] : memref<640x64xf32, #tpu.memory_space<vmem>> -> memref<32x64xf32, #tpu.memory_space<vmem>>
        %dma_start3A_549 = tpu.memref_slice %arg8[%dma_start3A_545, %mul3A_544] : memref<20x512xi32, #tpu.memory_space<vmem>> -> memref<1x32xi32, #tpu.memory_space<vmem>>
        %dma_start3A_550 = tpu.memref_squeeze %dma_start3A_549 : memref<1x32xi32, #tpu.memory_space<vmem>> -> memref<32xi32, #tpu.memory_space<vmem>>
        %dma_start3A_551 = arith.constant 0 : i32
        %dma_start3A_552 = arith.constant 0 : i32
        %dma_start3A_553 = tpu.memref_slice %arg5[%dma_start3A_551, %dma_start3A_552] : memref<100000x64xf32, #tpu.memory_space<hbm>> -> memref<100000x64xf32, #tpu.memory_space<hbm>>
        tpu.enqueue_indirect_dma source(%dma_start3A_553 : memref<100000x64xf32, #tpu.memory_space<hbm>>) target(%dma_start3A_548 : memref<32x64xf32, #tpu.memory_space<vmem>>) offsets(%dma_start3A_550 : memref<32xi32, #tpu.memory_space<vmem>>) semaphore(%arg17 : memref<!tpu.dma_semaphore, #tpu.memory_space<semaphore_mem>>)
        %mul3A_554 = arith.constant 32 : i32
        %mul3A_555 = arith.muli %add3A_509, %mul3A_554 : i32
        %dma_start3A_556 = arith.constant 4 : i32
        %dma_start3A_557 = arith.constant 128 : i32
        %dma_start3A_558 = arith.constant 0 : i32
        %dma_start3A_559 = tpu.memref_slice %arg11[%dma_start3A_557, %dma_start3A_558] : memref<640x64xf32, #tpu.memory_space<vmem>> -> memref<32x64xf32, #tpu.memory_space<vmem>>
        %dma_start3A_560 = tpu.memref_slice %arg8[%dma_start3A_556, %mul3A_555] : memref<20x512xi32, #tpu.memory_space<vmem>> -> memref<1x32xi32, #tpu.memory_space<vmem>>
        %dma_start3A_561 = tpu.memref_squeeze %dma_start3A_560 : memref<1x32xi32, #tpu.memory_space<vmem>> -> memref<32xi32, #tpu.memory_space<vmem>>
        %dma_start3A_562 = arith.constant 0 : i32
        %dma_start3A_563 = arith.constant 0 : i32
        %dma_start3A_564 = tpu.memref_slice %arg5[%dma_start3A_562, %dma_start3A_563] : memref<100000x64xf32, #tpu.memory_space<hbm>> -> memref<100000x64xf32, #tpu.memory_space<hbm>>
        tpu.enqueue_indirect_dma source(%dma_start3A_564 : memref<100000x64xf32, #tpu.memory_space<hbm>>) target(%dma_start3A_559 : memref<32x64xf32, #tpu.memory_space<vmem>>) offsets(%dma_start3A_561 : memref<32xi32, #tpu.memory_space<vmem>>) semaphore(%arg17 : memref<!tpu.dma_semaphore, #tpu.memory_space<semaphore_mem>>)
        %mul3A_565 = arith.constant 32 : i32
        %mul3A_566 = arith.muli %add3A_509, %mul3A_565 : i32
        %dma_start3A_567 = arith.constant 5 : i32
        %dma_start3A_568 = arith.constant 160 : i32
        %dma_start3A_569 = arith.constant 0 : i32
        %dma_start3A_570 = tpu.memref_slice %arg11[%dma_start3A_568, %dma_start3A_569] : memref<640x64xf32, #tpu.memory_space<vmem>> -> memref<32x64xf32, #tpu.memory_space<vmem>>
        %dma_start3A_571 = tpu.memref_slice %arg8[%dma_start3A_567, %mul3A_566] : memref<20x512xi32, #tpu.memory_space<vmem>> -> memref<1x32xi32, #tpu.memory_space<vmem>>
        %dma_start3A_572 = tpu.memref_squeeze %dma_start3A_571 : memref<1x32xi32, #tpu.memory_space<vmem>> -> memref<32xi32, #tpu.memory_space<vmem>>
        %dma_start3A_573 = arith.constant 0 : i32
        %dma_start3A_574 = arith.constant 0 : i32
        %dma_start3A_575 = tpu.memref_slice %arg5[%dma_start3A_573, %dma_start3A_574] : memref<100000x64xf32, #tpu.memory_space<hbm>> -> memref<100000x64xf32, #tpu.memory_space<hbm>>
        tpu.enqueue_indirect_dma source(%dma_start3A_575 : memref<100000x64xf32, #tpu.memory_space<hbm>>) target(%dma_start3A_570 : memref<32x64xf32, #tpu.memory_space<vmem>>) offsets(%dma_start3A_572 : memref<32xi32, #tpu.memory_space<vmem>>) semaphore(%arg17 : memref<!tpu.dma_semaphore, #tpu.memory_space<semaphore_mem>>)
        %mul3A_576 = arith.constant 32 : i32
        %mul3A_577 = arith.muli %add3A_509, %mul3A_576 : i32
        %dma_start3A_578 = arith.constant 6 : i32
        %dma_start3A_579 = arith.constant 192 : i32
        %dma_start3A_580 = arith.constant 0 : i32
        %dma_start3A_581 = tpu.memref_slice %arg11[%dma_start3A_579, %dma_start3A_580] : memref<640x64xf32, #tpu.memory_space<vmem>> -> memref<32x64xf32, #tpu.memory_space<vmem>>
        %dma_start3A_582 = tpu.memref_slice %arg8[%dma_start3A_578, %mul3A_577] : memref<20x512xi32, #tpu.memory_space<vmem>> -> memref<1x32xi32, #tpu.memory_space<vmem>>
        %dma_start3A_583 = tpu.memref_squeeze %dma_start3A_582 : memref<1x32xi32, #tpu.memory_space<vmem>> -> memref<32xi32, #tpu.memory_space<vmem>>
        %dma_start3A_584 = arith.constant 0 : i32
        %dma_start3A_585 = arith.constant 0 : i32
        %dma_start3A_586 = tpu.memref_slice %arg5[%dma_start3A_584, %dma_start3A_585] : memref<100000x64xf32, #tpu.memory_space<hbm>> -> memref<100000x64xf32, #tpu.memory_space<hbm>>
        tpu.enqueue_indirect_dma source(%dma_start3A_586 : memref<100000x64xf32, #tpu.memory_space<hbm>>) target(%dma_start3A_581 : memref<32x64xf32, #tpu.memory_space<vmem>>) offsets(%dma_start3A_583 : memref<32xi32, #tpu.memory_space<vmem>>) semaphore(%arg17 : memref<!tpu.dma_semaphore, #tpu.memory_space<semaphore_mem>>)
        %mul3A_587 = arith.constant 32 : i32
        %mul3A_588 = arith.muli %add3A_509, %mul3A_587 : i32
        %dma_start3A_589 = arith.constant 7 : i32
        %dma_start3A_590 = arith.constant 224 : i32
        %dma_start3A_591 = arith.constant 0 : i32
        %dma_start3A_592 = tpu.memref_slice %arg11[%dma_start3A_590, %dma_start3A_591] : memref<640x64xf32, #tpu.memory_space<vmem>> -> memref<32x64xf32, #tpu.memory_space<vmem>>
        %dma_start3A_593 = tpu.memref_slice %arg8[%dma_start3A_589, %mul3A_588] : memref<20x512xi32, #tpu.memory_space<vmem>> -> memref<1x32xi32, #tpu.memory_space<vmem>>
        %dma_start3A_594 = tpu.memref_squeeze %dma_start3A_593 : memref<1x32xi32, #tpu.memory_space<vmem>> -> memref<32xi32, #tpu.memory_space<vmem>>
        %dma_start3A_595 = arith.constant 0 : i32
        %dma_start3A_596 = arith.constant 0 : i32
        %dma_start3A_597 = tpu.memref_slice %arg5[%dma_start3A_595, %dma_start3A_596] : memref<100000x64xf32, #tpu.memory_space<hbm>> -> memref<100000x64xf32, #tpu.memory_space<hbm>>
        tpu.enqueue_indirect_dma source(%dma_start3A_597 : memref<100000x64xf32, #tpu.memory_space<hbm>>) target(%dma_start3A_592 : memref<32x64xf32, #tpu.memory_space<vmem>>) offsets(%dma_start3A_594 : memref<32xi32, #tpu.memory_space<vmem>>) semaphore(%arg17 : memref<!tpu.dma_semaphore, #tpu.memory_space<semaphore_mem>>)
        %mul3A_598 = arith.constant 32 : i32
        %mul3A_599 = arith.muli %add3A_509, %mul3A_598 : i32
        %dma_start3A_600 = arith.constant 8 : i32
        %dma_start3A_601 = arith.constant 256 : i32
        %dma_start3A_602 = arith.constant 0 : i32
        %dma_start3A_603 = tpu.memref_slice %arg11[%dma_start3A_601, %dma_start3A_602] : memref<640x64xf32, #tpu.memory_space<vmem>> -> memref<32x64xf32, #tpu.memory_space<vmem>>
        %dma_start3A_604 = tpu.memref_slice %arg8[%dma_start3A_600, %mul3A_599] : memref<20x512xi32, #tpu.memory_space<vmem>> -> memref<1x32xi32, #tpu.memory_space<vmem>>
        %dma_start3A_605 = tpu.memref_squeeze %dma_start3A_604 : memref<1x32xi32, #tpu.memory_space<vmem>> -> memref<32xi32, #tpu.memory_space<vmem>>
        %dma_start3A_606 = arith.constant 0 : i32
        %dma_start3A_607 = arith.constant 0 : i32
        %dma_start3A_608 = tpu.memref_slice %arg5[%dma_start3A_606, %dma_start3A_607] : memref<100000x64xf32, #tpu.memory_space<hbm>> -> memref<100000x64xf32, #tpu.memory_space<hbm>>
        tpu.enqueue_indirect_dma source(%dma_start3A_608 : memref<100000x64xf32, #tpu.memory_space<hbm>>) target(%dma_start3A_603 : memref<32x64xf32, #tpu.memory_space<vmem>>) offsets(%dma_start3A_605 : memref<32xi32, #tpu.memory_space<vmem>>) semaphore(%arg17 : memref<!tpu.dma_semaphore, #tpu.memory_space<semaphore_mem>>)
        %mul3A_609 = arith.constant 32 : i32
        %mul3A_610 = arith.muli %add3A_509, %mul3A_609 : i32
        %dma_start3A_611 = arith.constant 9 : i32
        %dma_start3A_612 = arith.constant 288 : i32
        %dma_start3A_613 = arith.constant 0 : i32
        %dma_start3A_614 = tpu.memref_slice %arg11[%dma_start3A_612, %dma_start3A_613] : memref<640x64xf32, #tpu.memory_space<vmem>> -> memref<32x64xf32, #tpu.memory_space<vmem>>
        %dma_start3A_615 = tpu.memref_slice %arg8[%dma_start3A_611, %mul3A_610] : memref<20x512xi32, #tpu.memory_space<vmem>> -> memref<1x32xi32, #tpu.memory_space<vmem>>
        %dma_start3A_616 = tpu.memref_squeeze %dma_start3A_615 : memref<1x32xi32, #tpu.memory_space<vmem>> -> memref<32xi32, #tpu.memory_space<vmem>>
        %dma_start3A_617 = arith.constant 0 : i32
        %dma_start3A_618 = arith.constant 0 : i32
        %dma_start3A_619 = tpu.memref_slice %arg5[%dma_start3A_617, %dma_start3A_618] : memref<100000x64xf32, #tpu.memory_space<hbm>> -> memref<100000x64xf32, #tpu.memory_space<hbm>>
        tpu.enqueue_indirect_dma source(%dma_start3A_619 : memref<100000x64xf32, #tpu.memory_space<hbm>>) target(%dma_start3A_614 : memref<32x64xf32, #tpu.memory_space<vmem>>) offsets(%dma_start3A_616 : memref<32xi32, #tpu.memory_space<vmem>>) semaphore(%arg17 : memref<!tpu.dma_semaphore, #tpu.memory_space<semaphore_mem>>)
        %mul3A_620 = arith.constant 32 : i32
        %mul3A_621 = arith.muli %add3A_509, %mul3A_620 : i32
        %dma_start3A_622 = arith.constant 10 : i32
        %dma_start3A_623 = arith.constant 320 : i32
        %dma_start3A_624 = arith.constant 0 : i32
        %dma_start3A_625 = tpu.memref_slice %arg11[%dma_start3A_623, %dma_start3A_624] : memref<640x64xf32, #tpu.memory_space<vmem>> -> memref<32x64xf32, #tpu.memory_space<vmem>>
        %dma_start3A_626 = tpu.memref_slice %arg8[%dma_start3A_622, %mul3A_621] : memref<20x512xi32, #tpu.memory_space<vmem>> -> memref<1x32xi32, #tpu.memory_space<vmem>>
        %dma_start3A_627 = tpu.memref_squeeze %dma_start3A_626 : memref<1x32xi32, #tpu.memory_space<vmem>> -> memref<32xi32, #tpu.memory_space<vmem>>
        %dma_start3A_628 = arith.constant 0 : i32
        %dma_start3A_629 = arith.constant 0 : i32
        %dma_start3A_630 = tpu.memref_slice %arg5[%dma_start3A_628, %dma_start3A_629] : memref<100000x64xf32, #tpu.memory_space<hbm>> -> memref<100000x64xf32, #tpu.memory_space<hbm>>
        tpu.enqueue_indirect_dma source(%dma_start3A_630 : memref<100000x64xf32, #tpu.memory_space<hbm>>) target(%dma_start3A_625 : memref<32x64xf32, #tpu.memory_space<vmem>>) offsets(%dma_start3A_627 : memref<32xi32, #tpu.memory_space<vmem>>) semaphore(%arg17 : memref<!tpu.dma_semaphore, #tpu.memory_space<semaphore_mem>>)
        %mul3A_631 = arith.constant 32 : i32
        %mul3A_632 = arith.muli %add3A_509, %mul3A_631 : i32
        %dma_start3A_633 = arith.constant 11 : i32
        %dma_start3A_634 = arith.constant 352 : i32
        %dma_start3A_635 = arith.constant 0 : i32
        %dma_start3A_636 = tpu.memref_slice %arg11[%dma_start3A_634, %dma_start3A_635] : memref<640x64xf32, #tpu.memory_space<vmem>> -> memref<32x64xf32, #tpu.memory_space<vmem>>
        %dma_start3A_637 = tpu.memref_slice %arg8[%dma_start3A_633, %mul3A_632] : memref<20x512xi32, #tpu.memory_space<vmem>> -> memref<1x32xi32, #tpu.memory_space<vmem>>
        %dma_start3A_638 = tpu.memref_squeeze %dma_start3A_637 : memref<1x32xi32, #tpu.memory_space<vmem>> -> memref<32xi32, #tpu.memory_space<vmem>>
        %dma_start3A_639 = arith.constant 0 : i32
        %dma_start3A_640 = arith.constant 0 : i32
        %dma_start3A_641 = tpu.memref_slice %arg5[%dma_start3A_639, %dma_start3A_640] : memref<100000x64xf32, #tpu.memory_space<hbm>> -> memref<100000x64xf32, #tpu.memory_space<hbm>>
        tpu.enqueue_indirect_dma source(%dma_start3A_641 : memref<100000x64xf32, #tpu.memory_space<hbm>>) target(%dma_start3A_636 : memref<32x64xf32, #tpu.memory_space<vmem>>) offsets(%dma_start3A_638 : memref<32xi32, #tpu.memory_space<vmem>>) semaphore(%arg17 : memref<!tpu.dma_semaphore, #tpu.memory_space<semaphore_mem>>)
        %mul3A_642 = arith.constant 32 : i32
        %mul3A_643 = arith.muli %add3A_509, %mul3A_642 : i32
        %dma_start3A_644 = arith.constant 12 : i32
        %dma_start3A_645 = arith.constant 384 : i32
        %dma_start3A_646 = arith.constant 0 : i32
        %dma_start3A_647 = tpu.memref_slice %arg11[%dma_start3A_645, %dma_start3A_646] : memref<640x64xf32, #tpu.memory_space<vmem>> -> memref<32x64xf32, #tpu.memory_space<vmem>>
        %dma_start3A_648 = tpu.memref_slice %arg8[%dma_start3A_644, %mul3A_643] : memref<20x512xi32, #tpu.memory_space<vmem>> -> memref<1x32xi32, #tpu.memory_space<vmem>>
        %dma_start3A_649 = tpu.memref_squeeze %dma_start3A_648 : memref<1x32xi32, #tpu.memory_space<vmem>> -> memref<32xi32, #tpu.memory_space<vmem>>
        %dma_start3A_650 = arith.constant 0 : i32
        %dma_start3A_651 = arith.constant 0 : i32
        %dma_start3A_652 = tpu.memref_slice %arg5[%dma_start3A_650, %dma_start3A_651] : memref<100000x64xf32, #tpu.memory_space<hbm>> -> memref<100000x64xf32, #tpu.memory_space<hbm>>
        tpu.enqueue_indirect_dma source(%dma_start3A_652 : memref<100000x64xf32, #tpu.memory_space<hbm>>) target(%dma_start3A_647 : memref<32x64xf32, #tpu.memory_space<vmem>>) offsets(%dma_start3A_649 : memref<32xi32, #tpu.memory_space<vmem>>) semaphore(%arg17 : memref<!tpu.dma_semaphore, #tpu.memory_space<semaphore_mem>>)
        %mul3A_653 = arith.constant 32 : i32
        %mul3A_654 = arith.muli %add3A_509, %mul3A_653 : i32
        %dma_start3A_655 = arith.constant 13 : i32
        %dma_start3A_656 = arith.constant 416 : i32
        %dma_start3A_657 = arith.constant 0 : i32
        %dma_start3A_658 = tpu.memref_slice %arg11[%dma_start3A_656, %dma_start3A_657] : memref<640x64xf32, #tpu.memory_space<vmem>> -> memref<32x64xf32, #tpu.memory_space<vmem>>
        %dma_start3A_659 = tpu.memref_slice %arg8[%dma_start3A_655, %mul3A_654] : memref<20x512xi32, #tpu.memory_space<vmem>> -> memref<1x32xi32, #tpu.memory_space<vmem>>
        %dma_start3A_660 = tpu.memref_squeeze %dma_start3A_659 : memref<1x32xi32, #tpu.memory_space<vmem>> -> memref<32xi32, #tpu.memory_space<vmem>>
        %dma_start3A_661 = arith.constant 0 : i32
        %dma_start3A_662 = arith.constant 0 : i32
        %dma_start3A_663 = tpu.memref_slice %arg5[%dma_start3A_661, %dma_start3A_662] : memref<100000x64xf32, #tpu.memory_space<hbm>> -> memref<100000x64xf32, #tpu.memory_space<hbm>>
        tpu.enqueue_indirect_dma source(%dma_start3A_663 : memref<100000x64xf32, #tpu.memory_space<hbm>>) target(%dma_start3A_658 : memref<32x64xf32, #tpu.memory_space<vmem>>) offsets(%dma_start3A_660 : memref<32xi32, #tpu.memory_space<vmem>>) semaphore(%arg17 : memref<!tpu.dma_semaphore, #tpu.memory_space<semaphore_mem>>)
        %mul3A_664 = arith.constant 32 : i32
        %mul3A_665 = arith.muli %add3A_509, %mul3A_664 : i32
        %dma_start3A_666 = arith.constant 14 : i32
        %dma_start3A_667 = arith.constant 448 : i32
        %dma_start3A_668 = arith.constant 0 : i32
        %dma_start3A_669 = tpu.memref_slice %arg11[%dma_start3A_667, %dma_start3A_668] : memref<640x64xf32, #tpu.memory_space<vmem>> -> memref<32x64xf32, #tpu.memory_space<vmem>>
        %dma_start3A_670 = tpu.memref_slice %arg8[%dma_start3A_666, %mul3A_665] : memref<20x512xi32, #tpu.memory_space<vmem>> -> memref<1x32xi32, #tpu.memory_space<vmem>>
        %dma_start3A_671 = tpu.memref_squeeze %dma_start3A_670 : memref<1x32xi32, #tpu.memory_space<vmem>> -> memref<32xi32, #tpu.memory_space<vmem>>
        %dma_start3A_672 = arith.constant 0 : i32
        %dma_start3A_673 = arith.constant 0 : i32
        %dma_start3A_674 = tpu.memref_slice %arg5[%dma_start3A_672, %dma_start3A_673] : memref<100000x64xf32, #tpu.memory_space<hbm>> -> memref<100000x64xf32, #tpu.memory_space<hbm>>
        tpu.enqueue_indirect_dma source(%dma_start3A_674 : memref<100000x64xf32, #tpu.memory_space<hbm>>) target(%dma_start3A_669 : memref<32x64xf32, #tpu.memory_space<vmem>>) offsets(%dma_start3A_671 : memref<32xi32, #tpu.memory_space<vmem>>) semaphore(%arg17 : memref<!tpu.dma_semaphore, #tpu.memory_space<semaphore_mem>>)
        %mul3A_675 = arith.constant 32 : i32
        %mul3A_676 = arith.muli %add3A_509, %mul3A_675 : i32
        %dma_start3A_677 = arith.constant 15 : i32
        %dma_start3A_678 = arith.constant 480 : i32
        %dma_start3A_679 = arith.constant 0 : i32
        %dma_start3A_680 = tpu.memref_slice %arg11[%dma_start3A_678, %dma_start3A_679] : memref<640x64xf32, #tpu.memory_space<vmem>> -> memref<32x64xf32, #tpu.memory_space<vmem>>
        %dma_start3A_681 = tpu.memref_slice %arg8[%dma_start3A_677, %mul3A_676] : memref<20x512xi32, #tpu.memory_space<vmem>> -> memref<1x32xi32, #tpu.memory_space<vmem>>
        %dma_start3A_682 = tpu.memref_squeeze %dma_start3A_681 : memref<1x32xi32, #tpu.memory_space<vmem>> -> memref<32xi32, #tpu.memory_space<vmem>>
        %dma_start3A_683 = arith.constant 0 : i32
        %dma_start3A_684 = arith.constant 0 : i32
        %dma_start3A_685 = tpu.memref_slice %arg5[%dma_start3A_683, %dma_start3A_684] : memref<100000x64xf32, #tpu.memory_space<hbm>> -> memref<100000x64xf32, #tpu.memory_space<hbm>>
        tpu.enqueue_indirect_dma source(%dma_start3A_685 : memref<100000x64xf32, #tpu.memory_space<hbm>>) target(%dma_start3A_680 : memref<32x64xf32, #tpu.memory_space<vmem>>) offsets(%dma_start3A_682 : memref<32xi32, #tpu.memory_space<vmem>>) semaphore(%arg17 : memref<!tpu.dma_semaphore, #tpu.memory_space<semaphore_mem>>)
        %mul3A_686 = arith.constant 32 : i32
        %mul3A_687 = arith.muli %add3A_509, %mul3A_686 : i32
        %dma_start3A_688 = arith.constant 16 : i32
        %dma_start3A_689 = arith.constant 512 : i32
        %dma_start3A_690 = arith.constant 0 : i32
        %dma_start3A_691 = tpu.memref_slice %arg11[%dma_start3A_689, %dma_start3A_690] : memref<640x64xf32, #tpu.memory_space<vmem>> -> memref<32x64xf32, #tpu.memory_space<vmem>>
        %dma_start3A_692 = tpu.memref_slice %arg8[%dma_start3A_688, %mul3A_687] : memref<20x512xi32, #tpu.memory_space<vmem>> -> memref<1x32xi32, #tpu.memory_space<vmem>>
        %dma_start3A_693 = tpu.memref_squeeze %dma_start3A_692 : memref<1x32xi32, #tpu.memory_space<vmem>> -> memref<32xi32, #tpu.memory_space<vmem>>
        %dma_start3A_694 = arith.constant 0 : i32
        %dma_start3A_695 = arith.constant 0 : i32
        %dma_start3A_696 = tpu.memref_slice %arg5[%dma_start3A_694, %dma_start3A_695] : memref<100000x64xf32, #tpu.memory_space<hbm>> -> memref<100000x64xf32, #tpu.memory_space<hbm>>
        tpu.enqueue_indirect_dma source(%dma_start3A_696 : memref<100000x64xf32, #tpu.memory_space<hbm>>) target(%dma_start3A_691 : memref<32x64xf32, #tpu.memory_space<vmem>>) offsets(%dma_start3A_693 : memref<32xi32, #tpu.memory_space<vmem>>) semaphore(%arg17 : memref<!tpu.dma_semaphore, #tpu.memory_space<semaphore_mem>>)
        %mul3A_697 = arith.constant 32 : i32
        %mul3A_698 = arith.muli %add3A_509, %mul3A_697 : i32
        %dma_start3A_699 = arith.constant 17 : i32
        %dma_start3A_700 = arith.constant 544 : i32
        %dma_start3A_701 = arith.constant 0 : i32
        %dma_start3A_702 = tpu.memref_slice %arg11[%dma_start3A_700, %dma_start3A_701] : memref<640x64xf32, #tpu.memory_space<vmem>> -> memref<32x64xf32, #tpu.memory_space<vmem>>
        %dma_start3A_703 = tpu.memref_slice %arg8[%dma_start3A_699, %mul3A_698] : memref<20x512xi32, #tpu.memory_space<vmem>> -> memref<1x32xi32, #tpu.memory_space<vmem>>
        %dma_start3A_704 = tpu.memref_squeeze %dma_start3A_703 : memref<1x32xi32, #tpu.memory_space<vmem>> -> memref<32xi32, #tpu.memory_space<vmem>>
        %dma_start3A_705 = arith.constant 0 : i32
        %dma_start3A_706 = arith.constant 0 : i32
        %dma_start3A_707 = tpu.memref_slice %arg5[%dma_start3A_705, %dma_start3A_706] : memref<100000x64xf32, #tpu.memory_space<hbm>> -> memref<100000x64xf32, #tpu.memory_space<hbm>>
        tpu.enqueue_indirect_dma source(%dma_start3A_707 : memref<100000x64xf32, #tpu.memory_space<hbm>>) target(%dma_start3A_702 : memref<32x64xf32, #tpu.memory_space<vmem>>) offsets(%dma_start3A_704 : memref<32xi32, #tpu.memory_space<vmem>>) semaphore(%arg17 : memref<!tpu.dma_semaphore, #tpu.memory_space<semaphore_mem>>)
        %mul3A_708 = arith.constant 32 : i32
        %mul3A_709 = arith.muli %add3A_509, %mul3A_708 : i32
        %dma_start3A_710 = arith.constant 18 : i32
        %dma_start3A_711 = arith.constant 576 : i32
        %dma_start3A_712 = arith.constant 0 : i32
        %dma_start3A_713 = tpu.memref_slice %arg11[%dma_start3A_711, %dma_start3A_712] : memref<640x64xf32, #tpu.memory_space<vmem>> -> memref<32x64xf32, #tpu.memory_space<vmem>>
        %dma_start3A_714 = tpu.memref_slice %arg8[%dma_start3A_710, %mul3A_709] : memref<20x512xi32, #tpu.memory_space<vmem>> -> memref<1x32xi32, #tpu.memory_space<vmem>>
        %dma_start3A_715 = tpu.memref_squeeze %dma_start3A_714 : memref<1x32xi32, #tpu.memory_space<vmem>> -> memref<32xi32, #tpu.memory_space<vmem>>
        %dma_start3A_716 = arith.constant 0 : i32
        %dma_start3A_717 = arith.constant 0 : i32
        %dma_start3A_718 = tpu.memref_slice %arg5[%dma_start3A_716, %dma_start3A_717] : memref<100000x64xf32, #tpu.memory_space<hbm>> -> memref<100000x64xf32, #tpu.memory_space<hbm>>
        tpu.enqueue_indirect_dma source(%dma_start3A_718 : memref<100000x64xf32, #tpu.memory_space<hbm>>) target(%dma_start3A_713 : memref<32x64xf32, #tpu.memory_space<vmem>>) offsets(%dma_start3A_715 : memref<32xi32, #tpu.memory_space<vmem>>) semaphore(%arg17 : memref<!tpu.dma_semaphore, #tpu.memory_space<semaphore_mem>>)
        %mul3A_719 = arith.constant 32 : i32
        %mul3A_720 = arith.muli %add3A_509, %mul3A_719 : i32
        %dma_start3A_721 = arith.constant 19 : i32
        %dma_start3A_722 = arith.constant 608 : i32
        %dma_start3A_723 = arith.constant 0 : i32
        %dma_start3A_724 = tpu.memref_slice %arg11[%dma_start3A_722, %dma_start3A_723] : memref<640x64xf32, #tpu.memory_space<vmem>> -> memref<32x64xf32, #tpu.memory_space<vmem>>
        %dma_start3A_725 = tpu.memref_slice %arg8[%dma_start3A_721, %mul3A_720] : memref<20x512xi32, #tpu.memory_space<vmem>> -> memref<1x32xi32, #tpu.memory_space<vmem>>
        %dma_start3A_726 = tpu.memref_squeeze %dma_start3A_725 : memref<1x32xi32, #tpu.memory_space<vmem>> -> memref<32xi32, #tpu.memory_space<vmem>>
        %dma_start3A_727 = arith.constant 0 : i32
        %dma_start3A_728 = arith.constant 0 : i32
        %dma_start3A_729 = tpu.memref_slice %arg5[%dma_start3A_727, %dma_start3A_728] : memref<100000x64xf32, #tpu.memory_space<hbm>> -> memref<100000x64xf32, #tpu.memory_space<hbm>>
        tpu.enqueue_indirect_dma source(%dma_start3A_729 : memref<100000x64xf32, #tpu.memory_space<hbm>>) target(%dma_start3A_724 : memref<32x64xf32, #tpu.memory_space<vmem>>) offsets(%dma_start3A_726 : memref<32xi32, #tpu.memory_space<vmem>>) semaphore(%arg17 : memref<!tpu.dma_semaphore, #tpu.memory_space<semaphore_mem>>)
        %mul3A_730 = arith.constant 32 : i32
        %mul3A_731 = arith.muli %add3A_509, %mul3A_730 : i32
        %dma_start3A_732 = tpu.memref_slice %arg10[%mul3A_731] : memref<512xi32, #tpu.memory_space<vmem>> -> memref<32xi32, #tpu.memory_space<vmem>>
        %dma_start3A_733 = arith.constant 0 : i32
        %dma_start3A_734 = arith.constant 0 : i32
        %dma_start3A_735 = tpu.memref_slice %arg6[%dma_start3A_733, %dma_start3A_734] : memref<1000x64xf32, #tpu.memory_space<hbm>> -> memref<1000x64xf32, #tpu.memory_space<hbm>>
        tpu.enqueue_indirect_dma source(%dma_start3A_735 : memref<1000x64xf32, #tpu.memory_space<hbm>>) target(%arg13 : memref<32x64xf32, #tpu.memory_space<vmem>>) offsets(%dma_start3A_732 : memref<32xi32, #tpu.memory_space<vmem>>) semaphore(%arg19 : memref<!tpu.dma_semaphore, #tpu.memory_space<semaphore_mem>>)
      } else {
      }
      %dma_wait3A_485 = arith.constant 0 : i32
      %dma_wait3A_486 = arith.constant 0 : i32
      %dma_wait3A_487 = tpu.memref_slice %arg5[%dma_wait3A_485, %dma_wait3A_486] : memref<100000x64xf32, #tpu.memory_space<hbm>> -> memref<640x64xf32, #tpu.memory_space<hbm>>
      %dma_wait3A_488 = arith.constant 0 : i32
      %dma_wait3A_489 = arith.constant 0 : i32
      %dma_wait3A_490 = tpu.memref_slice %arg5[%dma_wait3A_488, %dma_wait3A_489] : memref<100000x64xf32, #tpu.memory_space<hbm>> -> memref<640x64xf32, #tpu.memory_space<hbm>>
      tpu.wait_dma2 semaphore(%arg18 : memref<!tpu.dma_semaphore, #tpu.memory_space<semaphore_mem>>) src(%dma_wait3A_490 : memref<640x64xf32, #tpu.memory_space<hbm>>) dst(%arg12 : memref<640x64xf32, #tpu.memory_space<vmem>>)
      %dma_wait3A_491 = arith.constant 0 : i32
      %dma_wait3A_492 = arith.constant 0 : i32
      %dma_wait3A_493 = tpu.memref_slice %arg6[%dma_wait3A_491, %dma_wait3A_492] : memref<1000x64xf32, #tpu.memory_space<hbm>> -> memref<32x64xf32, #tpu.memory_space<hbm>>
      %dma_wait3A_494 = arith.constant 0 : i32
      %dma_wait3A_495 = arith.constant 0 : i32
      %dma_wait3A_496 = tpu.memref_slice %arg6[%dma_wait3A_494, %dma_wait3A_495] : memref<1000x64xf32, #tpu.memory_space<hbm>> -> memref<32x64xf32, #tpu.memory_space<hbm>>
      tpu.wait_dma2 semaphore(%arg20 : memref<!tpu.dma_semaphore, #tpu.memory_space<semaphore_mem>>) src(%dma_wait3A_496 : memref<32x64xf32, #tpu.memory_space<hbm>>) dst(%arg14 : memref<32x64xf32, #tpu.memory_space<vmem>>)
      %add3A_497 = arith.constant 1 : i32
      %add3A_498 = arith.addi %mul3A_233, %add3A_497 : i32
      %scan3A_499 = arith.constant 0 : i32
      %scan3A_500 = arith.constant 0 : i32
      %scan3A_501 = arith.constant 32 : i32
      %scan3A_502 = arith.addi %scan3A_500, %scan3A_501 : i32
      %scan3A_503 = arith.constant 1 : i32
      scf.for %scan3A_508 = %scan3A_500 to %scan3A_502 step %scan3A_503  : i32 {
        %mul3A_509 = arith.constant 32 : i32
        %mul3A_510 = arith.muli %add3A_498, %mul3A_509 : i32
        %and3A = arith.constant -16 : i32
        %and3A_511 = arith.andi %scan3A_508, %and3A : i32
        %add3A_512 = arith.addi %mul3A_510, %and3A_511 : i32
        %and3A_513 = arith.constant 15 : i32
        %and3A_514 = arith.andi %scan3A_508, %and3A_513 : i32
        %broadcast_in_dim3A = vector.broadcast %and3A_514 : i32 to vector<16xi32>
        %broadcast_in_dim3A_515 = arith.constant 0.000000e+00 : f32
        %broadcast_in_dim3A_516 = vector.broadcast %broadcast_in_dim3A_515 : f32 to vector<16xf32>
        %broadcast_in_dim3A_517 = arith.constant 0.000000e+00 : f32
        %broadcast_in_dim3A_518 = vector.broadcast %broadcast_in_dim3A_517 : f32 to vector<16xf32>
        %broadcast_in_dim3A_519 = arith.constant 0.000000e+00 : f32
        %broadcast_in_dim3A_520 = vector.broadcast %broadcast_in_dim3A_519 : f32 to vector<16xf32>
        %broadcast_in_dim3A_521 = arith.constant 0.000000e+00 : f32
        %broadcast_in_dim3A_522 = vector.broadcast %broadcast_in_dim3A_521 : f32 to vector<16xf32>
        %broadcast_in_dim3A_523 = arith.constant 0.000000e+00 : f32
        %broadcast_in_dim3A_524 = vector.broadcast %broadcast_in_dim3A_523 : f32 to vector<16xf32>
        %get3A = arith.constant 0 : i32
        %get3A_525 = arith.index_cast %get3A : i32 to index
        %get3A_526 = arith.index_cast %add3A_512 : i32 to index
        %get3A_527 = tpu.vector_load %arg9[%get3A_525, %get3A_526] {strides = array<i32>} : memref<20x512xf32, #tpu.memory_space<vmem>>, vector<1x16xf32>,
        %get3A_528 = vector.shape_cast %get3A_527 : vector<1x16xf32> to vector<16xf32>
        %lt3A_529 = arith.constant 0 : i32
        %lt3A_530 = vector.broadcast %lt3A_529 : i32 to vector<16xi32>
        %lt3A_531 = arith.cmpi slt, %broadcast_in_dim3A, %lt3A_530 : vector<16xi32>
        %add3A_532 = arith.constant 16 : i32
        %add3A_533 = vector.broadcast %add3A_532 : i32 to vector<16xi32>
        %add3A_534 = arith.addi %broadcast_in_dim3A, %add3A_533 : vector<16xi32>
        %select_n3A = arith.select %lt3A_531, %add3A_534, %broadcast_in_dim3A : vector<16xi1>, vector<16xi32>
        %broadcast_in_dim3A_535 = vector.shape_cast %select_n3A : vector<16xi32> to vector<16x1xi32>
        %gather3A = vector.shape_cast %broadcast_in_dim3A_535 : vector<16x1xi32> to vector<16xi32>
        %gather3A_536 = tpu.dynamic_gather %get3A_528[%gather3A] in [0] : vector<16xf32>, vector<16xi32> -> vector<16xf32>
        %add3A_537 = arith.addf %broadcast_in_dim3A_516, %gather3A_536 : vector<16xf32>
        %add3A_538 = arith.constant 0 : i32
        %add3A_539 = arith.addi %add3A_538, %scan3A_508 : i32
        %get3A_540 = arith.index_cast %add3A_539 : i32 to index
        %get3A_541 = arith.constant 0 : index
        %get3A_542 = tpu.vector_load %arg12[%get3A_540, %get3A_541] {strides = array<i32>} : memref<640x64xf32, #tpu.memory_space<vmem>>, vector<1x16xf32>,
        %get3A_543 = vector.shape_cast %get3A_542 : vector<1x16xf32> to vector<16xf32>
        %mul3A_544 = arith.mulf %gather3A_536, %get3A_543 : vector<16xf32>
        %add3A_545 = arith.addf %broadcast_in_dim3A_518, %mul3A_544 : vector<16xf32>
        %get3A_546 = arith.index_cast %add3A_539 : i32 to index
        %get3A_547 = arith.constant 16 : index
        %get3A_548 = tpu.vector_load %arg12[%get3A_546, %get3A_547] {strides = array<i32>} : memref<640x64xf32, #tpu.memory_space<vmem>>, vector<1x16xf32>,
        %get3A_549 = vector.shape_cast %get3A_548 : vector<1x16xf32> to vector<16xf32>
        %mul3A_550 = arith.mulf %gather3A_536, %get3A_549 : vector<16xf32>
        %add3A_551 = arith.addf %broadcast_in_dim3A_520, %mul3A_550 : vector<16xf32>
        %get3A_552 = arith.index_cast %add3A_539 : i32 to index
        %get3A_553 = arith.constant 32 : index
        %get3A_554 = tpu.vector_load %arg12[%get3A_552, %get3A_553] {strides = array<i32>} : memref<640x64xf32, #tpu.memory_space<vmem>>, vector<1x16xf32>,
        %get3A_555 = vector.shape_cast %get3A_554 : vector<1x16xf32> to vector<16xf32>
        %mul3A_556 = arith.mulf %gather3A_536, %get3A_555 : vector<16xf32>
        %add3A_557 = arith.addf %broadcast_in_dim3A_522, %mul3A_556 : vector<16xf32>
        %get3A_558 = arith.index_cast %add3A_539 : i32 to index
        %get3A_559 = arith.constant 48 : index
        %get3A_560 = tpu.vector_load %arg12[%get3A_558, %get3A_559] {strides = array<i32>} : memref<640x64xf32, #tpu.memory_space<vmem>>, vector<1x16xf32>,
        %get3A_561 = vector.shape_cast %get3A_560 : vector<1x16xf32> to vector<16xf32>
        %mul3A_562 = arith.mulf %gather3A_536, %get3A_561 : vector<16xf32>
        %add3A_563 = arith.addf %broadcast_in_dim3A_524, %mul3A_562 : vector<16xf32>
        %get3A_564 = arith.constant 1 : i32
        %get3A_565 = arith.index_cast %get3A_564 : i32 to index
        %get3A_566 = arith.index_cast %add3A_512 : i32 to index
        %get3A_567 = tpu.vector_load %arg9[%get3A_565, %get3A_566] {strides = array<i32>} : memref<20x512xf32, #tpu.memory_space<vmem>>, vector<1x16xf32>,
        %get3A_568 = vector.shape_cast %get3A_567 : vector<1x16xf32> to vector<16xf32>
        %lt3A_569 = arith.constant 0 : i32
        %lt3A_570 = vector.broadcast %lt3A_569 : i32 to vector<16xi32>
        %lt3A_571 = arith.cmpi slt, %broadcast_in_dim3A, %lt3A_570 : vector<16xi32>
        %add3A_572 = arith.constant 16 : i32
        %add3A_573 = vector.broadcast %add3A_572 : i32 to vector<16xi32>
        %add3A_574 = arith.addi %broadcast_in_dim3A, %add3A_573 : vector<16xi32>
        %select_n3A_575 = arith.select %lt3A_571, %add3A_574, %broadcast_in_dim3A : vector<16xi1>, vector<16xi32>
        %broadcast_in_dim3A_576 = vector.shape_cast %select_n3A_575 : vector<16xi32> to vector<16x1xi32>
        %gather3A_577 = vector.shape_cast %broadcast_in_dim3A_576 : vector<16x1xi32> to vector<16xi32>
        %gather3A_578 = tpu.dynamic_gather %get3A_568[%gather3A_577] in [0] : vector<16xf32>, vector<16xi32> -> vector<16xf32>
        %add3A_579 = arith.addf %add3A_537, %gather3A_578 : vector<16xf32>
        %add3A_580 = arith.constant 32 : i32
        %add3A_581 = arith.addi %add3A_580, %scan3A_508 : i32
        %get3A_582 = arith.index_cast %add3A_581 : i32 to index
        %get3A_583 = arith.constant 0 : index
        %get3A_584 = tpu.vector_load %arg12[%get3A_582, %get3A_583] {strides = array<i32>} : memref<640x64xf32, #tpu.memory_space<vmem>>, vector<1x16xf32>,
        %get3A_585 = vector.shape_cast %get3A_584 : vector<1x16xf32> to vector<16xf32>
        %mul3A_586 = arith.mulf %gather3A_578, %get3A_585 : vector<16xf32>
        %add3A_587 = arith.addf %add3A_545, %mul3A_586 : vector<16xf32>
        %get3A_588 = arith.index_cast %add3A_581 : i32 to index
        %get3A_589 = arith.constant 16 : index
        %get3A_590 = tpu.vector_load %arg12[%get3A_588, %get3A_589] {strides = array<i32>} : memref<640x64xf32, #tpu.memory_space<vmem>>, vector<1x16xf32>,
        %get3A_591 = vector.shape_cast %get3A_590 : vector<1x16xf32> to vector<16xf32>
        %mul3A_592 = arith.mulf %gather3A_578, %get3A_591 : vector<16xf32>
        %add3A_593 = arith.addf %add3A_551, %mul3A_592 : vector<16xf32>
        %get3A_594 = arith.index_cast %add3A_581 : i32 to index
        %get3A_595 = arith.constant 32 : index
        %get3A_596 = tpu.vector_load %arg12[%get3A_594, %get3A_595] {strides = array<i32>} : memref<640x64xf32, #tpu.memory_space<vmem>>, vector<1x16xf32>,
        %get3A_597 = vector.shape_cast %get3A_596 : vector<1x16xf32> to vector<16xf32>
        %mul3A_598 = arith.mulf %gather3A_578, %get3A_597 : vector<16xf32>
        %add3A_599 = arith.addf %add3A_557, %mul3A_598 : vector<16xf32>
        %get3A_600 = arith.index_cast %add3A_581 : i32 to index
        %get3A_601 = arith.constant 48 : index
        %get3A_602 = tpu.vector_load %arg12[%get3A_600, %get3A_601] {strides = array<i32>} : memref<640x64xf32, #tpu.memory_space<vmem>>, vector<1x16xf32>,
        %get3A_603 = vector.shape_cast %get3A_602 : vector<1x16xf32> to vector<16xf32>
        %mul3A_604 = arith.mulf %gather3A_578, %get3A_603 : vector<16xf32>
        %add3A_605 = arith.addf %add3A_563, %mul3A_604 : vector<16xf32>
        %get3A_606 = arith.constant 2 : i32
        %get3A_607 = arith.index_cast %get3A_606 : i32 to index
        %get3A_608 = arith.index_cast %add3A_512 : i32 to index
        %get3A_609 = tpu.vector_load %arg9[%get3A_607, %get3A_608] {strides = array<i32>} : memref<20x512xf32, #tpu.memory_space<vmem>>, vector<1x16xf32>,
        %get3A_610 = vector.shape_cast %get3A_609 : vector<1x16xf32> to vector<16xf32>
        %lt3A_611 = arith.constant 0 : i32
        %lt3A_612 = vector.broadcast %lt3A_611 : i32 to vector<16xi32>
        %lt3A_613 = arith.cmpi slt, %broadcast_in_dim3A, %lt3A_612 : vector<16xi32>
        %add3A_614 = arith.constant 16 : i32
        %add3A_615 = vector.broadcast %add3A_614 : i32 to vector<16xi32>
        %add3A_616 = arith.addi %broadcast_in_dim3A, %add3A_615 : vector<16xi32>
        %select_n3A_617 = arith.select %lt3A_613, %add3A_616, %broadcast_in_dim3A : vector<16xi1>, vector<16xi32>
        %broadcast_in_dim3A_618 = vector.shape_cast %select_n3A_617 : vector<16xi32> to vector<16x1xi32>
        %gather3A_619 = vector.shape_cast %broadcast_in_dim3A_618 : vector<16x1xi32> to vector<16xi32>
        %gather3A_620 = tpu.dynamic_gather %get3A_610[%gather3A_619] in [0] : vector<16xf32>, vector<16xi32> -> vector<16xf32>
        %add3A_621 = arith.addf %add3A_579, %gather3A_620 : vector<16xf32>
        %add3A_622 = arith.constant 64 : i32
        %add3A_623 = arith.addi %add3A_622, %scan3A_508 : i32
        %get3A_624 = arith.index_cast %add3A_623 : i32 to index
        %get3A_625 = arith.constant 0 : index
        %get3A_626 = tpu.vector_load %arg12[%get3A_624, %get3A_625] {strides = array<i32>} : memref<640x64xf32, #tpu.memory_space<vmem>>, vector<1x16xf32>,
        %get3A_627 = vector.shape_cast %get3A_626 : vector<1x16xf32> to vector<16xf32>
        %mul3A_628 = arith.mulf %gather3A_620, %get3A_627 : vector<16xf32>
        %add3A_629 = arith.addf %add3A_587, %mul3A_628 : vector<16xf32>
        %get3A_630 = arith.index_cast %add3A_623 : i32 to index
        %get3A_631 = arith.constant 16 : index
        %get3A_632 = tpu.vector_load %arg12[%get3A_630, %get3A_631] {strides = array<i32>} : memref<640x64xf32, #tpu.memory_space<vmem>>, vector<1x16xf32>,
        %get3A_633 = vector.shape_cast %get3A_632 : vector<1x16xf32> to vector<16xf32>
        %mul3A_634 = arith.mulf %gather3A_620, %get3A_633 : vector<16xf32>
        %add3A_635 = arith.addf %add3A_593, %mul3A_634 : vector<16xf32>
        %get3A_636 = arith.index_cast %add3A_623 : i32 to index
        %get3A_637 = arith.constant 32 : index
        %get3A_638 = tpu.vector_load %arg12[%get3A_636, %get3A_637] {strides = array<i32>} : memref<640x64xf32, #tpu.memory_space<vmem>>, vector<1x16xf32>,
        %get3A_639 = vector.shape_cast %get3A_638 : vector<1x16xf32> to vector<16xf32>
        %mul3A_640 = arith.mulf %gather3A_620, %get3A_639 : vector<16xf32>
        %add3A_641 = arith.addf %add3A_599, %mul3A_640 : vector<16xf32>
        %get3A_642 = arith.index_cast %add3A_623 : i32 to index
        %get3A_643 = arith.constant 48 : index
        %get3A_644 = tpu.vector_load %arg12[%get3A_642, %get3A_643] {strides = array<i32>} : memref<640x64xf32, #tpu.memory_space<vmem>>, vector<1x16xf32>,
        %get3A_645 = vector.shape_cast %get3A_644 : vector<1x16xf32> to vector<16xf32>
        %mul3A_646 = arith.mulf %gather3A_620, %get3A_645 : vector<16xf32>
        %add3A_647 = arith.addf %add3A_605, %mul3A_646 : vector<16xf32>
        %get3A_648 = arith.constant 3 : i32
        %get3A_649 = arith.index_cast %get3A_648 : i32 to index
        %get3A_650 = arith.index_cast %add3A_512 : i32 to index
        %get3A_651 = tpu.vector_load %arg9[%get3A_649, %get3A_650] {strides = array<i32>} : memref<20x512xf32, #tpu.memory_space<vmem>>, vector<1x16xf32>,
        %get3A_652 = vector.shape_cast %get3A_651 : vector<1x16xf32> to vector<16xf32>
        %lt3A_653 = arith.constant 0 : i32
        %lt3A_654 = vector.broadcast %lt3A_653 : i32 to vector<16xi32>
        %lt3A_655 = arith.cmpi slt, %broadcast_in_dim3A, %lt3A_654 : vector<16xi32>
        %add3A_656 = arith.constant 16 : i32
        %add3A_657 = vector.broadcast %add3A_656 : i32 to vector<16xi32>
        %add3A_658 = arith.addi %broadcast_in_dim3A, %add3A_657 : vector<16xi32>
        %select_n3A_659 = arith.select %lt3A_655, %add3A_658, %broadcast_in_dim3A : vector<16xi1>, vector<16xi32>
        %broadcast_in_dim3A_660 = vector.shape_cast %select_n3A_659 : vector<16xi32> to vector<16x1xi32>
        %gather3A_661 = vector.shape_cast %broadcast_in_dim3A_660 : vector<16x1xi32> to vector<16xi32>
        %gather3A_662 = tpu.dynamic_gather %get3A_652[%gather3A_661] in [0] : vector<16xf32>, vector<16xi32> -> vector<16xf32>
        %add3A_663 = arith.addf %add3A_621, %gather3A_662 : vector<16xf32>
        %add3A_664 = arith.constant 96 : i32
        %add3A_665 = arith.addi %add3A_664, %scan3A_508 : i32
        %get3A_666 = arith.index_cast %add3A_665 : i32 to index
        %get3A_667 = arith.constant 0 : index
        %get3A_668 = tpu.vector_load %arg12[%get3A_666, %get3A_667] {strides = array<i32>} : memref<640x64xf32, #tpu.memory_space<vmem>>, vector<1x16xf32>,
        %get3A_669 = vector.shape_cast %get3A_668 : vector<1x16xf32> to vector<16xf32>
        %mul3A_670 = arith.mulf %gather3A_662, %get3A_669 : vector<16xf32>
        %add3A_671 = arith.addf %add3A_629, %mul3A_670 : vector<16xf32>
        %get3A_672 = arith.index_cast %add3A_665 : i32 to index
        %get3A_673 = arith.constant 16 : index
        %get3A_674 = tpu.vector_load %arg12[%get3A_672, %get3A_673] {strides = array<i32>} : memref<640x64xf32, #tpu.memory_space<vmem>>, vector<1x16xf32>,
        %get3A_675 = vector.shape_cast %get3A_674 : vector<1x16xf32> to vector<16xf32>
        %mul3A_676 = arith.mulf %gather3A_662, %get3A_675 : vector<16xf32>
        %add3A_677 = arith.addf %add3A_635, %mul3A_676 : vector<16xf32>
        %get3A_678 = arith.index_cast %add3A_665 : i32 to index
        %get3A_679 = arith.constant 32 : index
        %get3A_680 = tpu.vector_load %arg12[%get3A_678, %get3A_679] {strides = array<i32>} : memref<640x64xf32, #tpu.memory_space<vmem>>, vector<1x16xf32>,
        %get3A_681 = vector.shape_cast %get3A_680 : vector<1x16xf32> to vector<16xf32>
        %mul3A_682 = arith.mulf %gather3A_662, %get3A_681 : vector<16xf32>
        %add3A_683 = arith.addf %add3A_641, %mul3A_682 : vector<16xf32>
        %get3A_684 = arith.index_cast %add3A_665 : i32 to index
        %get3A_685 = arith.constant 48 : index
        %get3A_686 = tpu.vector_load %arg12[%get3A_684, %get3A_685] {strides = array<i32>} : memref<640x64xf32, #tpu.memory_space<vmem>>, vector<1x16xf32>,
        %get3A_687 = vector.shape_cast %get3A_686 : vector<1x16xf32> to vector<16xf32>
        %mul3A_688 = arith.mulf %gather3A_662, %get3A_687 : vector<16xf32>
        %add3A_689 = arith.addf %add3A_647, %mul3A_688 : vector<16xf32>
        %get3A_690 = arith.constant 4 : i32
        %get3A_691 = arith.index_cast %get3A_690 : i32 to index
        %get3A_692 = arith.index_cast %add3A_512 : i32 to index
        %get3A_693 = tpu.vector_load %arg9[%get3A_691, %get3A_692] {strides = array<i32>} : memref<20x512xf32, #tpu.memory_space<vmem>>, vector<1x16xf32>,
        %get3A_694 = vector.shape_cast %get3A_693 : vector<1x16xf32> to vector<16xf32>
        %lt3A_695 = arith.constant 0 : i32
        %lt3A_696 = vector.broadcast %lt3A_695 : i32 to vector<16xi32>
        %lt3A_697 = arith.cmpi slt, %broadcast_in_dim3A, %lt3A_696 : vector<16xi32>
        %add3A_698 = arith.constant 16 : i32
        %add3A_699 = vector.broadcast %add3A_698 : i32 to vector<16xi32>
        %add3A_700 = arith.addi %broadcast_in_dim3A, %add3A_699 : vector<16xi32>
        %select_n3A_701 = arith.select %lt3A_697, %add3A_700, %broadcast_in_dim3A : vector<16xi1>, vector<16xi32>
        %broadcast_in_dim3A_702 = vector.shape_cast %select_n3A_701 : vector<16xi32> to vector<16x1xi32>
        %gather3A_703 = vector.shape_cast %broadcast_in_dim3A_702 : vector<16x1xi32> to vector<16xi32>
        %gather3A_704 = tpu.dynamic_gather %get3A_694[%gather3A_703] in [0] : vector<16xf32>, vector<16xi32> -> vector<16xf32>
        %add3A_705 = arith.addf %add3A_663, %gather3A_704 : vector<16xf32>
        %add3A_706 = arith.constant 128 : i32
        %add3A_707 = arith.addi %add3A_706, %scan3A_508 : i32
        %get3A_708 = arith.index_cast %add3A_707 : i32 to index
        %get3A_709 = arith.constant 0 : index
        %get3A_710 = tpu.vector_load %arg12[%get3A_708, %get3A_709] {strides = array<i32>} : memref<640x64xf32, #tpu.memory_space<vmem>>, vector<1x16xf32>,
        %get3A_711 = vector.shape_cast %get3A_710 : vector<1x16xf32> to vector<16xf32>
        %mul3A_712 = arith.mulf %gather3A_704, %get3A_711 : vector<16xf32>
        %add3A_713 = arith.addf %add3A_671, %mul3A_712 : vector<16xf32>
        %get3A_714 = arith.index_cast %add3A_707 : i32 to index
        %get3A_715 = arith.constant 16 : index
        %get3A_716 = tpu.vector_load %arg12[%get3A_714, %get3A_715] {strides = array<i32>} : memref<640x64xf32, #tpu.memory_space<vmem>>, vector<1x16xf32>,
        %get3A_717 = vector.shape_cast %get3A_716 : vector<1x16xf32> to vector<16xf32>
        %mul3A_718 = arith.mulf %gather3A_704, %get3A_717 : vector<16xf32>
        %add3A_719 = arith.addf %add3A_677, %mul3A_718 : vector<16xf32>
        %get3A_720 = arith.index_cast %add3A_707 : i32 to index
        %get3A_721 = arith.constant 32 : index
        %get3A_722 = tpu.vector_load %arg12[%get3A_720, %get3A_721] {strides = array<i32>} : memref<640x64xf32, #tpu.memory_space<vmem>>, vector<1x16xf32>,
        %get3A_723 = vector.shape_cast %get3A_722 : vector<1x16xf32> to vector<16xf32>
        %mul3A_724 = arith.mulf %gather3A_704, %get3A_723 : vector<16xf32>
        %add3A_725 = arith.addf %add3A_683, %mul3A_724 : vector<16xf32>
        %get3A_726 = arith.index_cast %add3A_707 : i32 to index
        %get3A_727 = arith.constant 48 : index
        %get3A_728 = tpu.vector_load %arg12[%get3A_726, %get3A_727] {strides = array<i32>} : memref<640x64xf32, #tpu.memory_space<vmem>>, vector<1x16xf32>,
        %get3A_729 = vector.shape_cast %get3A_728 : vector<1x16xf32> to vector<16xf32>
        %mul3A_730 = arith.mulf %gather3A_704, %get3A_729 : vector<16xf32>
        %add3A_731 = arith.addf %add3A_689, %mul3A_730 : vector<16xf32>
        %get3A_732 = arith.constant 5 : i32
        %get3A_733 = arith.index_cast %get3A_732 : i32 to index
        %get3A_734 = arith.index_cast %add3A_512 : i32 to index
        %get3A_735 = tpu.vector_load %arg9[%get3A_733, %get3A_734] {strides = array<i32>} : memref<20x512xf32, #tpu.memory_space<vmem>>, vector<1x16xf32>,
        %get3A_736 = vector.shape_cast %get3A_735 : vector<1x16xf32> to vector<16xf32>
        %lt3A_737 = arith.constant 0 : i32
        %lt3A_738 = vector.broadcast %lt3A_737 : i32 to vector<16xi32>
        %lt3A_739 = arith.cmpi slt, %broadcast_in_dim3A, %lt3A_738 : vector<16xi32>
        %add3A_740 = arith.constant 16 : i32
        %add3A_741 = vector.broadcast %add3A_740 : i32 to vector<16xi32>
        %add3A_742 = arith.addi %broadcast_in_dim3A, %add3A_741 : vector<16xi32>
        %select_n3A_743 = arith.select %lt3A_739, %add3A_742, %broadcast_in_dim3A : vector<16xi1>, vector<16xi32>
        %broadcast_in_dim3A_744 = vector.shape_cast %select_n3A_743 : vector<16xi32> to vector<16x1xi32>
        %gather3A_745 = vector.shape_cast %broadcast_in_dim3A_744 : vector<16x1xi32> to vector<16xi32>
        %gather3A_746 = tpu.dynamic_gather %get3A_736[%gather3A_745] in [0] : vector<16xf32>, vector<16xi32> -> vector<16xf32>
        %add3A_747 = arith.addf %add3A_705, %gather3A_746 : vector<16xf32>
        %add3A_748 = arith.constant 160 : i32
        %add3A_749 = arith.addi %add3A_748, %scan3A_508 : i32
        %get3A_750 = arith.index_cast %add3A_749 : i32 to index
        %get3A_751 = arith.constant 0 : index
        %get3A_752 = tpu.vector_load %arg12[%get3A_750, %get3A_751] {strides = array<i32>} : memref<640x64xf32, #tpu.memory_space<vmem>>, vector<1x16xf32>,
        %get3A_753 = vector.shape_cast %get3A_752 : vector<1x16xf32> to vector<16xf32>
        %mul3A_754 = arith.mulf %gather3A_746, %get3A_753 : vector<16xf32>
        %add3A_755 = arith.addf %add3A_713, %mul3A_754 : vector<16xf32>
        %get3A_756 = arith.index_cast %add3A_749 : i32 to index
        %get3A_757 = arith.constant 16 : index
        %get3A_758 = tpu.vector_load %arg12[%get3A_756, %get3A_757] {strides = array<i32>} : memref<640x64xf32, #tpu.memory_space<vmem>>, vector<1x16xf32>,
        %get3A_759 = vector.shape_cast %get3A_758 : vector<1x16xf32> to vector<16xf32>
        %mul3A_760 = arith.mulf %gather3A_746, %get3A_759 : vector<16xf32>
        %add3A_761 = arith.addf %add3A_719, %mul3A_760 : vector<16xf32>
        %get3A_762 = arith.index_cast %add3A_749 : i32 to index
        %get3A_763 = arith.constant 32 : index
        %get3A_764 = tpu.vector_load %arg12[%get3A_762, %get3A_763] {strides = array<i32>} : memref<640x64xf32, #tpu.memory_space<vmem>>, vector<1x16xf32>,
        %get3A_765 = vector.shape_cast %get3A_764 : vector<1x16xf32> to vector<16xf32>
        %mul3A_766 = arith.mulf %gather3A_746, %get3A_765 : vector<16xf32>
        %add3A_767 = arith.addf %add3A_725, %mul3A_766 : vector<16xf32>
        %get3A_768 = arith.index_cast %add3A_749 : i32 to index
        %get3A_769 = arith.constant 48 : index
        %get3A_770 = tpu.vector_load %arg12[%get3A_768, %get3A_769] {strides = array<i32>} : memref<640x64xf32, #tpu.memory_space<vmem>>, vector<1x16xf32>,
        %get3A_771 = vector.shape_cast %get3A_770 : vector<1x16xf32> to vector<16xf32>
        %mul3A_772 = arith.mulf %gather3A_746, %get3A_771 : vector<16xf32>
        %add3A_773 = arith.addf %add3A_731, %mul3A_772 : vector<16xf32>
        %get3A_774 = arith.constant 6 : i32
        %get3A_775 = arith.index_cast %get3A_774 : i32 to index
        %get3A_776 = arith.index_cast %add3A_512 : i32 to index
        %get3A_777 = tpu.vector_load %arg9[%get3A_775, %get3A_776] {strides = array<i32>} : memref<20x512xf32, #tpu.memory_space<vmem>>, vector<1x16xf32>,
        %get3A_778 = vector.shape_cast %get3A_777 : vector<1x16xf32> to vector<16xf32>
        %lt3A_779 = arith.constant 0 : i32
        %lt3A_780 = vector.broadcast %lt3A_779 : i32 to vector<16xi32>
        %lt3A_781 = arith.cmpi slt, %broadcast_in_dim3A, %lt3A_780 : vector<16xi32>
        %add3A_782 = arith.constant 16 : i32
        %add3A_783 = vector.broadcast %add3A_782 : i32 to vector<16xi32>
        %add3A_784 = arith.addi %broadcast_in_dim3A, %add3A_783 : vector<16xi32>
        %select_n3A_785 = arith.select %lt3A_781, %add3A_784, %broadcast_in_dim3A : vector<16xi1>, vector<16xi32>
        %broadcast_in_dim3A_786 = vector.shape_cast %select_n3A_785 : vector<16xi32> to vector<16x1xi32>
        %gather3A_787 = vector.shape_cast %broadcast_in_dim3A_786 : vector<16x1xi32> to vector<16xi32>
        %gather3A_788 = tpu.dynamic_gather %get3A_778[%gather3A_787] in [0] : vector<16xf32>, vector<16xi32> -> vector<16xf32>
        %add3A_789 = arith.addf %add3A_747, %gather3A_788 : vector<16xf32>
        %add3A_790 = arith.constant 192 : i32
        %add3A_791 = arith.addi %add3A_790, %scan3A_508 : i32
        %get3A_792 = arith.index_cast %add3A_791 : i32 to index
        %get3A_793 = arith.constant 0 : index
        %get3A_794 = tpu.vector_load %arg12[%get3A_792, %get3A_793] {strides = array<i32>} : memref<640x64xf32, #tpu.memory_space<vmem>>, vector<1x16xf32>,
        %get3A_795 = vector.shape_cast %get3A_794 : vector<1x16xf32> to vector<16xf32>
        %mul3A_796 = arith.mulf %gather3A_788, %get3A_795 : vector<16xf32>
        %add3A_797 = arith.addf %add3A_755, %mul3A_796 : vector<16xf32>
        %get3A_798 = arith.index_cast %add3A_791 : i32 to index
        %get3A_799 = arith.constant 16 : index
        %get3A_800 = tpu.vector_load %arg12[%get3A_798, %get3A_799] {strides = array<i32>} : memref<640x64xf32, #tpu.memory_space<vmem>>, vector<1x16xf32>,
        %get3A_801 = vector.shape_cast %get3A_800 : vector<1x16xf32> to vector<16xf32>
        %mul3A_802 = arith.mulf %gather3A_788, %get3A_801 : vector<16xf32>
        %add3A_803 = arith.addf %add3A_761, %mul3A_802 : vector<16xf32>
        %get3A_804 = arith.index_cast %add3A_791 : i32 to index
        %get3A_805 = arith.constant 32 : index
        %get3A_806 = tpu.vector_load %arg12[%get3A_804, %get3A_805] {strides = array<i32>} : memref<640x64xf32, #tpu.memory_space<vmem>>, vector<1x16xf32>,
        %get3A_807 = vector.shape_cast %get3A_806 : vector<1x16xf32> to vector<16xf32>
        %mul3A_808 = arith.mulf %gather3A_788, %get3A_807 : vector<16xf32>
        %add3A_809 = arith.addf %add3A_767, %mul3A_808 : vector<16xf32>
        %get3A_810 = arith.index_cast %add3A_791 : i32 to index
        %get3A_811 = arith.constant 48 : index
        %get3A_812 = tpu.vector_load %arg12[%get3A_810, %get3A_811] {strides = array<i32>} : memref<640x64xf32, #tpu.memory_space<vmem>>, vector<1x16xf32>,
        %get3A_813 = vector.shape_cast %get3A_812 : vector<1x16xf32> to vector<16xf32>
        %mul3A_814 = arith.mulf %gather3A_788, %get3A_813 : vector<16xf32>
        %add3A_815 = arith.addf %add3A_773, %mul3A_814 : vector<16xf32>
        %get3A_816 = arith.constant 7 : i32
        %get3A_817 = arith.index_cast %get3A_816 : i32 to index
        %get3A_818 = arith.index_cast %add3A_512 : i32 to index
        %get3A_819 = tpu.vector_load %arg9[%get3A_817, %get3A_818] {strides = array<i32>} : memref<20x512xf32, #tpu.memory_space<vmem>>, vector<1x16xf32>,
        %get3A_820 = vector.shape_cast %get3A_819 : vector<1x16xf32> to vector<16xf32>
        %lt3A_821 = arith.constant 0 : i32
        %lt3A_822 = vector.broadcast %lt3A_821 : i32 to vector<16xi32>
        %lt3A_823 = arith.cmpi slt, %broadcast_in_dim3A, %lt3A_822 : vector<16xi32>
        %add3A_824 = arith.constant 16 : i32
        %add3A_825 = vector.broadcast %add3A_824 : i32 to vector<16xi32>
        %add3A_826 = arith.addi %broadcast_in_dim3A, %add3A_825 : vector<16xi32>
        %select_n3A_827 = arith.select %lt3A_823, %add3A_826, %broadcast_in_dim3A : vector<16xi1>, vector<16xi32>
        %broadcast_in_dim3A_828 = vector.shape_cast %select_n3A_827 : vector<16xi32> to vector<16x1xi32>
        %gather3A_829 = vector.shape_cast %broadcast_in_dim3A_828 : vector<16x1xi32> to vector<16xi32>
        %gather3A_830 = tpu.dynamic_gather %get3A_820[%gather3A_829] in [0] : vector<16xf32>, vector<16xi32> -> vector<16xf32>
        %add3A_831 = arith.addf %add3A_789, %gather3A_830 : vector<16xf32>
        %add3A_832 = arith.constant 224 : i32
        %add3A_833 = arith.addi %add3A_832, %scan3A_508 : i32
        %get3A_834 = arith.index_cast %add3A_833 : i32 to index
        %get3A_835 = arith.constant 0 : index
        %get3A_836 = tpu.vector_load %arg12[%get3A_834, %get3A_835] {strides = array<i32>} : memref<640x64xf32, #tpu.memory_space<vmem>>, vector<1x16xf32>,
        %get3A_837 = vector.shape_cast %get3A_836 : vector<1x16xf32> to vector<16xf32>
        %mul3A_838 = arith.mulf %gather3A_830, %get3A_837 : vector<16xf32>
        %add3A_839 = arith.addf %add3A_797, %mul3A_838 : vector<16xf32>
        %get3A_840 = arith.index_cast %add3A_833 : i32 to index
        %get3A_841 = arith.constant 16 : index
        %get3A_842 = tpu.vector_load %arg12[%get3A_840, %get3A_841] {strides = array<i32>} : memref<640x64xf32, #tpu.memory_space<vmem>>, vector<1x16xf32>,
        %get3A_843 = vector.shape_cast %get3A_842 : vector<1x16xf32> to vector<16xf32>
        %mul3A_844 = arith.mulf %gather3A_830, %get3A_843 : vector<16xf32>
        %add3A_845 = arith.addf %add3A_803, %mul3A_844 : vector<16xf32>
        %get3A_846 = arith.index_cast %add3A_833 : i32 to index
        %get3A_847 = arith.constant 32 : index
        %get3A_848 = tpu.vector_load %arg12[%get3A_846, %get3A_847] {strides = array<i32>} : memref<640x64xf32, #tpu.memory_space<vmem>>, vector<1x16xf32>,
        %get3A_849 = vector.shape_cast %get3A_848 : vector<1x16xf32> to vector<16xf32>
        %mul3A_850 = arith.mulf %gather3A_830, %get3A_849 : vector<16xf32>
        %add3A_851 = arith.addf %add3A_809, %mul3A_850 : vector<16xf32>
        %get3A_852 = arith.index_cast %add3A_833 : i32 to index
        %get3A_853 = arith.constant 48 : index
        %get3A_854 = tpu.vector_load %arg12[%get3A_852, %get3A_853] {strides = array<i32>} : memref<640x64xf32, #tpu.memory_space<vmem>>, vector<1x16xf32>,
        %get3A_855 = vector.shape_cast %get3A_854 : vector<1x16xf32> to vector<16xf32>
        %mul3A_856 = arith.mulf %gather3A_830, %get3A_855 : vector<16xf32>
        %add3A_857 = arith.addf %add3A_815, %mul3A_856 : vector<16xf32>
        %get3A_858 = arith.constant 8 : i32
        %get3A_859 = arith.index_cast %get3A_858 : i32 to index
        %get3A_860 = arith.index_cast %add3A_512 : i32 to index
        %get3A_861 = tpu.vector_load %arg9[%get3A_859, %get3A_860] {strides = array<i32>} : memref<20x512xf32, #tpu.memory_space<vmem>>, vector<1x16xf32>,
        %get3A_862 = vector.shape_cast %get3A_861 : vector<1x16xf32> to vector<16xf32>
        %lt3A_863 = arith.constant 0 : i32
        %lt3A_864 = vector.broadcast %lt3A_863 : i32 to vector<16xi32>
        %lt3A_865 = arith.cmpi slt, %broadcast_in_dim3A, %lt3A_864 : vector<16xi32>
        %add3A_866 = arith.constant 16 : i32
        %add3A_867 = vector.broadcast %add3A_866 : i32 to vector<16xi32>
        %add3A_868 = arith.addi %broadcast_in_dim3A, %add3A_867 : vector<16xi32>
        %select_n3A_869 = arith.select %lt3A_865, %add3A_868, %broadcast_in_dim3A : vector<16xi1>, vector<16xi32>
        %broadcast_in_dim3A_870 = vector.shape_cast %select_n3A_869 : vector<16xi32> to vector<16x1xi32>
        %gather3A_871 = vector.shape_cast %broadcast_in_dim3A_870 : vector<16x1xi32> to vector<16xi32>
        %gather3A_872 = tpu.dynamic_gather %get3A_862[%gather3A_871] in [0] : vector<16xf32>, vector<16xi32> -> vector<16xf32>
        %add3A_873 = arith.addf %add3A_831, %gather3A_872 : vector<16xf32>
        %add3A_874 = arith.constant 256 : i32
        %add3A_875 = arith.addi %add3A_874, %scan3A_508 : i32
        %get3A_876 = arith.index_cast %add3A_875 : i32 to index
        %get3A_877 = arith.constant 0 : index
        %get3A_878 = tpu.vector_load %arg12[%get3A_876, %get3A_877] {strides = array<i32>} : memref<640x64xf32, #tpu.memory_space<vmem>>, vector<1x16xf32>,
        %get3A_879 = vector.shape_cast %get3A_878 : vector<1x16xf32> to vector<16xf32>
        %mul3A_880 = arith.mulf %gather3A_872, %get3A_879 : vector<16xf32>
        %add3A_881 = arith.addf %add3A_839, %mul3A_880 : vector<16xf32>
        %get3A_882 = arith.index_cast %add3A_875 : i32 to index
        %get3A_883 = arith.constant 16 : index
        %get3A_884 = tpu.vector_load %arg12[%get3A_882, %get3A_883] {strides = array<i32>} : memref<640x64xf32, #tpu.memory_space<vmem>>, vector<1x16xf32>,
        %get3A_885 = vector.shape_cast %get3A_884 : vector<1x16xf32> to vector<16xf32>
        %mul3A_886 = arith.mulf %gather3A_872, %get3A_885 : vector<16xf32>
        %add3A_887 = arith.addf %add3A_845, %mul3A_886 : vector<16xf32>
        %get3A_888 = arith.index_cast %add3A_875 : i32 to index
        %get3A_889 = arith.constant 32 : index
        %get3A_890 = tpu.vector_load %arg12[%get3A_888, %get3A_889] {strides = array<i32>} : memref<640x64xf32, #tpu.memory_space<vmem>>, vector<1x16xf32>,
        %get3A_891 = vector.shape_cast %get3A_890 : vector<1x16xf32> to vector<16xf32>
        %mul3A_892 = arith.mulf %gather3A_872, %get3A_891 : vector<16xf32>
        %add3A_893 = arith.addf %add3A_851, %mul3A_892 : vector<16xf32>
        %get3A_894 = arith.index_cast %add3A_875 : i32 to index
        %get3A_895 = arith.constant 48 : index
        %get3A_896 = tpu.vector_load %arg12[%get3A_894, %get3A_895] {strides = array<i32>} : memref<640x64xf32, #tpu.memory_space<vmem>>, vector<1x16xf32>,
        %get3A_897 = vector.shape_cast %get3A_896 : vector<1x16xf32> to vector<16xf32>
        %mul3A_898 = arith.mulf %gather3A_872, %get3A_897 : vector<16xf32>
        %add3A_899 = arith.addf %add3A_857, %mul3A_898 : vector<16xf32>
        %get3A_900 = arith.constant 9 : i32
        %get3A_901 = arith.index_cast %get3A_900 : i32 to index
        %get3A_902 = arith.index_cast %add3A_512 : i32 to index
        %get3A_903 = tpu.vector_load %arg9[%get3A_901, %get3A_902] {strides = array<i32>} : memref<20x512xf32, #tpu.memory_space<vmem>>, vector<1x16xf32>,
        %get3A_904 = vector.shape_cast %get3A_903 : vector<1x16xf32> to vector<16xf32>
        %lt3A_905 = arith.constant 0 : i32
        %lt3A_906 = vector.broadcast %lt3A_905 : i32 to vector<16xi32>
        %lt3A_907 = arith.cmpi slt, %broadcast_in_dim3A, %lt3A_906 : vector<16xi32>
        %add3A_908 = arith.constant 16 : i32
        %add3A_909 = vector.broadcast %add3A_908 : i32 to vector<16xi32>
        %add3A_910 = arith.addi %broadcast_in_dim3A, %add3A_909 : vector<16xi32>
        %select_n3A_911 = arith.select %lt3A_907, %add3A_910, %broadcast_in_dim3A : vector<16xi1>, vector<16xi32>
        %broadcast_in_dim3A_912 = vector.shape_cast %select_n3A_911 : vector<16xi32> to vector<16x1xi32>
        %gather3A_913 = vector.shape_cast %broadcast_in_dim3A_912 : vector<16x1xi32> to vector<16xi32>
        %gather3A_914 = tpu.dynamic_gather %get3A_904[%gather3A_913] in [0] : vector<16xf32>, vector<16xi32> -> vector<16xf32>
        %add3A_915 = arith.addf %add3A_873, %gather3A_914 : vector<16xf32>
        %add3A_916 = arith.constant 288 : i32
        %add3A_917 = arith.addi %add3A_916, %scan3A_508 : i32
        %get3A_918 = arith.index_cast %add3A_917 : i32 to index
        %get3A_919 = arith.constant 0 : index
        %get3A_920 = tpu.vector_load %arg12[%get3A_918, %get3A_919] {strides = array<i32>} : memref<640x64xf32, #tpu.memory_space<vmem>>, vector<1x16xf32>,
        %get3A_921 = vector.shape_cast %get3A_920 : vector<1x16xf32> to vector<16xf32>
        %mul3A_922 = arith.mulf %gather3A_914, %get3A_921 : vector<16xf32>
        %add3A_923 = arith.addf %add3A_881, %mul3A_922 : vector<16xf32>
        %get3A_924 = arith.index_cast %add3A_917 : i32 to index
        %get3A_925 = arith.constant 16 : index
        %get3A_926 = tpu.vector_load %arg12[%get3A_924, %get3A_925] {strides = array<i32>} : memref<640x64xf32, #tpu.memory_space<vmem>>, vector<1x16xf32>,
        %get3A_927 = vector.shape_cast %get3A_926 : vector<1x16xf32> to vector<16xf32>
        %mul3A_928 = arith.mulf %gather3A_914, %get3A_927 : vector<16xf32>
        %add3A_929 = arith.addf %add3A_887, %mul3A_928 : vector<16xf32>
        %get3A_930 = arith.index_cast %add3A_917 : i32 to index
        %get3A_931 = arith.constant 32 : index
        %get3A_932 = tpu.vector_load %arg12[%get3A_930, %get3A_931] {strides = array<i32>} : memref<640x64xf32, #tpu.memory_space<vmem>>, vector<1x16xf32>,
        %get3A_933 = vector.shape_cast %get3A_932 : vector<1x16xf32> to vector<16xf32>
        %mul3A_934 = arith.mulf %gather3A_914, %get3A_933 : vector<16xf32>
        %add3A_935 = arith.addf %add3A_893, %mul3A_934 : vector<16xf32>
        %get3A_936 = arith.index_cast %add3A_917 : i32 to index
        %get3A_937 = arith.constant 48 : index
        %get3A_938 = tpu.vector_load %arg12[%get3A_936, %get3A_937] {strides = array<i32>} : memref<640x64xf32, #tpu.memory_space<vmem>>, vector<1x16xf32>,
        %get3A_939 = vector.shape_cast %get3A_938 : vector<1x16xf32> to vector<16xf32>
        %mul3A_940 = arith.mulf %gather3A_914, %get3A_939 : vector<16xf32>
        %add3A_941 = arith.addf %add3A_899, %mul3A_940 : vector<16xf32>
        %get3A_942 = arith.constant 10 : i32
        %get3A_943 = arith.index_cast %get3A_942 : i32 to index
        %get3A_944 = arith.index_cast %add3A_512 : i32 to index
        %get3A_945 = tpu.vector_load %arg9[%get3A_943, %get3A_944] {strides = array<i32>} : memref<20x512xf32, #tpu.memory_space<vmem>>, vector<1x16xf32>,
        %get3A_946 = vector.shape_cast %get3A_945 : vector<1x16xf32> to vector<16xf32>
        %lt3A_947 = arith.constant 0 : i32
        %lt3A_948 = vector.broadcast %lt3A_947 : i32 to vector<16xi32>
        %lt3A_949 = arith.cmpi slt, %broadcast_in_dim3A, %lt3A_948 : vector<16xi32>
        %add3A_950 = arith.constant 16 : i32
        %add3A_951 = vector.broadcast %add3A_950 : i32 to vector<16xi32>
        %add3A_952 = arith.addi %broadcast_in_dim3A, %add3A_951 : vector<16xi32>
        %select_n3A_953 = arith.select %lt3A_949, %add3A_952, %broadcast_in_dim3A : vector<16xi1>, vector<16xi32>
        %broadcast_in_dim3A_954 = vector.shape_cast %select_n3A_953 : vector<16xi32> to vector<16x1xi32>
        %gather3A_955 = vector.shape_cast %broadcast_in_dim3A_954 : vector<16x1xi32> to vector<16xi32>
        %gather3A_956 = tpu.dynamic_gather %get3A_946[%gather3A_955] in [0] : vector<16xf32>, vector<16xi32> -> vector<16xf32>
        %add3A_957 = arith.addf %add3A_915, %gather3A_956 : vector<16xf32>
        %add3A_958 = arith.constant 320 : i32
        %add3A_959 = arith.addi %add3A_958, %scan3A_508 : i32
        %get3A_960 = arith.index_cast %add3A_959 : i32 to index
        %get3A_961 = arith.constant 0 : index
        %get3A_962 = tpu.vector_load %arg12[%get3A_960, %get3A_961] {strides = array<i32>} : memref<640x64xf32, #tpu.memory_space<vmem>>, vector<1x16xf32>,
        %get3A_963 = vector.shape_cast %get3A_962 : vector<1x16xf32> to vector<16xf32>
        %mul3A_964 = arith.mulf %gather3A_956, %get3A_963 : vector<16xf32>
        %add3A_965 = arith.addf %add3A_923, %mul3A_964 : vector<16xf32>
        %get3A_966 = arith.index_cast %add3A_959 : i32 to index
        %get3A_967 = arith.constant 16 : index
        %get3A_968 = tpu.vector_load %arg12[%get3A_966, %get3A_967] {strides = array<i32>} : memref<640x64xf32, #tpu.memory_space<vmem>>, vector<1x16xf32>,
        %get3A_969 = vector.shape_cast %get3A_968 : vector<1x16xf32> to vector<16xf32>
        %mul3A_970 = arith.mulf %gather3A_956, %get3A_969 : vector<16xf32>
        %add3A_971 = arith.addf %add3A_929, %mul3A_970 : vector<16xf32>
        %get3A_972 = arith.index_cast %add3A_959 : i32 to index
        %get3A_973 = arith.constant 32 : index
        %get3A_974 = tpu.vector_load %arg12[%get3A_972, %get3A_973] {strides = array<i32>} : memref<640x64xf32, #tpu.memory_space<vmem>>, vector<1x16xf32>,
        %get3A_975 = vector.shape_cast %get3A_974 : vector<1x16xf32> to vector<16xf32>
        %mul3A_976 = arith.mulf %gather3A_956, %get3A_975 : vector<16xf32>
        %add3A_977 = arith.addf %add3A_935, %mul3A_976 : vector<16xf32>
        %get3A_978 = arith.index_cast %add3A_959 : i32 to index
        %get3A_979 = arith.constant 48 : index
        %get3A_980 = tpu.vector_load %arg12[%get3A_978, %get3A_979] {strides = array<i32>} : memref<640x64xf32, #tpu.memory_space<vmem>>, vector<1x16xf32>,
        %get3A_981 = vector.shape_cast %get3A_980 : vector<1x16xf32> to vector<16xf32>
        %mul3A_982 = arith.mulf %gather3A_956, %get3A_981 : vector<16xf32>
        %add3A_983 = arith.addf %add3A_941, %mul3A_982 : vector<16xf32>
        %get3A_984 = arith.constant 11 : i32
        %get3A_985 = arith.index_cast %get3A_984 : i32 to index
        %get3A_986 = arith.index_cast %add3A_512 : i32 to index
        %get3A_987 = tpu.vector_load %arg9[%get3A_985, %get3A_986] {strides = array<i32>} : memref<20x512xf32, #tpu.memory_space<vmem>>, vector<1x16xf32>,
        %get3A_988 = vector.shape_cast %get3A_987 : vector<1x16xf32> to vector<16xf32>
        %lt3A_989 = arith.constant 0 : i32
        %lt3A_990 = vector.broadcast %lt3A_989 : i32 to vector<16xi32>
        %lt3A_991 = arith.cmpi slt, %broadcast_in_dim3A, %lt3A_990 : vector<16xi32>
        %add3A_992 = arith.constant 16 : i32
        %add3A_993 = vector.broadcast %add3A_992 : i32 to vector<16xi32>
        %add3A_994 = arith.addi %broadcast_in_dim3A, %add3A_993 : vector<16xi32>
        %select_n3A_995 = arith.select %lt3A_991, %add3A_994, %broadcast_in_dim3A : vector<16xi1>, vector<16xi32>
        %broadcast_in_dim3A_996 = vector.shape_cast %select_n3A_995 : vector<16xi32> to vector<16x1xi32>
        %gather3A_997 = vector.shape_cast %broadcast_in_dim3A_996 : vector<16x1xi32> to vector<16xi32>
        %gather3A_998 = tpu.dynamic_gather %get3A_988[%gather3A_997] in [0] : vector<16xf32>, vector<16xi32> -> vector<16xf32>
        %add3A_999 = arith.addf %add3A_957, %gather3A_998 : vector<16xf32>
        %add3A_1000 = arith.constant 352 : i32
        %add3A_1001 = arith.addi %add3A_1000, %scan3A_508 : i32
        %get3A_1002 = arith.index_cast %add3A_1001 : i32 to index
        %get3A_1003 = arith.constant 0 : index
        %get3A_1004 = tpu.vector_load %arg12[%get3A_1002, %get3A_1003] {strides = array<i32>} : memref<640x64xf32, #tpu.memory_space<vmem>>, vector<1x16xf32>,
        %get3A_1005 = vector.shape_cast %get3A_1004 : vector<1x16xf32> to vector<16xf32>
        %mul3A_1006 = arith.mulf %gather3A_998, %get3A_1005 : vector<16xf32>
        %add3A_1007 = arith.addf %add3A_965, %mul3A_1006 : vector<16xf32>
        %get3A_1008 = arith.index_cast %add3A_1001 : i32 to index
        %get3A_1009 = arith.constant 16 : index
        %get3A_1010 = tpu.vector_load %arg12[%get3A_1008, %get3A_1009] {strides = array<i32>} : memref<640x64xf32, #tpu.memory_space<vmem>>, vector<1x16xf32>,
        %get3A_1011 = vector.shape_cast %get3A_1010 : vector<1x16xf32> to vector<16xf32>
        %mul3A_1012 = arith.mulf %gather3A_998, %get3A_1011 : vector<16xf32>
        %add3A_1013 = arith.addf %add3A_971, %mul3A_1012 : vector<16xf32>
        %get3A_1014 = arith.index_cast %add3A_1001 : i32 to index
        %get3A_1015 = arith.constant 32 : index
        %get3A_1016 = tpu.vector_load %arg12[%get3A_1014, %get3A_1015] {strides = array<i32>} : memref<640x64xf32, #tpu.memory_space<vmem>>, vector<1x16xf32>,
        %get3A_1017 = vector.shape_cast %get3A_1016 : vector<1x16xf32> to vector<16xf32>
        %mul3A_1018 = arith.mulf %gather3A_998, %get3A_1017 : vector<16xf32>
        %add3A_1019 = arith.addf %add3A_977, %mul3A_1018 : vector<16xf32>
        %get3A_1020 = arith.index_cast %add3A_1001 : i32 to index
        %get3A_1021 = arith.constant 48 : index
        %get3A_1022 = tpu.vector_load %arg12[%get3A_1020, %get3A_1021] {strides = array<i32>} : memref<640x64xf32, #tpu.memory_space<vmem>>, vector<1x16xf32>,
        %get3A_1023 = vector.shape_cast %get3A_1022 : vector<1x16xf32> to vector<16xf32>
        %mul3A_1024 = arith.mulf %gather3A_998, %get3A_1023 : vector<16xf32>
        %add3A_1025 = arith.addf %add3A_983, %mul3A_1024 : vector<16xf32>
        %get3A_1026 = arith.constant 12 : i32
        %get3A_1027 = arith.index_cast %get3A_1026 : i32 to index
        %get3A_1028 = arith.index_cast %add3A_512 : i32 to index
        %get3A_1029 = tpu.vector_load %arg9[%get3A_1027, %get3A_1028] {strides = array<i32>} : memref<20x512xf32, #tpu.memory_space<vmem>>, vector<1x16xf32>,
        %get3A_1030 = vector.shape_cast %get3A_1029 : vector<1x16xf32> to vector<16xf32>
        %lt3A_1031 = arith.constant 0 : i32
        %lt3A_1032 = vector.broadcast %lt3A_1031 : i32 to vector<16xi32>
        %lt3A_1033 = arith.cmpi slt, %broadcast_in_dim3A, %lt3A_1032 : vector<16xi32>
        %add3A_1034 = arith.constant 16 : i32
        %add3A_1035 = vector.broadcast %add3A_1034 : i32 to vector<16xi32>
        %add3A_1036 = arith.addi %broadcast_in_dim3A, %add3A_1035 : vector<16xi32>
        %select_n3A_1037 = arith.select %lt3A_1033, %add3A_1036, %broadcast_in_dim3A : vector<16xi1>, vector<16xi32>
        %broadcast_in_dim3A_1038 = vector.shape_cast %select_n3A_1037 : vector<16xi32> to vector<16x1xi32>
        %gather3A_1039 = vector.shape_cast %broadcast_in_dim3A_1038 : vector<16x1xi32> to vector<16xi32>
        %gather3A_1040 = tpu.dynamic_gather %get3A_1030[%gather3A_1039] in [0] : vector<16xf32>, vector<16xi32> -> vector<16xf32>
        %add3A_1041 = arith.addf %add3A_999, %gather3A_1040 : vector<16xf32>
        %add3A_1042 = arith.constant 384 : i32
        %add3A_1043 = arith.addi %add3A_1042, %scan3A_508 : i32
        %get3A_1044 = arith.index_cast %add3A_1043 : i32 to index
        %get3A_1045 = arith.constant 0 : index
        %get3A_1046 = tpu.vector_load %arg12[%get3A_1044, %get3A_1045] {strides = array<i32>} : memref<640x64xf32, #tpu.memory_space<vmem>>, vector<1x16xf32>,
        %get3A_1047 = vector.shape_cast %get3A_1046 : vector<1x16xf32> to vector<16xf32>
        %mul3A_1048 = arith.mulf %gather3A_1040, %get3A_1047 : vector<16xf32>
        %add3A_1049 = arith.addf %add3A_1007, %mul3A_1048 : vector<16xf32>
        %get3A_1050 = arith.index_cast %add3A_1043 : i32 to index
        %get3A_1051 = arith.constant 16 : index
        %get3A_1052 = tpu.vector_load %arg12[%get3A_1050, %get3A_1051] {strides = array<i32>} : memref<640x64xf32, #tpu.memory_space<vmem>>, vector<1x16xf32>,
        %get3A_1053 = vector.shape_cast %get3A_1052 : vector<1x16xf32> to vector<16xf32>
        %mul3A_1054 = arith.mulf %gather3A_1040, %get3A_1053 : vector<16xf32>
        %add3A_1055 = arith.addf %add3A_1013, %mul3A_1054 : vector<16xf32>
        %get3A_1056 = arith.index_cast %add3A_1043 : i32 to index
        %get3A_1057 = arith.constant 32 : index
        %get3A_1058 = tpu.vector_load %arg12[%get3A_1056, %get3A_1057] {strides = array<i32>} : memref<640x64xf32, #tpu.memory_space<vmem>>, vector<1x16xf32>,
        %get3A_1059 = vector.shape_cast %get3A_1058 : vector<1x16xf32> to vector<16xf32>
        %mul3A_1060 = arith.mulf %gather3A_1040, %get3A_1059 : vector<16xf32>
        %add3A_1061 = arith.addf %add3A_1019, %mul3A_1060 : vector<16xf32>
        %get3A_1062 = arith.index_cast %add3A_1043 : i32 to index
        %get3A_1063 = arith.constant 48 : index
        %get3A_1064 = tpu.vector_load %arg12[%get3A_1062, %get3A_1063] {strides = array<i32>} : memref<640x64xf32, #tpu.memory_space<vmem>>, vector<1x16xf32>,
        %get3A_1065 = vector.shape_cast %get3A_1064 : vector<1x16xf32> to vector<16xf32>
        %mul3A_1066 = arith.mulf %gather3A_1040, %get3A_1065 : vector<16xf32>
        %add3A_1067 = arith.addf %add3A_1025, %mul3A_1066 : vector<16xf32>
        %get3A_1068 = arith.constant 13 : i32
        %get3A_1069 = arith.index_cast %get3A_1068 : i32 to index
        %get3A_1070 = arith.index_cast %add3A_512 : i32 to index
        %get3A_1071 = tpu.vector_load %arg9[%get3A_1069, %get3A_1070] {strides = array<i32>} : memref<20x512xf32, #tpu.memory_space<vmem>>, vector<1x16xf32>,
        %get3A_1072 = vector.shape_cast %get3A_1071 : vector<1x16xf32> to vector<16xf32>
        %lt3A_1073 = arith.constant 0 : i32
        %lt3A_1074 = vector.broadcast %lt3A_1073 : i32 to vector<16xi32>
        %lt3A_1075 = arith.cmpi slt, %broadcast_in_dim3A, %lt3A_1074 : vector<16xi32>
        %add3A_1076 = arith.constant 16 : i32
        %add3A_1077 = vector.broadcast %add3A_1076 : i32 to vector<16xi32>
        %add3A_1078 = arith.addi %broadcast_in_dim3A, %add3A_1077 : vector<16xi32>
        %select_n3A_1079 = arith.select %lt3A_1075, %add3A_1078, %broadcast_in_dim3A : vector<16xi1>, vector<16xi32>
        %broadcast_in_dim3A_1080 = vector.shape_cast %select_n3A_1079 : vector<16xi32> to vector<16x1xi32>
        %gather3A_1081 = vector.shape_cast %broadcast_in_dim3A_1080 : vector<16x1xi32> to vector<16xi32>
        %gather3A_1082 = tpu.dynamic_gather %get3A_1072[%gather3A_1081] in [0] : vector<16xf32>, vector<16xi32> -> vector<16xf32>
        %add3A_1083 = arith.addf %add3A_1041, %gather3A_1082 : vector<16xf32>
        %add3A_1084 = arith.constant 416 : i32
        %add3A_1085 = arith.addi %add3A_1084, %scan3A_508 : i32
        %get3A_1086 = arith.index_cast %add3A_1085 : i32 to index
        %get3A_1087 = arith.constant 0 : index
        %get3A_1088 = tpu.vector_load %arg12[%get3A_1086, %get3A_1087] {strides = array<i32>} : memref<640x64xf32, #tpu.memory_space<vmem>>, vector<1x16xf32>,
        %get3A_1089 = vector.shape_cast %get3A_1088 : vector<1x16xf32> to vector<16xf32>
        %mul3A_1090 = arith.mulf %gather3A_1082, %get3A_1089 : vector<16xf32>
        %add3A_1091 = arith.addf %add3A_1049, %mul3A_1090 : vector<16xf32>
        %get3A_1092 = arith.index_cast %add3A_1085 : i32 to index
        %get3A_1093 = arith.constant 16 : index
        %get3A_1094 = tpu.vector_load %arg12[%get3A_1092, %get3A_1093] {strides = array<i32>} : memref<640x64xf32, #tpu.memory_space<vmem>>, vector<1x16xf32>,
        %get3A_1095 = vector.shape_cast %get3A_1094 : vector<1x16xf32> to vector<16xf32>
        %mul3A_1096 = arith.mulf %gather3A_1082, %get3A_1095 : vector<16xf32>
        %add3A_1097 = arith.addf %add3A_1055, %mul3A_1096 : vector<16xf32>
        %get3A_1098 = arith.index_cast %add3A_1085 : i32 to index
        %get3A_1099 = arith.constant 32 : index
        %get3A_1100 = tpu.vector_load %arg12[%get3A_1098, %get3A_1099] {strides = array<i32>} : memref<640x64xf32, #tpu.memory_space<vmem>>, vector<1x16xf32>,
        %get3A_1101 = vector.shape_cast %get3A_1100 : vector<1x16xf32> to vector<16xf32>
        %mul3A_1102 = arith.mulf %gather3A_1082, %get3A_1101 : vector<16xf32>
        %add3A_1103 = arith.addf %add3A_1061, %mul3A_1102 : vector<16xf32>
        %get3A_1104 = arith.index_cast %add3A_1085 : i32 to index
        %get3A_1105 = arith.constant 48 : index
        %get3A_1106 = tpu.vector_load %arg12[%get3A_1104, %get3A_1105] {strides = array<i32>} : memref<640x64xf32, #tpu.memory_space<vmem>>, vector<1x16xf32>,
        %get3A_1107 = vector.shape_cast %get3A_1106 : vector<1x16xf32> to vector<16xf32>
        %mul3A_1108 = arith.mulf %gather3A_1082, %get3A_1107 : vector<16xf32>
        %add3A_1109 = arith.addf %add3A_1067, %mul3A_1108 : vector<16xf32>
        %get3A_1110 = arith.constant 14 : i32
        %get3A_1111 = arith.index_cast %get3A_1110 : i32 to index
        %get3A_1112 = arith.index_cast %add3A_512 : i32 to index
        %get3A_1113 = tpu.vector_load %arg9[%get3A_1111, %get3A_1112] {strides = array<i32>} : memref<20x512xf32, #tpu.memory_space<vmem>>, vector<1x16xf32>,
        %get3A_1114 = vector.shape_cast %get3A_1113 : vector<1x16xf32> to vector<16xf32>
        %lt3A_1115 = arith.constant 0 : i32
        %lt3A_1116 = vector.broadcast %lt3A_1115 : i32 to vector<16xi32>
        %lt3A_1117 = arith.cmpi slt, %broadcast_in_dim3A, %lt3A_1116 : vector<16xi32>
        %add3A_1118 = arith.constant 16 : i32
        %add3A_1119 = vector.broadcast %add3A_1118 : i32 to vector<16xi32>
        %add3A_1120 = arith.addi %broadcast_in_dim3A, %add3A_1119 : vector<16xi32>
        %select_n3A_1121 = arith.select %lt3A_1117, %add3A_1120, %broadcast_in_dim3A : vector<16xi1>, vector<16xi32>
        %broadcast_in_dim3A_1122 = vector.shape_cast %select_n3A_1121 : vector<16xi32> to vector<16x1xi32>
        %gather3A_1123 = vector.shape_cast %broadcast_in_dim3A_1122 : vector<16x1xi32> to vector<16xi32>
        %gather3A_1124 = tpu.dynamic_gather %get3A_1114[%gather3A_1123] in [0] : vector<16xf32>, vector<16xi32> -> vector<16xf32>
        %add3A_1125 = arith.addf %add3A_1083, %gather3A_1124 : vector<16xf32>
        %add3A_1126 = arith.constant 448 : i32
        %add3A_1127 = arith.addi %add3A_1126, %scan3A_508 : i32
        %get3A_1128 = arith.index_cast %add3A_1127 : i32 to index
        %get3A_1129 = arith.constant 0 : index
        %get3A_1130 = tpu.vector_load %arg12[%get3A_1128, %get3A_1129] {strides = array<i32>} : memref<640x64xf32, #tpu.memory_space<vmem>>, vector<1x16xf32>,
        %get3A_1131 = vector.shape_cast %get3A_1130 : vector<1x16xf32> to vector<16xf32>
        %mul3A_1132 = arith.mulf %gather3A_1124, %get3A_1131 : vector<16xf32>
        %add3A_1133 = arith.addf %add3A_1091, %mul3A_1132 : vector<16xf32>
        %get3A_1134 = arith.index_cast %add3A_1127 : i32 to index
        %get3A_1135 = arith.constant 16 : index
        %get3A_1136 = tpu.vector_load %arg12[%get3A_1134, %get3A_1135] {strides = array<i32>} : memref<640x64xf32, #tpu.memory_space<vmem>>, vector<1x16xf32>,
        %get3A_1137 = vector.shape_cast %get3A_1136 : vector<1x16xf32> to vector<16xf32>
        %mul3A_1138 = arith.mulf %gather3A_1124, %get3A_1137 : vector<16xf32>
        %add3A_1139 = arith.addf %add3A_1097, %mul3A_1138 : vector<16xf32>
        %get3A_1140 = arith.index_cast %add3A_1127 : i32 to index
        %get3A_1141 = arith.constant 32 : index
        %get3A_1142 = tpu.vector_load %arg12[%get3A_1140, %get3A_1141] {strides = array<i32>} : memref<640x64xf32, #tpu.memory_space<vmem>>, vector<1x16xf32>,
        %get3A_1143 = vector.shape_cast %get3A_1142 : vector<1x16xf32> to vector<16xf32>
        %mul3A_1144 = arith.mulf %gather3A_1124, %get3A_1143 : vector<16xf32>
        %add3A_1145 = arith.addf %add3A_1103, %mul3A_1144 : vector<16xf32>
        %get3A_1146 = arith.index_cast %add3A_1127 : i32 to index
        %get3A_1147 = arith.constant 48 : index
        %get3A_1148 = tpu.vector_load %arg12[%get3A_1146, %get3A_1147] {strides = array<i32>} : memref<640x64xf32, #tpu.memory_space<vmem>>, vector<1x16xf32>,
        %get3A_1149 = vector.shape_cast %get3A_1148 : vector<1x16xf32> to vector<16xf32>
        %mul3A_1150 = arith.mulf %gather3A_1124, %get3A_1149 : vector<16xf32>
        %add3A_1151 = arith.addf %add3A_1109, %mul3A_1150 : vector<16xf32>
        %get3A_1152 = arith.constant 15 : i32
        %get3A_1153 = arith.index_cast %get3A_1152 : i32 to index
        %get3A_1154 = arith.index_cast %add3A_512 : i32 to index
        %get3A_1155 = tpu.vector_load %arg9[%get3A_1153, %get3A_1154] {strides = array<i32>} : memref<20x512xf32, #tpu.memory_space<vmem>>, vector<1x16xf32>,
        %get3A_1156 = vector.shape_cast %get3A_1155 : vector<1x16xf32> to vector<16xf32>
        %lt3A_1157 = arith.constant 0 : i32
        %lt3A_1158 = vector.broadcast %lt3A_1157 : i32 to vector<16xi32>
        %lt3A_1159 = arith.cmpi slt, %broadcast_in_dim3A, %lt3A_1158 : vector<16xi32>
        %add3A_1160 = arith.constant 16 : i32
        %add3A_1161 = vector.broadcast %add3A_1160 : i32 to vector<16xi32>
        %add3A_1162 = arith.addi %broadcast_in_dim3A, %add3A_1161 : vector<16xi32>
        %select_n3A_1163 = arith.select %lt3A_1159, %add3A_1162, %broadcast_in_dim3A : vector<16xi1>, vector<16xi32>
        %broadcast_in_dim3A_1164 = vector.shape_cast %select_n3A_1163 : vector<16xi32> to vector<16x1xi32>
        %gather3A_1165 = vector.shape_cast %broadcast_in_dim3A_1164 : vector<16x1xi32> to vector<16xi32>
        %gather3A_1166 = tpu.dynamic_gather %get3A_1156[%gather3A_1165] in [0] : vector<16xf32>, vector<16xi32> -> vector<16xf32>
        %add3A_1167 = arith.addf %add3A_1125, %gather3A_1166 : vector<16xf32>
        %add3A_1168 = arith.constant 480 : i32
        %add3A_1169 = arith.addi %add3A_1168, %scan3A_508 : i32
        %get3A_1170 = arith.index_cast %add3A_1169 : i32 to index
        %get3A_1171 = arith.constant 0 : index
        %get3A_1172 = tpu.vector_load %arg12[%get3A_1170, %get3A_1171] {strides = array<i32>} : memref<640x64xf32, #tpu.memory_space<vmem>>, vector<1x16xf32>,
        %get3A_1173 = vector.shape_cast %get3A_1172 : vector<1x16xf32> to vector<16xf32>
        %mul3A_1174 = arith.mulf %gather3A_1166, %get3A_1173 : vector<16xf32>
        %add3A_1175 = arith.addf %add3A_1133, %mul3A_1174 : vector<16xf32>
        %get3A_1176 = arith.index_cast %add3A_1169 : i32 to index
        %get3A_1177 = arith.constant 16 : index
        %get3A_1178 = tpu.vector_load %arg12[%get3A_1176, %get3A_1177] {strides = array<i32>} : memref<640x64xf32, #tpu.memory_space<vmem>>, vector<1x16xf32>,
        %get3A_1179 = vector.shape_cast %get3A_1178 : vector<1x16xf32> to vector<16xf32>
        %mul3A_1180 = arith.mulf %gather3A_1166, %get3A_1179 : vector<16xf32>
        %add3A_1181 = arith.addf %add3A_1139, %mul3A_1180 : vector<16xf32>
        %get3A_1182 = arith.index_cast %add3A_1169 : i32 to index
        %get3A_1183 = arith.constant 32 : index
        %get3A_1184 = tpu.vector_load %arg12[%get3A_1182, %get3A_1183] {strides = array<i32>} : memref<640x64xf32, #tpu.memory_space<vmem>>, vector<1x16xf32>,
        %get3A_1185 = vector.shape_cast %get3A_1184 : vector<1x16xf32> to vector<16xf32>
        %mul3A_1186 = arith.mulf %gather3A_1166, %get3A_1185 : vector<16xf32>
        %add3A_1187 = arith.addf %add3A_1145, %mul3A_1186 : vector<16xf32>
        %get3A_1188 = arith.index_cast %add3A_1169 : i32 to index
        %get3A_1189 = arith.constant 48 : index
        %get3A_1190 = tpu.vector_load %arg12[%get3A_1188, %get3A_1189] {strides = array<i32>} : memref<640x64xf32, #tpu.memory_space<vmem>>, vector<1x16xf32>,
        %get3A_1191 = vector.shape_cast %get3A_1190 : vector<1x16xf32> to vector<16xf32>
        %mul3A_1192 = arith.mulf %gather3A_1166, %get3A_1191 : vector<16xf32>
        %add3A_1193 = arith.addf %add3A_1151, %mul3A_1192 : vector<16xf32>
        %get3A_1194 = arith.constant 16 : i32
        %get3A_1195 = arith.index_cast %get3A_1194 : i32 to index
        %get3A_1196 = arith.index_cast %add3A_512 : i32 to index
        %get3A_1197 = tpu.vector_load %arg9[%get3A_1195, %get3A_1196] {strides = array<i32>} : memref<20x512xf32, #tpu.memory_space<vmem>>, vector<1x16xf32>,
        %get3A_1198 = vector.shape_cast %get3A_1197 : vector<1x16xf32> to vector<16xf32>
        %lt3A_1199 = arith.constant 0 : i32
        %lt3A_1200 = vector.broadcast %lt3A_1199 : i32 to vector<16xi32>
        %lt3A_1201 = arith.cmpi slt, %broadcast_in_dim3A, %lt3A_1200 : vector<16xi32>
        %add3A_1202 = arith.constant 16 : i32
        %add3A_1203 = vector.broadcast %add3A_1202 : i32 to vector<16xi32>
        %add3A_1204 = arith.addi %broadcast_in_dim3A, %add3A_1203 : vector<16xi32>
        %select_n3A_1205 = arith.select %lt3A_1201, %add3A_1204, %broadcast_in_dim3A : vector<16xi1>, vector<16xi32>
        %broadcast_in_dim3A_1206 = vector.shape_cast %select_n3A_1205 : vector<16xi32> to vector<16x1xi32>
        %gather3A_1207 = vector.shape_cast %broadcast_in_dim3A_1206 : vector<16x1xi32> to vector<16xi32>
        %gather3A_1208 = tpu.dynamic_gather %get3A_1198[%gather3A_1207] in [0] : vector<16xf32>, vector<16xi32> -> vector<16xf32>
        %add3A_1209 = arith.addf %add3A_1167, %gather3A_1208 : vector<16xf32>
        %add3A_1210 = arith.constant 512 : i32
        %add3A_1211 = arith.addi %add3A_1210, %scan3A_508 : i32
        %get3A_1212 = arith.index_cast %add3A_1211 : i32 to index
        %get3A_1213 = arith.constant 0 : index
        %get3A_1214 = tpu.vector_load %arg12[%get3A_1212, %get3A_1213] {strides = array<i32>} : memref<640x64xf32, #tpu.memory_space<vmem>>, vector<1x16xf32>,
        %get3A_1215 = vector.shape_cast %get3A_1214 : vector<1x16xf32> to vector<16xf32>
        %mul3A_1216 = arith.mulf %gather3A_1208, %get3A_1215 : vector<16xf32>
        %add3A_1217 = arith.addf %add3A_1175, %mul3A_1216 : vector<16xf32>
        %get3A_1218 = arith.index_cast %add3A_1211 : i32 to index
        %get3A_1219 = arith.constant 16 : index
        %get3A_1220 = tpu.vector_load %arg12[%get3A_1218, %get3A_1219] {strides = array<i32>} : memref<640x64xf32, #tpu.memory_space<vmem>>, vector<1x16xf32>,
        %get3A_1221 = vector.shape_cast %get3A_1220 : vector<1x16xf32> to vector<16xf32>
        %mul3A_1222 = arith.mulf %gather3A_1208, %get3A_1221 : vector<16xf32>
        %add3A_1223 = arith.addf %add3A_1181, %mul3A_1222 : vector<16xf32>
        %get3A_1224 = arith.index_cast %add3A_1211 : i32 to index
        %get3A_1225 = arith.constant 32 : index
        %get3A_1226 = tpu.vector_load %arg12[%get3A_1224, %get3A_1225] {strides = array<i32>} : memref<640x64xf32, #tpu.memory_space<vmem>>, vector<1x16xf32>,
        %get3A_1227 = vector.shape_cast %get3A_1226 : vector<1x16xf32> to vector<16xf32>
        %mul3A_1228 = arith.mulf %gather3A_1208, %get3A_1227 : vector<16xf32>
        %add3A_1229 = arith.addf %add3A_1187, %mul3A_1228 : vector<16xf32>
        %get3A_1230 = arith.index_cast %add3A_1211 : i32 to index
        %get3A_1231 = arith.constant 48 : index
        %get3A_1232 = tpu.vector_load %arg12[%get3A_1230, %get3A_1231] {strides = array<i32>} : memref<640x64xf32, #tpu.memory_space<vmem>>, vector<1x16xf32>,
        %get3A_1233 = vector.shape_cast %get3A_1232 : vector<1x16xf32> to vector<16xf32>
        %mul3A_1234 = arith.mulf %gather3A_1208, %get3A_1233 : vector<16xf32>
        %add3A_1235 = arith.addf %add3A_1193, %mul3A_1234 : vector<16xf32>
        %get3A_1236 = arith.constant 17 : i32
        %get3A_1237 = arith.index_cast %get3A_1236 : i32 to index
        %get3A_1238 = arith.index_cast %add3A_512 : i32 to index
        %get3A_1239 = tpu.vector_load %arg9[%get3A_1237, %get3A_1238] {strides = array<i32>} : memref<20x512xf32, #tpu.memory_space<vmem>>, vector<1x16xf32>,
        %get3A_1240 = vector.shape_cast %get3A_1239 : vector<1x16xf32> to vector<16xf32>
        %lt3A_1241 = arith.constant 0 : i32
        %lt3A_1242 = vector.broadcast %lt3A_1241 : i32 to vector<16xi32>
        %lt3A_1243 = arith.cmpi slt, %broadcast_in_dim3A, %lt3A_1242 : vector<16xi32>
        %add3A_1244 = arith.constant 16 : i32
        %add3A_1245 = vector.broadcast %add3A_1244 : i32 to vector<16xi32>
        %add3A_1246 = arith.addi %broadcast_in_dim3A, %add3A_1245 : vector<16xi32>
        %select_n3A_1247 = arith.select %lt3A_1243, %add3A_1246, %broadcast_in_dim3A : vector<16xi1>, vector<16xi32>
        %broadcast_in_dim3A_1248 = vector.shape_cast %select_n3A_1247 : vector<16xi32> to vector<16x1xi32>
        %gather3A_1249 = vector.shape_cast %broadcast_in_dim3A_1248 : vector<16x1xi32> to vector<16xi32>
        %gather3A_1250 = tpu.dynamic_gather %get3A_1240[%gather3A_1249] in [0] : vector<16xf32>, vector<16xi32> -> vector<16xf32>
        %add3A_1251 = arith.addf %add3A_1209, %gather3A_1250 : vector<16xf32>
        %add3A_1252 = arith.constant 544 : i32
        %add3A_1253 = arith.addi %add3A_1252, %scan3A_508 : i32
        %get3A_1254 = arith.index_cast %add3A_1253 : i32 to index
        %get3A_1255 = arith.constant 0 : index
        %get3A_1256 = tpu.vector_load %arg12[%get3A_1254, %get3A_1255] {strides = array<i32>} : memref<640x64xf32, #tpu.memory_space<vmem>>, vector<1x16xf32>,
        %get3A_1257 = vector.shape_cast %get3A_1256 : vector<1x16xf32> to vector<16xf32>
        %mul3A_1258 = arith.mulf %gather3A_1250, %get3A_1257 : vector<16xf32>
        %add3A_1259 = arith.addf %add3A_1217, %mul3A_1258 : vector<16xf32>
        %get3A_1260 = arith.index_cast %add3A_1253 : i32 to index
        %get3A_1261 = arith.constant 16 : index
        %get3A_1262 = tpu.vector_load %arg12[%get3A_1260, %get3A_1261] {strides = array<i32>} : memref<640x64xf32, #tpu.memory_space<vmem>>, vector<1x16xf32>,
        %get3A_1263 = vector.shape_cast %get3A_1262 : vector<1x16xf32> to vector<16xf32>
        %mul3A_1264 = arith.mulf %gather3A_1250, %get3A_1263 : vector<16xf32>
        %add3A_1265 = arith.addf %add3A_1223, %mul3A_1264 : vector<16xf32>
        %get3A_1266 = arith.index_cast %add3A_1253 : i32 to index
        %get3A_1267 = arith.constant 32 : index
        %get3A_1268 = tpu.vector_load %arg12[%get3A_1266, %get3A_1267] {strides = array<i32>} : memref<640x64xf32, #tpu.memory_space<vmem>>, vector<1x16xf32>,
        %get3A_1269 = vector.shape_cast %get3A_1268 : vector<1x16xf32> to vector<16xf32>
        %mul3A_1270 = arith.mulf %gather3A_1250, %get3A_1269 : vector<16xf32>
        %add3A_1271 = arith.addf %add3A_1229, %mul3A_1270 : vector<16xf32>
        %get3A_1272 = arith.index_cast %add3A_1253 : i32 to index
        %get3A_1273 = arith.constant 48 : index
        %get3A_1274 = tpu.vector_load %arg12[%get3A_1272, %get3A_1273] {strides = array<i32>} : memref<640x64xf32, #tpu.memory_space<vmem>>, vector<1x16xf32>,
        %get3A_1275 = vector.shape_cast %get3A_1274 : vector<1x16xf32> to vector<16xf32>
        %mul3A_1276 = arith.mulf %gather3A_1250, %get3A_1275 : vector<16xf32>
        %add3A_1277 = arith.addf %add3A_1235, %mul3A_1276 : vector<16xf32>
        %get3A_1278 = arith.constant 18 : i32
        %get3A_1279 = arith.index_cast %get3A_1278 : i32 to index
        %get3A_1280 = arith.index_cast %add3A_512 : i32 to index
        %get3A_1281 = tpu.vector_load %arg9[%get3A_1279, %get3A_1280] {strides = array<i32>} : memref<20x512xf32, #tpu.memory_space<vmem>>, vector<1x16xf32>,
        %get3A_1282 = vector.shape_cast %get3A_1281 : vector<1x16xf32> to vector<16xf32>
        %lt3A_1283 = arith.constant 0 : i32
        %lt3A_1284 = vector.broadcast %lt3A_1283 : i32 to vector<16xi32>
        %lt3A_1285 = arith.cmpi slt, %broadcast_in_dim3A, %lt3A_1284 : vector<16xi32>
        %add3A_1286 = arith.constant 16 : i32
        %add3A_1287 = vector.broadcast %add3A_1286 : i32 to vector<16xi32>
        %add3A_1288 = arith.addi %broadcast_in_dim3A, %add3A_1287 : vector<16xi32>
        %select_n3A_1289 = arith.select %lt3A_1285, %add3A_1288, %broadcast_in_dim3A : vector<16xi1>, vector<16xi32>
        %broadcast_in_dim3A_1290 = vector.shape_cast %select_n3A_1289 : vector<16xi32> to vector<16x1xi32>
        %gather3A_1291 = vector.shape_cast %broadcast_in_dim3A_1290 : vector<16x1xi32> to vector<16xi32>
        %gather3A_1292 = tpu.dynamic_gather %get3A_1282[%gather3A_1291] in [0] : vector<16xf32>, vector<16xi32> -> vector<16xf32>
        %add3A_1293 = arith.addf %add3A_1251, %gather3A_1292 : vector<16xf32>
        %add3A_1294 = arith.constant 576 : i32
        %add3A_1295 = arith.addi %add3A_1294, %scan3A_508 : i32
        %get3A_1296 = arith.index_cast %add3A_1295 : i32 to index
        %get3A_1297 = arith.constant 0 : index
        %get3A_1298 = tpu.vector_load %arg12[%get3A_1296, %get3A_1297] {strides = array<i32>} : memref<640x64xf32, #tpu.memory_space<vmem>>, vector<1x16xf32>,
        %get3A_1299 = vector.shape_cast %get3A_1298 : vector<1x16xf32> to vector<16xf32>
        %mul3A_1300 = arith.mulf %gather3A_1292, %get3A_1299 : vector<16xf32>
        %add3A_1301 = arith.addf %add3A_1259, %mul3A_1300 : vector<16xf32>
        %get3A_1302 = arith.index_cast %add3A_1295 : i32 to index
        %get3A_1303 = arith.constant 16 : index
        %get3A_1304 = tpu.vector_load %arg12[%get3A_1302, %get3A_1303] {strides = array<i32>} : memref<640x64xf32, #tpu.memory_space<vmem>>, vector<1x16xf32>,
        %get3A_1305 = vector.shape_cast %get3A_1304 : vector<1x16xf32> to vector<16xf32>
        %mul3A_1306 = arith.mulf %gather3A_1292, %get3A_1305 : vector<16xf32>
        %add3A_1307 = arith.addf %add3A_1265, %mul3A_1306 : vector<16xf32>
        %get3A_1308 = arith.index_cast %add3A_1295 : i32 to index
        %get3A_1309 = arith.constant 32 : index
        %get3A_1310 = tpu.vector_load %arg12[%get3A_1308, %get3A_1309] {strides = array<i32>} : memref<640x64xf32, #tpu.memory_space<vmem>>, vector<1x16xf32>,
        %get3A_1311 = vector.shape_cast %get3A_1310 : vector<1x16xf32> to vector<16xf32>
        %mul3A_1312 = arith.mulf %gather3A_1292, %get3A_1311 : vector<16xf32>
        %add3A_1313 = arith.addf %add3A_1271, %mul3A_1312 : vector<16xf32>
        %get3A_1314 = arith.index_cast %add3A_1295 : i32 to index
        %get3A_1315 = arith.constant 48 : index
        %get3A_1316 = tpu.vector_load %arg12[%get3A_1314, %get3A_1315] {strides = array<i32>} : memref<640x64xf32, #tpu.memory_space<vmem>>, vector<1x16xf32>,
        %get3A_1317 = vector.shape_cast %get3A_1316 : vector<1x16xf32> to vector<16xf32>
        %mul3A_1318 = arith.mulf %gather3A_1292, %get3A_1317 : vector<16xf32>
        %add3A_1319 = arith.addf %add3A_1277, %mul3A_1318 : vector<16xf32>
        %get3A_1320 = arith.constant 19 : i32
        %get3A_1321 = arith.index_cast %get3A_1320 : i32 to index
        %get3A_1322 = arith.index_cast %add3A_512 : i32 to index
        %get3A_1323 = tpu.vector_load %arg9[%get3A_1321, %get3A_1322] {strides = array<i32>} : memref<20x512xf32, #tpu.memory_space<vmem>>, vector<1x16xf32>,
        %get3A_1324 = vector.shape_cast %get3A_1323 : vector<1x16xf32> to vector<16xf32>
        %lt3A_1325 = arith.constant 0 : i32
        %lt3A_1326 = vector.broadcast %lt3A_1325 : i32 to vector<16xi32>
        %lt3A_1327 = arith.cmpi slt, %broadcast_in_dim3A, %lt3A_1326 : vector<16xi32>
        %add3A_1328 = arith.constant 16 : i32
        %add3A_1329 = vector.broadcast %add3A_1328 : i32 to vector<16xi32>
        %add3A_1330 = arith.addi %broadcast_in_dim3A, %add3A_1329 : vector<16xi32>
        %select_n3A_1331 = arith.select %lt3A_1327, %add3A_1330, %broadcast_in_dim3A : vector<16xi1>, vector<16xi32>
        %broadcast_in_dim3A_1332 = vector.shape_cast %select_n3A_1331 : vector<16xi32> to vector<16x1xi32>
        %gather3A_1333 = vector.shape_cast %broadcast_in_dim3A_1332 : vector<16x1xi32> to vector<16xi32>
        %gather3A_1334 = tpu.dynamic_gather %get3A_1324[%gather3A_1333] in [0] : vector<16xf32>, vector<16xi32> -> vector<16xf32>
        %add3A_1335 = arith.addf %add3A_1293, %gather3A_1334 : vector<16xf32>
        %add3A_1336 = arith.constant 608 : i32
        %add3A_1337 = arith.addi %add3A_1336, %scan3A_508 : i32
        %get3A_1338 = arith.index_cast %add3A_1337 : i32 to index
        %get3A_1339 = arith.constant 0 : index
        %get3A_1340 = tpu.vector_load %arg12[%get3A_1338, %get3A_1339] {strides = array<i32>} : memref<640x64xf32, #tpu.memory_space<vmem>>, vector<1x16xf32>,
        %get3A_1341 = vector.shape_cast %get3A_1340 : vector<1x16xf32> to vector<16xf32>
        %mul3A_1342 = arith.mulf %gather3A_1334, %get3A_1341 : vector<16xf32>
        %add3A_1343 = arith.addf %add3A_1301, %mul3A_1342 : vector<16xf32>
        %get3A_1344 = arith.index_cast %add3A_1337 : i32 to index
        %get3A_1345 = arith.constant 16 : index
        %get3A_1346 = tpu.vector_load %arg12[%get3A_1344, %get3A_1345] {strides = array<i32>} : memref<640x64xf32, #tpu.memory_space<vmem>>, vector<1x16xf32>,
        %get3A_1347 = vector.shape_cast %get3A_1346 : vector<1x16xf32> to vector<16xf32>
        %mul3A_1348 = arith.mulf %gather3A_1334, %get3A_1347 : vector<16xf32>
        %add3A_1349 = arith.addf %add3A_1307, %mul3A_1348 : vector<16xf32>
        %get3A_1350 = arith.index_cast %add3A_1337 : i32 to index
        %get3A_1351 = arith.constant 32 : index
        %get3A_1352 = tpu.vector_load %arg12[%get3A_1350, %get3A_1351] {strides = array<i32>} : memref<640x64xf32, #tpu.memory_space<vmem>>, vector<1x16xf32>,
        %get3A_1353 = vector.shape_cast %get3A_1352 : vector<1x16xf32> to vector<16xf32>
        %mul3A_1354 = arith.mulf %gather3A_1334, %get3A_1353 : vector<16xf32>
        %add3A_1355 = arith.addf %add3A_1313, %mul3A_1354 : vector<16xf32>
        %get3A_1356 = arith.index_cast %add3A_1337 : i32 to index
        %get3A_1357 = arith.constant 48 : index
        %get3A_1358 = tpu.vector_load %arg12[%get3A_1356, %get3A_1357] {strides = array<i32>} : memref<640x64xf32, #tpu.memory_space<vmem>>, vector<1x16xf32>,
        %get3A_1359 = vector.shape_cast %get3A_1358 : vector<1x16xf32> to vector<16xf32>
        %mul3A_1360 = arith.mulf %gather3A_1334, %get3A_1359 : vector<16xf32>
        %add3A_1361 = arith.addf %add3A_1319, %mul3A_1360 : vector<16xf32>
        %add3A_1362 = arith.constant 9.99999993E-9 : f32
        %add3A_1363 = vector.broadcast %add3A_1362 : f32 to vector<16xf32>
        %add3A_1364 = arith.addf %add3A_1335, %add3A_1363 : vector<16xf32>
        %div3A = arith.constant 1.000000e+00 : f32
        %div3A_1365 = vector.broadcast %div3A : f32 to vector<16xf32>
        %div3A_1366 = arith.divf %div3A_1365, %add3A_1364 : vector<16xf32>
        %mul3A_1367 = arith.mulf %add3A_1343, %div3A_1366 : vector<16xf32>
        %swap3A = arith.index_cast %scan3A_508 : i32 to index
        %swap3A_1368 = arith.constant 0 : index
        %swap3A_1369 = tpu.vector_load %arg16[%swap3A, %swap3A_1368] {strides = array<i32>} : memref<32x64xf32, #tpu.memory_space<vmem>>, vector<1x16xf32>,
        %swap3A_1370 = vector.shape_cast %swap3A_1369 : vector<1x16xf32> to vector<16xf32>
        %swap3A_1371 = vector.shape_cast %mul3A_1367 : vector<16xf32> to vector<1x16xf32>
        tpu.vector_store %arg16[%swap3A, %swap3A_1368], %swap3A_1371 {strides = array<i32>} : memref<32x64xf32, #tpu.memory_space<vmem>>, vector<1x16xf32>,
        %mul3A_1372 = arith.mulf %add3A_1349, %div3A_1366 : vector<16xf32>
        %swap3A_1373 = arith.index_cast %scan3A_508 : i32 to index
        %swap3A_1374 = arith.constant 16 : index
        %swap3A_1375 = tpu.vector_load %arg16[%swap3A_1373, %swap3A_1374] {strides = array<i32>} : memref<32x64xf32, #tpu.memory_space<vmem>>, vector<1x16xf32>,
        %swap3A_1376 = vector.shape_cast %swap3A_1375 : vector<1x16xf32> to vector<16xf32>
        %swap3A_1377 = vector.shape_cast %mul3A_1372 : vector<16xf32> to vector<1x16xf32>
        tpu.vector_store %arg16[%swap3A_1373, %swap3A_1374], %swap3A_1377 {strides = array<i32>} : memref<32x64xf32, #tpu.memory_space<vmem>>, vector<1x16xf32>,
        %mul3A_1378 = arith.mulf %add3A_1355, %div3A_1366 : vector<16xf32>
        %swap3A_1379 = arith.index_cast %scan3A_508 : i32 to index
        %swap3A_1380 = arith.constant 32 : index
        %swap3A_1381 = tpu.vector_load %arg16[%swap3A_1379, %swap3A_1380] {strides = array<i32>} : memref<32x64xf32, #tpu.memory_space<vmem>>, vector<1x16xf32>,
        %swap3A_1382 = vector.shape_cast %swap3A_1381 : vector<1x16xf32> to vector<16xf32>
        %swap3A_1383 = vector.shape_cast %mul3A_1378 : vector<16xf32> to vector<1x16xf32>
        tpu.vector_store %arg16[%swap3A_1379, %swap3A_1380], %swap3A_1383 {strides = array<i32>} : memref<32x64xf32, #tpu.memory_space<vmem>>, vector<1x16xf32>,
        %mul3A_1384 = arith.mulf %add3A_1361, %div3A_1366 : vector<16xf32>
        %swap3A_1385 = arith.index_cast %scan3A_508 : i32 to index
        %swap3A_1386 = arith.constant 48 : index
        %swap3A_1387 = tpu.vector_load %arg16[%swap3A_1385, %swap3A_1386] {strides = array<i32>} : memref<32x64xf32, #tpu.memory_space<vmem>>, vector<1x16xf32>,
        %swap3A_1388 = vector.shape_cast %swap3A_1387 : vector<1x16xf32> to vector<16xf32>
        %swap3A_1389 = vector.shape_cast %mul3A_1384 : vector<16xf32> to vector<1x16xf32>
        tpu.vector_store %arg16[%swap3A_1385, %swap3A_1386], %swap3A_1389 {strides = array<i32>} : memref<32x64xf32, #tpu.memory_space<vmem>>, vector<1x16xf32>,
      }
      %scan3A_504 = arith.constant 32 : i32
      %mul3A_505 = arith.constant 32 : i32
      %mul3A_506 = arith.muli %add3A_498, %mul3A_505 : i32
      %add3A_507 = arith.addi %mul3A_2, %mul3A_506 : i32
      "tpu.region"() ({
        %run_scoped3A = tpu.sem_alloc : memref<!tpu.dma_semaphore, #tpu.memory_space<semaphore_mem>>
        %dma_start3A_508 = arith.constant 0 : i32
        %dma_start3A_509 = tpu.memref_slice %arg7[%add3A_507, %dma_start3A_508] : memref<16384x128xf32, #tpu.memory_space<hbm>> -> memref<32x64xf32, #tpu.memory_space<hbm>>
        %dma_start3A_510 = arith.constant 0 : i32
        %dma_start3A_511 = tpu.memref_slice %arg7[%add3A_507, %dma_start3A_510] : memref<16384x128xf32, #tpu.memory_space<hbm>> -> memref<32x64xf32, #tpu.memory_space<hbm>>
        tpu.enqueue_dma source(%arg14 : memref<32x64xf32, #tpu.memory_space<vmem>>) target(%dma_start3A_511 : memref<32x64xf32, #tpu.memory_space<hbm>>) target_semaphore(%run_scoped3A : memref<!tpu.dma_semaphore, #tpu.memory_space<semaphore_mem>>)
        %dma_wait3A_512 = arith.constant 0 : i32
        %dma_wait3A_513 = tpu.memref_slice %arg7[%add3A_507, %dma_wait3A_512] : memref<16384x128xf32, #tpu.memory_space<hbm>> -> memref<32x64xf32, #tpu.memory_space<hbm>>
        %dma_wait3A_514 = arith.constant 0 : i32
        %dma_wait3A_515 = tpu.memref_slice %arg7[%add3A_507, %dma_wait3A_514] : memref<16384x128xf32, #tpu.memory_space<hbm>> -> memref<32x64xf32, #tpu.memory_space<hbm>>
        tpu.wait_dma2 semaphore(%run_scoped3A : memref<!tpu.dma_semaphore, #tpu.memory_space<semaphore_mem>>) src(%arg14 : memref<32x64xf32, #tpu.memory_space<vmem>>) dst(%dma_wait3A_515 : memref<32x64xf32, #tpu.memory_space<hbm>>)
        tpu.yield
      }) : () -> ()
      "tpu.region"() ({
        %run_scoped3A = tpu.sem_alloc : memref<!tpu.dma_semaphore, #tpu.memory_space<semaphore_mem>>
        %dma_start3A_508 = arith.constant 64 : i32
        %dma_start3A_509 = tpu.memref_slice %arg7[%add3A_507, %dma_start3A_508] : memref<16384x128xf32, #tpu.memory_space<hbm>> -> memref<32x64xf32, #tpu.memory_space<hbm>>
        %dma_start3A_510 = arith.constant 64 : i32
        %dma_start3A_511 = tpu.memref_slice %arg7[%add3A_507, %dma_start3A_510] : memref<16384x128xf32, #tpu.memory_space<hbm>> -> memref<32x64xf32, #tpu.memory_space<hbm>>
        tpu.enqueue_dma source(%arg16 : memref<32x64xf32, #tpu.memory_space<vmem>>) target(%dma_start3A_511 : memref<32x64xf32, #tpu.memory_space<hbm>>) target_semaphore(%run_scoped3A : memref<!tpu.dma_semaphore, #tpu.memory_space<semaphore_mem>>)
        %dma_wait3A_512 = arith.constant 64 : i32
        %dma_wait3A_513 = tpu.memref_slice %arg7[%add3A_507, %dma_wait3A_512] : memref<16384x128xf32, #tpu.memory_space<hbm>> -> memref<32x64xf32, #tpu.memory_space<hbm>>
        %dma_wait3A_514 = arith.constant 64 : i32
        %dma_wait3A_515 = tpu.memref_slice %arg7[%add3A_507, %dma_wait3A_514] : memref<16384x128xf32, #tpu.memory_space<hbm>> -> memref<32x64xf32, #tpu.memory_space<hbm>>
        tpu.wait_dma2 semaphore(%run_scoped3A : memref<!tpu.dma_semaphore, #tpu.memory_space<semaphore_mem>>) src(%arg16 : memref<32x64xf32, #tpu.memory_space<vmem>>) dst(%dma_wait3A_515 : memref<32x64xf32, #tpu.memory_space<hbm>>)
        tpu.yield
      }) : () -> ()
    }
    %scan3A_230 = arith.constant 8 : i32
    return
  }
}

</mosaic_0001>

<sc_bundles>
// kernel: _sc_call.3.cloned.1.call-start
scs
__scs_entry_jumppad:
0x0: {  	(pc) =	sbr.rel $0x88, $3  }
0x1: {  	(tag) =	ssettag $0x0;
	lr =	simm.s32 $0x1  }
0x2: {  	[smem:$0x3F9C] =	sst lr;
	_ =	strace $0xD0000000  }
0x3: {  	_ = 	snop  }
0x4: {  	_ = 	snop  }
0x5: {  	_ = 	snop  }
0x6: {  	_ = 	snop  }
0x7: {  	_ = 	snop  }
__scs_overlays_trampoline_lowered:
0x8: {  	[smem:$0x3FAB] =	sst s0  }
0x9: {  	[smem:$0x3FAC] =	sst s1  }
0xa: {  	[smem:$0x3FAD] =	sst s2  }
0xb: {  	[smem:$0x3FAE] =	sst s3  }
0xc: {  	[smem:$0x3FAF] =	sst s4  }
0xd: {  	[smem:$0x3FB0] =	sst s5  }
0xe: {  	[smem:$0x3FB1] =	sst s6  }
0xf: {  	[smem:$0x3FB2] =	sst s7  }
0x10: {  	[smem:$0x3FB3] =	sst s8  }
0x11: {  	[smem:$0x3FB4] =	sst s9;
	s0 =	simm.s32 @!p0 $0x0  }
0x12: {  	s1 =	sld [smem:$0x3F9A];
	s0 =	simm.s32 @p0 $0x1  }
0x13: {  	[smem:$0x3FB5] =	sst s0;
	s0 =	simm.s32 @!p1 $0x0  }
0x14: {  	s2 =	sld [smem:$0x3F99];
	s0 =	simm.s32 @p1 $0x1  }
0x15: {  	[smem:$0x3FB6] =	sst s0;
	s0 =	simm.s32 @!p2 $0x0  }
0x16: {  	s3 =	sld [smem:$0x3FDB];
	s0 =	simm.s32 @p2 $0x1  }
0x17: {  	s4 =	simm.s32 $0x1BF5;
	[smem:$0x3FB8] =	sst s0  }
0x18: {  	s0 =	sld [smem:$0x3F9B];
	_ =	swait.ge [sflag:s4], $0x0  }
0x19: {  	s7 =	sld [smem:$0x3F9C]  }
0x1a: {  	s8 =	sadd.s32 $0xFFFFE003, lr  }
0x1b: {  	s9 =	sadd.s32 $0xFFFFFEF7, lr;
	s5 =	simm.s32 $0xFFFFFFFF;
	p2 =	slt.u32 s8, $0xFFFFF086  }
0x1c: {  	p1 =	slt.u32 s9, $0xF7A;
	s5 =	simm.s32 @!p2 $0x0  }
0x1d: {  	s5 =	simm.s32 @p1 $0x1;
	p0 =	seq.s32 s7, s2  }
0x1e: {  	s7 =	smul.u32 @!p0 $0xF7A, s2;
	p2 =	seq.s32 @!p0 s5, $0x0  }
0x1f: {  	s9 =	smul.u32 $0xF7A, s1;
	s8 =	simm.s32 @!p0 $0x1BF5;
	p2 =	por !p2, p0  }
0x20: {  	[sflag:s8] =	ssyncset.s32 @!p0 $0xFFFFF086;
	s6 =	sadd.s32 @!p0 s3, s7;
	s7 =	simm.s32 @!p0 $0x108  }
0x21: {  	s3 =	sadd.s32 s3, s9;
	s6 =	sadd.s32 @!p0 $0x88, s6;
	s7 =	simm.s32 @p2 $0x1082  }
0x22: {  	[simem:s7], [sflag:s8] =	dma.local @!p0 [hbm:s6], $0xF7A  }
0x23: {  	s9 =	sor.u32 $0xD0000000, s2;
	s6 =	simm.s32 $0x108;
	_ =	swait.ge @!p0 [sflag:s8], $0x0  }
0x24: {  	s3 =	sadd.s32 $0x88, s3;
	s6 =	simm.s32 @!p1 $0x1082;
	[sflag:s4] =	ssyncset.s32 $0xFFFFF086  }
0x25: {  	[simem:s6], [sflag:s4] =	dma.local [hbm:s3], $0xF7A  }
0x26: {  	[smem:$0x3F9C] =	sst s1;
	(tag) =	ssettag s2;
	_ =	strace s9  }
0x27: {  	s1 =	sld [smem:$0x3FAC]  }
0x28: {  	s2 =	sld [smem:$0x3FAD]  }
0x29: {  	s4 =	sld [smem:$0x3FAF]  }
0x2a: {  	p0 =	seq.s32 s5, $0x0;
	s5 =	sld [smem:$0x3FB0]  }
0x2b: {  	s6 =	sld [smem:$0x3FB1]  }
0x2c: {  	s7 =	sld [smem:$0x3FB2]  }
0x2d: {  	s3 =	simm.s32 $0x108;
	s8 =	sld [smem:$0x3FB3]  }
0x2e: {  	s3 =	simm.s32 @!p0 $0x1082;
	s9 =	sld [smem:$0x3FB4]  }
0x2f: {  	lr =	sadd.s32 s0, s3;
	s0 =	sld [smem:$0x3FAB]  }
0x30: {  	s3 =	sld [smem:$0x3FAE]  }
0x31: {  	[smem:$0x3FB7] =	sst s10  }
0x32: {  	s10 =	sld [smem:$0x3FB5];
	_ =	sdelay $0x3  }
0x33: {  	p0 =	seq.s32 s10, $0x1;
	s10 =	sld [smem:$0x3FB7];
	_ =	sdelay $0x3  }
0x34: {  	[smem:$0x3FB7] =	sst s10  }
0x35: {  	s10 =	sld [smem:$0x3FB6];
	_ =	sdelay $0x3  }
0x36: {  	p1 =	seq.s32 s10, $0x1;
	s10 =	sld [smem:$0x3FB7];
	_ =	sdelay $0x3  }
0x37: {  	[smem:$0x3FB7] =	sst s10  }
0x38: {  	s10 =	sld [smem:$0x3FB8]  }
0x39: {  	_ = 	snop;
	(pc) =	sbr.ind lr, $3  }
0x3a: {  	_ = 	snop  }
0x3b: {  	_ = 	snop  }
0x3c: {  	p2 =	seq.s32 s10, $0x1;
	s10 =	sld [smem:$0x3FB7]  }
0x3d: {  	_ =	shalt  }
0x3e: {  	_ =	shalt  }
0x3f: {  	_ =	shalt  }
0x40: {  	_ =	shalt  }
0x41: {  	_ =	shalt  }
0x42: {  	_ =	shalt  }
0x43: {  	_ =	shalt  }
0x44: {  	_ =	shalt  }
0x45: {  	_ =	shalt  }
0x46: {  	_ =	shalt  }
0x47: {  	_ =	shalt  }
0x48: {  	_ =	shalt  }
0x49: {  	_ =	shalt  }
0x4a: {  	_ =	shalt  }
0x4b: {  	_ =	shalt  }
0x4c: {  	_ =	shalt  }
0x4d: {  	_ =	shalt  }
0x4e: {  	_ =	shalt  }
0x4f: {  	_ =	shalt  }
0x50: {  	_ =	shalt  }
0x51: {  	_ =	shalt  }
0x52: {  	_ =	shalt  }
0x53: {  	_ =	shalt  }
0x54: {  	_ =	shalt  }
0x55: {  	_ =	shalt  }
0x56: {  	_ =	shalt  }
0x57: {  	_ =	shalt  }
0x58: {  	_ =	shalt  }
0x59: {  	_ =	shalt  }
0x5a: {  	_ =	shalt  }
0x5b: {  	_ =	shalt  }
0x5c: {  	_ =	shalt  }
0x5d: {  	_ =	shalt  }
0x5e: {  	_ =	shalt  }
0x5f: {  	_ =	shalt  }
0x60: {  	_ =	shalt  }
0x61: {  	_ =	shalt  }
0x62: {  	_ =	shalt  }
0x63: {  	_ =	shalt  }
0x64: {  	_ =	shalt  }
0x65: {  	_ =	shalt  }
0x66: {  	_ =	shalt  }
0x67: {  	_ =	shalt  }
0x68: {  	_ =	shalt  }
0x69: {  	_ =	shalt  }
0x6a: {  	_ =	shalt  }
0x6b: {  	_ =	shalt  }
0x6c: {  	_ =	shalt  }
0x6d: {  	_ =	shalt  }
0x6e: {  	_ =	shalt  }
0x6f: {  	_ =	shalt  }
0x70: {  	_ =	shalt  }
0x71: {  	_ =	shalt  }
0x72: {  	_ =	shalt  }
0x73: {  	_ =	shalt  }
0x74: {  	_ =	shalt  }
0x75: {  	_ =	shalt  }
0x76: {  	_ =	shalt  }
0x77: {  	_ =	shalt  }
0x78: {  	_ =	shalt  }
0x79: {  	_ =	shalt  }
0x7a: {  	_ =	shalt  }
0x7b: {  	_ =	shalt  }
0x7c: {  	_ =	shalt  }
0x7d: {  	_ =	shalt  }
0x7e: {  	_ =	shalt  }
0x7f: {  	_ =	shalt  }
0x80: {  	_ =	shalt  }
0x81: {  	_ =	shalt  }
0x82: {  	_ =	shalt  }
0x83: {  	_ =	shalt  }
0x84: {  	_ =	shalt  }
0x85: {  	_ =	shalt  }
0x86: {  	_ =	shalt  }
0x87: {  	_ =	shalt  }
.Lfunc_end0:
.L_simem_size_0:
called_computation_lowered:
.L_overlay_start_0:
0x88: {  	s2 =	sld [smem:$0x3FD9]  }
0x89: {  	s3 =	sld [smem:$0x3FFE];
	_ =	sdelay $0x1  }
0x8a: {  	s1 =	srdreg.scid  }
0x8b: {  	s0 =	sand.u32 $0x1, s1  }
0x8c: {  	s17 =	sshll.u32 s0, $0xA;
	s2 =	sadd.s32 s3, s2  }
0x8d: {  	s2 =	sadd.s32 s2, s17  }
0x8e: {  	[smem:$0x3FC3] =	sst s2  }
0x8f: {  	_ = 	snop  }
0x90: {  	s2 =	sld [smem:$0x3FC7]  }
0x91: {  	s18 =	sld [smem:$0x3FD0];
	(tm) =	ssettm $0x1  }
0x92: {  	s4 =	sld [smem:$0x3FFB];
	_ =	sdelay $0x3  }
0x93: {  	_ =	strace s4  }
0x94: {  	s4 =	sld [smem:$0x3FFC];
	_ =	sdelay $0x3  }
0x95: {  	_ =	strace s4  }
0x96: {  	s4 =	sld [smem:$0x3FFD];
	_ =	sdelay $0x3  }
0x97: {  	_ =	strace s4  }
0x98: {  	_ =	strace $0x8FFFFFFF  }
0x99: {  	s19 =	sld [smem:$0x3FDB];
	_ =	sdelay $0x1  }
0x9a: {  	s5 =	simm.s32 $_scs_section_size  }
0x9b: {  	s6 =	simm.s32 $_size__tile_overlayer_lowered;
	s7 =	simm.s32 $_tile_overlayer_lowered  }
0x9c: {  	s22 =	simm.s32 $0x1BFF;
	s21 =	sshll.u32 s7, $0x1;
	s4 =	sadd.s32 s5, s19  }
0x9d: {  	s8 =	simm.s32 $0x0;
	s20 =	sshll.u32 s6, $0x1;
	s6 =	sadd.s32 s21, s4  }
0x9e: {  	[timem:s8], [sflag:s22] =	dma.local [hbm:s6], s20  }
0x9f: {  	_ =	swait.ge [sflag:s22], s20  }
0xa0: {  	s5 =	ssub.s32 $0x0, s20;
	[sflag:s22] =	ssyncset.done $0x0  }
0xa1: {  	[sflag:s22] =	ssyncadd.s32 s5;
	_ =	sdelay $0x1  }
0xa2: {  	s23 =	simm.s32 $0x1B8B  }
0xa3: {  	_ =	swait.ge [sflag:s23], $0x1  }
0xa4: {  	[sflag:s23] =	ssyncset.done $0x0  }
0xa5: {  	s25 =	simm.s32 $0x1B8E;
	s24 =	sld [smem:$0x3FFE];
	[sflag:s23] =	ssyncadd.s32 $0xFFFFFFFF  }
0xa6: {  	s26 =	simm.s32 $execute0_lowered;
	[smem:$0x3FD2] =	sst s25  }
0xa7: {  	s6 =	sshll.u32 s26, $0x1;
	_ =	strace $0x80000046;
	[dreg:$0x1] =	wrdreg $0xFFFFFFFF  }
0xa8: {  	s28 =	simm.s32 $_size_execute0_lowered;
	s4 =	sadd.s32 s4, s6;
	[dreg:$0x0] =	wrdreg $0x0  }
0xa9: {  	s6 =	sshll.u32 s28, $0x1;
	[dreg:$0x2] =	wrdreg s4  }
0xaa: {  	[dreg:$0x3] =	wrdreg s6  }
0xab: {  	[dreg:$0x4] =	wrdreg $0xC0  }
0xac: {  	_ =	task [dreg:s8], $0x5FFFF  }
0xad: {  	[dreg:$0x1] =	wrdreg $0xFFFFFFFF  }
0xae: {  	[dreg:$0x0] =	wrdreg $0x60  }
0xaf: {  	[dreg:$0x2] =	wrdreg s24  }
0xb0: {  	[dreg:$0x3] =	wrdreg s2  }
0xb1: {  	[dreg:$0x4] =	wrdreg s18  }
0xb2: {  	[dreg:$0x5] =	wrdreg $0x9  }
0xb3: {  	_ =	task.clear_ibuf [dreg:s8], $0x6FFFF;
	_ =	strace $0x90000046  }
0xb4: {  	s29 =	simm.s32 $0x9;
	_ =	strace $0x80000048  }
0xb5: {  	_ =	swait.ge [sflag:s29], $0x1  }
0xb6: {  	[sflag:s29] =	ssyncadd.s32 $0xFFFFFFFF  }
0xb7: {  	_ =	strace $0x90000048  }
0xb8: {  	_ =	sfence  }
0xb9: {  	s30 =	sld [smem:$0x0];
	_ =	sdelay $0x2  }
0xba: {  	s31 =	sshll.u32 s1, $0xD;
	s1 =	sshrl.u32 s1, $0x2  }
0xbb: {  	s3 =	sand.u32 $0x4000, s31;
	s1 =	sadd.s32 s1, s30  }
0xbc: {  	s0 =	sor.u32 s3, s0;
	s1 =	sshll.u32 s1, $0x11  }
0xbd: {  	s0 =	sor.u32 s1, s0  }
0xbe: {  	s0 =	sadd.s32 $0x8F2B, s0  }
0xbf: {  	[sflag:s0] =	ssyncadd.remote.s32 $0x1  }
0xc0: {  	_ =	sfence.sel $0xFFFF  }
0xc1: {  	[dreg:$0x0] =	wrdreg $0xFFFFFFFF;
	(pc) =	sbr.abs _section_cstart, $3  }
0xc2: {  	[dreg:$0x1] =	wrdreg $0xFFFFFFFF  }
0xc3: {  	_ =	task.clear_ibuf [dreg:s8], $0x2FFFF;
	_ =	strace $0x9FFFFFFF  }
0xc4: {  	(tm) =	ssettm $0x7FFFFFFF  }
0xc5: {  	_ =	shalt  }
tec
execute0_lowered:
.L_overlay_start_1:
0x0: {  	(tag) =	ssettag $0x1  }
0x1: {  	s0 =	rddreg [dreg:$0x0]  }
0x2: {  	s1 =	rddreg [dreg:$0x1]  }
0x3: {  	s2 =	rddreg [dreg:$0x2];
	s3 =	srdreg.scid  }
0x4: {  	s4 =	stileid.u32;
	s6 =	simm.s32 $0x0;
	s18 =	simm.s32 $0x20  }
0x5: {  	s28 =	simm.s32 $0x19200;
	s12 =	simm.s32 $0x18A00;
	s13 =	simm.s32 $0x1  }
0x6: {  	s17 =	simm.s32 $0x3;
	s29 =	simm.s32 $0x40;
	s30 =	simm.s32 $0x80  }
0x7: {  	s31 =	simm.s32 $0x6;
	s15 =	simm.s32 $0x4;
	s19 =	simm.s32 $0x1AA00  }
0x8: {  	s16 =	simm.s32 $0x0;
	s3 =	sand.u32 $0x1, s3;
	s4 =	sshll.u32 s4, $0xA  }
0x9: {  	[smem:$0x7FF] =	sst s6;
	s6 =	sadd.s32 $0x14A00, s0;
	s11 =	sadd.s32 $0x8, s2  }
0xa: {  	s5 =	sshll.u32 s3, $0x9;
	_ =	strace $0x80000047;
	s3 =	ssub.s32 $0x2, s3  }
0xb: {  	s4 =	sor.u32 s5, s4;
	s5 =	sadd.s32 $0x187400, s0;
	s9 =	sshrl.u32 s3, $0x1  }
0xc: {  	s7 =	sshrl.u32 s4, $0x3;
	s24 =	ssub.s32 s3, s9;
	s10 =	sshll.u32 s4, $0x4  }
0xd: {  	s9 =	simm.s32 $0x18200;
	s3 =	simm.s32 $0x19A00;
	s1 =	sadd.s32 s1, s7  }
0xe: {  	s8 =	sadd.s32 s7, s0;
	s0 =	smax.u32 s24, $0x1;
	[dreg:$0x6] =	wrdreg s1  }
0xf: {  	s7 =	simm.s32 $0x17200;
	s25 =	sadd.s32 $0xAA00, s8;
	[dreg:$0x7] =	wrdreg s0  }
0x10: {  	s26 =	sadd.s32 $0xA00, s8;
	s8 =	simm.s32 $0x17A00;
	[dreg:$0x4] =	wrdreg s25  }
0x11: {  	s0 =	simm.s32 $0x1A200;
	s1 =	simm.s32 $0x2;
	[dreg:$0x5] =	wrdreg s26  }
.LBB2_1:
0x12: {  	[dreg:$0x8] =	wrdreg s16;
	s14 =	simm.s32 $0x0  }
0x13: {  	s22 =	rddreg [dreg:$0x4];
	s20 =	simm.s32 $0x200;
	s21 =	simm.s32 $0x4000  }
0x14: {  	[tilespmem:s14], [sflag:$0x5] =	stream.strided.gather [hbm4b:s22+s20], $0x2800, s21, s20, $0x38;
	[tilespmem:$0x1B200] =	vst v63  }
0x15: {  	s23 =	rddreg [dreg:$0x5];
	s22 =	simm.s32 $0x2800  }
0x16: {  	[tilespmem:s22], [sflag:$0x5] =	stream.strided.gather [hbm4b:s23+s20], $0x2800, s21, s20, $0x38;
	[tilespmem:$0x1B200] =	vst v63  }
0x17: {  	s24 =	rddreg [dreg:$0x6];
	s25 =	simm.s32 $0x5;
	s21 =	simm.s32 $0x5000  }
0x18: {  	[tilespmem:s21], [sflag:$0x5] =	stream.linear.gather [hbm4b:s24+s14], $0x200, $0x38;
	[tilespmem:$0x1B200] =	vst v63  }
0x19: {  	_ =	swait.ge [sflag:s25], $0x2800  }
0x1a: {  	[sflag:s25] =	ssyncset.done $0x0  }
0x1b: {  	[sflag:s25] =	ssyncadd.s32 $0xFFFFD800  }
0x1c: {  	_ =	swait.ge [sflag:s25], $0x2800  }
0x1d: {  	[sflag:s25] =	ssyncset.done $0x0  }
0x1e: {  	[sflag:s25] =	ssyncadd.s32 $0xFFFFD800  }
0x1f: {  	_ =	swait.ge [sflag:s25], $0x200  }
0x20: {  	[sflag:s25] =	ssyncset.done $0x0  }
0x21: {  	s26 =	simm.s32 $0x5200;
	[sflag:s25] =	ssyncadd.s32 $0xFFFFFE00  }
0x22: {  	[tilespmem:s26], [sflag:$0x1] =	stream.indirect.gather [hbm4b:s5+s18], $0x40, s14, s18, $0xb8;
	[tilespmem:$0x1B200] =	vst v63  }
0x23: {  	s16 =	simm.s32 $0x5A00  }
0x24: {  	[tilespmem:s16], [sflag:$0x1] =	stream.indirect.gather [hbm4b:s5+s18], $0x40, s20, s18, $0xb8;
	[tilespmem:$0x1B200] =	vst v63  }
0x25: {  	s22 =	simm.s32 $0x6200;
	s20 =	simm.s32 $0x400  }
0x26: {  	[tilespmem:s22], [sflag:$0x1] =	stream.indirect.gather [hbm4b:s5+s18], $0x40, s20, s18, $0xb8;
	[tilespmem:$0x1B200] =	vst v63  }
0x27: {  	s23 =	simm.s32 $0x600;
	s24 =	simm.s32 $0x6A00  }
0x28: {  	[tilespmem:s24], [sflag:$0x1] =	stream.indirect.gather [hbm4b:s5+s18], $0x40, s23, s18, $0xb8;
	[tilespmem:$0x1B200] =	vst v63  }
0x29: {  	s25 =	simm.s32 $0x800;
	s26 =	simm.s32 $0x7200  }
0x2a: {  	[tilespmem:s26], [sflag:$0x1] =	stream.indirect.gather [hbm4b:s5+s18], $0x40, s25, s18, $0xb8;
	[tilespmem:$0x1B200] =	vst v63  }
0x2b: {  	s20 =	simm.s32 $0xA00;
	s22 =	simm.s32 $0x7A00  }
0x2c: {  	[tilespmem:s22], [sflag:$0x1] =	stream.indirect.gather [hbm4b:s5+s18], $0x40, s20, s18, $0xb8;
	[tilespmem:$0x1B200] =	vst v63  }
0x2d: {  	s23 =	simm.s32 $0xC00;
	s24 =	simm.s32 $0x8200  }
0x2e: {  	[tilespmem:s24], [sflag:$0x1] =	stream.indirect.gather [hbm4b:s5+s18], $0x40, s23, s18, $0xb8;
	[tilespmem:$0x1B200] =	vst v63  }
0x2f: {  	s25 =	simm.s32 $0xE00;
	s26 =	simm.s32 $0x8A00  }
0x30: {  	[tilespmem:s26], [sflag:$0x1] =	stream.indirect.gather [hbm4b:s5+s18], $0x40, s25, s18, $0xb8;
	[tilespmem:$0x1B200] =	vst v63  }
0x31: {  	s20 =	simm.s32 $0x1000;
	s22 =	simm.s32 $0x9200  }
0x32: {  	[tilespmem:s22], [sflag:$0x1] =	stream.indirect.gather [hbm4b:s5+s18], $0x40, s20, s18, $0xb8;
	[tilespmem:$0x1B200] =	vst v63  }
0x33: {  	s23 =	simm.s32 $0x1200;
	s24 =	simm.s32 $0x9A00  }
0x34: {  	[tilespmem:s24], [sflag:$0x1] =	stream.indirect.gather [hbm4b:s5+s18], $0x40, s23, s18, $0xb8;
	[tilespmem:$0x1B200] =	vst v63  }
0x35: {  	s25 =	simm.s32 $0x1400;
	s26 =	simm.s32 $0xA200  }
0x36: {  	[tilespmem:s26], [sflag:$0x1] =	stream.indirect.gather [hbm4b:s5+s18], $0x40, s25, s18, $0xb8;
	[tilespmem:$0x1B200] =	vst v63  }
0x37: {  	s20 =	simm.s32 $0x1600;
	s22 =	simm.s32 $0xAA00  }
0x38: {  	[tilespmem:s22], [sflag:$0x1] =	stream.indirect.gather [hbm4b:s5+s18], $0x40, s20, s18, $0xb8;
	[tilespmem:$0x1B200] =	vst v63  }
0x39: {  	s23 =	simm.s32 $0x1800;
	s24 =	simm.s32 $0xB200  }
0x3a: {  	[tilespmem:s24], [sflag:$0x1] =	stream.indirect.gather [hbm4b:s5+s18], $0x40, s23, s18, $0xb8;
	[tilespmem:$0x1B200] =	vst v63  }
0x3b: {  	s25 =	simm.s32 $0x1A00;
	s26 =	simm.s32 $0xBA00  }
0x3c: {  	[tilespmem:s26], [sflag:$0x1] =	stream.indirect.gather [hbm4b:s5+s18], $0x40, s25, s18, $0xb8;
	[tilespmem:$0x1B200] =	vst v63  }
0x3d: {  	s20 =	simm.s32 $0x1C00;
	s22 =	simm.s32 $0xC200  }
0x3e: {  	[tilespmem:s22], [sflag:$0x1] =	stream.indirect.gather [hbm4b:s5+s18], $0x40, s20, s18, $0xb8;
	[tilespmem:$0x1B200] =	vst v63  }
0x3f: {  	s23 =	simm.s32 $0x1E00;
	s24 =	simm.s32 $0xCA00  }
0x40: {  	[tilespmem:s24], [sflag:$0x1] =	stream.indirect.gather [hbm4b:s5+s18], $0x40, s23, s18, $0xb8;
	[tilespmem:$0x1B200] =	vst v63  }
0x41: {  	s25 =	simm.s32 $0x2000;
	s26 =	simm.s32 $0xD200  }
0x42: {  	[tilespmem:s26], [sflag:$0x1] =	stream.indirect.gather [hbm4b:s5+s18], $0x40, s25, s18, $0xb8;
	[tilespmem:$0x1B200] =	vst v63  }
0x43: {  	s20 =	simm.s32 $0x2200;
	s22 =	simm.s32 $0xDA00  }
0x44: {  	[tilespmem:s22], [sflag:$0x1] =	stream.indirect.gather [hbm4b:s5+s18], $0x40, s20, s18, $0xb8;
	[tilespmem:$0x1B200] =	vst v63  }
0x45: {  	s23 =	simm.s32 $0x2400;
	s24 =	simm.s32 $0xE200  }
0x46: {  	[tilespmem:s24], [sflag:$0x1] =	stream.indirect.gather [hbm4b:s5+s18], $0x40, s23, s18, $0xb8;
	[tilespmem:$0x1B200] =	vst v63  }
0x47: {  	s25 =	simm.s32 $0x2600;
	s26 =	simm.s32 $0xEA00  }
0x48: {  	[tilespmem:s26], [sflag:$0x1] =	stream.indirect.gather [hbm4b:s5+s18], $0x40, s25, s18, $0xb8;
	[tilespmem:$0x1B200] =	vst v63  }
0x49: {  	s20 =	simm.s32 $0x0  }
0x4a: {  	[tilespmem:s28], [sflag:$0x3] =	stream.indirect.gather [hbm4b:s6+s18], $0x40, s21, s18, $0xb8;
	[tilespmem:$0x1B200] =	vst v63  }
.LBB2_2:
0x4b: {  	s22 =	sshll.u32 s20, $0x6  }
0x4c: {  	s14 =	simm.s32 $0xF200;
	s21 =	sor.u32 $0x20, s22  }
0x4d: {  	[tilespmem:s14], [sflag:$0x2] =	stream.indirect.gather [hbm4b:s5+s18], $0x40, s21, s18, $0xb8;
	[tilespmem:$0x1B200] =	vst v63  }
0x4e: {  	s16 =	simm.s32 $0xFA00;
	s24 =	sadd.s32 $0x220, s22  }
0x4f: {  	[tilespmem:s16], [sflag:$0x2] =	stream.indirect.gather [hbm4b:s5+s18], $0x40, s24, s18, $0xb8;
	[tilespmem:$0x1B200] =	vst v63  }
0x50: {  	s26 =	simm.s32 $0x10200;
	s25 =	sadd.s32 $0x420, s22  }
0x51: {  	[tilespmem:s26], [sflag:$0x2] =	stream.indirect.gather [hbm4b:s5+s18], $0x40, s25, s18, $0xb8;
	[tilespmem:$0x1B200] =	vst v63  }
0x52: {  	s23 =	sadd.s32 $0x620, s22;
	s24 =	simm.s32 $0x10A00  }
0x53: {  	[tilespmem:s24], [sflag:$0x2] =	stream.indirect.gather [hbm4b:s5+s18], $0x40, s23, s18, $0xb8;
	[tilespmem:$0x1B200] =	vst v63  }
0x54: {  	s25 =	sadd.s32 $0x820, s22;
	s26 =	simm.s32 $0x11200  }
0x55: {  	[tilespmem:s26], [sflag:$0x2] =	stream.indirect.gather [hbm4b:s5+s18], $0x40, s25, s18, $0xb8;
	[tilespmem:$0x1B200] =	vst v63  }
0x56: {  	s23 =	sadd.s32 $0xA20, s22;
	s24 =	simm.s32 $0x11A00  }
0x57: {  	[tilespmem:s24], [sflag:$0x2] =	stream.indirect.gather [hbm4b:s5+s18], $0x40, s23, s18, $0xb8;
	[tilespmem:$0x1B200] =	vst v63  }
0x58: {  	s25 =	sadd.s32 $0xC20, s22;
	s26 =	simm.s32 $0x12200  }
0x59: {  	[tilespmem:s26], [sflag:$0x2] =	stream.indirect.gather [hbm4b:s5+s18], $0x40, s25, s18, $0xb8;
	[tilespmem:$0x1B200] =	vst v63  }
0x5a: {  	s23 =	sadd.s32 $0xE20, s22;
	s24 =	simm.s32 $0x12A00  }
0x5b: {  	[tilespmem:s24], [sflag:$0x2] =	stream.indirect.gather [hbm4b:s5+s18], $0x40, s23, s18, $0xb8;
	[tilespmem:$0x1B200] =	vst v63  }
0x5c: {  	s25 =	sadd.s32 $0x1020, s22;
	s26 =	simm.s32 $0x13200  }
0x5d: {  	[tilespmem:s26], [sflag:$0x2] =	stream.indirect.gather [hbm4b:s5+s18], $0x40, s25, s18, $0xb8;
	[tilespmem:$0x1B200] =	vst v63  }
0x5e: {  	s23 =	sadd.s32 $0x1220, s22;
	s24 =	simm.s32 $0x13A00  }
0x5f: {  	[tilespmem:s24], [sflag:$0x2] =	stream.indirect.gather [hbm4b:s5+s18], $0x40, s23, s18, $0xb8;
	[tilespmem:$0x1B200] =	vst v63  }
0x60: {  	s25 =	sadd.s32 $0x1420, s22;
	s26 =	simm.s32 $0x14200  }
0x61: {  	[tilespmem:s26], [sflag:$0x2] =	stream.indirect.gather [hbm4b:s5+s18], $0x40, s25, s18, $0xb8;
	[tilespmem:$0x1B200] =	vst v63  }
0x62: {  	s23 =	sadd.s32 $0x1620, s22;
	s24 =	simm.s32 $0x14A00  }
0x63: {  	[tilespmem:s24], [sflag:$0x2] =	stream.indirect.gather [hbm4b:s5+s18], $0x40, s23, s18, $0xb8;
	[tilespmem:$0x1B200] =	vst v63  }
0x64: {  	s25 =	sadd.s32 $0x1820, s22;
	s26 =	simm.s32 $0x15200  }
0x65: {  	[tilespmem:s26], [sflag:$0x2] =	stream.indirect.gather [hbm4b:s5+s18], $0x40, s25, s18, $0xb8;
	[tilespmem:$0x1B200] =	vst v63  }
0x66: {  	s23 =	sadd.s32 $0x1A20, s22;
	s24 =	simm.s32 $0x15A00  }
0x67: {  	[tilespmem:s24], [sflag:$0x2] =	stream.indirect.gather [hbm4b:s5+s18], $0x40, s23, s18, $0xb8;
	[tilespmem:$0x1B200] =	vst v63  }
0x68: {  	s25 =	sadd.s32 $0x1C20, s22;
	s26 =	simm.s32 $0x16200  }
0x69: {  	[tilespmem:s26], [sflag:$0x2] =	stream.indirect.gather [hbm4b:s5+s18], $0x40, s25, s18, $0xb8;
	[tilespmem:$0x1B200] =	vst v63  }
0x6a: {  	s23 =	sadd.s32 $0x1E20, s22;
	s24 =	simm.s32 $0x16A00  }
0x6b: {  	[tilespmem:s24], [sflag:$0x2] =	stream.indirect.gather [hbm4b:s5+s18], $0x40, s23, s18, $0xb8;
	[tilespmem:$0x1B200] =	vst v63  }
0x6c: {  	s25 =	sadd.s32 $0x2020, s22  }
0x6d: {  	[tilespmem:s7], [sflag:$0x2] =	stream.indirect.gather [hbm4b:s5+s18], $0x40, s25, s18, $0xb8;
	[tilespmem:$0x1B200] =	vst v63  }
0x6e: {  	s26 =	sadd.s32 $0x2220, s22  }
0x6f: {  	[tilespmem:s8], [sflag:$0x2] =	stream.indirect.gather [hbm4b:s5+s18], $0x40, s26, s18, $0xb8;
	[tilespmem:$0x1B200] =	vst v63  }
0x70: {  	s16 =	sadd.s32 $0x2420, s22  }
0x71: {  	[tilespmem:s9], [sflag:$0x2] =	stream.indirect.gather [hbm4b:s5+s18], $0x40, s16, s18, $0xb8;
	[tilespmem:$0x1B200] =	vst v63  }
0x72: {  	s23 =	sadd.s32 $0x2620, s22  }
0x73: {  	[tilespmem:s12], [sflag:$0x2] =	stream.indirect.gather [hbm4b:s5+s18], $0x40, s23, s18, $0xb8;
	[tilespmem:$0x1B200] =	vst v63  }
0x74: {  	s24 =	sadd.s32 $0x5020, s22  }
0x75: {  	[tilespmem:s3], [sflag:$0x4] =	stream.indirect.gather [hbm4b:s6+s18], $0x40, s24, s18, $0xb8;
	[tilespmem:$0x1B200] =	vst v63  }
0x76: {  	_ =	swait.ge [sflag:s13], $0xA000  }
0x77: {  	[sflag:s13] =	ssyncset.done $0x0  }
0x78: {  	[sflag:s13] =	ssyncadd.s32 $0xFFFF6000  }
0x79: {  	_ =	swait.ge [sflag:s17], $0x800  }
0x7a: {  	[sflag:s17] =	ssyncset.done $0x0  }
0x7b: {  	s23 =	simm.s32 $0x0;
	[sflag:s17] =	ssyncadd.s32 $0xFFFFF800  }
0x7c: {  	v2 =	vld [tilespmem:s23+$0x7A30]  }
0x7d: {  	v8 =	vld [tilespmem:s23+$0x6210]  }
0x7e: {  	v3 =	vld [tilespmem:s23+$0x6220]  }
0x7f: {  	v9 =	vld [tilespmem:s23+$0x6230]  }
0x80: {  	v10 =	vld [tilespmem:s23+$0x6A20]  }
0x81: {  	v11 =	vld [tilespmem:s23+$0x6A10]  }
0x82: {  	v12 =	vld [tilespmem:s23+$0xA200]  }
0x83: {  	v13 =	vld [tilespmem:s23+$0xA230]  }
0x84: {  	v14 =	vld [tilespmem:s23+$0xA220]  }
0x85: {  	v15 =	vld [tilespmem:s23+$0x5A00]  }
0x86: {  	v16 =	vld [tilespmem:s23+$0xAA20]  }
0x87: {  	v1 =	vld [tilespmem:s23+$0xDA20]  }
0x88: {  	v6 =	vld [tilespmem:s23+$0xB230]  }
0x89: {  	v17 =	vld [tilespmem:s23+$0xAA30]  }
0x8a: {  	v18 =	vld [tilespmem:s23+$0x5A30]  }
0x8b: {  	s25 =	sadd.s32 $0x2800, s22;
	v7 =	vld [tilespmem:s23+$0xBA20]  }
0x8c: {  	v0 =	vmov s25;
	v19 =	vld [tilespmem:s23+$0x6200]  }
0x8d: {  	v20 =	vld [tilespmem:s23+$0xAA00]  }
0x8e: {  	v5 =	vld [tilespmem:s23+$0xB220]  }
0x8f: {  	s26 =	simm.s32 $0x0;
	v21 =	vld [tilespmem:s23+$0x9A30]  }
0x90: {  	s24 =	sand.u32 $0x10, s26;
	v22 =	vld [tilespmem:s23+$0x9A20]  }
0x91: {  	v23 =	vld.idx.msk [tilespmem:v0+s24+$0xA00 ss:$0x1], $0xffff  }
0x92: {  	v24 =	vld.idx.msk [tilespmem:v0+s24+$0x600 ss:$0x1], $0xffff  }
0x93: {  	v25 =	vld.idx.msk [tilespmem:v0+s24+$0x400 ss:$0x1], $0xffff  }
0x94: {  	v26 =	vld.idx.msk [tilespmem:v0+s24+$0x800 ss:$0x1], $0xffff  }
0x95: {  	v27 =	vld [tilespmem:s23+$0x6A30]  }
0x96: {  	v28 =	vld.idx.msk [tilespmem:v0+s24+$0x1400 ss:$0x1], $0xffff  }
0x97: {  	v29 =	vld [tilespmem:s23+$0x7200]  }
0x98: {  	v30 =	vld [tilespmem:s23+$0x7210]  }
0x99: {  	v37 =	vld.idx.msk [tilespmem:v0+s24+$0x0 ss:$0x1], $0xffff  }
0x9a: {  	s14 =	sand.u32 $0xF, s26;
	v57 =	vld.idx.msk [tilespmem:v0+s24+$0xE00 ss:$0x1], $0xffff  }
0x9b: {  	v4 =	vmov s14;
	v31 =	vld [tilespmem:s23+$0x7220]  }
0x9c: {  	v32 =	vld [tilespmem:s23+$0x7230];
	v24 =	vperm.xlane v24, v4  }
0x9d: {  	v33 =	vld.idx.msk [tilespmem:v0+s24+$0x1600 ss:$0x1], $0xffff;
	v25 =	vperm.xlane v25, v4;
	v26 =	vperm.xlane v26, v4  }
0x9e: {  	v34 =	vld [tilespmem:s23+$0x7A00];
	v23 =	vperm.xlane v23, v4;
	v37 =	vperm.xlane v37, v4  }
0x9f: {  	v35 =	vld [tilespmem:s23+$0x7A10];
	v53 =	vperm.xlane v57, v4;
	v27 =	vmul.f32 v27, v24  }
0xa0: {  	v39 =	vld [tilespmem:s23+$0x5230];
	v19 =	vmul.f32 v19, v25;
	v38 =	vmul.f32 v3, v25  }
0xa1: {  	v42 =	vld [tilespmem:s23+$0x5220];
	v29 =	vmul.f32 v29, v26;
	v3 =	vperm.xlane v28, v4  }
0xa2: {  	v43 =	vld.idx.msk [tilespmem:v0+s24+$0x1000 ss:$0x1], $0xffff;
	v28 =	vmul.f32 v9, v25;
	v40 =	vmul.f32 v10, v24  }
0xa3: {  	v49 =	vld [tilespmem:s23+$0x6A00];
	v41 =	vmul.f32 v8, v25;
	v31 =	vmul.f32 v31, v26  }
0xa4: {  	v55 =	vld.idx.msk [tilespmem:v0+s24+$0xC00 ss:$0x1], $0xffff;
	v32 =	vmul.f32 v32, v26;
	v11 =	vmul.f32 v11, v24  }
0xa5: {  	v62 =	vld [tilespmem:s23+$0x9200];
	v34 =	vmul.f32 v34, v23;
	v45 =	vmul.f32 v2, v23  }
0xa6: {  	v9 =	vld.idx.msk [tilespmem:v0+s24+$0x200 ss:$0x1], $0xffff;
	v2 =	vperm.xlane v33, v4;
	v10 =	vmul.f32 v35, v23  }
0xa7: {  	v8 =	vld [tilespmem:s23+$0x5200];
	v63 =	vmul.f32 v42, v37;
	v39 =	vmul.f32 v39, v37  }
0xa8: {  	v60 =	vld [tilespmem:s23+$0x8230];
	v42 =	vperm.xlane v43, v4;
	v59 =	vmul.f32 v49, v24  }
0xa9: {  	v49 =	vperm.xlane v55, v4;
	v44 =	vmul.f32 v12, v3;
	v12 =	vld [tilespmem:s23+$0x5210]  }
0xaa: {  	v46 =	vld [tilespmem:s23+$0x5A10];
	v47 =	vmul.f32 v13, v3;
	v33 =	vmul.f32 v62, v42  }
0xab: {  	v50 =	vld.idx.msk [tilespmem:v0+s24+$0x1200 ss:$0x1], $0xffff;
	v56 =	vadd.f32 $0.0e+00, v39;
	v17 =	vmul.f32 v17, v2;
	v20 =	vmul.f32 v20, v2  }
0xac: {  	v35 =	vadd.f32 $0.0e+00, v63;
	v62 =	vld [tilespmem:s23+$0x8A30];
	v13 =	vmul.f32 v8, v37;
	v48 =	vperm.xlane v9, v4  }
0xad: {  	v55 =	vmul.f32 v60, v49;
	v8 =	vmul.f32 v14, v3;
	v9 =	vadd.f32 $0.0e+00, v37;
	v14 =	vld [tilespmem:s23+$0x5A20]  }
0xae: {  	v60 =	vld.idx.msk [tilespmem:v0+s24+$0x1A00 ss:$0x1], $0xffff;
	v54 =	vadd.f32 $0.0e+00, v13;
	v15 =	vmul.f32 v15, v48;
	v12 =	vmul.f32 v12, v37  }
0xaf: {  	v61 =	vld [tilespmem:s23+$0x8A10];
	v51 =	vadd.f32 v48, v9;
	v13 =	vmul.f32 v30, v26;
	v9 =	vmul.f32 v16, v2  }
0xb0: {  	v16 =	vld [tilespmem:s23+$0x9220];
	v18 =	vmul.f32 v18, v48;
	v58 =	vmul.f32 v46, v48;
	v15 =	vadd.f32 v15, v54  }
0xb1: {  	v63 =	vld [tilespmem:s23+$0x8210];
	v57 =	vmul.f32 v62, v53;
	v25 =	vadd.f32 v25, v51;
	v12 =	vadd.f32 $0.0e+00, v12  }
0xb2: {  	v36 =	vld [tilespmem:s23+$0x7A20];
	v18 =	vadd.f32 v18, v56;
	v14 =	vmul.f32 v14, v48;
	v15 =	vadd.f32 v19, v15  }
0xb3: {  	v54 =	vld [tilespmem:s23+$0x8A00];
	v48 =	vperm.xlane v60, v4;
	v24 =	vadd.f32 v24, v25;
	v43 =	vadd.f32 v58, v12  }
0xb4: {  	v56 =	vld [tilespmem:s23+$0x8A20];
	v12 =	vperm.xlane v50, v4;
	v18 =	vadd.f32 v28, v18;
	v25 =	vmul.f32 v61, v53  }
0xb5: {  	v39 =	vld [tilespmem:s23+$0xBA00];
	v14 =	vadd.f32 v14, v35;
	v16 =	vmul.f32 v16, v42;
	v24 =	vadd.f32 v26, v24  }
0xb6: {  	v50 =	vld [tilespmem:s23+$0x8200];
	v15 =	vadd.f32 v59, v15;
	v52 =	vadd.f32 v41, v43;
	v26 =	vmul.f32 v63, v49  }
0xb7: {  	v51 =	vld [tilespmem:s23+$0x8220];
	v21 =	vmul.f32 v21, v12;
	v14 =	vadd.f32 v38, v14;
	v24 =	vadd.f32 v23, v24  }
0xb8: {  	v19 =	vld [tilespmem:s23+$0x9210];
	v62 =	vmul.f32 v54, v53;
	v37 =	vadd.f32 v11, v52;
	v11 =	vadd.f32 v27, v18  }
0xb9: {  	v58 =	vld.idx.msk [tilespmem:v0+s24+$0x1800 ss:$0x1], $0xffff;
	v28 =	vmul.f32 v56, v53;
	v15 =	vadd.f32 v29, v15;
	v14 =	vadd.f32 v40, v14  }
0xba: {  	v59 =	vld [tilespmem:s23+$0x9A00];
	v18 =	vmul.f32 v22, v12;
	v24 =	vadd.f32 v49, v24;
	v11 =	vadd.f32 v32, v11  }
0xbb: {  	v22 =	vld [tilespmem:s23+$0x9230];
	v30 =	vmul.f32 v50, v49;
	v15 =	vadd.f32 v34, v15;
	v13 =	vadd.f32 v13, v37  }
0xbc: {  	v61 =	vld [tilespmem:s23+$0xB200];
	v23 =	vmul.f32 v36, v23;
	v14 =	vadd.f32 v31, v14;
	v24 =	vadd.f32 v53, v24  }
0xbd: {  	v63 =	vld.idx.msk [tilespmem:v0+s24+$0x1C00 ss:$0x1], $0xffff;
	v29 =	vmul.f32 v51, v49;
	v11 =	vadd.f32 v45, v11;
	v15 =	vadd.f32 v30, v15  }
0xbe: {  	v41 =	vld [tilespmem:s23+$0xC220];
	v19 =	vmul.f32 v19, v42;
	v10 =	vadd.f32 v10, v13;
	v14 =	vadd.f32 v23, v14  }
0xbf: {  	v32 =	vmul.f32 v59, v12;
	v45 =	vld [tilespmem:s23+$0xBA30];
	v24 =	vadd.f32 v42, v24;
	v11 =	vadd.f32 v55, v11  }
0xc0: {  	v43 =	vld.idx.msk [tilespmem:v0+s24+$0x2000 ss:$0x1], $0xffff;
	v22 =	vmul.f32 v22, v42;
	v15 =	vadd.f32 v62, v15;
	v10 =	vadd.f32 v26, v10  }
0xc1: {  	v59 =	vld [tilespmem:s23+$0xA210];
	v42 =	vperm.xlane v58, v4;
	v14 =	vadd.f32 v29, v14;
	v24 =	vadd.f32 v12, v24  }
0xc2: {  	v54 =	vld [tilespmem:s23+$0xDA30];
	v30 =	vmul.f32 v39, v48;
	v11 =	vadd.f32 v57, v11;
	v15 =	vadd.f32 v33, v15  }
0xc3: {  	v56 =	vld [tilespmem:s23+$0xE230];
	v46 =	vmul.f32 v61, v42;
	v10 =	vadd.f32 v25, v10;
	v14 =	vadd.f32 v28, v14  }
0xc4: {  	v23 =	vld.idx.msk [tilespmem:v0+s24+$0x1E00 ss:$0x1], $0xffff;
	v53 =	vmul.f32 v45, v48;
	v24 =	vadd.f32 v3, v24;
	v11 =	vadd.f32 v22, v11  }
0xc5: {  	v51 =	vld.idx.msk [tilespmem:v0+s24+$0x2400 ss:$0x1], $0xffff;
	v15 =	vadd.f32 v32, v15;
	v22 =	vmul.f32 v5, v42;
	v5 =	vperm.xlane v63, v4  }
0xc6: {  	v50 =	vld [tilespmem:s23+$0xC230];
	v3 =	vmul.f32 v59, v3;
	v14 =	vadd.f32 v16, v14;
	v11 =	vadd.f32 v21, v11  }
0xc7: {  	v52 =	vld [tilespmem:s23+$0xCA30];
	v10 =	vadd.f32 v19, v10;
	v24 =	vadd.f32 v2, v24;
	v21 =	vmul.f32 v7, v48  }
0xc8: {  	v49 =	vld.idx.msk [tilespmem:v0+s24+$0x2200 ss:$0x1], $0xffff;
	v35 =	vmul.f32 v41, v5;
	v14 =	vadd.f32 v18, v14;
	v11 =	vadd.f32 v47, v11  }
0xc9: {  	v13 =	vld [tilespmem:s23+$0xE220];
	v15 =	vadd.f32 v44, v15;
	v7 =	vperm.xlane v23, v4;
	v23 =	vmul.f32 v6, v42  }
0xca: {  	v16 =	vld.idx.msk [tilespmem:v0+s24+$0x2600 ss:$0x1], $0xffff;
	v6 =	vperm.xlane v43, v4;
	v14 =	vadd.f32 v8, v14;
	v11 =	vadd.f32 v17, v11  }
0xcb: {  	v55 =	vmul.f32 v50, v5;
	v24 =	vadd.f32 v42, v24;
	v15 =	vadd.f32 v20, v15;
	v20 =	vld [tilespmem:s23+$0xD230]  }
0xcc: {  	v57 =	vmul.f32 v52, v7;
	v17 =	vld [tilespmem:s23+$0xC200];
	v14 =	vadd.f32 v9, v14;
	v11 =	vadd.f32 v23, v11  }
0xcd: {  	v18 =	vld [tilespmem:s23+$0xCA20];
	v8 =	vperm.xlane v49, v4;
	v24 =	vadd.f32 v48, v24;
	v15 =	vadd.f32 v46, v15  }
0xce: {  	v9 =	vperm.xlane v51, v4;
	v23 =	vld [tilespmem:s23+$0xCA00];
	v14 =	vadd.f32 v22, v14;
	v11 =	vadd.f32 v53, v11  }
0xcf: {  	v60 =	vmul.f32 v54, v8;
	v24 =	vadd.f32 v5, v24;
	v15 =	vadd.f32 v30, v15;
	v22 =	vld [tilespmem:s23+$0xD220]  }
0xd0: {  	v58 =	vld [tilespmem:s23+$0xD200];
	v20 =	vmul.f32 v20, v6;
	v14 =	vadd.f32 v21, v14;
	v30 =	vadd.f32 v55, v11  }
0xd1: {  	v62 =	vld [tilespmem:s23+$0xEA00];
	v24 =	vadd.f32 v7, v24;
	v11 =	vperm.xlane v16, v4;
	v4 =	vmul.f32 v17, v5  }
0xd2: {  	v16 =	vld [tilespmem:s23+$0xDA00];
	v17 =	vmul.f32 v18, v7;
	v14 =	vadd.f32 v35, v14;
	v21 =	vadd.f32 v57, v30  }
0xd3: {  	v24 =	vadd.f32 v6, v24;
	v4 =	vadd.f32 v4, v15;
	v15 =	vmul.f32 v23, v7;
	v23 =	vld [tilespmem:s23+$0x9A10]  }
0xd4: {  	v61 =	vld [tilespmem:s23+$0xE200];
	v14 =	vadd.f32 v17, v14;
	v17 =	vmul.f32 v22, v6;
	v20 =	vadd.f32 v20, v21  }
0xd5: {  	v63 =	vld [tilespmem:s23+$0xAA10];
	v24 =	vadd.f32 v8, v24;
	v4 =	vadd.f32 v15, v4;
	v15 =	vmul.f32 v58, v6  }
0xd6: {  	v22 =	vld [tilespmem:s23+$0xEA30];
	v21 =	vmul.f32 v56, v9;
	v14 =	vadd.f32 v17, v14;
	v20 =	vadd.f32 v60, v20  }
0xd7: {  	v4 =	vadd.f32 v15, v4;
	v15 =	vmul.f32 v16, v8;
	v16 =	vmul.f32 v1, v8;
	v1 =	vld [tilespmem:s23+$0xD210]  }
0xd8: {  	v18 =	vadd.f32 v9, v24;
	v12 =	vmul.f32 v23, v12;
	v17 =	vadd.f32 v21, v20;
	v20 =	vld [tilespmem:s23+$0xB210]  }
0xd9: {  	v4 =	vadd.f32 v15, v4;
	v15 =	vmul.f32 v61, v9;
	v19 =	vadd.f32 v16, v14;
	v21 =	vld [tilespmem:s23+$0xBA10]  }
0xda: {  	v13 =	vmul.f32 v13, v9;
	v14 =	vadd.f32 v11, v18;
	v16 =	vld [tilespmem:s23+$0xC210];
	v10 =	vadd.f32 v12, v10  }
0xdb: {  	v18 =	vmul.f32 v22, v11;
	v22 =	vmul.f32 v62, v11;
	v12 =	vld [tilespmem:s23+$0xEA10];
	v15 =	vadd.f32 v15, v4  }
0xdc: {  	v4 =	vadd.f32 v13, v19;
	v19 =	vmul.f32 v63, v2;
	v13 =	vld [tilespmem:s23+$0xEA20];
	v23 =	vadd.f32 v3, v10  }
0xdd: {  	v2 =	vld [tilespmem:s23+$0xCA10];
	v3 =	vadd.f32 v18, v17;
	v10 =	vadd.f32 v22, v15  }
0xde: {  	s25 =	simm.s32 $0x1;
	s24 =	simm.s32 $0x100;
	v15 =	vld [tilespmem:s23+$0xE210];
	v17 =	vmul.f32 v20, v42;
	v20 =	vadd.f32 v19, v23;
	v18 =	vmul.f32 v21, v48  }
.LBB2_3:
0xdf: {  	s14 =	sshra.s32 s24, $0x2;
	p0 =	sne.s32 s24, $0x1F00;
	s24 =	sadd.s32 $0x100, s24;
	v19 =	vld [tilespmem:s23+$0xDA10]  }
0xe0: {  	s26 =	sand.u32 $0x10, s25;
	v21 =	vld [tilespmem:s14+$0x7A30];
	v17 =	vadd.f32 v17, v20;
	v5 =	vmul.f32 v16, v5  }
0xe1: {  	v20 =	vld [tilespmem:s14+$0x6210]  }
0xe2: {  	v22 =	vld [tilespmem:s14+$0x6220];
	v16 =	vadd.f32 v18, v17;
	v2 =	vmul.f32 v2, v7;
	v7 =	vadd.f32 $9.999999930e-09, v14  }
0xe3: {  	v14 =	vld [tilespmem:s14+$0x6230]  }
0xe4: {  	v1 =	vmul.f32 v1, v6;
	v18 =	vld [tilespmem:s14+$0x6A20];
	v5 =	vadd.f32 v5, v16;
	(erf) = vrcp.f32 v7  }
0xe5: {  	v23 =	vld [tilespmem:s14+$0x6A10]  }
0xe6: {  	v24 =	vld [tilespmem:s14+$0xA200];
	v2 =	vadd.f32 v2, v5  }
0xe7: {  	v25 =	vld [tilespmem:s14+$0xA230]  }
0xe8: {  	s16 =	sand.u32 $0xF, s25;
	v5 =	vmul.f32 v19, v8;
	v26 =	vld [tilespmem:s14+$0xA220];
	v1 =	vadd.f32 v1, v2  }
0xe9: {  	v2 =	vmov s16;
	v19 =	vld [tilespmem:s14+$0x5A00]  }
0xea: {  	v7 =	vmul.f32 v15, v9;
	v27 =	vld [tilespmem:s14+$0xAA20];
	v5 =	vadd.f32 v5, v1  }
0xeb: {  	v9 =	vmul.f32 v13, v11;
	v1 =	vld [tilespmem:s14+$0xDA20]  }
0xec: {  	v6 =	vld [tilespmem:s14+$0xB230];
	v5 =	vadd.f32 v7, v5;
	v7 =	vmul.f32 v12, v11  }
0xed: {  	v4 =	vadd.f32 v9, v4;
	v13 =	vld [tilespmem:s14+$0xAA30];
	v8 =	vpop (erf)  }
0xee: {  	v28 =	vld [tilespmem:s14+$0x5A30];
	v5 =	vadd.f32 v7, v5;
	v9 =	vmul.f32 v8, v10  }
0xef: {  	v4 =	vmul.f32 v4, v8;
	v3 =	vmul.f32 v3, v8;
	v7 =	vld [tilespmem:s14+$0xBA20]  }
0xf0: {  	v10 =	vld [tilespmem:s14+$0x6200];
	v8 =	vmul.f32 v5, v8  }
0xf1: {  	v17 =	vld [tilespmem:s14+$0xAA00];
	[tilespmem:s23+$0x1A230] =	vst v3  }
0xf2: {  	v5 =	vld [tilespmem:s14+$0xB220];
	[tilespmem:s23+$0x1A200] =	vst v9  }
0xf3: {  	v15 =	vld [tilespmem:s14+$0x9A30];
	[tilespmem:s23+$0x1A220] =	vst v4  }
0xf4: {  	v16 =	vld [tilespmem:s14+$0x9A20];
	[tilespmem:s23+$0x1A210] =	vst v8;
	s23 =	smov.u32 s14  }
0xf5: {  	v3 =	vld.idx.msk [tilespmem:v0+s26+$0xA00 ss:$0x1], $0xffff  }
0xf6: {  	v4 =	vld.idx.msk [tilespmem:v0+s26+$0x600 ss:$0x1], $0xffff  }
0xf7: {  	v8 =	vld.idx.msk [tilespmem:v0+s26+$0x400 ss:$0x1], $0xffff  }
0xf8: {  	v9 =	vld.idx.msk [tilespmem:v0+s26+$0x800 ss:$0x1], $0xffff  }
0xf9: {  	v11 =	vld [tilespmem:s23+$0x6A30]  }
0xfa: {  	v12 =	vld.idx.msk [tilespmem:v0+s26+$0x1400 ss:$0x1], $0xffff  }
0xfb: {  	v29 =	vld [tilespmem:s23+$0x7200]  }
0xfc: {  	v30 =	vperm.xlane v4, v2;
	v31 =	vld [tilespmem:s23+$0x7210]  }
0xfd: {  	v32 =	vperm.xlane v8, v2;
	v8 =	vld [tilespmem:s23+$0x7220]  }
0xfe: {  	v34 =	vperm.xlane v9, v2;
	v33 =	vmul.f32 v11, v30;
	v9 =	vld [tilespmem:s23+$0x7230]  }
0xff: {  	v35 =	vmul.f32 v10, v32;
	v22 =	vmul.f32 v22, v32;
	v10 =	vld.idx.msk [tilespmem:v0+s26+$0x1600 ss:$0x1], $0xffff  }
0x100: {  	v4 =	vperm.xlane v12, v2;
	v29 =	vmul.f32 v29, v34;
	v11 =	vld [tilespmem:s23+$0x7A00]  }
0x101: {  	v18 =	vmul.f32 v18, v30;
	v36 =	vmul.f32 v14, v32;
	v12 =	vld [tilespmem:s23+$0x7A10]  }
0x102: {  	v20 =	vmul.f32 v20, v32;
	v37 =	vmul.f32 v8, v34;
	v38 =	vld [tilespmem:s23+$0x7A20]  }
0x103: {  	v41 =	vperm.xlane v3, v2;
	v39 =	vld.idx.msk [tilespmem:v0+s26+$0x0 ss:$0x1], $0xffff;
	v40 =	vmul.f32 v9, v34  }
0x104: {  	v23 =	vmul.f32 v23, v30;
	v14 =	vmul.f32 v24, v4;
	v42 =	vld [tilespmem:s23+$0x5230]  }
0x105: {  	v21 =	vmul.f32 v21, v41;
	v24 =	vld.idx.msk [tilespmem:v0+s26+$0x200 ss:$0x1], $0xffff;
	v43 =	vmul.f32 v11, v41  }
0x106: {  	v8 =	vmul.f32 v25, v4;
	v3 =	vperm.xlane v10, v2;
	v44 =	vld [tilespmem:s23+$0x5200]  }
0x107: {  	v9 =	vmul.f32 v26, v4;
	v10 =	vmul.f32 v12, v41;
	v25 =	vld [tilespmem:s23+$0x5220]  }
0x108: {  	v12 =	vmul.f32 v31, v34;
	v11 =	vmul.f32 v27, v3;
	v26 =	vld.idx.msk [tilespmem:v0+s26+$0x1000 ss:$0x1], $0xffff  }
0x109: {  	v27 =	vperm.xlane v39, v2;
	v31 =	vld [tilespmem:s23+$0x5210]  }
0x10a: {  	v39 =	vld [tilespmem:s23+$0x5A10]  }
0x10b: {  	v45 =	vadd.f32 $0.0e+00, v27;
	v24 =	vperm.xlane v24, v2;
	v44 =	vmul.f32 v44, v27;
	v46 =	vld [tilespmem:s23+$0x9200]  }
0x10c: {  	v42 =	vmul.f32 v42, v27;
	v25 =	vmul.f32 v25, v27;
	v47 =	vld [tilespmem:s23+$0x6A00]  }
0x10d: {  	v45 =	vadd.f32 v24, v45;
	v19 =	vmul.f32 v19, v24;
	v44 =	vadd.f32 $0.0e+00, v44;
	v48 =	vld [tilespmem:s23+$0x5A20]  }
0x10e: {  	v42 =	vadd.f32 $0.0e+00, v42;
	v28 =	vmul.f32 v28, v24;
	v26 =	vperm.xlane v26, v2;
	v49 =	vld.idx.msk [tilespmem:v0+s26+$0x1200 ss:$0x1], $0xffff  }
0x10f: {  	v27 =	vmul.f32 v31, v27;
	v19 =	vadd.f32 v19, v44;
	v31 =	vmul.f32 v39, v24;
	v39 =	vld.idx.msk [tilespmem:v0+s26+$0xC00 ss:$0x1], $0xffff  }
0x110: {  	v25 =	vadd.f32 $0.0e+00, v25;
	v32 =	vadd.f32 v32, v45;
	v44 =	vmul.f32 v46, v26;
	v45 =	vld [tilespmem:s23+$0x9220]  }
0x111: {  	v27 =	vadd.f32 $0.0e+00, v27;
	v19 =	vadd.f32 v35, v19;
	v35 =	vmul.f32 v47, v30;
	v46 =	vld.idx.msk [tilespmem:v0+s26+$0xE00 ss:$0x1], $0xffff  }
0x112: {  	v30 =	vadd.f32 v30, v32;
	v24 =	vmul.f32 v48, v24;
	v32 =	vld [tilespmem:s23+$0x9210]  }
0x113: {  	v27 =	vadd.f32 v31, v27;
	v19 =	vadd.f32 v35, v19;
	v31 =	vld [tilespmem:s23+$0x8230];
	v35 =	vmul.f32 v13, v3  }
0x114: {  	v13 =	vperm.xlane v49, v2;
	v24 =	vadd.f32 v24, v25;
	v25 =	vadd.f32 v34, v30;
	v30 =	vld [tilespmem:s23+$0x8A10]  }
0x115: {  	v28 =	vadd.f32 v28, v42;
	v19 =	vadd.f32 v29, v19;
	v29 =	vperm.xlane v39, v2;
	v34 =	vld [tilespmem:s23+$0x8A30]  }
0x116: {  	v39 =	vmul.f32 v17, v3;
	v22 =	vadd.f32 v22, v24;
	v24 =	vadd.f32 v41, v25;
	v25 =	vld [tilespmem:s23+$0x8210]  }
0x117: {  	v17 =	vadd.f32 v20, v27;
	v27 =	vadd.f32 v36, v28;
	v36 =	vperm.xlane v46, v2;
	v28 =	vld [tilespmem:s23+$0x8200]  }
0x118: {  	v38 =	vmul.f32 v38, v41;
	v24 =	vadd.f32 v29, v24;
	v41 =	vld [tilespmem:s23+$0x8220];
	v31 =	vmul.f32 v31, v29  }
0x119: {  	v20 =	vadd.f32 v23, v17;
	v17 =	vadd.f32 v33, v27;
	v27 =	vmul.f32 v16, v13;
	v23 =	vld [tilespmem:s23+$0x8A00]  }
0x11a: {  	v18 =	vadd.f32 v18, v22;
	v22 =	vadd.f32 v36, v24;
	v24 =	vld [tilespmem:s23+$0x8A20];
	v33 =	vmul.f32 v34, v36  }
0x11b: {  	v34 =	vadd.f32 v40, v17;
	v40 =	vmul.f32 v15, v13;
	v16 =	vmul.f32 v25, v29;
	v25 =	vld [tilespmem:s23+$0x9230]  }
0x11c: {  	v19 =	vadd.f32 v43, v19;
	v28 =	vmul.f32 v28, v29;
	v22 =	vadd.f32 v26, v22;
	v42 =	vld.idx.msk [tilespmem:v0+s26+$0x1800 ss:$0x1], $0xffff  }
0x11d: {  	v18 =	vadd.f32 v37, v18;
	v17 =	vmul.f32 v30, v36;
	v29 =	vmul.f32 v41, v29;
	v30 =	vld [tilespmem:s23+$0x9A00]  }
0x11e: {  	v15 =	vmul.f32 v32, v26;
	v21 =	vadd.f32 v21, v34;
	v23 =	vmul.f32 v23, v36;
	v32 =	vld.idx.msk [tilespmem:v0+s26+$0x1A00 ss:$0x1], $0xffff  }
0x11f: {  	v19 =	vadd.f32 v28, v19;
	v22 =	vadd.f32 v13, v22;
	v24 =	vmul.f32 v24, v36;
	v28 =	vld [tilespmem:s23+$0xB200]  }
0x120: {  	v18 =	vadd.f32 v38, v18;
	v21 =	vadd.f32 v31, v21;
	v25 =	vmul.f32 v25, v26;
	v31 =	vld.idx.msk [tilespmem:v0+s26+$0x1C00 ss:$0x1], $0xffff  }
0x121: {  	v19 =	vadd.f32 v23, v19;
	v23 =	vmul.f32 v45, v26;
	v22 =	vadd.f32 v4, v22;
	v26 =	vld [tilespmem:s23+$0xBA00]  }
0x122: {  	v29 =	vadd.f32 v29, v18;
	v21 =	vadd.f32 v33, v21;
	v18 =	vperm.xlane v42, v2;
	v33 =	vld.idx.msk [tilespmem:v0+s26+$0x1E00 ss:$0x1], $0xffff  }
0x123: {  	v34 =	vadd.f32 v44, v19;
	v30 =	vmul.f32 v30, v13;
	v22 =	vadd.f32 v3, v22;
	v36 =	vld [tilespmem:s23+$0xC220]  }
0x124: {  	v24 =	vadd.f32 v24, v29;
	v19 =	vperm.xlane v32, v2;
	v28 =	vmul.f32 v28, v18;
	v29 =	vld.idx.msk [tilespmem:v0+s26+$0x2000 ss:$0x1], $0xffff  }
0x125: {  	v21 =	vadd.f32 v25, v21;
	v25 =	vadd.f32 v30, v34;
	v30 =	vmul.f32 v5, v18;
	v32 =	vld [tilespmem:s23+$0xBA30]  }
0x126: {  	v22 =	vadd.f32 v18, v22;
	v5 =	vperm.xlane v31, v2;
	v26 =	vmul.f32 v26, v19;
	v31 =	vld.idx.msk [tilespmem:v0+s26+$0x2200 ss:$0x1], $0xffff  }
0x127: {  	v21 =	vadd.f32 v40, v21;
	v14 =	vadd.f32 v14, v25;
	v25 =	vmul.f32 v7, v19;
	v34 =	vld [tilespmem:s23+$0xC230]  }
0x128: {  	v22 =	vadd.f32 v19, v22;
	v7 =	vperm.xlane v33, v2;
	v36 =	vmul.f32 v36, v5;
	v33 =	vld.idx.msk [tilespmem:v0+s26+$0x2400 ss:$0x1], $0xffff  }
0x129: {  	v23 =	vadd.f32 v23, v24;
	v8 =	vadd.f32 v8, v21;
	v21 =	vmul.f32 v6, v18;
	v24 =	vld [tilespmem:s23+$0xCA30]  }
0x12a: {  	v14 =	vadd.f32 v39, v14;
	v22 =	vadd.f32 v5, v22;
	v6 =	vperm.xlane v29, v2;
	v29 =	vld.idx.msk [tilespmem:v0+s26+$0x2600 ss:$0x1], $0xffff  }
0x12b: {  	v23 =	vadd.f32 v27, v23;
	v27 =	vadd.f32 v35, v8;
	v32 =	vmul.f32 v32, v19;
	v35 =	vld [tilespmem:s23+$0xD230]  }
0x12c: {  	v14 =	vadd.f32 v28, v14;
	v22 =	vadd.f32 v7, v22;
	v8 =	vperm.xlane v31, v2;
	v28 =	vld [tilespmem:s23+$0xCA20]  }
0x12d: {  	v23 =	vadd.f32 v9, v23;
	v21 =	vadd.f32 v21, v27;
	v31 =	vmul.f32 v34, v5;
	v27 =	vld [tilespmem:s23+$0xC200]  }
0x12e: {  	v14 =	vadd.f32 v26, v14;
	v22 =	vadd.f32 v6, v22;
	v9 =	vperm.xlane v33, v2;
	v26 =	vld [tilespmem:s23+$0xDA30]  }
0x12f: {  	v11 =	vadd.f32 v11, v23;
	v21 =	vadd.f32 v32, v21;
	v24 =	vmul.f32 v24, v7;
	v23 =	vld [tilespmem:s23+$0xCA00]  }
0x130: {  	v22 =	vadd.f32 v8, v22;
	v32 =	vmul.f32 v35, v6;
	v33 =	vld [tilespmem:s23+$0xE230]  }
0x131: {  	v30 =	vadd.f32 v30, v11;
	v21 =	vadd.f32 v31, v21;
	v11 =	vperm.xlane v29, v2;
	v31 =	vld [tilespmem:s23+$0xD200]  }
0x132: {  	v22 =	vadd.f32 v9, v22;
	v2 =	vmul.f32 v27, v5;
	v27 =	vmul.f32 v28, v7;
	v28 =	vld [tilespmem:s23+$0xD220]  }
0x133: {  	v25 =	vadd.f32 v25, v30;
	v21 =	vadd.f32 v24, v21;
	v24 =	vld [tilespmem:s23+$0xDA00];
	v26 =	vmul.f32 v26, v8  }
0x134: {  	v12 =	vadd.f32 v12, v20;
	v20 =	vld [tilespmem:s23+$0xA210];
	v2 =	vadd.f32 v2, v14;
	v14 =	vmul.f32 v23, v7  }
0x135: {  	v21 =	vadd.f32 v32, v21;
	v23 =	vadd.f32 v36, v25;
	v25 =	vld [tilespmem:s23+$0xE200];
	v29 =	vmul.f32 v33, v9  }
0x136: {  	v10 =	vadd.f32 v10, v12;
	v2 =	vadd.f32 v14, v2;
	v12 =	vmul.f32 v31, v6;
	v14 =	vld [tilespmem:s23+$0xE220]  }
0x137: {  	v21 =	vadd.f32 v26, v21;
	v23 =	vadd.f32 v27, v23;
	v27 =	vmul.f32 v28, v6;
	v26 =	vld [tilespmem:s23+$0xEA00]  }
0x138: {  	v2 =	vadd.f32 v12, v2;
	v12 =	vmul.f32 v24, v8;
	v24 =	vmul.f32 v1, v8;
	v28 =	vld [tilespmem:s23+$0xEA30]  }
0x139: {  	v21 =	vadd.f32 v29, v21;
	v30 =	vld [tilespmem:s23+$0x9A10];
	v20 =	vmul.f32 v20, v4;
	v4 =	vadd.f32 v27, v23  }
0x13a: {  	v10 =	vadd.f32 v16, v10;
	v16 =	vld [tilespmem:s23+$0xAA10];
	v2 =	vadd.f32 v12, v2;
	v12 =	vmul.f32 v25, v9  }
0x13b: {  	v1 =	vld [tilespmem:s23+$0xD210];
	v4 =	vadd.f32 v24, v4;
	v23 =	vmul.f32 v14, v9;
	v14 =	vadd.f32 v11, v22  }
0x13c: {  	v10 =	vadd.f32 v17, v10;
	v17 =	vld [tilespmem:s23+$0xB210];
	v2 =	vadd.f32 v12, v2  }
0x13d: {  	v4 =	vadd.f32 v23, v4;
	v12 =	vmul.f32 v28, v11  }
0x13e: {  	v10 =	vadd.f32 v15, v10;
	v15 =	vmul.f32 v26, v11;
	v13 =	vmul.f32 v30, v13  }
0x13f: {  	v22 =	vmul.f32 v16, v3;
	v23 =	vld [tilespmem:s23+$0xBA10];
	v3 =	vadd.f32 v12, v21  }
.Ltmp0:
0x140: {  	v13 =	vadd.f32 v13, v10;
	v10 =	vadd.f32 v15, v2;
	v12 =	vld [tilespmem:s23+$0xEA10];
	(pc) =	sbr.rel @p0 .LBB2_3-.Ltmp0, $4  }
0x141: {  	v17 =	vmul.f32 v17, v18;
	v16 =	vld [tilespmem:s23+$0xC210]  }
0x142: {  	v15 =	vadd.f32 v20, v13;
	v13 =	vld [tilespmem:s23+$0xEA20]  }
0x143: {  	v2 =	vld [tilespmem:s23+$0xCA10]  }
0x144: {  	s25 =	sadd.s32 $0x1, s25;
	v20 =	vadd.f32 v22, v15;
	v18 =	vmul.f32 v23, v19;
	v15 =	vld [tilespmem:s23+$0xE210]  }
0x145: {  	_ = 	snop  }
0x146: {  	v0 =	vadd.f32 v17, v20  }
0x147: {  	v14 =	vadd.f32 $9.999999930e-09, v14  }
0x148: {  	v5 =	vmul.f32 v16, v5;
	v0 =	vadd.f32 v18, v0  }
0x149: {  	v16 =	vld [tilespmem:s23+$0xDA10];
	(erf) = vrcp.f32 v14  }
0x14a: {  	v2 =	vmul.f32 v2, v7;
	v0 =	vadd.f32 v5, v0;
	_ =	sdelay $0x1  }
0x14b: {  	v1 =	vmul.f32 v1, v6;
	v0 =	vadd.f32 v2, v0;
	_ =	sdelay $0x1  }
0x14c: {  	v0 =	vadd.f32 v1, v0;
	v1 =	vmul.f32 v16, v8;
	_ =	sdelay $0x1  }
0x14d: {  	v2 =	vmul.f32 v13, v11;
	v0 =	vadd.f32 v1, v0;
	v1 =	vmul.f32 v15, v9;
	_ =	sdelay $0x1  }
0x14e: {  	v2 =	vadd.f32 v2, v4;
	v5 =	vpop (erf);
	v0 =	vadd.f32 v1, v0;
	v1 =	vmul.f32 v12, v11  }
0x14f: {  	v3 =	vmul.f32 v3, v5  }
0x150: {  	v2 =	vmul.f32 v2, v5;
	v0 =	vadd.f32 v1, v0  }
0x151: {  	[tilespmem:s23+$0x1A230] =	vst v3;
	v1 =	vmul.f32 v5, v10  }
0x152: {  	s14 =	sshll.u32 s20, $0xA;
	[tilespmem:s23+$0x1A220] =	vst v2;
	v0 =	vmul.f32 v0, v5  }
0x153: {  	s14 =	sadd.s32 s10, s14;
	[tilespmem:s23+$0x1A200] =	vst v1  }
0x154: {  	s16 =	sadd.s32 s2, s14;
	[tilespmem:s23+$0x1A210] =	vst v0  }
0x155: {  	[hbm4b:s16+s29] =	stream.strided.scatter [tilespmem:s28], [sflag:$0x6], $0x800, s30, s29, $0x38;
	[tilespmem:$0x1B200] =	vst v63  }
0x156: {  	_ =	swait.ge [sflag:s31], $0x800  }
0x157: {  	[sflag:s31] =	ssyncset.done $0x0  }
0x158: {  	s14 =	sadd.s32 s14, s11;
	[sflag:s31] =	ssyncadd.s32 $0xFFFFF800  }
0x159: {  	[hbm4b:s14+s29] =	stream.strided.scatter [tilespmem:s0], [sflag:$0x6], $0x800, s30, s29, $0x38;
	[tilespmem:$0x1B200] =	vst v63  }
0x15a: {  	p0 =	seq.s32 s20, $0x7;
	_ =	swait.ge [sflag:s31], $0x800  }
0x15b: {  	s23 =	simm.s32 @!p0 $0x5200;
	[sflag:s31] =	ssyncset.done $0x0  }
0x15c: {  	s16 =	simm.s32 @!p0 $0x20;
	s14 =	sadd.s32 @!p0 $0x40, s22;
	[sflag:s31] =	ssyncadd.s32 $0xFFFFF800  }
0x15d: {  	[tilespmem:s23], [sflag:$0x1] =	stream.indirect.gather @!p0 [hbm4b:s5+s16], $0x40, s14, s16, $0xb8;
	[tilespmem:$0x1B200] =	vst v63  }
0x15e: {  	s14 =	sadd.s32 @!p0 $0x240, s22;
	s23 =	simm.s32 @!p0 $0x5A00  }
0x15f: {  	[tilespmem:s23], [sflag:$0x1] =	stream.indirect.gather @!p0 [hbm4b:s5+s16], $0x40, s14, s16, $0xb8;
	[tilespmem:$0x1B200] =	vst v63  }
0x160: {  	s14 =	sadd.s32 @!p0 $0x440, s22;
	s23 =	simm.s32 @!p0 $0x6200  }
0x161: {  	[tilespmem:s23], [sflag:$0x1] =	stream.indirect.gather @!p0 [hbm4b:s5+s16], $0x40, s14, s16, $0xb8;
	[tilespmem:$0x1B200] =	vst v63  }
0x162: {  	s14 =	sadd.s32 @!p0 $0x640, s22;
	s23 =	simm.s32 @!p0 $0x6A00  }
0x163: {  	[tilespmem:s23], [sflag:$0x1] =	stream.indirect.gather @!p0 [hbm4b:s5+s16], $0x40, s14, s16, $0xb8;
	[tilespmem:$0x1B200] =	vst v63  }
0x164: {  	s14 =	sadd.s32 @!p0 $0x840, s22;
	s23 =	simm.s32 @!p0 $0x7200  }
0x165: {  	[tilespmem:s23], [sflag:$0x1] =	stream.indirect.gather @!p0 [hbm4b:s5+s16], $0x40, s14, s16, $0xb8;
	[tilespmem:$0x1B200] =	vst v63  }
0x166: {  	s14 =	sadd.s32 @!p0 $0xA40, s22;
	s23 =	simm.s32 @!p0 $0x7A00  }
0x167: {  	[tilespmem:s23], [sflag:$0x1] =	stream.indirect.gather @!p0 [hbm4b:s5+s16], $0x40, s14, s16, $0xb8;
	[tilespmem:$0x1B200] =	vst v63  }
0x168: {  	s14 =	sadd.s32 @!p0 $0xC40, s22;
	s23 =	simm.s32 @!p0 $0x8200  }
0x169: {  	[tilespmem:s23], [sflag:$0x1] =	stream.indirect.gather @!p0 [hbm4b:s5+s16], $0x40, s14, s16, $0xb8;
	[tilespmem:$0x1B200] =	vst v63  }
0x16a: {  	s14 =	sadd.s32 @!p0 $0xE40, s22;
	s23 =	simm.s32 @!p0 $0x8A00  }
0x16b: {  	[tilespmem:s23], [sflag:$0x1] =	stream.indirect.gather @!p0 [hbm4b:s5+s16], $0x40, s14, s16, $0xb8;
	[tilespmem:$0x1B200] =	vst v63  }
0x16c: {  	s14 =	sadd.s32 @!p0 $0x1040, s22;
	s23 =	simm.s32 @!p0 $0x9200  }
0x16d: {  	[tilespmem:s23], [sflag:$0x1] =	stream.indirect.gather @!p0 [hbm4b:s5+s16], $0x40, s14, s16, $0xb8;
	[tilespmem:$0x1B200] =	vst v63  }
0x16e: {  	s14 =	sadd.s32 @!p0 $0x1240, s22;
	s23 =	simm.s32 @!p0 $0x9A00  }
0x16f: {  	[tilespmem:s23], [sflag:$0x1] =	stream.indirect.gather @!p0 [hbm4b:s5+s16], $0x40, s14, s16, $0xb8;
	[tilespmem:$0x1B200] =	vst v63  }
0x170: {  	s14 =	sadd.s32 @!p0 $0x1440, s22;
	s23 =	simm.s32 @!p0 $0xA200  }
0x171: {  	[tilespmem:s23], [sflag:$0x1] =	stream.indirect.gather @!p0 [hbm4b:s5+s16], $0x40, s14, s16, $0xb8;
	[tilespmem:$0x1B200] =	vst v63  }
0x172: {  	s14 =	sadd.s32 @!p0 $0x1640, s22;
	s23 =	simm.s32 @!p0 $0xAA00  }
0x173: {  	[tilespmem:s23], [sflag:$0x1] =	stream.indirect.gather @!p0 [hbm4b:s5+s16], $0x40, s14, s16, $0xb8;
	[tilespmem:$0x1B200] =	vst v63  }
0x174: {  	s14 =	sadd.s32 @!p0 $0x1840, s22;
	s23 =	simm.s32 @!p0 $0xB200  }
0x175: {  	[tilespmem:s23], [sflag:$0x1] =	stream.indirect.gather @!p0 [hbm4b:s5+s16], $0x40, s14, s16, $0xb8;
	[tilespmem:$0x1B200] =	vst v63  }
0x176: {  	s14 =	sadd.s32 @!p0 $0x1A40, s22;
	s23 =	simm.s32 @!p0 $0xBA00  }
0x177: {  	[tilespmem:s23], [sflag:$0x1] =	stream.indirect.gather @!p0 [hbm4b:s5+s16], $0x40, s14, s16, $0xb8;
	[tilespmem:$0x1B200] =	vst v63  }
0x178: {  	s14 =	sadd.s32 @!p0 $0x1C40, s22;
	s23 =	simm.s32 @!p0 $0xC200  }
0x179: {  	[tilespmem:s23], [sflag:$0x1] =	stream.indirect.gather @!p0 [hbm4b:s5+s16], $0x40, s14, s16, $0xb8;
	[tilespmem:$0x1B200] =	vst v63  }
0x17a: {  	s14 =	sadd.s32 @!p0 $0x1E40, s22;
	s23 =	simm.s32 @!p0 $0xCA00  }
0x17b: {  	[tilespmem:s23], [sflag:$0x1] =	stream.indirect.gather @!p0 [hbm4b:s5+s16], $0x40, s14, s16, $0xb8;
	[tilespmem:$0x1B200] =	vst v63  }
0x17c: {  	s14 =	sadd.s32 @!p0 $0x2040, s22;
	s23 =	simm.s32 @!p0 $0xD200  }
0x17d: {  	[tilespmem:s23], [sflag:$0x1] =	stream.indirect.gather @!p0 [hbm4b:s5+s16], $0x40, s14, s16, $0xb8;
	[tilespmem:$0x1B200] =	vst v63  }
0x17e: {  	s14 =	sadd.s32 @!p0 $0x2240, s22;
	s23 =	simm.s32 @!p0 $0xDA00  }
0x17f: {  	[tilespmem:s23], [sflag:$0x1] =	stream.indirect.gather @!p0 [hbm4b:s5+s16], $0x40, s14, s16, $0xb8;
	[tilespmem:$0x1B200] =	vst v63  }
0x180: {  	s14 =	sadd.s32 @!p0 $0x2440, s22;
	s23 =	simm.s32 @!p0 $0xE200  }
0x181: {  	[tilespmem:s23], [sflag:$0x1] =	stream.indirect.gather @!p0 [hbm4b:s5+s16], $0x40, s14, s16, $0xb8;
	[tilespmem:$0x1B200] =	vst v63  }
0x182: {  	s14 =	sadd.s32 @!p0 $0x2640, s22;
	s23 =	simm.s32 @!p0 $0xEA00  }
0x183: {  	[tilespmem:s23], [sflag:$0x1] =	stream.indirect.gather @!p0 [hbm4b:s5+s16], $0x40, s14, s16, $0xb8;
	[tilespmem:$0x1B200] =	vst v63  }
0x184: {  	s14 =	sadd.s32 @!p0 $0x5040, s22;
	s22 =	simm.s32 @!p0 $0x19200  }
0x185: {  	[tilespmem:s22], [sflag:$0x3] =	stream.indirect.gather @!p0 [hbm4b:s6+s16], $0x40, s14, s16, $0xb8;
	[tilespmem:$0x1B200] =	vst v63  }
0x186: {  	_ =	swait.ge [sflag:s1], $0xA000  }
0x187: {  	[sflag:s1] =	ssyncset.done $0x0  }
0x188: {  	[sflag:s1] =	ssyncadd.s32 $0xFFFF6000  }
0x189: {  	_ =	swait.ge [sflag:s15], $0x800  }
0x18a: {  	[sflag:s15] =	ssyncset.done $0x0  }
0x18b: {  	s22 =	simm.s32 $0x0;
	[sflag:s15] =	ssyncadd.s32 $0xFFFFF800  }
0x18c: {  	v2 =	vld [tilespmem:s22+$0x11A30]  }
0x18d: {  	v8 =	vld [tilespmem:s22+$0x10210]  }
0x18e: {  	v3 =	vld [tilespmem:s22+$0x10220]  }
0x18f: {  	v9 =	vld [tilespmem:s22+$0x10230]  }
0x190: {  	v10 =	vld [tilespmem:s22+$0x10A20]  }
0x191: {  	v11 =	vld [tilespmem:s22+$0x10A10]  }
0x192: {  	v12 =	vld [tilespmem:s22+$0x14200]  }
0x193: {  	v13 =	vld [tilespmem:s22+$0x14230]  }
0x194: {  	v14 =	vld [tilespmem:s22+$0x14220]  }
0x195: {  	v15 =	vld [tilespmem:s22+$0xFA00]  }
0x196: {  	v16 =	vld [tilespmem:s22+$0x14A20]  }
0x197: {  	v1 =	vld [tilespmem:s22+$0x17A20]  }
0x198: {  	v6 =	vld [tilespmem:s22+$0x15230]  }
0x199: {  	v17 =	vld [tilespmem:s22+$0x14A30]  }
0x19a: {  	v18 =	vld [tilespmem:s22+$0xFA30]  }
0x19b: {  	s24 =	sadd.s32 $0x2800, s21;
	v7 =	vld [tilespmem:s22+$0x15A20]  }
0x19c: {  	v0 =	vmov s24;
	v19 =	vld [tilespmem:s22+$0x10200]  }
0x19d: {  	v20 =	vld [tilespmem:s22+$0x14A00]  }
0x19e: {  	v5 =	vld [tilespmem:s22+$0x15220]  }
0x19f: {  	s25 =	simm.s32 $0x0;
	v21 =	vld [tilespmem:s22+$0x13A30]  }
0x1a0: {  	s26 =	sand.u32 $0x10, s25;
	v22 =	vld [tilespmem:s22+$0x13A20]  }
0x1a1: {  	v23 =	vld.idx.msk [tilespmem:v0+s26+$0xA00 ss:$0x1], $0xffff  }
0x1a2: {  	v24 =	vld.idx.msk [tilespmem:v0+s26+$0x600 ss:$0x1], $0xffff  }
0x1a3: {  	v25 =	vld.idx.msk [tilespmem:v0+s26+$0x400 ss:$0x1], $0xffff  }
0x1a4: {  	v26 =	vld.idx.msk [tilespmem:v0+s26+$0x800 ss:$0x1], $0xffff  }
0x1a5: {  	v27 =	vld [tilespmem:s22+$0x10A30]  }
0x1a6: {  	v28 =	vld.idx.msk [tilespmem:v0+s26+$0x1400 ss:$0x1], $0xffff  }
0x1a7: {  	v29 =	vld [tilespmem:s22+$0x11200]  }
0x1a8: {  	v30 =	vld [tilespmem:s22+$0x11210]  }
0x1a9: {  	v37 =	vld.idx.msk [tilespmem:v0+s26+$0x0 ss:$0x1], $0xffff  }
0x1aa: {  	s14 =	sand.u32 $0xF, s25;
	v57 =	vld.idx.msk [tilespmem:v0+s26+$0xE00 ss:$0x1], $0xffff  }
0x1ab: {  	v4 =	vmov s14;
	v31 =	vld [tilespmem:s22+$0x11220]  }
0x1ac: {  	v32 =	vld [tilespmem:s22+$0x11230];
	v24 =	vperm.xlane v24, v4  }
0x1ad: {  	v33 =	vld.idx.msk [tilespmem:v0+s26+$0x1600 ss:$0x1], $0xffff;
	v25 =	vperm.xlane v25, v4;
	v26 =	vperm.xlane v26, v4  }
0x1ae: {  	v34 =	vld [tilespmem:s22+$0x11A00];
	v23 =	vperm.xlane v23, v4;
	v37 =	vperm.xlane v37, v4  }
0x1af: {  	v35 =	vld [tilespmem:s22+$0x11A10];
	v53 =	vperm.xlane v57, v4;
	v27 =	vmul.f32 v27, v24  }
0x1b0: {  	v39 =	vld [tilespmem:s22+$0xF230];
	v19 =	vmul.f32 v19, v25;
	v38 =	vmul.f32 v3, v25  }
0x1b1: {  	v42 =	vld [tilespmem:s22+$0xF220];
	v29 =	vmul.f32 v29, v26;
	v3 =	vperm.xlane v28, v4  }
0x1b2: {  	v43 =	vld.idx.msk [tilespmem:v0+s26+$0x1000 ss:$0x1], $0xffff;
	v28 =	vmul.f32 v9, v25;
	v40 =	vmul.f32 v10, v24  }
0x1b3: {  	v49 =	vld [tilespmem:s22+$0x10A00];
	v41 =	vmul.f32 v8, v25;
	v31 =	vmul.f32 v31, v26  }
0x1b4: {  	v55 =	vld.idx.msk [tilespmem:v0+s26+$0xC00 ss:$0x1], $0xffff;
	v32 =	vmul.f32 v32, v26;
	v11 =	vmul.f32 v11, v24  }
0x1b5: {  	v62 =	vld [tilespmem:s22+$0x13200];
	v34 =	vmul.f32 v34, v23;
	v45 =	vmul.f32 v2, v23  }
0x1b6: {  	v9 =	vld.idx.msk [tilespmem:v0+s26+$0x200 ss:$0x1], $0xffff;
	v2 =	vperm.xlane v33, v4;
	v10 =	vmul.f32 v35, v23  }
0x1b7: {  	v8 =	vld [tilespmem:s22+$0xF200];
	v63 =	vmul.f32 v42, v37;
	v39 =	vmul.f32 v39, v37  }
0x1b8: {  	v60 =	vld [tilespmem:s22+$0x12230];
	v42 =	vperm.xlane v43, v4;
	v59 =	vmul.f32 v49, v24  }
0x1b9: {  	v49 =	vperm.xlane v55, v4;
	v44 =	vmul.f32 v12, v3;
	v12 =	vld [tilespmem:s22+$0xF210]  }
0x1ba: {  	v46 =	vld [tilespmem:s22+$0xFA10];
	v47 =	vmul.f32 v13, v3;
	v33 =	vmul.f32 v62, v42  }
0x1bb: {  	v50 =	vld.idx.msk [tilespmem:v0+s26+$0x1200 ss:$0x1], $0xffff;
	v56 =	vadd.f32 $0.0e+00, v39;
	v17 =	vmul.f32 v17, v2;
	v20 =	vmul.f32 v20, v2  }
0x1bc: {  	v35 =	vadd.f32 $0.0e+00, v63;
	v62 =	vld [tilespmem:s22+$0x12A30];
	v13 =	vmul.f32 v8, v37;
	v48 =	vperm.xlane v9, v4  }
0x1bd: {  	v55 =	vmul.f32 v60, v49;
	v8 =	vmul.f32 v14, v3;
	v9 =	vadd.f32 $0.0e+00, v37;
	v14 =	vld [tilespmem:s22+$0xFA20]  }
0x1be: {  	v60 =	vld.idx.msk [tilespmem:v0+s26+$0x1A00 ss:$0x1], $0xffff;
	v54 =	vadd.f32 $0.0e+00, v13;
	v15 =	vmul.f32 v15, v48;
	v12 =	vmul.f32 v12, v37  }
0x1bf: {  	v61 =	vld [tilespmem:s22+$0x12A10];
	v51 =	vadd.f32 v48, v9;
	v13 =	vmul.f32 v30, v26;
	v9 =	vmul.f32 v16, v2  }
0x1c0: {  	v16 =	vld [tilespmem:s22+$0x13220];
	v18 =	vmul.f32 v18, v48;
	v58 =	vmul.f32 v46, v48;
	v15 =	vadd.f32 v15, v54  }
0x1c1: {  	v63 =	vld [tilespmem:s22+$0x12210];
	v57 =	vmul.f32 v62, v53;
	v25 =	vadd.f32 v25, v51;
	v12 =	vadd.f32 $0.0e+00, v12  }
0x1c2: {  	v36 =	vld [tilespmem:s22+$0x11A20];
	v18 =	vadd.f32 v18, v56;
	v14 =	vmul.f32 v14, v48;
	v15 =	vadd.f32 v19, v15  }
0x1c3: {  	v54 =	vld [tilespmem:s22+$0x12A00];
	v48 =	vperm.xlane v60, v4;
	v24 =	vadd.f32 v24, v25;
	v43 =	vadd.f32 v58, v12  }
0x1c4: {  	v56 =	vld [tilespmem:s22+$0x12A20];
	v12 =	vperm.xlane v50, v4;
	v18 =	vadd.f32 v28, v18;
	v25 =	vmul.f32 v61, v53  }
0x1c5: {  	v39 =	vld [tilespmem:s22+$0x15A00];
	v14 =	vadd.f32 v14, v35;
	v16 =	vmul.f32 v16, v42;
	v24 =	vadd.f32 v26, v24  }
0x1c6: {  	v50 =	vld [tilespmem:s22+$0x12200];
	v15 =	vadd.f32 v59, v15;
	v52 =	vadd.f32 v41, v43;
	v26 =	vmul.f32 v63, v49  }
0x1c7: {  	v51 =	vld [tilespmem:s22+$0x12220];
	v21 =	vmul.f32 v21, v12;
	v14 =	vadd.f32 v38, v14;
	v24 =	vadd.f32 v23, v24  }
0x1c8: {  	v19 =	vld [tilespmem:s22+$0x13210];
	v62 =	vmul.f32 v54, v53;
	v37 =	vadd.f32 v11, v52;
	v11 =	vadd.f32 v27, v18  }
0x1c9: {  	v58 =	vld.idx.msk [tilespmem:v0+s26+$0x1800 ss:$0x1], $0xffff;
	v28 =	vmul.f32 v56, v53;
	v15 =	vadd.f32 v29, v15;
	v14 =	vadd.f32 v40, v14  }
0x1ca: {  	v59 =	vld [tilespmem:s22+$0x13A00];
	v18 =	vmul.f32 v22, v12;
	v24 =	vadd.f32 v49, v24;
	v11 =	vadd.f32 v32, v11  }
0x1cb: {  	v22 =	vld [tilespmem:s22+$0x13230];
	v30 =	vmul.f32 v50, v49;
	v15 =	vadd.f32 v34, v15;
	v13 =	vadd.f32 v13, v37  }
0x1cc: {  	v61 =	vld [tilespmem:s22+$0x15200];
	v23 =	vmul.f32 v36, v23;
	v14 =	vadd.f32 v31, v14;
	v24 =	vadd.f32 v53, v24  }
0x1cd: {  	v63 =	vld.idx.msk [tilespmem:v0+s26+$0x1C00 ss:$0x1], $0xffff;
	v29 =	vmul.f32 v51, v49;
	v11 =	vadd.f32 v45, v11;
	v15 =	vadd.f32 v30, v15  }
0x1ce: {  	v41 =	vld [tilespmem:s22+$0x16220];
	v19 =	vmul.f32 v19, v42;
	v10 =	vadd.f32 v10, v13;
	v14 =	vadd.f32 v23, v14  }
0x1cf: {  	v32 =	vmul.f32 v59, v12;
	v45 =	vld [tilespmem:s22+$0x15A30];
	v24 =	vadd.f32 v42, v24;
	v11 =	vadd.f32 v55, v11  }
0x1d0: {  	v43 =	vld.idx.msk [tilespmem:v0+s26+$0x2000 ss:$0x1], $0xffff;
	v22 =	vmul.f32 v22, v42;
	v15 =	vadd.f32 v62, v15;
	v10 =	vadd.f32 v26, v10  }
0x1d1: {  	v59 =	vld [tilespmem:s22+$0x14210];
	v42 =	vperm.xlane v58, v4;
	v14 =	vadd.f32 v29, v14;
	v24 =	vadd.f32 v12, v24  }
0x1d2: {  	v54 =	vld [tilespmem:s22+$0x17A30];
	v30 =	vmul.f32 v39, v48;
	v11 =	vadd.f32 v57, v11;
	v15 =	vadd.f32 v33, v15  }
0x1d3: {  	v56 =	vld [tilespmem:s22+$0x18230];
	v46 =	vmul.f32 v61, v42;
	v10 =	vadd.f32 v25, v10;
	v14 =	vadd.f32 v28, v14  }
0x1d4: {  	v23 =	vld.idx.msk [tilespmem:v0+s26+$0x1E00 ss:$0x1], $0xffff;
	v53 =	vmul.f32 v45, v48;
	v24 =	vadd.f32 v3, v24;
	v11 =	vadd.f32 v22, v11  }
0x1d5: {  	v51 =	vld.idx.msk [tilespmem:v0+s26+$0x2400 ss:$0x1], $0xffff;
	v15 =	vadd.f32 v32, v15;
	v22 =	vmul.f32 v5, v42;
	v5 =	vperm.xlane v63, v4  }
0x1d6: {  	v50 =	vld [tilespmem:s22+$0x16230];
	v3 =	vmul.f32 v59, v3;
	v14 =	vadd.f32 v16, v14;
	v11 =	vadd.f32 v21, v11  }
0x1d7: {  	v52 =	vld [tilespmem:s22+$0x16A30];
	v10 =	vadd.f32 v19, v10;
	v24 =	vadd.f32 v2, v24;
	v21 =	vmul.f32 v7, v48  }
0x1d8: {  	v49 =	vld.idx.msk [tilespmem:v0+s26+$0x2200 ss:$0x1], $0xffff;
	v35 =	vmul.f32 v41, v5;
	v14 =	vadd.f32 v18, v14;
	v11 =	vadd.f32 v47, v11  }
0x1d9: {  	v13 =	vld [tilespmem:s22+$0x18220];
	v15 =	vadd.f32 v44, v15;
	v7 =	vperm.xlane v23, v4;
	v23 =	vmul.f32 v6, v42  }
0x1da: {  	v16 =	vld.idx.msk [tilespmem:v0+s26+$0x2600 ss:$0x1], $0xffff;
	v6 =	vperm.xlane v43, v4;
	v14 =	vadd.f32 v8, v14;
	v11 =	vadd.f32 v17, v11  }
0x1db: {  	v55 =	vmul.f32 v50, v5;
	v24 =	vadd.f32 v42, v24;
	v15 =	vadd.f32 v20, v15;
	v20 =	vld [tilespmem:s22+$0x17230]  }
0x1dc: {  	v57 =	vmul.f32 v52, v7;
	v17 =	vld [tilespmem:s22+$0x16200];
	v14 =	vadd.f32 v9, v14;
	v11 =	vadd.f32 v23, v11  }
0x1dd: {  	v18 =	vld [tilespmem:s22+$0x16A20];
	v8 =	vperm.xlane v49, v4;
	v24 =	vadd.f32 v48, v24;
	v15 =	vadd.f32 v46, v15  }
0x1de: {  	v9 =	vperm.xlane v51, v4;
	v23 =	vld [tilespmem:s22+$0x16A00];
	v14 =	vadd.f32 v22, v14;
	v11 =	vadd.f32 v53, v11  }
0x1df: {  	v60 =	vmul.f32 v54, v8;
	v24 =	vadd.f32 v5, v24;
	v15 =	vadd.f32 v30, v15;
	v22 =	vld [tilespmem:s22+$0x17220]  }
0x1e0: {  	v58 =	vld [tilespmem:s22+$0x17200];
	v20 =	vmul.f32 v20, v6;
	v14 =	vadd.f32 v21, v14;
	v30 =	vadd.f32 v55, v11  }
0x1e1: {  	v62 =	vld [tilespmem:s22+$0x18A00];
	v24 =	vadd.f32 v7, v24;
	v11 =	vperm.xlane v16, v4;
	v4 =	vmul.f32 v17, v5  }
0x1e2: {  	v16 =	vld [tilespmem:s22+$0x17A00];
	v17 =	vmul.f32 v18, v7;
	v14 =	vadd.f32 v35, v14;
	v21 =	vadd.f32 v57, v30  }
0x1e3: {  	v24 =	vadd.f32 v6, v24;
	v4 =	vadd.f32 v4, v15;
	v15 =	vmul.f32 v23, v7;
	v23 =	vld [tilespmem:s22+$0x13A10]  }
0x1e4: {  	v61 =	vld [tilespmem:s22+$0x18200];
	v14 =	vadd.f32 v17, v14;
	v17 =	vmul.f32 v22, v6;
	v20 =	vadd.f32 v20, v21  }
0x1e5: {  	v63 =	vld [tilespmem:s22+$0x14A10];
	v24 =	vadd.f32 v8, v24;
	v4 =	vadd.f32 v15, v4;
	v15 =	vmul.f32 v58, v6  }
0x1e6: {  	v22 =	vld [tilespmem:s22+$0x18A30];
	v21 =	vmul.f32 v56, v9;
	v14 =	vadd.f32 v17, v14;
	v20 =	vadd.f32 v60, v20  }
0x1e7: {  	v4 =	vadd.f32 v15, v4;
	v15 =	vmul.f32 v16, v8;
	v16 =	vmul.f32 v1, v8;
	v1 =	vld [tilespmem:s22+$0x17210]  }
0x1e8: {  	v18 =	vadd.f32 v9, v24;
	v12 =	vmul.f32 v23, v12;
	v17 =	vadd.f32 v21, v20;
	v20 =	vld [tilespmem:s22+$0x15210]  }
0x1e9: {  	v4 =	vadd.f32 v15, v4;
	v15 =	vmul.f32 v61, v9;
	v19 =	vadd.f32 v16, v14;
	v21 =	vld [tilespmem:s22+$0x15A10]  }
0x1ea: {  	v13 =	vmul.f32 v13, v9;
	v14 =	vadd.f32 v11, v18;
	v16 =	vld [tilespmem:s22+$0x16210];
	v10 =	vadd.f32 v12, v10  }
0x1eb: {  	v18 =	vmul.f32 v22, v11;
	v22 =	vmul.f32 v62, v11;
	v12 =	vld [tilespmem:s22+$0x18A10];
	v15 =	vadd.f32 v15, v4  }
0x1ec: {  	v4 =	vadd.f32 v13, v19;
	v19 =	vmul.f32 v63, v2;
	v13 =	vld [tilespmem:s22+$0x18A20];
	v23 =	vadd.f32 v3, v10  }
0x1ed: {  	v2 =	vld [tilespmem:s22+$0x16A10];
	v3 =	vadd.f32 v18, v17;
	v10 =	vadd.f32 v22, v15  }
0x1ee: {  	s24 =	simm.s32 $0x1;
	s23 =	simm.s32 $0x100;
	v15 =	vld [tilespmem:s22+$0x18210];
	v17 =	vmul.f32 v20, v42;
	v20 =	vadd.f32 v19, v23;
	v18 =	vmul.f32 v21, v48  }
.LBB2_5:
0x1ef: {  	s14 =	sshra.s32 s23, $0x2;
	p0 =	sne.s32 s23, $0x1F00;
	s23 =	sadd.s32 $0x100, s23;
	v19 =	vld [tilespmem:s22+$0x17A10]  }
0x1f0: {  	s25 =	sand.u32 $0x10, s24;
	v21 =	vld [tilespmem:s14+$0x11A30];
	v17 =	vadd.f32 v17, v20;
	v5 =	vmul.f32 v16, v5  }
0x1f1: {  	v20 =	vld [tilespmem:s14+$0x10210]  }
0x1f2: {  	v22 =	vld [tilespmem:s14+$0x10220];
	v16 =	vadd.f32 v18, v17;
	v2 =	vmul.f32 v2, v7;
	v7 =	vadd.f32 $9.999999930e-09, v14  }
0x1f3: {  	v14 =	vld [tilespmem:s14+$0x10230]  }
0x1f4: {  	v1 =	vmul.f32 v1, v6;
	v18 =	vld [tilespmem:s14+$0x10A20];
	v5 =	vadd.f32 v5, v16;
	(erf) = vrcp.f32 v7  }
0x1f5: {  	v23 =	vld [tilespmem:s14+$0x10A10]  }
0x1f6: {  	v24 =	vld [tilespmem:s14+$0x14200];
	v2 =	vadd.f32 v2, v5  }
0x1f7: {  	v25 =	vld [tilespmem:s14+$0x14230]  }
0x1f8: {  	s16 =	sand.u32 $0xF, s24;
	v5 =	vmul.f32 v19, v8;
	v26 =	vld [tilespmem:s14+$0x14220];
	v1 =	vadd.f32 v1, v2  }
0x1f9: {  	v2 =	vmov s16;
	v19 =	vld [tilespmem:s14+$0xFA00]  }
0x1fa: {  	v7 =	vmul.f32 v15, v9;
	v27 =	vld [tilespmem:s14+$0x14A20];
	v5 =	vadd.f32 v5, v1  }
0x1fb: {  	v9 =	vmul.f32 v13, v11;
	v1 =	vld [tilespmem:s14+$0x17A20]  }
0x1fc: {  	v6 =	vld [tilespmem:s14+$0x15230];
	v5 =	vadd.f32 v7, v5;
	v7 =	vmul.f32 v12, v11  }
0x1fd: {  	v4 =	vadd.f32 v9, v4;
	v13 =	vld [tilespmem:s14+$0x14A30];
	v8 =	vpop (erf)  }
0x1fe: {  	v28 =	vld [tilespmem:s14+$0xFA30];
	v5 =	vadd.f32 v7, v5;
	v9 =	vmul.f32 v8, v10  }
0x1ff: {  	v4 =	vmul.f32 v4, v8;
	v3 =	vmul.f32 v3, v8;
	v7 =	vld [tilespmem:s14+$0x15A20]  }
0x200: {  	v10 =	vld [tilespmem:s14+$0x10200];
	v8 =	vmul.f32 v5, v8  }
0x201: {  	v17 =	vld [tilespmem:s14+$0x14A00];
	[tilespmem:s22+$0x1AA30] =	vst v3  }
0x202: {  	v5 =	vld [tilespmem:s14+$0x15220];
	[tilespmem:s22+$0x1AA00] =	vst v9  }
0x203: {  	v15 =	vld [tilespmem:s14+$0x13A30];
	[tilespmem:s22+$0x1AA20] =	vst v4  }
0x204: {  	v16 =	vld [tilespmem:s14+$0x13A20];
	[tilespmem:s22+$0x1AA10] =	vst v8;
	s22 =	smov.u32 s14  }
0x205: {  	v3 =	vld.idx.msk [tilespmem:v0+s25+$0xA00 ss:$0x1], $0xffff  }
0x206: {  	v4 =	vld.idx.msk [tilespmem:v0+s25+$0x600 ss:$0x1], $0xffff  }
0x207: {  	v8 =	vld.idx.msk [tilespmem:v0+s25+$0x400 ss:$0x1], $0xffff  }
0x208: {  	v9 =	vld.idx.msk [tilespmem:v0+s25+$0x800 ss:$0x1], $0xffff  }
0x209: {  	v11 =	vld [tilespmem:s22+$0x10A30]  }
0x20a: {  	v12 =	vld.idx.msk [tilespmem:v0+s25+$0x1400 ss:$0x1], $0xffff  }
0x20b: {  	v29 =	vld [tilespmem:s22+$0x11200]  }
0x20c: {  	v30 =	vperm.xlane v4, v2;
	v31 =	vld [tilespmem:s22+$0x11210]  }
0x20d: {  	v32 =	vperm.xlane v8, v2;
	v8 =	vld [tilespmem:s22+$0x11220]  }
0x20e: {  	v34 =	vperm.xlane v9, v2;
	v33 =	vmul.f32 v11, v30;
	v9 =	vld [tilespmem:s22+$0x11230]  }
0x20f: {  	v35 =	vmul.f32 v10, v32;
	v22 =	vmul.f32 v22, v32;
	v10 =	vld.idx.msk [tilespmem:v0+s25+$0x1600 ss:$0x1], $0xffff  }
0x210: {  	v4 =	vperm.xlane v12, v2;
	v29 =	vmul.f32 v29, v34;
	v11 =	vld [tilespmem:s22+$0x11A00]  }
0x211: {  	v18 =	vmul.f32 v18, v30;
	v36 =	vmul.f32 v14, v32;
	v12 =	vld [tilespmem:s22+$0x11A10]  }
0x212: {  	v20 =	vmul.f32 v20, v32;
	v37 =	vmul.f32 v8, v34;
	v38 =	vld [tilespmem:s22+$0x11A20]  }
0x213: {  	v41 =	vperm.xlane v3, v2;
	v39 =	vld.idx.msk [tilespmem:v0+s25+$0x0 ss:$0x1], $0xffff;
	v40 =	vmul.f32 v9, v34  }
0x214: {  	v23 =	vmul.f32 v23, v30;
	v14 =	vmul.f32 v24, v4;
	v42 =	vld [tilespmem:s22+$0xF230]  }
0x215: {  	v21 =	vmul.f32 v21, v41;
	v24 =	vld.idx.msk [tilespmem:v0+s25+$0x200 ss:$0x1], $0xffff;
	v43 =	vmul.f32 v11, v41  }
0x216: {  	v8 =	vmul.f32 v25, v4;
	v3 =	vperm.xlane v10, v2;
	v44 =	vld [tilespmem:s22+$0xF200]  }
0x217: {  	v9 =	vmul.f32 v26, v4;
	v10 =	vmul.f32 v12, v41;
	v25 =	vld [tilespmem:s22+$0xF220]  }
0x218: {  	v12 =	vmul.f32 v31, v34;
	v11 =	vmul.f32 v27, v3;
	v26 =	vld.idx.msk [tilespmem:v0+s25+$0x1000 ss:$0x1], $0xffff  }
0x219: {  	v27 =	vperm.xlane v39, v2;
	v31 =	vld [tilespmem:s22+$0xF210]  }
0x21a: {  	v39 =	vld [tilespmem:s22+$0xFA10]  }
0x21b: {  	v45 =	vadd.f32 $0.0e+00, v27;
	v24 =	vperm.xlane v24, v2;
	v44 =	vmul.f32 v44, v27;
	v46 =	vld [tilespmem:s22+$0x13200]  }
0x21c: {  	v42 =	vmul.f32 v42, v27;
	v25 =	vmul.f32 v25, v27;
	v47 =	vld [tilespmem:s22+$0x10A00]  }
0x21d: {  	v45 =	vadd.f32 v24, v45;
	v19 =	vmul.f32 v19, v24;
	v44 =	vadd.f32 $0.0e+00, v44;
	v48 =	vld [tilespmem:s22+$0xFA20]  }
0x21e: {  	v42 =	vadd.f32 $0.0e+00, v42;
	v28 =	vmul.f32 v28, v24;
	v26 =	vperm.xlane v26, v2;
	v49 =	vld.idx.msk [tilespmem:v0+s25+$0x1200 ss:$0x1], $0xffff  }
0x21f: {  	v27 =	vmul.f32 v31, v27;
	v19 =	vadd.f32 v19, v44;
	v31 =	vmul.f32 v39, v24;
	v39 =	vld.idx.msk [tilespmem:v0+s25+$0xC00 ss:$0x1], $0xffff  }
0x220: {  	v25 =	vadd.f32 $0.0e+00, v25;
	v32 =	vadd.f32 v32, v45;
	v44 =	vmul.f32 v46, v26;
	v45 =	vld [tilespmem:s22+$0x13220]  }
0x221: {  	v27 =	vadd.f32 $0.0e+00, v27;
	v19 =	vadd.f32 v35, v19;
	v35 =	vmul.f32 v47, v30;
	v46 =	vld.idx.msk [tilespmem:v0+s25+$0xE00 ss:$0x1], $0xffff  }
0x222: {  	v30 =	vadd.f32 v30, v32;
	v24 =	vmul.f32 v48, v24;
	v32 =	vld [tilespmem:s22+$0x13210]  }
0x223: {  	v27 =	vadd.f32 v31, v27;
	v19 =	vadd.f32 v35, v19;
	v31 =	vld [tilespmem:s22+$0x12230];
	v35 =	vmul.f32 v13, v3  }
0x224: {  	v13 =	vperm.xlane v49, v2;
	v24 =	vadd.f32 v24, v25;
	v25 =	vadd.f32 v34, v30;
	v30 =	vld [tilespmem:s22+$0x12A10]  }
0x225: {  	v28 =	vadd.f32 v28, v42;
	v19 =	vadd.f32 v29, v19;
	v29 =	vperm.xlane v39, v2;
	v34 =	vld [tilespmem:s22+$0x12A30]  }
0x226: {  	v39 =	vmul.f32 v17, v3;
	v22 =	vadd.f32 v22, v24;
	v24 =	vadd.f32 v41, v25;
	v25 =	vld [tilespmem:s22+$0x12210]  }
0x227: {  	v17 =	vadd.f32 v20, v27;
	v27 =	vadd.f32 v36, v28;
	v36 =	vperm.xlane v46, v2;
	v28 =	vld [tilespmem:s22+$0x12200]  }
0x228: {  	v38 =	vmul.f32 v38, v41;
	v24 =	vadd.f32 v29, v24;
	v41 =	vld [tilespmem:s22+$0x12220];
	v31 =	vmul.f32 v31, v29  }
0x229: {  	v20 =	vadd.f32 v23, v17;
	v17 =	vadd.f32 v33, v27;
	v27 =	vmul.f32 v16, v13;
	v23 =	vld [tilespmem:s22+$0x12A00]  }
0x22a: {  	v18 =	vadd.f32 v18, v22;
	v22 =	vadd.f32 v36, v24;
	v24 =	vld [tilespmem:s22+$0x12A20];
	v33 =	vmul.f32 v34, v36  }
0x22b: {  	v34 =	vadd.f32 v40, v17;
	v40 =	vmul.f32 v15, v13;
	v16 =	vmul.f32 v25, v29;
	v25 =	vld [tilespmem:s22+$0x13230]  }
0x22c: {  	v19 =	vadd.f32 v43, v19;
	v28 =	vmul.f32 v28, v29;
	v22 =	vadd.f32 v26, v22;
	v42 =	vld.idx.msk [tilespmem:v0+s25+$0x1800 ss:$0x1], $0xffff  }
0x22d: {  	v18 =	vadd.f32 v37, v18;
	v17 =	vmul.f32 v30, v36;
	v29 =	vmul.f32 v41, v29;
	v30 =	vld [tilespmem:s22+$0x13A00]  }
0x22e: {  	v15 =	vmul.f32 v32, v26;
	v21 =	vadd.f32 v21, v34;
	v23 =	vmul.f32 v23, v36;
	v32 =	vld.idx.msk [tilespmem:v0+s25+$0x1A00 ss:$0x1], $0xffff  }
0x22f: {  	v19 =	vadd.f32 v28, v19;
	v22 =	vadd.f32 v13, v22;
	v24 =	vmul.f32 v24, v36;
	v28 =	vld [tilespmem:s22+$0x15200]  }
0x230: {  	v18 =	vadd.f32 v38, v18;
	v21 =	vadd.f32 v31, v21;
	v25 =	vmul.f32 v25, v26;
	v31 =	vld.idx.msk [tilespmem:v0+s25+$0x1C00 ss:$0x1], $0xffff  }
0x231: {  	v19 =	vadd.f32 v23, v19;
	v23 =	vmul.f32 v45, v26;
	v22 =	vadd.f32 v4, v22;
	v26 =	vld [tilespmem:s22+$0x15A00]  }
0x232: {  	v29 =	vadd.f32 v29, v18;
	v21 =	vadd.f32 v33, v21;
	v18 =	vperm.xlane v42, v2;
	v33 =	vld.idx.msk [tilespmem:v0+s25+$0x1E00 ss:$0x1], $0xffff  }
0x233: {  	v34 =	vadd.f32 v44, v19;
	v30 =	vmul.f32 v30, v13;
	v22 =	vadd.f32 v3, v22;
	v36 =	vld [tilespmem:s22+$0x16220]  }
0x234: {  	v24 =	vadd.f32 v24, v29;
	v19 =	vperm.xlane v32, v2;
	v28 =	vmul.f32 v28, v18;
	v29 =	vld.idx.msk [tilespmem:v0+s25+$0x2000 ss:$0x1], $0xffff  }
0x235: {  	v21 =	vadd.f32 v25, v21;
	v25 =	vadd.f32 v30, v34;
	v30 =	vmul.f32 v5, v18;
	v32 =	vld [tilespmem:s22+$0x15A30]  }
0x236: {  	v22 =	vadd.f32 v18, v22;
	v5 =	vperm.xlane v31, v2;
	v26 =	vmul.f32 v26, v19;
	v31 =	vld.idx.msk [tilespmem:v0+s25+$0x2200 ss:$0x1], $0xffff  }
0x237: {  	v21 =	vadd.f32 v40, v21;
	v14 =	vadd.f32 v14, v25;
	v25 =	vmul.f32 v7, v19;
	v34 =	vld [tilespmem:s22+$0x16230]  }
0x238: {  	v22 =	vadd.f32 v19, v22;
	v7 =	vperm.xlane v33, v2;
	v36 =	vmul.f32 v36, v5;
	v33 =	vld.idx.msk [tilespmem:v0+s25+$0x2400 ss:$0x1], $0xffff  }
0x239: {  	v23 =	vadd.f32 v23, v24;
	v8 =	vadd.f32 v8, v21;
	v21 =	vmul.f32 v6, v18;
	v24 =	vld [tilespmem:s22+$0x16A30]  }
0x23a: {  	v14 =	vadd.f32 v39, v14;
	v22 =	vadd.f32 v5, v22;
	v6 =	vperm.xlane v29, v2;
	v29 =	vld.idx.msk [tilespmem:v0+s25+$0x2600 ss:$0x1], $0xffff  }
0x23b: {  	v23 =	vadd.f32 v27, v23;
	v27 =	vadd.f32 v35, v8;
	v32 =	vmul.f32 v32, v19;
	v35 =	vld [tilespmem:s22+$0x17230]  }
0x23c: {  	v14 =	vadd.f32 v28, v14;
	v22 =	vadd.f32 v7, v22;
	v8 =	vperm.xlane v31, v2;
	v28 =	vld [tilespmem:s22+$0x16A20]  }
0x23d: {  	v23 =	vadd.f32 v9, v23;
	v21 =	vadd.f32 v21, v27;
	v31 =	vmul.f32 v34, v5;
	v27 =	vld [tilespmem:s22+$0x16200]  }
0x23e: {  	v14 =	vadd.f32 v26, v14;
	v22 =	vadd.f32 v6, v22;
	v9 =	vperm.xlane v33, v2;
	v26 =	vld [tilespmem:s22+$0x17A30]  }
0x23f: {  	v11 =	vadd.f32 v11, v23;
	v21 =	vadd.f32 v32, v21;
	v24 =	vmul.f32 v24, v7;
	v23 =	vld [tilespmem:s22+$0x16A00]  }
0x240: {  	v22 =	vadd.f32 v8, v22;
	v32 =	vmul.f32 v35, v6;
	v33 =	vld [tilespmem:s22+$0x18230]  }
0x241: {  	v30 =	vadd.f32 v30, v11;
	v21 =	vadd.f32 v31, v21;
	v11 =	vperm.xlane v29, v2;
	v31 =	vld [tilespmem:s22+$0x17200]  }
0x242: {  	v22 =	vadd.f32 v9, v22;
	v2 =	vmul.f32 v27, v5;
	v27 =	vmul.f32 v28, v7;
	v28 =	vld [tilespmem:s22+$0x17220]  }
0x243: {  	v25 =	vadd.f32 v25, v30;
	v21 =	vadd.f32 v24, v21;
	v24 =	vld [tilespmem:s22+$0x17A00];
	v26 =	vmul.f32 v26, v8  }
0x244: {  	v12 =	vadd.f32 v12, v20;
	v20 =	vld [tilespmem:s22+$0x14210];
	v2 =	vadd.f32 v2, v14;
	v14 =	vmul.f32 v23, v7  }
0x245: {  	v21 =	vadd.f32 v32, v21;
	v23 =	vadd.f32 v36, v25;
	v25 =	vld [tilespmem:s22+$0x18200];
	v29 =	vmul.f32 v33, v9  }
0x246: {  	v10 =	vadd.f32 v10, v12;
	v2 =	vadd.f32 v14, v2;
	v12 =	vmul.f32 v31, v6;
	v14 =	vld [tilespmem:s22+$0x18220]  }
0x247: {  	v21 =	vadd.f32 v26, v21;
	v23 =	vadd.f32 v27, v23;
	v27 =	vmul.f32 v28, v6;
	v26 =	vld [tilespmem:s22+$0x18A00]  }
0x248: {  	v2 =	vadd.f32 v12, v2;
	v12 =	vmul.f32 v24, v8;
	v24 =	vmul.f32 v1, v8;
	v28 =	vld [tilespmem:s22+$0x18A30]  }
0x249: {  	v21 =	vadd.f32 v29, v21;
	v30 =	vld [tilespmem:s22+$0x13A10];
	v20 =	vmul.f32 v20, v4;
	v4 =	vadd.f32 v27, v23  }
0x24a: {  	v10 =	vadd.f32 v16, v10;
	v16 =	vld [tilespmem:s22+$0x14A10];
	v2 =	vadd.f32 v12, v2;
	v12 =	vmul.f32 v25, v9  }
0x24b: {  	v1 =	vld [tilespmem:s22+$0x17210];
	v4 =	vadd.f32 v24, v4;
	v23 =	vmul.f32 v14, v9;
	v14 =	vadd.f32 v11, v22  }
0x24c: {  	v10 =	vadd.f32 v17, v10;
	v17 =	vld [tilespmem:s22+$0x15210];
	v2 =	vadd.f32 v12, v2  }
0x24d: {  	v4 =	vadd.f32 v23, v4;
	v12 =	vmul.f32 v28, v11  }
0x24e: {  	v10 =	vadd.f32 v15, v10;
	v15 =	vmul.f32 v26, v11;
	v13 =	vmul.f32 v30, v13  }
0x24f: {  	v22 =	vmul.f32 v16, v3;
	v23 =	vld [tilespmem:s22+$0x15A10];
	v3 =	vadd.f32 v12, v21  }
.Ltmp1:
0x250: {  	v13 =	vadd.f32 v13, v10;
	v10 =	vadd.f32 v15, v2;
	v12 =	vld [tilespmem:s22+$0x18A10];
	(pc) =	sbr.rel @p0 .LBB2_5-.Ltmp1, $4  }
0x251: {  	v17 =	vmul.f32 v17, v18;
	v16 =	vld [tilespmem:s22+$0x16210]  }
0x252: {  	v15 =	vadd.f32 v20, v13;
	v13 =	vld [tilespmem:s22+$0x18A20]  }
0x253: {  	v2 =	vld [tilespmem:s22+$0x16A10]  }
0x254: {  	s24 =	sadd.s32 $0x1, s24;
	v20 =	vadd.f32 v22, v15;
	v18 =	vmul.f32 v23, v19;
	v15 =	vld [tilespmem:s22+$0x18210]  }
0x255: {  	_ = 	snop  }
0x256: {  	v0 =	vadd.f32 v17, v20  }
0x257: {  	v14 =	vadd.f32 $9.999999930e-09, v14  }
0x258: {  	v5 =	vmul.f32 v16, v5;
	v0 =	vadd.f32 v18, v0  }
0x259: {  	v57 =	vld [tilespmem:s22+$0x17A10];
	(erf) = vrcp.f32 v14  }
0x25a: {  	v2 =	vmul.f32 v2, v7;
	v0 =	vadd.f32 v5, v0;
	_ =	sdelay $0x1  }
0x25b: {  	v1 =	vmul.f32 v1, v6;
	v0 =	vadd.f32 v2, v0;
	_ =	sdelay $0x1  }
0x25c: {  	v58 =	vmul.f32 v57, v8;
	v0 =	vadd.f32 v1, v0;
	_ =	sdelay $0x1  }
0x25d: {  	v59 =	vmul.f32 v15, v9;
	v0 =	vadd.f32 v58, v0  }
0x25e: {  	v60 =	vmul.f32 v13, v11  }
0x25f: {  	v61 =	vmul.f32 v12, v11;
	v62 =	vpop (erf);
	v0 =	vadd.f32 v59, v0  }
0x260: {  	v2 =	vadd.f32 v60, v4;
	v3 =	vmul.f32 v3, v62  }
0x261: {  	v63 =	vmul.f32 v62, v10;
	v0 =	vadd.f32 v61, v0  }
0x262: {  	v2 =	vmul.f32 v2, v62;
	[tilespmem:s22+$0x1AA30] =	vst v3  }
0x263: {  	s14 =	sor.u32 s4, s21;
	[tilespmem:s22+$0x1AA00] =	vst v63;
	v0 =	vmul.f32 v0, v62  }
0x264: {  	s14 =	sshll.u32 s14, $0x4;
	[tilespmem:s22+$0x1AA20] =	vst v2  }
0x265: {  	s16 =	sadd.s32 s2, s14;
	[tilespmem:s22+$0x1AA10] =	vst v0  }
0x266: {  	[hbm4b:s16+s29] =	stream.strided.scatter [tilespmem:s3], [sflag:$0x6], $0x800, s30, s29, $0x38;
	[tilespmem:$0x1B200] =	vst v63  }
0x267: {  	s20 =	sadd.s32 $0x1, s20;
	_ =	swait.ge [sflag:s31], $0x800  }
0x268: {  	p0 =	sne.s32 s20, $0x8;
	[sflag:s31] =	ssyncset.done $0x0  }
.Ltmp2:
0x269: {  	s14 =	sadd.s32 s14, s11;
	[sflag:s31] =	ssyncadd.s32 $0xFFFFF800;
	(pc) =	sbr.rel @p0 .LBB2_2-.Ltmp2, $4  }
0x26a: {  	[hbm4b:s14+s29] =	stream.strided.scatter [tilespmem:s19], [sflag:$0x6], $0x800, s30, s29, $0x38;
	[tilespmem:$0x1B200] =	vst v63  }
0x26b: {  	_ =	swait.ge [sflag:s31], $0x800  }
0x26c: {  	[sflag:s31] =	ssyncset.done $0x0  }
0x26d: {  	[sflag:s31] =	ssyncadd.s32 $0xFFFFF800  }
0x26e: {  	s16 =	rddreg [dreg:$0x8]  }
0x26f: {  	s14 =	rddreg [dreg:$0x7];
	s16 =	sadd.s32 $0x1, s16  }
0x270: {  	p0 =	sne.s32 s16, s14  }
.Ltmp3:
0x271: {  	_ = 	snop;
	(pc) =	sbr.rel @p0 .LBB2_1-.Ltmp3, $1  }
0x272: {  	_ =	sdelay $0x3  }
0x273: {  	_ =	sfence.sel $0x180000  }
0x274: {  	[bflag:$0x0] =	sbarrier.arrive $0xFFFF  }
0x275: {  	_ =	strace $0x90000047  }
0x276: {  	s0 =	stileid.u32;
	[bflag:$0x2] =	sbarrier.arrive $0xFFFF  }
0x277: {  	p0 =	sne.s32 s0, $0x0;
	s0 =	rddreg [dreg:$0x3]  }
0x278: {  	s0 =	sadd.s32 @!p0 $0x100000, s0  }
0x279: {  	[sflag:s0] =	ssyncadd.tile.s32 @!p0 $0x1;
	_ =	shalt  }
.Lfunc_end2:
_tile_overlayer_lowered:
.L_overlay_start_2:
0x27a: {  	(tag) =	ssettag $0x2  }
0x27b: {  	s0 =	rddreg [dreg:$0x0];
	s2 =	stileid.u32  }
0x27c: {  	s1 =	rddreg [dreg:$0x1];
	p0 =	sne.s32 s2, $0x0  }
0x27d: {  	s3 =	rddreg [dreg:$0x2];
	[bflag:$0x3] =	sbarrier.arrive $0xFFFF;
	s2 =	simm.s32 @!p0 $0x1C06  }
0x27e: {  	[timem:s3], [sflag:s2] =	dma.local @!p0 [hbm:s0], s1  }
0x27f: {  	s0 =	simm.s32 @!p0 $0x6  }
0x280: {  	_ =	swait.ge @!p0 [sflag:s0], s1  }
0x281: {  	s1 =	ssub.s32 @!p0 $0x0, s1;
	[sflag:s0] =	ssyncset.done @!p0 $0x0  }
0x282: {  	[sflag:s0] =	ssyncadd.s32 @!p0 s1  }
0x283: {  	[bflag:$0x3] =	sbarrier.arrive $0xFFFF  }
0x284: {  	_ =	shalt  }

</sc_bundles>
